<compile_context>
chip_gen: v7x
topology: tpu7x:2x2x1
jax: 0.10.2.dev20260603
libtpu: 0.0.44.dev20260713+nightly
codegen_flags: <defaults>
</compile_context>

<pallas_src>
import math

import jax
import jax.numpy as jnp
from jax import lax
from jax.experimental import pallas as pl
from jax.experimental.pallas import tpu as pltpu
from jax.experimental.pallas import tpu_sc as plsc

N = 10000
E = 320000
D = 128
H = 8
C = 16
NPAD = 10048
ROWW = 136
NW = 32
B = 96
NB = 108
E_PAD = NW * NB * B
DUMMY = NPAD - 8
BLK = 1256


def _proj_body(x_ref, wl_ref, bl_ref, wr_ref, br_ref, xl_ref, xr_ref):
    xv = x_ref[...]
    xl_ref[...] = (
        jnp.dot(xv, wl_ref[...], preferred_element_type=jnp.float32) + bl_ref[...]
    ).astype(jnp.bfloat16)
    xr_ref[...] = (
        jnp.dot(xv, wr_ref[...], preferred_element_type=jnp.float32) + br_ref[...]
    ).astype(jnp.bfloat16)


def _proj(xpad, Wl, bl2, Wr, br2):
    return pl.pallas_call(
        _proj_body,
        grid=(NPAD // BLK,),
        in_specs=[
            pl.BlockSpec((BLK, D), lambda i: (i, 0)),
            pl.BlockSpec((D, D), lambda i: (0, 0)),
            pl.BlockSpec((1, D), lambda i: (0, 0)),
            pl.BlockSpec((D, D), lambda i: (0, 0)),
            pl.BlockSpec((1, D), lambda i: (0, 0)),
        ],
        out_specs=[
            pl.BlockSpec((BLK, D), lambda i: (i, 0)),
            pl.BlockSpec((BLK, D), lambda i: (i, 0)),
        ],
        out_shape=[
            jax.ShapeDtypeStruct((NPAD, D), jnp.bfloat16),
            jax.ShapeDtypeStruct((NPAD, D), jnp.bfloat16),
        ],
    )(xpad, Wl, bl2, Wr, br2)


def _edge_body(xl_h, xr_h, att_h, se_h, zeros_h, out_h,
               acc_sh, idx_i, xlb0, xlb1, xrb0, xrb1, msg, attv,
               sem_i, sem_g, sem_s):
    c = lax.axis_index("c")
    s = lax.axis_index("s")
    wid = s * 2 + c
    tr = NPAD // 16
    base_e = wid * (NB * B)
    lanes = lax.iota(jnp.int32, 16)
    zero16 = jnp.zeros((16,), jnp.float32)
    rows = ((xlb0, xrb0), (xlb1, xrb1))

    def _idx_start(b, slot):
        off = base_e + b * B
        pltpu.async_copy(
            se_h.at[:, pl.ds(off, B)], idx_i.at[slot], sem_i.at[slot])

    def _idx_wait(b, slot):
        off = base_e + b * B
        pltpu.make_async_copy(
            se_h.at[:, pl.ds(off, B)], idx_i.at[slot], sem_i.at[slot]).wait()

    HB = B // 2

    def _gather_start(slot, p):
        rxl, rxr = rows[p]
        for k in range(2):
            pltpu.async_copy(
                xl_h.at[idx_i.at[slot, 0, pl.ds(k * HB, HB)]],
                rxl.at[pl.ds(k * HB, HB)], sem_g.at[p, k])
            pltpu.async_copy(
                xr_h.at[idx_i.at[slot, 1, pl.ds(k * HB, HB)]],
                rxr.at[pl.ds(k * HB, HB)], sem_g.at[p, 2 + k])

    def _gather_wait(slot, p):
        rxl, rxr = rows[p]
        for k in range(2):
            pltpu.make_async_copy(
                xl_h.at[idx_i.at[slot, 0, pl.ds(k * HB, HB)]],
                rxl.at[pl.ds(k * HB, HB)], sem_g.at[p, k]).wait()
            pltpu.make_async_copy(
                xr_h.at[idx_i.at[slot, 1, pl.ds(k * HB, HB)]],
                rxr.at[pl.ds(k * HB, HB)], sem_g.at[p, 2 + k]).wait()

    def _scatter_start(slot):
        pltpu.async_copy(msg, acc_sh.at[idx_i.at[slot, 1]], sem_s, add=True)

    def _scatter_wait(slot):
        pltpu.make_async_copy(msg, acc_sh.at[idx_i.at[slot, 1]], sem_s).wait()

    def _compute(p):
        rxl, rxr = rows[p]

        def _head(h, hcarry):
            ae = [attv[h * C + 2 * k] for k in range(8)]
            ao = [attv[h * C + 2 * k + 1] for k in range(8)]
            wcol = jnp.full((16,), 128 + h, jnp.int32)
            hc = h * C

            def _grp(g, gcarry):
                eidx = g * 16 + lanes
                accs = [zero16, zero16, zero16, zero16]
                xs = []
                cols = []
                for k in range(8):
                    c8 = jnp.bitwise_and(lanes + k, 7)
                    coli = c8 + 8 * h
                    vl = plsc.load_gather(rxl, [eidx, coli])
                    vr = plsc.load_gather(rxr, [eidx, coli])
                    le, lo = plsc.unpack(
                        plsc.bitcast(vl, jnp.bfloat16),
                        format=plsc.PackFormat.INTERLEAVED)
                    re_, ro = plsc.unpack(
                        plsc.bitcast(vr, jnp.bfloat16),
                        format=plsc.PackFormat.INTERLEAVED)
                    ue = le + re_
                    ue = jnp.maximum(ue, 0.2 * ue)
                    uo = lo + ro
                    uo = jnp.maximum(uo, 0.2 * uo)
                    accs[k % 4] = accs[k % 4] + ue * ae[k]
                    accs[(k + 2) % 4] = accs[(k + 2) % 4] + uo * ao[k]
                    ce = 2 * c8 + hc
                    xs.append((le, lo))
                    cols.append(ce)
                w = jnp.exp((accs[0] + accs[1]) + (accs[2] + accs[3]))
                plsc.store_scatter(msg, [eidx, wcol], w)
                for k in range(8):
                    le, lo = xs[k]
                    ce = cols[k]
                    plsc.store_scatter(msg, [eidx, ce], le * w)
                    plsc.store_scatter(msg, [eidx, ce + 1], lo * w)
                return gcarry

            return lax.fori_loop(0, B // 16, _grp, hcarry)

        lax.fori_loop(0, H, _head, 0)

    _idx_start(0, 0)
    _idx_start(1, 1)
    pltpu.sync_copy(att_h, attv)
    pltpu.sync_copy(zeros_h, acc_sh.at[pl.ds(s * tr, tr)])
    _idx_wait(0, 0)
    _gather_start(0, 0)
    plsc.subcore_barrier()

    def _iter(i, carry):
        for par in range(4):
            b = i * 4 + par
            p = par & 1

            @pl.when(b + 1 < NB)
            def _():
                _idx_wait(b + 1, (par + 1) % 4)
                _gather_start((par + 1) % 4, 1 - p)

            _gather_wait(par, p)

            @pl.when(b > 0)
            def _():
                _scatter_wait((par + 3) % 4)

            _compute(p)
            _scatter_start(par)

            @pl.when(b + 2 < NB)
            def _():
                _idx_start(b + 2, (par + 2) % 4)

        return carry

    lax.fori_loop(0, NB // 4, _iter, 0)

    _scatter_wait((NB - 1) % 4)
    plsc.subcore_barrier()
    pltpu.sync_copy(
        acc_sh.at[pl.ds(s * tr, tr)],
        out_h.at[c, pl.ds(s * tr, tr)],
    )


def _edge_pass(xl, xr, attf, se, zeros):
    mesh = plsc.VectorSubcoreMesh(core_axis_name="c", subcore_axis_name="s")
    kern = pl.kernel(
        _edge_body,
        out_type=jax.ShapeDtypeStruct((2, NPAD, ROWW), jnp.float32),
        mesh=mesh,
        scratch_types=[
            pltpu.VMEM_SHARED((NPAD, ROWW), jnp.float32),
            pltpu.VMEM((4, 2, B), jnp.int32),
            pltpu.VMEM((B, D // 2), jnp.int32),
            pltpu.VMEM((B, D // 2), jnp.int32),
            pltpu.VMEM((B, D // 2), jnp.int32),
            pltpu.VMEM((B, D // 2), jnp.int32),
            pltpu.VMEM((B, ROWW), jnp.float32),
            pltpu.VMEM((D, 16), jnp.float32),
            pltpu.SemaphoreType.DMA((4,)),
            pltpu.SemaphoreType.DMA((2, 4)),
            pltpu.SemaphoreType.DMA,
        ],
        compiler_params=pltpu.CompilerParams(
            needs_layout_passes=False, use_tc_tiling_on_sc=False),
    )
    return kern(xl, xr, attf, se, zeros)


def _epi_body(agg_ref, den_ref, xi_ref, wres_ref, bres_ref, gb_ref,
              exp_ref, gam_ref, bln_ref, out_ref):
    a = agg_ref[0] + agg_ref[1]
    d8 = den_ref[0] + den_ref[1]
    dfull = jnp.dot(d8, exp_ref[...], preferred_element_type=jnp.float32)
    gat = a / (dfull + 1e-16) + gb_ref[...]
    res = (
        jnp.dot(xi_ref[...], wres_ref[...], preferred_element_type=jnp.float32)
        + bres_ref[...]
    )
    y = gat + res
    mu = jnp.mean(y, axis=-1, keepdims=True)
    yc = y - mu
    var = jnp.mean(yc * yc, axis=-1, keepdims=True)
    yn = yc * lax.rsqrt(var + 1e-5)
    yn = yn * gam_ref[...] + bln_ref[...]
    out_ref[...] = 0.5 * yn * (1.0 + lax.erf(yn * (1.0 / math.sqrt(2.0))))


EBLK = 1000


def _epilogue(acc, x_initial, wres_eff, bres_eff, gb2, expand, gam2, bln2):
    return pl.pallas_call(
        _epi_body,
        grid=(N // EBLK,),
        in_specs=[
            pl.BlockSpec((2, EBLK, D), lambda i: (0, i, 0)),
            pl.BlockSpec((2, EBLK, H), lambda i: (0, i, 0)),
            pl.BlockSpec((EBLK, D), lambda i: (i, 0)),
            pl.BlockSpec((D, D), lambda i: (0, 0)),
            pl.BlockSpec((1, D), lambda i: (0, 0)),
            pl.BlockSpec((1, D), lambda i: (0, 0)),
            pl.BlockSpec((H, D), lambda i: (0, 0)),
            pl.BlockSpec((1, D), lambda i: (0, 0)),
            pl.BlockSpec((1, D), lambda i: (0, 0)),
        ],
        out_specs=pl.BlockSpec((EBLK, D), lambda i: (i, 0)),
        out_shape=jax.ShapeDtypeStruct((N, D), jnp.float32),
    )(acc, acc[:, :, D:], x_initial, wres_eff, bres_eff, gb2, expand,
      gam2, bln2)


def kernel(x, x_initial, edge_index, Wl, bl, Wr, br, att, gat_bias,
           Wres, bres, beta, gamma, beta_ln):
    f32 = jnp.float32
    xpad = jnp.zeros((NPAD, D), f32).at[:N].set(x)

    loop = jnp.arange(N, dtype=jnp.int32)
    npad_e = E_PAD - (E + N)
    src = jnp.concatenate(
        [edge_index[0], loop, jnp.full((npad_e,), DUMMY, jnp.int32)])
    dst = jnp.concatenate(
        [edge_index[1], loop, jnp.full((npad_e,), DUMMY, jnp.int32)])
    se = jnp.stack([src, dst])

    xl_bf, xr_bf = _proj(xpad, Wl, bl.reshape(1, D), Wr, br.reshape(1, D))
    xl = jax.lax.bitcast_convert_type(
        xl_bf.reshape(NPAD, D // 2, 2), jnp.int32)
    xr = jax.lax.bitcast_convert_type(
        xr_bf.reshape(NPAD, D // 2, 2), jnp.int32)

    rot8 = (jnp.arange(8)[:, None] + jnp.arange(16)[None, :]) % 8
    att_e = att[:, 2 * rot8]
    att_o = att[:, 2 * rot8 + 1]
    attf = jnp.stack([att_e, att_o], axis=2).reshape(D, 16)
    zeros = jnp.zeros((NPAD // 16, ROWW), f32)
    acc = _edge_pass(xl, xr, attf, se, zeros)

    expand = jnp.repeat(jnp.eye(H, dtype=f32), C, axis=1)
    wres_eff = Wres * beta
    bres_eff = (bres * beta).reshape(1, D)

    return _epilogue(acc, x_initial, wres_eff, bres_eff,
                     gat_bias.reshape(1, D), expand,
                     gamma.reshape(1, D), beta_ln.reshape(1, D))

# --- scband reference (transcript-rebuilt; emitter-appended) ---
"""Pipeline reference for scband-initial-residual-gatlayer-55731495633463 (READ-ONLY COPY).

The authoritative reference and input builder live on the scoring server;
editing this copy changes nothing except your own understanding.
"""

import jax, jax.numpy as jnp
import numpy as np

N = 10000
E = 320000
IN = 128
HID = 128
H = 8
C = 16
HC = H * C

def _glorot(key, shape):
    fan_in, fan_out = shape[0], shape[-1]
    lim = jnp.sqrt(6.0 / (fan_in + fan_out))
    return jax.random.uniform(key, shape, jnp.float32, -lim, lim)

def setup_inputs(seed: int = 0):
    key = jax.random.key(seed)
    ks = jax.random.split(key, 12)
    return {
        "x": jax.random.normal(ks[0], (N, IN), dtype=jnp.float32),
        "x_initial": jax.random.normal(ks[1], (N, HID), dtype=jnp.float32),
        "edge_index": jax.random.randint(ks[2], (2, E), 0, N, dtype=jnp.int32),
        "Wl": _glorot(ks[3], (IN, HC)),
        "bl": jnp.zeros((HC,), jnp.float32),
        "Wr": _glorot(ks[4], (IN, HC)),
        "br": jnp.zeros((HC,), jnp.float32),
        "att": _glorot(ks[5], (H, C)),
        "gat_bias": jnp.zeros((HC,), jnp.float32),
        "Wres": _glorot(ks[6], (HID, HC)),
        "bres": jnp.zeros((HC,), jnp.float32),
        "beta": jnp.asarray(0.8, jnp.float32),
        "gamma": jnp.ones((HC,), jnp.float32),
        "beta_ln": jnp.zeros((HC,), jnp.float32),
    }

def _forward(x, x_initial, Wl, bl, Wr, br, att, gat_bias, Wres, bres, beta, gamma, beta_ln, edge_index):
    n = x.shape[0]
    loop = jnp.arange(n, dtype=edge_index.dtype)
    src = jnp.concatenate([edge_index[0], loop])
    dst = jnp.concatenate([edge_index[1], loop])
    xl = (x @ Wl + bl).reshape(n, H, C)
    xr = (x @ Wr + br).reshape(n, H, C)
    xj = xl[src]
    xi = xr[dst]
    e = jax.nn.leaky_relu(xi + xj, negative_slope=0.2)
    logits = (e * att[None, :, :]).sum(-1)
    m = jax.ops.segment_max(logits, dst, num_segments=n)
    exp = jnp.exp(logits - m[dst])
    denom = jax.ops.segment_sum(exp, dst, num_segments=n)
    alpha = exp / (denom[dst] + 1e-16)
    agg = jax.ops.segment_sum(xj * alpha[:, :, None], dst, num_segments=n)
    gat_out = agg.reshape(n, HC) + gat_bias
    residual = x_initial @ Wres + bres
    y = gat_out + beta * residual
    mu = y.mean(-1, keepdims=True)
    var = ((y - mu) ** 2).mean(-1, keepdims=True)
    yn = (y - mu) / jnp.sqrt(var + 1e-5)
    yn = yn * gamma + beta_ln
    return jax.nn.gelu(yn, approximate=False)

def reference(x, x_initial, edge_index, Wl, bl, Wr, br, att, gat_bias, Wres, bres, beta, gamma, beta_ln):
    return _forward(x, x_initial, Wl, bl, Wr, br, att, gat_bias, Wres, bres, beta, gamma, beta_ln, edge_index)

if __name__ == "__main__":
    import jax
    _d = setup_inputs()
    print(jax.jit(kernel)(*tuple(_d.values())))

</pallas_src>

<mosaic_0001>
#map = affine_map<(d0, d1) -> (0, 0)>
#map1 = affine_map<(d0, d1) -> (0, 0, 0)>
module attributes {stable_mosaic.version = 14 : i64} {
  func.func @_edge_body(%arg0: i32, %arg1: i32, %arg2: memref<10048x64xi32, #tpu.memory_space<hbm>>, %arg3: memref<10048x64xi32, #tpu.memory_space<hbm>>, %arg4: memref<128x16xf32, #tpu.memory_space<hbm>>, %arg5: memref<2x331776xi32, #tpu.memory_space<hbm>>, %arg6: memref<628x136xf32, #tpu.memory_space<hbm>>, %arg7: memref<2x10048x136xf32, #tpu.memory_space<hbm>>, %arg8: memref<10048x136xf32, #tpu.memory_space<vmem_shared>>, %arg9: memref<4x2x96xi32, #tpu.memory_space<vmem>>, %arg10: memref<96x64xi32, #tpu.memory_space<vmem>>, %arg11: memref<96x64xi32, #tpu.memory_space<vmem>>, %arg12: memref<96x64xi32, #tpu.memory_space<vmem>>, %arg13: memref<96x64xi32, #tpu.memory_space<vmem>>, %arg14: memref<96x136xf32, #tpu.memory_space<vmem>>, %arg15: memref<128x16xf32, #tpu.memory_space<vmem>>, %arg16: memref<4x!tpu.dma_semaphore, #tpu.memory_space<semaphore_mem>>, %arg17: memref<2x4x!tpu.dma_semaphore, #tpu.memory_space<semaphore_mem>>, %arg18: memref<!tpu.dma_semaphore, #tpu.memory_space<semaphore_mem>>) attributes {dimension_semantics = [#tpu.dimension_semantics<core_parallel>, #tpu.dimension_semantics<subcore_parallel>], iteration_bounds = array<i64: 2, 16>, scalar_prefetch = 0 : i64, scratch_operands = 11 : i64, tpu.core_type = #tpu.core_type<sc_vector_subcore>, window_params = [{transform_indices = #map}, {transform_indices = #map}, {transform_indices = #map}, {transform_indices = #map}, {transform_indices = #map}, {transform_indices = #map1}]} {
    %mul3A = arith.constant 2 : i32
    %mul3A_0 = arith.muli %arg1, %mul3A : i32
    %add3A = arith.addi %mul3A_0, %arg0 : i32
    %mul3A_1 = arith.constant 10368 : i32
    %mul3A_2 = arith.muli %add3A, %mul3A_1 : i32
    %iota3A = tpu.iota {dimensions = array<i32: 0>} : vector<16xi32>
    %broadcast_in_dim3A = arith.constant 0.000000e+00 : f32
    %broadcast_in_dim3A_3 = vector.broadcast %broadcast_in_dim3A : f32 to vector<16xf32>
    %add3A_4 = arith.constant 0 : i32
    %add3A_5 = arith.addi %mul3A_2, %add3A_4 : i32
    %dma_start3A = arith.constant 0 : i32
    %dma_start3A_6 = arith.constant 0 : i32
    %dma_start3A_7 = arith.constant 0 : i32
    %dma_start3A_8 = arith.constant 0 : i32
    %dma_start3A_9 = tpu.memref_slice %arg9[%dma_start3A, %dma_start3A_7, %dma_start3A_8] : memref<4x2x96xi32, #tpu.memory_space<vmem>> -> memref<1x2x96xi32, #tpu.memory_space<vmem>>
    %dma_start3A_10 = tpu.memref_squeeze %dma_start3A_9 : memref<1x2x96xi32, #tpu.memory_space<vmem>> -> memref<2x96xi32, #tpu.memory_space<vmem>>
    %dma_start3A_11 = arith.constant 0 : i32
    %dma_start3A_12 = tpu.memref_slice %arg5[%dma_start3A_11, %add3A_5] : memref<2x331776xi32, #tpu.memory_space<hbm>> -> memref<2x96xi32, #tpu.memory_space<hbm>>
    %dma_start3A_13 = tpu.memref_slice %arg16[%dma_start3A_6] : memref<4x!tpu.dma_semaphore, #tpu.memory_space<semaphore_mem>> -> memref<1x!tpu.dma_semaphore, #tpu.memory_space<semaphore_mem>>
    %dma_start3A_14 = tpu.memref_squeeze %dma_start3A_13 : memref<1x!tpu.dma_semaphore, #tpu.memory_space<semaphore_mem>> -> memref<!tpu.dma_semaphore, #tpu.memory_space<semaphore_mem>>
    %dma_start3A_15 = arith.constant 0 : i32
    %dma_start3A_16 = arith.constant 0 : i32
    %dma_start3A_17 = tpu.memref_slice %arg9[%dma_start3A, %dma_start3A_15, %dma_start3A_16] : memref<4x2x96xi32, #tpu.memory_space<vmem>> -> memref<1x2x96xi32, #tpu.memory_space<vmem>>
    %dma_start3A_18 = tpu.memref_squeeze %dma_start3A_17 : memref<1x2x96xi32, #tpu.memory_space<vmem>> -> memref<2x96xi32, #tpu.memory_space<vmem>>
    %dma_start3A_19 = arith.constant 0 : i32
    %dma_start3A_20 = tpu.memref_slice %arg5[%dma_start3A_19, %add3A_5] : memref<2x331776xi32, #tpu.memory_space<hbm>> -> memref<2x96xi32, #tpu.memory_space<hbm>>
    tpu.enqueue_dma source(%dma_start3A_20 : memref<2x96xi32, #tpu.memory_space<hbm>>) target(%dma_start3A_18 : memref<2x96xi32, #tpu.memory_space<vmem>>) target_semaphore(%dma_start3A_14 : memref<!tpu.dma_semaphore, #tpu.memory_space<semaphore_mem>>)
    %add3A_21 = arith.constant 96 : i32
    %add3A_22 = arith.addi %mul3A_2, %add3A_21 : i32
    %dma_start3A_23 = arith.constant 1 : i32
    %dma_start3A_24 = arith.constant 1 : i32
    %dma_start3A_25 = arith.constant 0 : i32
    %dma_start3A_26 = arith.constant 0 : i32
    %dma_start3A_27 = tpu.memref_slice %arg9[%dma_start3A_23, %dma_start3A_25, %dma_start3A_26] : memref<4x2x96xi32, #tpu.memory_space<vmem>> -> memref<1x2x96xi32, #tpu.memory_space<vmem>>
    %dma_start3A_28 = tpu.memref_squeeze %dma_start3A_27 : memref<1x2x96xi32, #tpu.memory_space<vmem>> -> memref<2x96xi32, #tpu.memory_space<vmem>>
    %dma_start3A_29 = arith.constant 0 : i32
    %dma_start3A_30 = tpu.memref_slice %arg5[%dma_start3A_29, %add3A_22] : memref<2x331776xi32, #tpu.memory_space<hbm>> -> memref<2x96xi32, #tpu.memory_space<hbm>>
    %dma_start3A_31 = tpu.memref_slice %arg16[%dma_start3A_24] : memref<4x!tpu.dma_semaphore, #tpu.memory_space<semaphore_mem>> -> memref<1x!tpu.dma_semaphore, #tpu.memory_space<semaphore_mem>>
    %dma_start3A_32 = tpu.memref_squeeze %dma_start3A_31 : memref<1x!tpu.dma_semaphore, #tpu.memory_space<semaphore_mem>> -> memref<!tpu.dma_semaphore, #tpu.memory_space<semaphore_mem>>
    %dma_start3A_33 = arith.constant 0 : i32
    %dma_start3A_34 = arith.constant 0 : i32
    %dma_start3A_35 = tpu.memref_slice %arg9[%dma_start3A_23, %dma_start3A_33, %dma_start3A_34] : memref<4x2x96xi32, #tpu.memory_space<vmem>> -> memref<1x2x96xi32, #tpu.memory_space<vmem>>
    %dma_start3A_36 = tpu.memref_squeeze %dma_start3A_35 : memref<1x2x96xi32, #tpu.memory_space<vmem>> -> memref<2x96xi32, #tpu.memory_space<vmem>>
    %dma_start3A_37 = arith.constant 0 : i32
    %dma_start3A_38 = tpu.memref_slice %arg5[%dma_start3A_37, %add3A_22] : memref<2x331776xi32, #tpu.memory_space<hbm>> -> memref<2x96xi32, #tpu.memory_space<hbm>>
    tpu.enqueue_dma source(%dma_start3A_38 : memref<2x96xi32, #tpu.memory_space<hbm>>) target(%dma_start3A_36 : memref<2x96xi32, #tpu.memory_space<vmem>>) target_semaphore(%dma_start3A_32 : memref<!tpu.dma_semaphore, #tpu.memory_space<semaphore_mem>>)
    "tpu.region"() ({
      %run_scoped3A = tpu.sem_alloc : memref<!tpu.dma_semaphore, #tpu.memory_space<semaphore_mem>>
      tpu.enqueue_dma source(%arg4 : memref<128x16xf32, #tpu.memory_space<hbm>>) target(%arg15 : memref<128x16xf32, #tpu.memory_space<vmem>>) target_semaphore(%run_scoped3A : memref<!tpu.dma_semaphore, #tpu.memory_space<semaphore_mem>>)
      tpu.wait_dma2 semaphore(%run_scoped3A : memref<!tpu.dma_semaphore, #tpu.memory_space<semaphore_mem>>) src(%arg4 : memref<128x16xf32, #tpu.memory_space<hbm>>) dst(%arg15 : memref<128x16xf32, #tpu.memory_space<vmem>>)
      tpu.yield
    }) : () -> ()
    %mul3A_39 = arith.constant 628 : i32
    %mul3A_40 = arith.muli %arg1, %mul3A_39 : i32
    "tpu.region"() ({
      %run_scoped3A = tpu.sem_alloc : memref<!tpu.dma_semaphore, #tpu.memory_space<semaphore_mem>>
      %dma_start3A_136 = arith.constant 0 : i32
      %dma_start3A_137 = tpu.memref_slice %arg8[%mul3A_40, %dma_start3A_136] : memref<10048x136xf32, #tpu.memory_space<vmem_shared>> -> memref<628x136xf32, #tpu.memory_space<vmem_shared>>
      tpu.enqueue_dma source(%arg6 : memref<628x136xf32, #tpu.memory_space<hbm>>) target(%dma_start3A_137 : memref<628x136xf32, #tpu.memory_space<vmem_shared>>) target_semaphore(%run_scoped3A : memref<!tpu.dma_semaphore, #tpu.memory_space<semaphore_mem>>)
      %dma_wait3A_138 = arith.constant 0 : i32
      %dma_wait3A_139 = tpu.memref_slice %arg8[%mul3A_40, %dma_wait3A_138] : memref<10048x136xf32, #tpu.memory_space<vmem_shared>> -> memref<628x136xf32, #tpu.memory_space<vmem_shared>>
      tpu.wait_dma2 semaphore(%run_scoped3A : memref<!tpu.dma_semaphore, #tpu.memory_space<semaphore_mem>>) src(%arg6 : memref<628x136xf32, #tpu.memory_space<hbm>>) dst(%dma_wait3A_139 : memref<628x136xf32, #tpu.memory_space<vmem_shared>>)
      tpu.yield
    }) : () -> ()
    %add3A_41 = arith.constant 0 : i32
    %add3A_42 = arith.addi %mul3A_2, %add3A_41 : i32
    %dma_wait3A = arith.constant 0 : i32
    %dma_wait3A_43 = arith.constant 0 : i32
    %dma_wait3A_44 = arith.constant 0 : i32
    %dma_wait3A_45 = arith.constant 0 : i32
    %dma_wait3A_46 = tpu.memref_slice %arg9[%dma_wait3A, %dma_wait3A_44, %dma_wait3A_45] : memref<4x2x96xi32, #tpu.memory_space<vmem>> -> memref<1x2x96xi32, #tpu.memory_space<vmem>>
    %dma_wait3A_47 = tpu.memref_squeeze %dma_wait3A_46 : memref<1x2x96xi32, #tpu.memory_space<vmem>> -> memref<2x96xi32, #tpu.memory_space<vmem>>
    %dma_wait3A_48 = arith.constant 0 : i32
    %dma_wait3A_49 = tpu.memref_slice %arg5[%dma_wait3A_48, %add3A_42] : memref<2x331776xi32, #tpu.memory_space<hbm>> -> memref<2x96xi32, #tpu.memory_space<hbm>>
    %dma_wait3A_50 = tpu.memref_slice %arg16[%dma_wait3A_43] : memref<4x!tpu.dma_semaphore, #tpu.memory_space<semaphore_mem>> -> memref<1x!tpu.dma_semaphore, #tpu.memory_space<semaphore_mem>>
    %dma_wait3A_51 = tpu.memref_squeeze %dma_wait3A_50 : memref<1x!tpu.dma_semaphore, #tpu.memory_space<semaphore_mem>> -> memref<!tpu.dma_semaphore, #tpu.memory_space<semaphore_mem>>
    %dma_wait3A_52 = arith.constant 0 : i32
    %dma_wait3A_53 = arith.constant 0 : i32
    %dma_wait3A_54 = tpu.memref_slice %arg9[%dma_wait3A, %dma_wait3A_52, %dma_wait3A_53] : memref<4x2x96xi32, #tpu.memory_space<vmem>> -> memref<1x2x96xi32, #tpu.memory_space<vmem>>
    %dma_wait3A_55 = tpu.memref_squeeze %dma_wait3A_54 : memref<1x2x96xi32, #tpu.memory_space<vmem>> -> memref<2x96xi32, #tpu.memory_space<vmem>>
    %dma_wait3A_56 = arith.constant 0 : i32
    %dma_wait3A_57 = tpu.memref_slice %arg5[%dma_wait3A_56, %add3A_42] : memref<2x331776xi32, #tpu.memory_space<hbm>> -> memref<2x96xi32, #tpu.memory_space<hbm>>
    tpu.wait_dma2 semaphore(%dma_wait3A_51 : memref<!tpu.dma_semaphore, #tpu.memory_space<semaphore_mem>>) src(%dma_wait3A_57 : memref<2x96xi32, #tpu.memory_space<hbm>>) dst(%dma_wait3A_55 : memref<2x96xi32, #tpu.memory_space<vmem>>)
    %dma_start3A_58 = arith.constant 0 : i32
    %dma_start3A_59 = arith.constant 0 : i32
    %dma_start3A_60 = arith.constant 0 : i32
    %dma_start3A_61 = arith.constant 0 : i32
    %dma_start3A_62 = arith.constant 0 : i32
    %dma_start3A_63 = arith.constant 0 : i32
    %dma_start3A_64 = tpu.memref_slice %arg10[%dma_start3A_62, %dma_start3A_63] : memref<96x64xi32, #tpu.memory_space<vmem>> -> memref<48x64xi32, #tpu.memory_space<vmem>>
    %dma_start3A_65 = arith.constant 0 : i32
    %dma_start3A_66 = tpu.memref_slice %arg9[%dma_start3A_58, %dma_start3A_59, %dma_start3A_65] : memref<4x2x96xi32, #tpu.memory_space<vmem>> -> memref<1x1x48xi32, #tpu.memory_space<vmem>>
    %dma_start3A_67 = tpu.memref_squeeze %dma_start3A_66 : memref<1x1x48xi32, #tpu.memory_space<vmem>> -> memref<48xi32, #tpu.memory_space<vmem>>
    %dma_start3A_68 = arith.constant 0 : i32
    %dma_start3A_69 = arith.constant 0 : i32
    %dma_start3A_70 = tpu.memref_slice %arg2[%dma_start3A_68, %dma_start3A_69] : memref<10048x64xi32, #tpu.memory_space<hbm>> -> memref<10048x64xi32, #tpu.memory_space<hbm>>
    %dma_start3A_71 = tpu.memref_slice %arg17[%dma_start3A_60, %dma_start3A_61] : memref<2x4x!tpu.dma_semaphore, #tpu.memory_space<semaphore_mem>> -> memref<1x1x!tpu.dma_semaphore, #tpu.memory_space<semaphore_mem>>
    %dma_start3A_72 = tpu.memref_squeeze %dma_start3A_71 : memref<1x1x!tpu.dma_semaphore, #tpu.memory_space<semaphore_mem>> -> memref<!tpu.dma_semaphore, #tpu.memory_space<semaphore_mem>>
    tpu.enqueue_indirect_dma source(%dma_start3A_70 : memref<10048x64xi32, #tpu.memory_space<hbm>>) target(%dma_start3A_64 : memref<48x64xi32, #tpu.memory_space<vmem>>) offsets(%dma_start3A_67 : memref<48xi32, #tpu.memory_space<vmem>>) semaphore(%dma_start3A_72 : memref<!tpu.dma_semaphore, #tpu.memory_space<semaphore_mem>>)
    %dma_start3A_73 = arith.constant 0 : i32
    %dma_start3A_74 = arith.constant 1 : i32
    %dma_start3A_75 = arith.constant 0 : i32
    %dma_start3A_76 = arith.constant 2 : i32
    %dma_start3A_77 = arith.constant 0 : i32
    %dma_start3A_78 = arith.constant 0 : i32
    %dma_start3A_79 = tpu.memref_slice %arg12[%dma_start3A_77, %dma_start3A_78] : memref<96x64xi32, #tpu.memory_space<vmem>> -> memref<48x64xi32, #tpu.memory_space<vmem>>
    %dma_start3A_80 = arith.constant 0 : i32
    %dma_start3A_81 = tpu.memref_slice %arg9[%dma_start3A_73, %dma_start3A_74, %dma_start3A_80] : memref<4x2x96xi32, #tpu.memory_space<vmem>> -> memref<1x1x48xi32, #tpu.memory_space<vmem>>
    %dma_start3A_82 = tpu.memref_squeeze %dma_start3A_81 : memref<1x1x48xi32, #tpu.memory_space<vmem>> -> memref<48xi32, #tpu.memory_space<vmem>>
    %dma_start3A_83 = arith.constant 0 : i32
    %dma_start3A_84 = arith.constant 0 : i32
    %dma_start3A_85 = tpu.memref_slice %arg3[%dma_start3A_83, %dma_start3A_84] : memref<10048x64xi32, #tpu.memory_space<hbm>> -> memref<10048x64xi32, #tpu.memory_space<hbm>>
    %dma_start3A_86 = tpu.memref_slice %arg17[%dma_start3A_75, %dma_start3A_76] : memref<2x4x!tpu.dma_semaphore, #tpu.memory_space<semaphore_mem>> -> memref<1x1x!tpu.dma_semaphore, #tpu.memory_space<semaphore_mem>>
    %dma_start3A_87 = tpu.memref_squeeze %dma_start3A_86 : memref<1x1x!tpu.dma_semaphore, #tpu.memory_space<semaphore_mem>> -> memref<!tpu.dma_semaphore, #tpu.memory_space<semaphore_mem>>
    tpu.enqueue_indirect_dma source(%dma_start3A_85 : memref<10048x64xi32, #tpu.memory_space<hbm>>) target(%dma_start3A_79 : memref<48x64xi32, #tpu.memory_space<vmem>>) offsets(%dma_start3A_82 : memref<48xi32, #tpu.memory_space<vmem>>) semaphore(%dma_start3A_87 : memref<!tpu.dma_semaphore, #tpu.memory_space<semaphore_mem>>)
    %dma_start3A_88 = arith.constant 0 : i32
    %dma_start3A_89 = arith.constant 0 : i32
    %dma_start3A_90 = arith.constant 0 : i32
    %dma_start3A_91 = arith.constant 1 : i32
    %dma_start3A_92 = arith.constant 48 : i32
    %dma_start3A_93 = arith.constant 0 : i32
    %dma_start3A_94 = tpu.memref_slice %arg10[%dma_start3A_92, %dma_start3A_93] : memref<96x64xi32, #tpu.memory_space<vmem>> -> memref<48x64xi32, #tpu.memory_space<vmem>>
    %dma_start3A_95 = arith.constant 48 : i32
    %dma_start3A_96 = tpu.memref_slice %arg9[%dma_start3A_88, %dma_start3A_89, %dma_start3A_95] : memref<4x2x96xi32, #tpu.memory_space<vmem>> -> memref<1x1x48xi32, #tpu.memory_space<vmem>>
    %dma_start3A_97 = tpu.memref_squeeze %dma_start3A_96 : memref<1x1x48xi32, #tpu.memory_space<vmem>> -> memref<48xi32, #tpu.memory_space<vmem>>
    %dma_start3A_98 = arith.constant 0 : i32
    %dma_start3A_99 = arith.constant 0 : i32
    %dma_start3A_100 = tpu.memref_slice %arg2[%dma_start3A_98, %dma_start3A_99] : memref<10048x64xi32, #tpu.memory_space<hbm>> -> memref<10048x64xi32, #tpu.memory_space<hbm>>
    %dma_start3A_101 = tpu.memref_slice %arg17[%dma_start3A_90, %dma_start3A_91] : memref<2x4x!tpu.dma_semaphore, #tpu.memory_space<semaphore_mem>> -> memref<1x1x!tpu.dma_semaphore, #tpu.memory_space<semaphore_mem>>
    %dma_start3A_102 = tpu.memref_squeeze %dma_start3A_101 : memref<1x1x!tpu.dma_semaphore, #tpu.memory_space<semaphore_mem>> -> memref<!tpu.dma_semaphore, #tpu.memory_space<semaphore_mem>>
    tpu.enqueue_indirect_dma source(%dma_start3A_100 : memref<10048x64xi32, #tpu.memory_space<hbm>>) target(%dma_start3A_94 : memref<48x64xi32, #tpu.memory_space<vmem>>) offsets(%dma_start3A_97 : memref<48xi32, #tpu.memory_space<vmem>>) semaphore(%dma_start3A_102 : memref<!tpu.dma_semaphore, #tpu.memory_space<semaphore_mem>>)
    %dma_start3A_103 = arith.constant 0 : i32
    %dma_start3A_104 = arith.constant 1 : i32
    %dma_start3A_105 = arith.constant 0 : i32
    %dma_start3A_106 = arith.constant 3 : i32
    %dma_start3A_107 = arith.constant 48 : i32
    %dma_start3A_108 = arith.constant 0 : i32
    %dma_start3A_109 = tpu.memref_slice %arg12[%dma_start3A_107, %dma_start3A_108] : memref<96x64xi32, #tpu.memory_space<vmem>> -> memref<48x64xi32, #tpu.memory_space<vmem>>
    %dma_start3A_110 = arith.constant 48 : i32
    %dma_start3A_111 = tpu.memref_slice %arg9[%dma_start3A_103, %dma_start3A_104, %dma_start3A_110] : memref<4x2x96xi32, #tpu.memory_space<vmem>> -> memref<1x1x48xi32, #tpu.memory_space<vmem>>
    %dma_start3A_112 = tpu.memref_squeeze %dma_start3A_111 : memref<1x1x48xi32, #tpu.memory_space<vmem>> -> memref<48xi32, #tpu.memory_space<vmem>>
    %dma_start3A_113 = arith.constant 0 : i32
    %dma_start3A_114 = arith.constant 0 : i32
    %dma_start3A_115 = tpu.memref_slice %arg3[%dma_start3A_113, %dma_start3A_114] : memref<10048x64xi32, #tpu.memory_space<hbm>> -> memref<10048x64xi32, #tpu.memory_space<hbm>>
    %dma_start3A_116 = tpu.memref_slice %arg17[%dma_start3A_105, %dma_start3A_106] : memref<2x4x!tpu.dma_semaphore, #tpu.memory_space<semaphore_mem>> -> memref<1x1x!tpu.dma_semaphore, #tpu.memory_space<semaphore_mem>>
    %dma_start3A_117 = tpu.memref_squeeze %dma_start3A_116 : memref<1x1x!tpu.dma_semaphore, #tpu.memory_space<semaphore_mem>> -> memref<!tpu.dma_semaphore, #tpu.memory_space<semaphore_mem>>
    tpu.enqueue_indirect_dma source(%dma_start3A_115 : memref<10048x64xi32, #tpu.memory_space<hbm>>) target(%dma_start3A_109 : memref<48x64xi32, #tpu.memory_space<vmem>>) offsets(%dma_start3A_112 : memref<48xi32, #tpu.memory_space<vmem>>) semaphore(%dma_start3A_117 : memref<!tpu.dma_semaphore, #tpu.memory_space<semaphore_mem>>)
    %barrier3A = arith.constant 0 : index
    tpu.barrier barrier_id(%barrier3A)
    %scan3A = arith.constant 0 : i32
    %scan3A_118 = arith.constant 0 : i32
    %scan3A_119 = arith.constant 27 : i32
    %scan3A_120 = arith.addi %scan3A_118, %scan3A_119 : i32
    %scan3A_121 = arith.constant 1 : i32
    scf.for %scan3A_136 = %scan3A_118 to %scan3A_120 step %scan3A_121  : i32 {
      %mul3A_137 = arith.constant 4 : i32
      %mul3A_138 = arith.muli %scan3A_136, %mul3A_137 : i32
      %add3A_139 = arith.constant 0 : i32
      %add3A_140 = arith.addi %mul3A_138, %add3A_139 : i32
      %add3A_141 = arith.constant 1 : i32
      %add3A_142 = arith.addi %add3A_140, %add3A_141 : i32
      %lt3A = arith.constant 108 : i32
      %lt3A_143 = arith.cmpi slt, %add3A_142, %lt3A : i32
      %convert_element_type3A = arith.extui %lt3A_143 : i1 to i32
      %cond3A = arith.constant 0 : i32
      %cond3A_144 = arith.cmpi ne, %convert_element_type3A, %cond3A : i32
      scf.if %cond3A_144 {
        %add3A_521 = arith.constant 1 : i32
        %add3A_522 = arith.addi %add3A_140, %add3A_521 : i32
        %mul3A_523 = arith.constant 96 : i32
        %mul3A_524 = arith.muli %add3A_522, %mul3A_523 : i32
        %add3A_525 = arith.addi %mul3A_2, %mul3A_524 : i32
        %dma_wait3A_526 = arith.constant 1 : i32
        %dma_wait3A_527 = arith.constant 1 : i32
        %dma_wait3A_528 = arith.constant 0 : i32
        %dma_wait3A_529 = arith.constant 0 : i32
        %dma_wait3A_530 = tpu.memref_slice %arg9[%dma_wait3A_526, %dma_wait3A_528, %dma_wait3A_529] : memref<4x2x96xi32, #tpu.memory_space<vmem>> -> memref<1x2x96xi32, #tpu.memory_space<vmem>>
        %dma_wait3A_531 = tpu.memref_squeeze %dma_wait3A_530 : memref<1x2x96xi32, #tpu.memory_space<vmem>> -> memref<2x96xi32, #tpu.memory_space<vmem>>
        %dma_wait3A_532 = arith.constant 0 : i32
        %dma_wait3A_533 = tpu.memref_slice %arg5[%dma_wait3A_532, %add3A_525] : memref<2x331776xi32, #tpu.memory_space<hbm>> -> memref<2x96xi32, #tpu.memory_space<hbm>>
        %dma_wait3A_534 = tpu.memref_slice %arg16[%dma_wait3A_527] : memref<4x!tpu.dma_semaphore, #tpu.memory_space<semaphore_mem>> -> memref<1x!tpu.dma_semaphore, #tpu.memory_space<semaphore_mem>>
        %dma_wait3A_535 = tpu.memref_squeeze %dma_wait3A_534 : memref<1x!tpu.dma_semaphore, #tpu.memory_space<semaphore_mem>> -> memref<!tpu.dma_semaphore, #tpu.memory_space<semaphore_mem>>
        %dma_wait3A_536 = arith.constant 0 : i32
        %dma_wait3A_537 = arith.constant 0 : i32
        %dma_wait3A_538 = tpu.memref_slice %arg9[%dma_wait3A_526, %dma_wait3A_536, %dma_wait3A_537] : memref<4x2x96xi32, #tpu.memory_space<vmem>> -> memref<1x2x96xi32, #tpu.memory_space<vmem>>
        %dma_wait3A_539 = tpu.memref_squeeze %dma_wait3A_538 : memref<1x2x96xi32, #tpu.memory_space<vmem>> -> memref<2x96xi32, #tpu.memory_space<vmem>>
        %dma_wait3A_540 = arith.constant 0 : i32
        %dma_wait3A_541 = tpu.memref_slice %arg5[%dma_wait3A_540, %add3A_525] : memref<2x331776xi32, #tpu.memory_space<hbm>> -> memref<2x96xi32, #tpu.memory_space<hbm>>
        tpu.wait_dma2 semaphore(%dma_wait3A_535 : memref<!tpu.dma_semaphore, #tpu.memory_space<semaphore_mem>>) src(%dma_wait3A_541 : memref<2x96xi32, #tpu.memory_space<hbm>>) dst(%dma_wait3A_539 : memref<2x96xi32, #tpu.memory_space<vmem>>)
        %dma_start3A_542 = arith.constant 1 : i32
        %dma_start3A_543 = arith.constant 0 : i32
        %dma_start3A_544 = arith.constant 1 : i32
        %dma_start3A_545 = arith.constant 0 : i32
        %dma_start3A_546 = arith.constant 0 : i32
        %dma_start3A_547 = arith.constant 0 : i32
        %dma_start3A_548 = tpu.memref_slice %arg11[%dma_start3A_546, %dma_start3A_547] : memref<96x64xi32, #tpu.memory_space<vmem>> -> memref<48x64xi32, #tpu.memory_space<vmem>>
        %dma_start3A_549 = arith.constant 0 : i32
        %dma_start3A_550 = tpu.memref_slice %arg9[%dma_start3A_542, %dma_start3A_543, %dma_start3A_549] : memref<4x2x96xi32, #tpu.memory_space<vmem>> -> memref<1x1x48xi32, #tpu.memory_space<vmem>>
        %dma_start3A_551 = tpu.memref_squeeze %dma_start3A_550 : memref<1x1x48xi32, #tpu.memory_space<vmem>> -> memref<48xi32, #tpu.memory_space<vmem>>
        %dma_start3A_552 = arith.constant 0 : i32
        %dma_start3A_553 = arith.constant 0 : i32
        %dma_start3A_554 = tpu.memref_slice %arg2[%dma_start3A_552, %dma_start3A_553] : memref<10048x64xi32, #tpu.memory_space<hbm>> -> memref<10048x64xi32, #tpu.memory_space<hbm>>
        %dma_start3A_555 = tpu.memref_slice %arg17[%dma_start3A_544, %dma_start3A_545] : memref<2x4x!tpu.dma_semaphore, #tpu.memory_space<semaphore_mem>> -> memref<1x1x!tpu.dma_semaphore, #tpu.memory_space<semaphore_mem>>
        %dma_start3A_556 = tpu.memref_squeeze %dma_start3A_555 : memref<1x1x!tpu.dma_semaphore, #tpu.memory_space<semaphore_mem>> -> memref<!tpu.dma_semaphore, #tpu.memory_space<semaphore_mem>>
        tpu.enqueue_indirect_dma source(%dma_start3A_554 : memref<10048x64xi32, #tpu.memory_space<hbm>>) target(%dma_start3A_548 : memref<48x64xi32, #tpu.memory_space<vmem>>) offsets(%dma_start3A_551 : memref<48xi32, #tpu.memory_space<vmem>>) semaphore(%dma_start3A_556 : memref<!tpu.dma_semaphore, #tpu.memory_space<semaphore_mem>>)
        %dma_start3A_557 = arith.constant 1 : i32
        %dma_start3A_558 = arith.constant 1 : i32
        %dma_start3A_559 = arith.constant 1 : i32
        %dma_start3A_560 = arith.constant 2 : i32
        %dma_start3A_561 = arith.constant 0 : i32
        %dma_start3A_562 = arith.constant 0 : i32
        %dma_start3A_563 = tpu.memref_slice %arg13[%dma_start3A_561, %dma_start3A_562] : memref<96x64xi32, #tpu.memory_space<vmem>> -> memref<48x64xi32, #tpu.memory_space<vmem>>
        %dma_start3A_564 = arith.constant 0 : i32
        %dma_start3A_565 = tpu.memref_slice %arg9[%dma_start3A_557, %dma_start3A_558, %dma_start3A_564] : memref<4x2x96xi32, #tpu.memory_space<vmem>> -> memref<1x1x48xi32, #tpu.memory_space<vmem>>
        %dma_start3A_566 = tpu.memref_squeeze %dma_start3A_565 : memref<1x1x48xi32, #tpu.memory_space<vmem>> -> memref<48xi32, #tpu.memory_space<vmem>>
        %dma_start3A_567 = arith.constant 0 : i32
        %dma_start3A_568 = arith.constant 0 : i32
        %dma_start3A_569 = tpu.memref_slice %arg3[%dma_start3A_567, %dma_start3A_568] : memref<10048x64xi32, #tpu.memory_space<hbm>> -> memref<10048x64xi32, #tpu.memory_space<hbm>>
        %dma_start3A_570 = tpu.memref_slice %arg17[%dma_start3A_559, %dma_start3A_560] : memref<2x4x!tpu.dma_semaphore, #tpu.memory_space<semaphore_mem>> -> memref<1x1x!tpu.dma_semaphore, #tpu.memory_space<semaphore_mem>>
        %dma_start3A_571 = tpu.memref_squeeze %dma_start3A_570 : memref<1x1x!tpu.dma_semaphore, #tpu.memory_space<semaphore_mem>> -> memref<!tpu.dma_semaphore, #tpu.memory_space<semaphore_mem>>
        tpu.enqueue_indirect_dma source(%dma_start3A_569 : memref<10048x64xi32, #tpu.memory_space<hbm>>) target(%dma_start3A_563 : memref<48x64xi32, #tpu.memory_space<vmem>>) offsets(%dma_start3A_566 : memref<48xi32, #tpu.memory_space<vmem>>) semaphore(%dma_start3A_571 : memref<!tpu.dma_semaphore, #tpu.memory_space<semaphore_mem>>)
        %dma_start3A_572 = arith.constant 1 : i32
        %dma_start3A_573 = arith.constant 0 : i32
        %dma_start3A_574 = arith.constant 1 : i32
        %dma_start3A_575 = arith.constant 1 : i32
        %dma_start3A_576 = arith.constant 48 : i32
        %dma_start3A_577 = arith.constant 0 : i32
        %dma_start3A_578 = tpu.memref_slice %arg11[%dma_start3A_576, %dma_start3A_577] : memref<96x64xi32, #tpu.memory_space<vmem>> -> memref<48x64xi32, #tpu.memory_space<vmem>>
        %dma_start3A_579 = arith.constant 48 : i32
        %dma_start3A_580 = tpu.memref_slice %arg9[%dma_start3A_572, %dma_start3A_573, %dma_start3A_579] : memref<4x2x96xi32, #tpu.memory_space<vmem>> -> memref<1x1x48xi32, #tpu.memory_space<vmem>>
        %dma_start3A_581 = tpu.memref_squeeze %dma_start3A_580 : memref<1x1x48xi32, #tpu.memory_space<vmem>> -> memref<48xi32, #tpu.memory_space<vmem>>
        %dma_start3A_582 = arith.constant 0 : i32
        %dma_start3A_583 = arith.constant 0 : i32
        %dma_start3A_584 = tpu.memref_slice %arg2[%dma_start3A_582, %dma_start3A_583] : memref<10048x64xi32, #tpu.memory_space<hbm>> -> memref<10048x64xi32, #tpu.memory_space<hbm>>
        %dma_start3A_585 = tpu.memref_slice %arg17[%dma_start3A_574, %dma_start3A_575] : memref<2x4x!tpu.dma_semaphore, #tpu.memory_space<semaphore_mem>> -> memref<1x1x!tpu.dma_semaphore, #tpu.memory_space<semaphore_mem>>
        %dma_start3A_586 = tpu.memref_squeeze %dma_start3A_585 : memref<1x1x!tpu.dma_semaphore, #tpu.memory_space<semaphore_mem>> -> memref<!tpu.dma_semaphore, #tpu.memory_space<semaphore_mem>>
        tpu.enqueue_indirect_dma source(%dma_start3A_584 : memref<10048x64xi32, #tpu.memory_space<hbm>>) target(%dma_start3A_578 : memref<48x64xi32, #tpu.memory_space<vmem>>) offsets(%dma_start3A_581 : memref<48xi32, #tpu.memory_space<vmem>>) semaphore(%dma_start3A_586 : memref<!tpu.dma_semaphore, #tpu.memory_space<semaphore_mem>>)
        %dma_start3A_587 = arith.constant 1 : i32
        %dma_start3A_588 = arith.constant 1 : i32
        %dma_start3A_589 = arith.constant 1 : i32
        %dma_start3A_590 = arith.constant 3 : i32
        %dma_start3A_591 = arith.constant 48 : i32
        %dma_start3A_592 = arith.constant 0 : i32
        %dma_start3A_593 = tpu.memref_slice %arg13[%dma_start3A_591, %dma_start3A_592] : memref<96x64xi32, #tpu.memory_space<vmem>> -> memref<48x64xi32, #tpu.memory_space<vmem>>
        %dma_start3A_594 = arith.constant 48 : i32
        %dma_start3A_595 = tpu.memref_slice %arg9[%dma_start3A_587, %dma_start3A_588, %dma_start3A_594] : memref<4x2x96xi32, #tpu.memory_space<vmem>> -> memref<1x1x48xi32, #tpu.memory_space<vmem>>
        %dma_start3A_596 = tpu.memref_squeeze %dma_start3A_595 : memref<1x1x48xi32, #tpu.memory_space<vmem>> -> memref<48xi32, #tpu.memory_space<vmem>>
        %dma_start3A_597 = arith.constant 0 : i32
        %dma_start3A_598 = arith.constant 0 : i32
        %dma_start3A_599 = tpu.memref_slice %arg3[%dma_start3A_597, %dma_start3A_598] : memref<10048x64xi32, #tpu.memory_space<hbm>> -> memref<10048x64xi32, #tpu.memory_space<hbm>>
        %dma_start3A_600 = tpu.memref_slice %arg17[%dma_start3A_589, %dma_start3A_590] : memref<2x4x!tpu.dma_semaphore, #tpu.memory_space<semaphore_mem>> -> memref<1x1x!tpu.dma_semaphore, #tpu.memory_space<semaphore_mem>>
        %dma_start3A_601 = tpu.memref_squeeze %dma_start3A_600 : memref<1x1x!tpu.dma_semaphore, #tpu.memory_space<semaphore_mem>> -> memref<!tpu.dma_semaphore, #tpu.memory_space<semaphore_mem>>
        tpu.enqueue_indirect_dma source(%dma_start3A_599 : memref<10048x64xi32, #tpu.memory_space<hbm>>) target(%dma_start3A_593 : memref<48x64xi32, #tpu.memory_space<vmem>>) offsets(%dma_start3A_596 : memref<48xi32, #tpu.memory_space<vmem>>) semaphore(%dma_start3A_601 : memref<!tpu.dma_semaphore, #tpu.memory_space<semaphore_mem>>)
      } else {
      }
      %dma_wait3A_145 = arith.constant 0 : i32
      %dma_wait3A_146 = arith.constant 0 : i32
      %dma_wait3A_147 = arith.constant 0 : i32
      %dma_wait3A_148 = arith.constant 0 : i32
      %dma_wait3A_149 = arith.constant 0 : i32
      %dma_wait3A_150 = arith.constant 0 : i32
      %dma_wait3A_151 = tpu.memref_slice %arg10[%dma_wait3A_149, %dma_wait3A_150] : memref<96x64xi32, #tpu.memory_space<vmem>> -> memref<48x64xi32, #tpu.memory_space<vmem>>
      %dma_wait3A_152 = arith.constant 0 : i32
      %dma_wait3A_153 = tpu.memref_slice %arg9[%dma_wait3A_145, %dma_wait3A_146, %dma_wait3A_152] : memref<4x2x96xi32, #tpu.memory_space<vmem>> -> memref<1x1x48xi32, #tpu.memory_space<vmem>>
      %dma_wait3A_154 = tpu.memref_squeeze %dma_wait3A_153 : memref<1x1x48xi32, #tpu.memory_space<vmem>> -> memref<48xi32, #tpu.memory_space<vmem>>
      %dma_wait3A_155 = arith.constant 0 : i32
      %dma_wait3A_156 = arith.constant 0 : i32
      %dma_wait3A_157 = tpu.memref_slice %arg2[%dma_wait3A_155, %dma_wait3A_156] : memref<10048x64xi32, #tpu.memory_space<hbm>> -> memref<10048x64xi32, #tpu.memory_space<hbm>>
      %dma_wait3A_158 = tpu.memref_slice %arg17[%dma_wait3A_147, %dma_wait3A_148] : memref<2x4x!tpu.dma_semaphore, #tpu.memory_space<semaphore_mem>> -> memref<1x1x!tpu.dma_semaphore, #tpu.memory_space<semaphore_mem>>
      %dma_wait3A_159 = tpu.memref_squeeze %dma_wait3A_158 : memref<1x1x!tpu.dma_semaphore, #tpu.memory_space<semaphore_mem>> -> memref<!tpu.dma_semaphore, #tpu.memory_space<semaphore_mem>>
      tpu.wait_indirect_dma semaphore(%dma_wait3A_159 : memref<!tpu.dma_semaphore, #tpu.memory_space<semaphore_mem>>) src(%dma_wait3A_157 : memref<10048x64xi32, #tpu.memory_space<hbm>>) dst(%dma_wait3A_151 : memref<48x64xi32, #tpu.memory_space<vmem>>)
      %dma_wait3A_160 = arith.constant 0 : i32
      %dma_wait3A_161 = arith.constant 1 : i32
      %dma_wait3A_162 = arith.constant 0 : i32
      %dma_wait3A_163 = arith.constant 2 : i32
      %dma_wait3A_164 = arith.constant 0 : i32
      %dma_wait3A_165 = arith.constant 0 : i32
      %dma_wait3A_166 = tpu.memref_slice %arg12[%dma_wait3A_164, %dma_wait3A_165] : memref<96x64xi32, #tpu.memory_space<vmem>> -> memref<48x64xi32, #tpu.memory_space<vmem>>
      %dma_wait3A_167 = arith.constant 0 : i32
      %dma_wait3A_168 = tpu.memref_slice %arg9[%dma_wait3A_160, %dma_wait3A_161, %dma_wait3A_167] : memref<4x2x96xi32, #tpu.memory_space<vmem>> -> memref<1x1x48xi32, #tpu.memory_space<vmem>>
      %dma_wait3A_169 = tpu.memref_squeeze %dma_wait3A_168 : memref<1x1x48xi32, #tpu.memory_space<vmem>> -> memref<48xi32, #tpu.memory_space<vmem>>
      %dma_wait3A_170 = arith.constant 0 : i32
      %dma_wait3A_171 = arith.constant 0 : i32
      %dma_wait3A_172 = tpu.memref_slice %arg3[%dma_wait3A_170, %dma_wait3A_171] : memref<10048x64xi32, #tpu.memory_space<hbm>> -> memref<10048x64xi32, #tpu.memory_space<hbm>>
      %dma_wait3A_173 = tpu.memref_slice %arg17[%dma_wait3A_162, %dma_wait3A_163] : memref<2x4x!tpu.dma_semaphore, #tpu.memory_space<semaphore_mem>> -> memref<1x1x!tpu.dma_semaphore, #tpu.memory_space<semaphore_mem>>
      %dma_wait3A_174 = tpu.memref_squeeze %dma_wait3A_173 : memref<1x1x!tpu.dma_semaphore, #tpu.memory_space<semaphore_mem>> -> memref<!tpu.dma_semaphore, #tpu.memory_space<semaphore_mem>>
      tpu.wait_indirect_dma semaphore(%dma_wait3A_174 : memref<!tpu.dma_semaphore, #tpu.memory_space<semaphore_mem>>) src(%dma_wait3A_172 : memref<10048x64xi32, #tpu.memory_space<hbm>>) dst(%dma_wait3A_166 : memref<48x64xi32, #tpu.memory_space<vmem>>)
      %dma_wait3A_175 = arith.constant 0 : i32
      %dma_wait3A_176 = arith.constant 0 : i32
      %dma_wait3A_177 = arith.constant 0 : i32
      %dma_wait3A_178 = arith.constant 1 : i32
      %dma_wait3A_179 = arith.constant 48 : i32
      %dma_wait3A_180 = arith.constant 0 : i32
      %dma_wait3A_181 = tpu.memref_slice %arg10[%dma_wait3A_179, %dma_wait3A_180] : memref<96x64xi32, #tpu.memory_space<vmem>> -> memref<48x64xi32, #tpu.memory_space<vmem>>
      %dma_wait3A_182 = arith.constant 48 : i32
      %dma_wait3A_183 = tpu.memref_slice %arg9[%dma_wait3A_175, %dma_wait3A_176, %dma_wait3A_182] : memref<4x2x96xi32, #tpu.memory_space<vmem>> -> memref<1x1x48xi32, #tpu.memory_space<vmem>>
      %dma_wait3A_184 = tpu.memref_squeeze %dma_wait3A_183 : memref<1x1x48xi32, #tpu.memory_space<vmem>> -> memref<48xi32, #tpu.memory_space<vmem>>
      %dma_wait3A_185 = arith.constant 0 : i32
      %dma_wait3A_186 = arith.constant 0 : i32
      %dma_wait3A_187 = tpu.memref_slice %arg2[%dma_wait3A_185, %dma_wait3A_186] : memref<10048x64xi32, #tpu.memory_space<hbm>> -> memref<10048x64xi32, #tpu.memory_space<hbm>>
      %dma_wait3A_188 = tpu.memref_slice %arg17[%dma_wait3A_177, %dma_wait3A_178] : memref<2x4x!tpu.dma_semaphore, #tpu.memory_space<semaphore_mem>> -> memref<1x1x!tpu.dma_semaphore, #tpu.memory_space<semaphore_mem>>
      %dma_wait3A_189 = tpu.memref_squeeze %dma_wait3A_188 : memref<1x1x!tpu.dma_semaphore, #tpu.memory_space<semaphore_mem>> -> memref<!tpu.dma_semaphore, #tpu.memory_space<semaphore_mem>>
      tpu.wait_indirect_dma semaphore(%dma_wait3A_189 : memref<!tpu.dma_semaphore, #tpu.memory_space<semaphore_mem>>) src(%dma_wait3A_187 : memref<10048x64xi32, #tpu.memory_space<hbm>>) dst(%dma_wait3A_181 : memref<48x64xi32, #tpu.memory_space<vmem>>)
      %dma_wait3A_190 = arith.constant 0 : i32
      %dma_wait3A_191 = arith.constant 1 : i32
      %dma_wait3A_192 = arith.constant 0 : i32
      %dma_wait3A_193 = arith.constant 3 : i32
      %dma_wait3A_194 = arith.constant 48 : i32
      %dma_wait3A_195 = arith.constant 0 : i32
      %dma_wait3A_196 = tpu.memref_slice %arg12[%dma_wait3A_194, %dma_wait3A_195] : memref<96x64xi32, #tpu.memory_space<vmem>> -> memref<48x64xi32, #tpu.memory_space<vmem>>
      %dma_wait3A_197 = arith.constant 48 : i32
      %dma_wait3A_198 = tpu.memref_slice %arg9[%dma_wait3A_190, %dma_wait3A_191, %dma_wait3A_197] : memref<4x2x96xi32, #tpu.memory_space<vmem>> -> memref<1x1x48xi32, #tpu.memory_space<vmem>>
      %dma_wait3A_199 = tpu.memref_squeeze %dma_wait3A_198 : memref<1x1x48xi32, #tpu.memory_space<vmem>> -> memref<48xi32, #tpu.memory_space<vmem>>
      %dma_wait3A_200 = arith.constant 0 : i32
      %dma_wait3A_201 = arith.constant 0 : i32
      %dma_wait3A_202 = tpu.memref_slice %arg3[%dma_wait3A_200, %dma_wait3A_201] : memref<10048x64xi32, #tpu.memory_space<hbm>> -> memref<10048x64xi32, #tpu.memory_space<hbm>>
      %dma_wait3A_203 = tpu.memref_slice %arg17[%dma_wait3A_192, %dma_wait3A_193] : memref<2x4x!tpu.dma_semaphore, #tpu.memory_space<semaphore_mem>> -> memref<1x1x!tpu.dma_semaphore, #tpu.memory_space<semaphore_mem>>
      %dma_wait3A_204 = tpu.memref_squeeze %dma_wait3A_203 : memref<1x1x!tpu.dma_semaphore, #tpu.memory_space<semaphore_mem>> -> memref<!tpu.dma_semaphore, #tpu.memory_space<semaphore_mem>>
      tpu.wait_indirect_dma semaphore(%dma_wait3A_204 : memref<!tpu.dma_semaphore, #tpu.memory_space<semaphore_mem>>) src(%dma_wait3A_202 : memref<10048x64xi32, #tpu.memory_space<hbm>>) dst(%dma_wait3A_196 : memref<48x64xi32, #tpu.memory_space<vmem>>)
      %gt3A = arith.constant 0 : i32
      %gt3A_205 = arith.cmpi sgt, %add3A_140, %gt3A : i32
      %convert_element_type3A_206 = arith.extui %gt3A_205 : i1 to i32
      %cond3A_207 = arith.constant 0 : i32
      %cond3A_208 = arith.cmpi ne, %convert_element_type3A_206, %cond3A_207 : i32
      scf.if %cond3A_208 {
        %dma_wait3A_521 = arith.constant 3 : i32
        %dma_wait3A_522 = arith.constant 1 : i32
        %dma_wait3A_523 = arith.constant 0 : i32
        %dma_wait3A_524 = tpu.memref_slice %arg9[%dma_wait3A_521, %dma_wait3A_522, %dma_wait3A_523] : memref<4x2x96xi32, #tpu.memory_space<vmem>> -> memref<1x1x96xi32, #tpu.memory_space<vmem>>
        %dma_wait3A_525 = tpu.memref_squeeze %dma_wait3A_524 : memref<1x1x96xi32, #tpu.memory_space<vmem>> -> memref<96xi32, #tpu.memory_space<vmem>>
        %dma_wait3A_526 = arith.constant 0 : i32
        %dma_wait3A_527 = arith.constant 0 : i32
        %dma_wait3A_528 = tpu.memref_slice %arg8[%dma_wait3A_526, %dma_wait3A_527] : memref<10048x136xf32, #tpu.memory_space<vmem_shared>> -> memref<10048x136xf32, #tpu.memory_space<vmem_shared>>
        tpu.wait_indirect_dma semaphore(%arg18 : memref<!tpu.dma_semaphore, #tpu.memory_space<semaphore_mem>>) src(%arg14 : memref<96x136xf32, #tpu.memory_space<vmem>>) dst(%dma_wait3A_528 : memref<10048x136xf32, #tpu.memory_space<vmem_shared>>)
      } else {
      }
      %scan3A_209 = arith.constant 0 : i32
      %scan3A_210 = arith.constant 0 : i32
      %scan3A_211 = arith.constant 8 : i32
      %scan3A_212 = arith.addi %scan3A_210, %scan3A_211 : i32
      %scan3A_213 = arith.constant 1 : i32
      scf.for %scan3A_521 = %scan3A_210 to %scan3A_212 step %scan3A_213  : i32 {
        %mul3A_522 = arith.constant 16 : i32
        %mul3A_523 = arith.muli %scan3A_521, %mul3A_522 : i32
        %add3A_524 = arith.constant 0 : i32
        %add3A_525 = arith.addi %mul3A_523, %add3A_524 : i32
        %get3A = arith.index_cast %add3A_525 : i32 to index
        %get3A_526 = arith.constant 0 : index
        %get3A_527 = tpu.vector_load %arg15[%get3A, %get3A_526] {strides = array<i32>} : memref<128x16xf32, #tpu.memory_space<vmem>>, vector<16xf32>,
        %mul3A_528 = arith.constant 16 : i32
        %mul3A_529 = arith.muli %scan3A_521, %mul3A_528 : i32
        %add3A_530 = arith.constant 2 : i32
        %add3A_531 = arith.addi %mul3A_529, %add3A_530 : i32
        %get3A_532 = arith.index_cast %add3A_531 : i32 to index
        %get3A_533 = arith.constant 0 : index
        %get3A_534 = tpu.vector_load %arg15[%get3A_532, %get3A_533] {strides = array<i32>} : memref<128x16xf32, #tpu.memory_space<vmem>>, vector<16xf32>,
        %mul3A_535 = arith.constant 16 : i32
        %mul3A_536 = arith.muli %scan3A_521, %mul3A_535 : i32
        %add3A_537 = arith.constant 4 : i32
        %add3A_538 = arith.addi %mul3A_536, %add3A_537 : i32
        %get3A_539 = arith.index_cast %add3A_538 : i32 to index
        %get3A_540 = arith.constant 0 : index
        %get3A_541 = tpu.vector_load %arg15[%get3A_539, %get3A_540] {strides = array<i32>} : memref<128x16xf32, #tpu.memory_space<vmem>>, vector<16xf32>,
        %mul3A_542 = arith.constant 16 : i32
        %mul3A_543 = arith.muli %scan3A_521, %mul3A_542 : i32
        %add3A_544 = arith.constant 6 : i32
        %add3A_545 = arith.addi %mul3A_543, %add3A_544 : i32
        %get3A_546 = arith.index_cast %add3A_545 : i32 to index
        %get3A_547 = arith.constant 0 : index
        %get3A_548 = tpu.vector_load %arg15[%get3A_546, %get3A_547] {strides = array<i32>} : memref<128x16xf32, #tpu.memory_space<vmem>>, vector<16xf32>,
        %mul3A_549 = arith.constant 16 : i32
        %mul3A_550 = arith.muli %scan3A_521, %mul3A_549 : i32
        %add3A_551 = arith.constant 8 : i32
        %add3A_552 = arith.addi %mul3A_550, %add3A_551 : i32
        %get3A_553 = arith.index_cast %add3A_552 : i32 to index
        %get3A_554 = arith.constant 0 : index
        %get3A_555 = tpu.vector_load %arg15[%get3A_553, %get3A_554] {strides = array<i32>} : memref<128x16xf32, #tpu.memory_space<vmem>>, vector<16xf32>,
        %mul3A_556 = arith.constant 16 : i32
        %mul3A_557 = arith.muli %scan3A_521, %mul3A_556 : i32
        %add3A_558 = arith.constant 10 : i32
        %add3A_559 = arith.addi %mul3A_557, %add3A_558 : i32
        %get3A_560 = arith.index_cast %add3A_559 : i32 to index
        %get3A_561 = arith.constant 0 : index
        %get3A_562 = tpu.vector_load %arg15[%get3A_560, %get3A_561] {strides = array<i32>} : memref<128x16xf32, #tpu.memory_space<vmem>>, vector<16xf32>,
        %mul3A_563 = arith.constant 16 : i32
        %mul3A_564 = arith.muli %scan3A_521, %mul3A_563 : i32
        %add3A_565 = arith.constant 12 : i32
        %add3A_566 = arith.addi %mul3A_564, %add3A_565 : i32
        %get3A_567 = arith.index_cast %add3A_566 : i32 to index
        %get3A_568 = arith.constant 0 : index
        %get3A_569 = tpu.vector_load %arg15[%get3A_567, %get3A_568] {strides = array<i32>} : memref<128x16xf32, #tpu.memory_space<vmem>>, vector<16xf32>,
        %mul3A_570 = arith.constant 16 : i32
        %mul3A_571 = arith.muli %scan3A_521, %mul3A_570 : i32
        %add3A_572 = arith.constant 14 : i32
        %add3A_573 = arith.addi %mul3A_571, %add3A_572 : i32
        %get3A_574 = arith.index_cast %add3A_573 : i32 to index
        %get3A_575 = arith.constant 0 : index
        %get3A_576 = tpu.vector_load %arg15[%get3A_574, %get3A_575] {strides = array<i32>} : memref<128x16xf32, #tpu.memory_space<vmem>>, vector<16xf32>,
        %mul3A_577 = arith.constant 16 : i32
        %mul3A_578 = arith.muli %scan3A_521, %mul3A_577 : i32
        %add3A_579 = arith.constant 0 : i32
        %add3A_580 = arith.addi %mul3A_578, %add3A_579 : i32
        %add3A_581 = arith.constant 1 : i32
        %add3A_582 = arith.addi %add3A_580, %add3A_581 : i32
        %get3A_583 = arith.index_cast %add3A_582 : i32 to index
        %get3A_584 = arith.constant 0 : index
        %get3A_585 = tpu.vector_load %arg15[%get3A_583, %get3A_584] {strides = array<i32>} : memref<128x16xf32, #tpu.memory_space<vmem>>, vector<16xf32>,
        %mul3A_586 = arith.constant 16 : i32
        %mul3A_587 = arith.muli %scan3A_521, %mul3A_586 : i32
        %add3A_588 = arith.constant 2 : i32
        %add3A_589 = arith.addi %mul3A_587, %add3A_588 : i32
        %add3A_590 = arith.constant 1 : i32
        %add3A_591 = arith.addi %add3A_589, %add3A_590 : i32
        %get3A_592 = arith.index_cast %add3A_591 : i32 to index
        %get3A_593 = arith.constant 0 : index
        %get3A_594 = tpu.vector_load %arg15[%get3A_592, %get3A_593] {strides = array<i32>} : memref<128x16xf32, #tpu.memory_space<vmem>>, vector<16xf32>,
        %mul3A_595 = arith.constant 16 : i32
        %mul3A_596 = arith.muli %scan3A_521, %mul3A_595 : i32
        %add3A_597 = arith.constant 4 : i32
        %add3A_598 = arith.addi %mul3A_596, %add3A_597 : i32
        %add3A_599 = arith.constant 1 : i32
        %add3A_600 = arith.addi %add3A_598, %add3A_599 : i32
        %get3A_601 = arith.index_cast %add3A_600 : i32 to index
        %get3A_602 = arith.constant 0 : index
        %get3A_603 = tpu.vector_load %arg15[%get3A_601, %get3A_602] {strides = array<i32>} : memref<128x16xf32, #tpu.memory_space<vmem>>, vector<16xf32>,
        %mul3A_604 = arith.constant 16 : i32
        %mul3A_605 = arith.muli %scan3A_521, %mul3A_604 : i32
        %add3A_606 = arith.constant 6 : i32
        %add3A_607 = arith.addi %mul3A_605, %add3A_606 : i32
        %add3A_608 = arith.constant 1 : i32
        %add3A_609 = arith.addi %add3A_607, %add3A_608 : i32
        %get3A_610 = arith.index_cast %add3A_609 : i32 to index
        %get3A_611 = arith.constant 0 : index
        %get3A_612 = tpu.vector_load %arg15[%get3A_610, %get3A_611] {strides = array<i32>} : memref<128x16xf32, #tpu.memory_space<vmem>>, vector<16xf32>,
        %mul3A_613 = arith.constant 16 : i32
        %mul3A_614 = arith.muli %scan3A_521, %mul3A_613 : i32
        %add3A_615 = arith.constant 8 : i32
        %add3A_616 = arith.addi %mul3A_614, %add3A_615 : i32
        %add3A_617 = arith.constant 1 : i32
        %add3A_618 = arith.addi %add3A_616, %add3A_617 : i32
        %get3A_619 = arith.index_cast %add3A_618 : i32 to index
        %get3A_620 = arith.constant 0 : index
        %get3A_621 = tpu.vector_load %arg15[%get3A_619, %get3A_620] {strides = array<i32>} : memref<128x16xf32, #tpu.memory_space<vmem>>, vector<16xf32>,
        %mul3A_622 = arith.constant 16 : i32
        %mul3A_623 = arith.muli %scan3A_521, %mul3A_622 : i32
        %add3A_624 = arith.constant 10 : i32
        %add3A_625 = arith.addi %mul3A_623, %add3A_624 : i32
        %add3A_626 = arith.constant 1 : i32
        %add3A_627 = arith.addi %add3A_625, %add3A_626 : i32
        %get3A_628 = arith.index_cast %add3A_627 : i32 to index
        %get3A_629 = arith.constant 0 : index
        %get3A_630 = tpu.vector_load %arg15[%get3A_628, %get3A_629] {strides = array<i32>} : memref<128x16xf32, #tpu.memory_space<vmem>>, vector<16xf32>,
        %mul3A_631 = arith.constant 16 : i32
        %mul3A_632 = arith.muli %scan3A_521, %mul3A_631 : i32
        %add3A_633 = arith.constant 12 : i32
        %add3A_634 = arith.addi %mul3A_632, %add3A_633 : i32
        %add3A_635 = arith.constant 1 : i32
        %add3A_636 = arith.addi %add3A_634, %add3A_635 : i32
        %get3A_637 = arith.index_cast %add3A_636 : i32 to index
        %get3A_638 = arith.constant 0 : index
        %get3A_639 = tpu.vector_load %arg15[%get3A_637, %get3A_638] {strides = array<i32>} : memref<128x16xf32, #tpu.memory_space<vmem>>, vector<16xf32>,
        %mul3A_640 = arith.constant 16 : i32
        %mul3A_641 = arith.muli %scan3A_521, %mul3A_640 : i32
        %add3A_642 = arith.constant 14 : i32
        %add3A_643 = arith.addi %mul3A_641, %add3A_642 : i32
        %add3A_644 = arith.constant 1 : i32
        %add3A_645 = arith.addi %add3A_643, %add3A_644 : i32
        %get3A_646 = arith.index_cast %add3A_645 : i32 to index
        %get3A_647 = arith.constant 0 : index
        %get3A_648 = tpu.vector_load %arg15[%get3A_646, %get3A_647] {strides = array<i32>} : memref<128x16xf32, #tpu.memory_space<vmem>>, vector<16xf32>,
        %add3A_649 = arith.constant 128 : i32
        %add3A_650 = arith.addi %add3A_649, %scan3A_521 : i32
        %broadcast_in_dim3A_651 = vector.broadcast %add3A_650 : i32 to vector<16xi32>
        %mul3A_652 = arith.constant 16 : i32
        %mul3A_653 = arith.muli %scan3A_521, %mul3A_652 : i32
        %scan3A_654 = arith.constant 0 : i32
        %scan3A_655 = arith.constant 6 : i32
        %scan3A_656 = arith.addi %scan3A_654, %scan3A_655 : i32
        %scan3A_657 = arith.constant 1 : i32
        scf.for %scan3A_659 = %scan3A_654 to %scan3A_656 step %scan3A_657  : i32 {
          %mul3A_660 = arith.constant 16 : i32
          %mul3A_661 = arith.muli %scan3A_659, %mul3A_660 : i32
          %add3A_662 = vector.broadcast %mul3A_661 : i32 to vector<16xi32>
          %add3A_663 = arith.addi %add3A_662, %iota3A : vector<16xi32>
          %add3A_664 = arith.constant 0 : i32
          %add3A_665 = vector.broadcast %add3A_664 : i32 to vector<16xi32>
          %add3A_666 = arith.addi %iota3A, %add3A_665 : vector<16xi32>
          %and3A = arith.constant 7 : i32
          %and3A_667 = vector.broadcast %and3A : i32 to vector<16xi32>
          %and3A_668 = arith.andi %add3A_666, %and3A_667 : vector<16xi32>
          %mul3A_669 = arith.constant 8 : i32
          %mul3A_670 = arith.muli %mul3A_669, %scan3A_521 : i32
          %add3A_671 = vector.broadcast %mul3A_670 : i32 to vector<16xi32>
          %add3A_672 = arith.addi %and3A_668, %add3A_671 : vector<16xi32>
          %gather3A = tpu.vector_load_idx %arg10[%add3A_663, %add3A_672] : memref<96x64xi32, #tpu.memory_space<vmem>>[vector<16xi32>, vector<16xi32>], vector<16xi32>,
          %gather3A_673 = tpu.vector_load_idx %arg12[%add3A_663, %add3A_672] : memref<96x64xi32, #tpu.memory_space<vmem>>[vector<16xi32>, vector<16xi32>], vector<16xi32>,
          %bitcast3A = vector.bitcast %gather3A : vector<16xi32> to vector<32xbf16>
          %unpack3A = tpu.unpack_subelements %bitcast3A, 0 {pack_format = #tpu.pack_format<interleaved>} : vector<32xbf16> -> vector<16xf32>
          %unpack3A_674 = tpu.unpack_subelements %bitcast3A, 1 {pack_format = #tpu.pack_format<interleaved>} : vector<32xbf16> -> vector<16xf32>
          %bitcast3A_675 = vector.bitcast %gather3A_673 : vector<16xi32> to vector<32xbf16>
          %unpack3A_676 = tpu.unpack_subelements %bitcast3A_675, 0 {pack_format = #tpu.pack_format<interleaved>} : vector<32xbf16> -> vector<16xf32>
          %unpack3A_677 = tpu.unpack_subelements %bitcast3A_675, 1 {pack_format = #tpu.pack_format<interleaved>} : vector<32xbf16> -> vector<16xf32>
          %add3A_678 = arith.addf %unpack3A, %unpack3A_676 : vector<16xf32>
          %mul3A_679 = arith.constant 2.000000e-01 : f32
          %mul3A_680 = vector.broadcast %mul3A_679 : f32 to vector<16xf32>
          %mul3A_681 = arith.mulf %mul3A_680, %add3A_678 : vector<16xf32>
          %max3A = arith.maximumf %add3A_678, %mul3A_681 : vector<16xf32>
          %add3A_682 = arith.addf %unpack3A_674, %unpack3A_677 : vector<16xf32>
          %mul3A_683 = arith.constant 2.000000e-01 : f32
          %mul3A_684 = vector.broadcast %mul3A_683 : f32 to vector<16xf32>
          %mul3A_685 = arith.mulf %mul3A_684, %add3A_682 : vector<16xf32>
          %max3A_686 = arith.maximumf %add3A_682, %mul3A_685 : vector<16xf32>
          %mul3A_687 = arith.mulf %max3A, %get3A_527 : vector<16xf32>
          %add3A_688 = arith.addf %broadcast_in_dim3A_3, %mul3A_687 : vector<16xf32>
          %mul3A_689 = arith.mulf %max3A_686, %get3A_585 : vector<16xf32>
          %add3A_690 = arith.addf %broadcast_in_dim3A_3, %mul3A_689 : vector<16xf32>
          %mul3A_691 = arith.constant 2 : i32
          %mul3A_692 = vector.broadcast %mul3A_691 : i32 to vector<16xi32>
          %mul3A_693 = arith.muli %mul3A_692, %and3A_668 : vector<16xi32>
          %add3A_694 = vector.broadcast %mul3A_653 : i32 to vector<16xi32>
          %add3A_695 = arith.addi %mul3A_693, %add3A_694 : vector<16xi32>
          %add3A_696 = arith.constant 1 : i32
          %add3A_697 = vector.broadcast %add3A_696 : i32 to vector<16xi32>
          %add3A_698 = arith.addi %iota3A, %add3A_697 : vector<16xi32>
          %and3A_699 = arith.constant 7 : i32
          %and3A_700 = vector.broadcast %and3A_699 : i32 to vector<16xi32>
          %and3A_701 = arith.andi %add3A_698, %and3A_700 : vector<16xi32>
          %mul3A_702 = arith.constant 8 : i32
          %mul3A_703 = arith.muli %mul3A_702, %scan3A_521 : i32
          %add3A_704 = vector.broadcast %mul3A_703 : i32 to vector<16xi32>
          %add3A_705 = arith.addi %and3A_701, %add3A_704 : vector<16xi32>
          %gather3A_706 = tpu.vector_load_idx %arg10[%add3A_663, %add3A_705] : memref<96x64xi32, #tpu.memory_space<vmem>>[vector<16xi32>, vector<16xi32>], vector<16xi32>,
          %gather3A_707 = tpu.vector_load_idx %arg12[%add3A_663, %add3A_705] : memref<96x64xi32, #tpu.memory_space<vmem>>[vector<16xi32>, vector<16xi32>], vector<16xi32>,
          %bitcast3A_708 = vector.bitcast %gather3A_706 : vector<16xi32> to vector<32xbf16>
          %unpack3A_709 = tpu.unpack_subelements %bitcast3A_708, 0 {pack_format = #tpu.pack_format<interleaved>} : vector<32xbf16> -> vector<16xf32>
          %unpack3A_710 = tpu.unpack_subelements %bitcast3A_708, 1 {pack_format = #tpu.pack_format<interleaved>} : vector<32xbf16> -> vector<16xf32>
          %bitcast3A_711 = vector.bitcast %gather3A_707 : vector<16xi32> to vector<32xbf16>
          %unpack3A_712 = tpu.unpack_subelements %bitcast3A_711, 0 {pack_format = #tpu.pack_format<interleaved>} : vector<32xbf16> -> vector<16xf32>
          %unpack3A_713 = tpu.unpack_subelements %bitcast3A_711, 1 {pack_format = #tpu.pack_format<interleaved>} : vector<32xbf16> -> vector<16xf32>
          %add3A_714 = arith.addf %unpack3A_709, %unpack3A_712 : vector<16xf32>
          %mul3A_715 = arith.constant 2.000000e-01 : f32
          %mul3A_716 = vector.broadcast %mul3A_715 : f32 to vector<16xf32>
          %mul3A_717 = arith.mulf %mul3A_716, %add3A_714 : vector<16xf32>
          %max3A_718 = arith.maximumf %add3A_714, %mul3A_717 : vector<16xf32>
          %add3A_719 = arith.addf %unpack3A_710, %unpack3A_713 : vector<16xf32>
          %mul3A_720 = arith.constant 2.000000e-01 : f32
          %mul3A_721 = vector.broadcast %mul3A_720 : f32 to vector<16xf32>
          %mul3A_722 = arith.mulf %mul3A_721, %add3A_719 : vector<16xf32>
          %max3A_723 = arith.maximumf %add3A_719, %mul3A_722 : vector<16xf32>
          %mul3A_724 = arith.mulf %max3A_718, %get3A_534 : vector<16xf32>
          %add3A_725 = arith.addf %broadcast_in_dim3A_3, %mul3A_724 : vector<16xf32>
          %mul3A_726 = arith.mulf %max3A_723, %get3A_594 : vector<16xf32>
          %add3A_727 = arith.addf %broadcast_in_dim3A_3, %mul3A_726 : vector<16xf32>
          %mul3A_728 = arith.constant 2 : i32
          %mul3A_729 = vector.broadcast %mul3A_728 : i32 to vector<16xi32>
          %mul3A_730 = arith.muli %mul3A_729, %and3A_701 : vector<16xi32>
          %add3A_731 = vector.broadcast %mul3A_653 : i32 to vector<16xi32>
          %add3A_732 = arith.addi %mul3A_730, %add3A_731 : vector<16xi32>
          %add3A_733 = arith.constant 2 : i32
          %add3A_734 = vector.broadcast %add3A_733 : i32 to vector<16xi32>
          %add3A_735 = arith.addi %iota3A, %add3A_734 : vector<16xi32>
          %and3A_736 = arith.constant 7 : i32
          %and3A_737 = vector.broadcast %and3A_736 : i32 to vector<16xi32>
          %and3A_738 = arith.andi %add3A_735, %and3A_737 : vector<16xi32>
          %mul3A_739 = arith.constant 8 : i32
          %mul3A_740 = arith.muli %mul3A_739, %scan3A_521 : i32
          %add3A_741 = vector.broadcast %mul3A_740 : i32 to vector<16xi32>
          %add3A_742 = arith.addi %and3A_738, %add3A_741 : vector<16xi32>
          %gather3A_743 = tpu.vector_load_idx %arg10[%add3A_663, %add3A_742] : memref<96x64xi32, #tpu.memory_space<vmem>>[vector<16xi32>, vector<16xi32>], vector<16xi32>,
          %gather3A_744 = tpu.vector_load_idx %arg12[%add3A_663, %add3A_742] : memref<96x64xi32, #tpu.memory_space<vmem>>[vector<16xi32>, vector<16xi32>], vector<16xi32>,
          %bitcast3A_745 = vector.bitcast %gather3A_743 : vector<16xi32> to vector<32xbf16>
          %unpack3A_746 = tpu.unpack_subelements %bitcast3A_745, 0 {pack_format = #tpu.pack_format<interleaved>} : vector<32xbf16> -> vector<16xf32>
          %unpack3A_747 = tpu.unpack_subelements %bitcast3A_745, 1 {pack_format = #tpu.pack_format<interleaved>} : vector<32xbf16> -> vector<16xf32>
          %bitcast3A_748 = vector.bitcast %gather3A_744 : vector<16xi32> to vector<32xbf16>
          %unpack3A_749 = tpu.unpack_subelements %bitcast3A_748, 0 {pack_format = #tpu.pack_format<interleaved>} : vector<32xbf16> -> vector<16xf32>
          %unpack3A_750 = tpu.unpack_subelements %bitcast3A_748, 1 {pack_format = #tpu.pack_format<interleaved>} : vector<32xbf16> -> vector<16xf32>
          %add3A_751 = arith.addf %unpack3A_746, %unpack3A_749 : vector<16xf32>
          %mul3A_752 = arith.constant 2.000000e-01 : f32
          %mul3A_753 = vector.broadcast %mul3A_752 : f32 to vector<16xf32>
          %mul3A_754 = arith.mulf %mul3A_753, %add3A_751 : vector<16xf32>
          %max3A_755 = arith.maximumf %add3A_751, %mul3A_754 : vector<16xf32>
          %add3A_756 = arith.addf %unpack3A_747, %unpack3A_750 : vector<16xf32>
          %mul3A_757 = arith.constant 2.000000e-01 : f32
          %mul3A_758 = vector.broadcast %mul3A_757 : f32 to vector<16xf32>
          %mul3A_759 = arith.mulf %mul3A_758, %add3A_756 : vector<16xf32>
          %max3A_760 = arith.maximumf %add3A_756, %mul3A_759 : vector<16xf32>
          %mul3A_761 = arith.mulf %max3A_755, %get3A_541 : vector<16xf32>
          %add3A_762 = arith.addf %add3A_690, %mul3A_761 : vector<16xf32>
          %mul3A_763 = arith.mulf %max3A_760, %get3A_603 : vector<16xf32>
          %add3A_764 = arith.addf %add3A_688, %mul3A_763 : vector<16xf32>
          %mul3A_765 = arith.constant 2 : i32
          %mul3A_766 = vector.broadcast %mul3A_765 : i32 to vector<16xi32>
          %mul3A_767 = arith.muli %mul3A_766, %and3A_738 : vector<16xi32>
          %add3A_768 = vector.broadcast %mul3A_653 : i32 to vector<16xi32>
          %add3A_769 = arith.addi %mul3A_767, %add3A_768 : vector<16xi32>
          %add3A_770 = arith.constant 3 : i32
          %add3A_771 = vector.broadcast %add3A_770 : i32 to vector<16xi32>
          %add3A_772 = arith.addi %iota3A, %add3A_771 : vector<16xi32>
          %and3A_773 = arith.constant 7 : i32
          %and3A_774 = vector.broadcast %and3A_773 : i32 to vector<16xi32>
          %and3A_775 = arith.andi %add3A_772, %and3A_774 : vector<16xi32>
          %mul3A_776 = arith.constant 8 : i32
          %mul3A_777 = arith.muli %mul3A_776, %scan3A_521 : i32
          %add3A_778 = vector.broadcast %mul3A_777 : i32 to vector<16xi32>
          %add3A_779 = arith.addi %and3A_775, %add3A_778 : vector<16xi32>
          %gather3A_780 = tpu.vector_load_idx %arg10[%add3A_663, %add3A_779] : memref<96x64xi32, #tpu.memory_space<vmem>>[vector<16xi32>, vector<16xi32>], vector<16xi32>,
          %gather3A_781 = tpu.vector_load_idx %arg12[%add3A_663, %add3A_779] : memref<96x64xi32, #tpu.memory_space<vmem>>[vector<16xi32>, vector<16xi32>], vector<16xi32>,
          %bitcast3A_782 = vector.bitcast %gather3A_780 : vector<16xi32> to vector<32xbf16>
          %unpack3A_783 = tpu.unpack_subelements %bitcast3A_782, 0 {pack_format = #tpu.pack_format<interleaved>} : vector<32xbf16> -> vector<16xf32>
          %unpack3A_784 = tpu.unpack_subelements %bitcast3A_782, 1 {pack_format = #tpu.pack_format<interleaved>} : vector<32xbf16> -> vector<16xf32>
          %bitcast3A_785 = vector.bitcast %gather3A_781 : vector<16xi32> to vector<32xbf16>
          %unpack3A_786 = tpu.unpack_subelements %bitcast3A_785, 0 {pack_format = #tpu.pack_format<interleaved>} : vector<32xbf16> -> vector<16xf32>
          %unpack3A_787 = tpu.unpack_subelements %bitcast3A_785, 1 {pack_format = #tpu.pack_format<interleaved>} : vector<32xbf16> -> vector<16xf32>
          %add3A_788 = arith.addf %unpack3A_783, %unpack3A_786 : vector<16xf32>
          %mul3A_789 = arith.constant 2.000000e-01 : f32
          %mul3A_790 = vector.broadcast %mul3A_789 : f32 to vector<16xf32>
          %mul3A_791 = arith.mulf %mul3A_790, %add3A_788 : vector<16xf32>
          %max3A_792 = arith.maximumf %add3A_788, %mul3A_791 : vector<16xf32>
          %add3A_793 = arith.addf %unpack3A_784, %unpack3A_787 : vector<16xf32>
          %mul3A_794 = arith.constant 2.000000e-01 : f32
          %mul3A_795 = vector.broadcast %mul3A_794 : f32 to vector<16xf32>
          %mul3A_796 = arith.mulf %mul3A_795, %add3A_793 : vector<16xf32>
          %max3A_797 = arith.maximumf %add3A_793, %mul3A_796 : vector<16xf32>
          %mul3A_798 = arith.mulf %max3A_792, %get3A_548 : vector<16xf32>
          %add3A_799 = arith.addf %add3A_727, %mul3A_798 : vector<16xf32>
          %mul3A_800 = arith.mulf %max3A_797, %get3A_612 : vector<16xf32>
          %add3A_801 = arith.addf %add3A_725, %mul3A_800 : vector<16xf32>
          %mul3A_802 = arith.constant 2 : i32
          %mul3A_803 = vector.broadcast %mul3A_802 : i32 to vector<16xi32>
          %mul3A_804 = arith.muli %mul3A_803, %and3A_775 : vector<16xi32>
          %add3A_805 = vector.broadcast %mul3A_653 : i32 to vector<16xi32>
          %add3A_806 = arith.addi %mul3A_804, %add3A_805 : vector<16xi32>
          %add3A_807 = arith.constant 4 : i32
          %add3A_808 = vector.broadcast %add3A_807 : i32 to vector<16xi32>
          %add3A_809 = arith.addi %iota3A, %add3A_808 : vector<16xi32>
          %and3A_810 = arith.constant 7 : i32
          %and3A_811 = vector.broadcast %and3A_810 : i32 to vector<16xi32>
          %and3A_812 = arith.andi %add3A_809, %and3A_811 : vector<16xi32>
          %mul3A_813 = arith.constant 8 : i32
          %mul3A_814 = arith.muli %mul3A_813, %scan3A_521 : i32
          %add3A_815 = vector.broadcast %mul3A_814 : i32 to vector<16xi32>
          %add3A_816 = arith.addi %and3A_812, %add3A_815 : vector<16xi32>
          %gather3A_817 = tpu.vector_load_idx %arg10[%add3A_663, %add3A_816] : memref<96x64xi32, #tpu.memory_space<vmem>>[vector<16xi32>, vector<16xi32>], vector<16xi32>,
          %gather3A_818 = tpu.vector_load_idx %arg12[%add3A_663, %add3A_816] : memref<96x64xi32, #tpu.memory_space<vmem>>[vector<16xi32>, vector<16xi32>], vector<16xi32>,
          %bitcast3A_819 = vector.bitcast %gather3A_817 : vector<16xi32> to vector<32xbf16>
          %unpack3A_820 = tpu.unpack_subelements %bitcast3A_819, 0 {pack_format = #tpu.pack_format<interleaved>} : vector<32xbf16> -> vector<16xf32>
          %unpack3A_821 = tpu.unpack_subelements %bitcast3A_819, 1 {pack_format = #tpu.pack_format<interleaved>} : vector<32xbf16> -> vector<16xf32>
          %bitcast3A_822 = vector.bitcast %gather3A_818 : vector<16xi32> to vector<32xbf16>
          %unpack3A_823 = tpu.unpack_subelements %bitcast3A_822, 0 {pack_format = #tpu.pack_format<interleaved>} : vector<32xbf16> -> vector<16xf32>
          %unpack3A_824 = tpu.unpack_subelements %bitcast3A_822, 1 {pack_format = #tpu.pack_format<interleaved>} : vector<32xbf16> -> vector<16xf32>
          %add3A_825 = arith.addf %unpack3A_820, %unpack3A_823 : vector<16xf32>
          %mul3A_826 = arith.constant 2.000000e-01 : f32
          %mul3A_827 = vector.broadcast %mul3A_826 : f32 to vector<16xf32>
          %mul3A_828 = arith.mulf %mul3A_827, %add3A_825 : vector<16xf32>
          %max3A_829 = arith.maximumf %add3A_825, %mul3A_828 : vector<16xf32>
          %add3A_830 = arith.addf %unpack3A_821, %unpack3A_824 : vector<16xf32>
          %mul3A_831 = arith.constant 2.000000e-01 : f32
          %mul3A_832 = vector.broadcast %mul3A_831 : f32 to vector<16xf32>
          %mul3A_833 = arith.mulf %mul3A_832, %add3A_830 : vector<16xf32>
          %max3A_834 = arith.maximumf %add3A_830, %mul3A_833 : vector<16xf32>
          %mul3A_835 = arith.mulf %max3A_829, %get3A_555 : vector<16xf32>
          %add3A_836 = arith.addf %add3A_764, %mul3A_835 : vector<16xf32>
          %mul3A_837 = arith.mulf %max3A_834, %get3A_621 : vector<16xf32>
          %add3A_838 = arith.addf %add3A_762, %mul3A_837 : vector<16xf32>
          %mul3A_839 = arith.constant 2 : i32
          %mul3A_840 = vector.broadcast %mul3A_839 : i32 to vector<16xi32>
          %mul3A_841 = arith.muli %mul3A_840, %and3A_812 : vector<16xi32>
          %add3A_842 = vector.broadcast %mul3A_653 : i32 to vector<16xi32>
          %add3A_843 = arith.addi %mul3A_841, %add3A_842 : vector<16xi32>
          %add3A_844 = arith.constant 5 : i32
          %add3A_845 = vector.broadcast %add3A_844 : i32 to vector<16xi32>
          %add3A_846 = arith.addi %iota3A, %add3A_845 : vector<16xi32>
          %and3A_847 = arith.constant 7 : i32
          %and3A_848 = vector.broadcast %and3A_847 : i32 to vector<16xi32>
          %and3A_849 = arith.andi %add3A_846, %and3A_848 : vector<16xi32>
          %mul3A_850 = arith.constant 8 : i32
          %mul3A_851 = arith.muli %mul3A_850, %scan3A_521 : i32
          %add3A_852 = vector.broadcast %mul3A_851 : i32 to vector<16xi32>
          %add3A_853 = arith.addi %and3A_849, %add3A_852 : vector<16xi32>
          %gather3A_854 = tpu.vector_load_idx %arg10[%add3A_663, %add3A_853] : memref<96x64xi32, #tpu.memory_space<vmem>>[vector<16xi32>, vector<16xi32>], vector<16xi32>,
          %gather3A_855 = tpu.vector_load_idx %arg12[%add3A_663, %add3A_853] : memref<96x64xi32, #tpu.memory_space<vmem>>[vector<16xi32>, vector<16xi32>], vector<16xi32>,
          %bitcast3A_856 = vector.bitcast %gather3A_854 : vector<16xi32> to vector<32xbf16>
          %unpack3A_857 = tpu.unpack_subelements %bitcast3A_856, 0 {pack_format = #tpu.pack_format<interleaved>} : vector<32xbf16> -> vector<16xf32>
          %unpack3A_858 = tpu.unpack_subelements %bitcast3A_856, 1 {pack_format = #tpu.pack_format<interleaved>} : vector<32xbf16> -> vector<16xf32>
          %bitcast3A_859 = vector.bitcast %gather3A_855 : vector<16xi32> to vector<32xbf16>
          %unpack3A_860 = tpu.unpack_subelements %bitcast3A_859, 0 {pack_format = #tpu.pack_format<interleaved>} : vector<32xbf16> -> vector<16xf32>
          %unpack3A_861 = tpu.unpack_subelements %bitcast3A_859, 1 {pack_format = #tpu.pack_format<interleaved>} : vector<32xbf16> -> vector<16xf32>
          %add3A_862 = arith.addf %unpack3A_857, %unpack3A_860 : vector<16xf32>
          %mul3A_863 = arith.constant 2.000000e-01 : f32
          %mul3A_864 = vector.broadcast %mul3A_863 : f32 to vector<16xf32>
          %mul3A_865 = arith.mulf %mul3A_864, %add3A_862 : vector<16xf32>
          %max3A_866 = arith.maximumf %add3A_862, %mul3A_865 : vector<16xf32>
          %add3A_867 = arith.addf %unpack3A_858, %unpack3A_861 : vector<16xf32>
          %mul3A_868 = arith.constant 2.000000e-01 : f32
          %mul3A_869 = vector.broadcast %mul3A_868 : f32 to vector<16xf32>
          %mul3A_870 = arith.mulf %mul3A_869, %add3A_867 : vector<16xf32>
          %max3A_871 = arith.maximumf %add3A_867, %mul3A_870 : vector<16xf32>
          %mul3A_872 = arith.mulf %max3A_866, %get3A_562 : vector<16xf32>
          %add3A_873 = arith.addf %add3A_801, %mul3A_872 : vector<16xf32>
          %mul3A_874 = arith.mulf %max3A_871, %get3A_630 : vector<16xf32>
          %add3A_875 = arith.addf %add3A_799, %mul3A_874 : vector<16xf32>
          %mul3A_876 = arith.constant 2 : i32
          %mul3A_877 = vector.broadcast %mul3A_876 : i32 to vector<16xi32>
          %mul3A_878 = arith.muli %mul3A_877, %and3A_849 : vector<16xi32>
          %add3A_879 = vector.broadcast %mul3A_653 : i32 to vector<16xi32>
          %add3A_880 = arith.addi %mul3A_878, %add3A_879 : vector<16xi32>
          %add3A_881 = arith.constant 6 : i32
          %add3A_882 = vector.broadcast %add3A_881 : i32 to vector<16xi32>
          %add3A_883 = arith.addi %iota3A, %add3A_882 : vector<16xi32>
          %and3A_884 = arith.constant 7 : i32
          %and3A_885 = vector.broadcast %and3A_884 : i32 to vector<16xi32>
          %and3A_886 = arith.andi %add3A_883, %and3A_885 : vector<16xi32>
          %mul3A_887 = arith.constant 8 : i32
          %mul3A_888 = arith.muli %mul3A_887, %scan3A_521 : i32
          %add3A_889 = vector.broadcast %mul3A_888 : i32 to vector<16xi32>
          %add3A_890 = arith.addi %and3A_886, %add3A_889 : vector<16xi32>
          %gather3A_891 = tpu.vector_load_idx %arg10[%add3A_663, %add3A_890] : memref<96x64xi32, #tpu.memory_space<vmem>>[vector<16xi32>, vector<16xi32>], vector<16xi32>,
          %gather3A_892 = tpu.vector_load_idx %arg12[%add3A_663, %add3A_890] : memref<96x64xi32, #tpu.memory_space<vmem>>[vector<16xi32>, vector<16xi32>], vector<16xi32>,
          %bitcast3A_893 = vector.bitcast %gather3A_891 : vector<16xi32> to vector<32xbf16>
          %unpack3A_894 = tpu.unpack_subelements %bitcast3A_893, 0 {pack_format = #tpu.pack_format<interleaved>} : vector<32xbf16> -> vector<16xf32>
          %unpack3A_895 = tpu.unpack_subelements %bitcast3A_893, 1 {pack_format = #tpu.pack_format<interleaved>} : vector<32xbf16> -> vector<16xf32>
          %bitcast3A_896 = vector.bitcast %gather3A_892 : vector<16xi32> to vector<32xbf16>
          %unpack3A_897 = tpu.unpack_subelements %bitcast3A_896, 0 {pack_format = #tpu.pack_format<interleaved>} : vector<32xbf16> -> vector<16xf32>
          %unpack3A_898 = tpu.unpack_subelements %bitcast3A_896, 1 {pack_format = #tpu.pack_format<interleaved>} : vector<32xbf16> -> vector<16xf32>
          %add3A_899 = arith.addf %unpack3A_894, %unpack3A_897 : vector<16xf32>
          %mul3A_900 = arith.constant 2.000000e-01 : f32
          %mul3A_901 = vector.broadcast %mul3A_900 : f32 to vector<16xf32>
          %mul3A_902 = arith.mulf %mul3A_901, %add3A_899 : vector<16xf32>
          %max3A_903 = arith.maximumf %add3A_899, %mul3A_902 : vector<16xf32>
          %add3A_904 = arith.addf %unpack3A_895, %unpack3A_898 : vector<16xf32>
          %mul3A_905 = arith.constant 2.000000e-01 : f32
          %mul3A_906 = vector.broadcast %mul3A_905 : f32 to vector<16xf32>
          %mul3A_907 = arith.mulf %mul3A_906, %add3A_904 : vector<16xf32>
          %max3A_908 = arith.maximumf %add3A_904, %mul3A_907 : vector<16xf32>
          %mul3A_909 = arith.mulf %max3A_903, %get3A_569 : vector<16xf32>
          %add3A_910 = arith.addf %add3A_838, %mul3A_909 : vector<16xf32>
          %mul3A_911 = arith.mulf %max3A_908, %get3A_639 : vector<16xf32>
          %add3A_912 = arith.addf %add3A_836, %mul3A_911 : vector<16xf32>
          %mul3A_913 = arith.constant 2 : i32
          %mul3A_914 = vector.broadcast %mul3A_913 : i32 to vector<16xi32>
          %mul3A_915 = arith.muli %mul3A_914, %and3A_886 : vector<16xi32>
          %add3A_916 = vector.broadcast %mul3A_653 : i32 to vector<16xi32>
          %add3A_917 = arith.addi %mul3A_915, %add3A_916 : vector<16xi32>
          %add3A_918 = arith.constant 7 : i32
          %add3A_919 = vector.broadcast %add3A_918 : i32 to vector<16xi32>
          %add3A_920 = arith.addi %iota3A, %add3A_919 : vector<16xi32>
          %and3A_921 = arith.constant 7 : i32
          %and3A_922 = vector.broadcast %and3A_921 : i32 to vector<16xi32>
          %and3A_923 = arith.andi %add3A_920, %and3A_922 : vector<16xi32>
          %mul3A_924 = arith.constant 8 : i32
          %mul3A_925 = arith.muli %mul3A_924, %scan3A_521 : i32
          %add3A_926 = vector.broadcast %mul3A_925 : i32 to vector<16xi32>
          %add3A_927 = arith.addi %and3A_923, %add3A_926 : vector<16xi32>
          %gather3A_928 = tpu.vector_load_idx %arg10[%add3A_663, %add3A_927] : memref<96x64xi32, #tpu.memory_space<vmem>>[vector<16xi32>, vector<16xi32>], vector<16xi32>,
          %gather3A_929 = tpu.vector_load_idx %arg12[%add3A_663, %add3A_927] : memref<96x64xi32, #tpu.memory_space<vmem>>[vector<16xi32>, vector<16xi32>], vector<16xi32>,
          %bitcast3A_930 = vector.bitcast %gather3A_928 : vector<16xi32> to vector<32xbf16>
          %unpack3A_931 = tpu.unpack_subelements %bitcast3A_930, 0 {pack_format = #tpu.pack_format<interleaved>} : vector<32xbf16> -> vector<16xf32>
          %unpack3A_932 = tpu.unpack_subelements %bitcast3A_930, 1 {pack_format = #tpu.pack_format<interleaved>} : vector<32xbf16> -> vector<16xf32>
          %bitcast3A_933 = vector.bitcast %gather3A_929 : vector<16xi32> to vector<32xbf16>
          %unpack3A_934 = tpu.unpack_subelements %bitcast3A_933, 0 {pack_format = #tpu.pack_format<interleaved>} : vector<32xbf16> -> vector<16xf32>
          %unpack3A_935 = tpu.unpack_subelements %bitcast3A_933, 1 {pack_format = #tpu.pack_format<interleaved>} : vector<32xbf16> -> vector<16xf32>
          %add3A_936 = arith.addf %unpack3A_931, %unpack3A_934 : vector<16xf32>
          %mul3A_937 = arith.constant 2.000000e-01 : f32
          %mul3A_938 = vector.broadcast %mul3A_937 : f32 to vector<16xf32>
          %mul3A_939 = arith.mulf %mul3A_938, %add3A_936 : vector<16xf32>
          %max3A_940 = arith.maximumf %add3A_936, %mul3A_939 : vector<16xf32>
          %add3A_941 = arith.addf %unpack3A_932, %unpack3A_935 : vector<16xf32>
          %mul3A_942 = arith.constant 2.000000e-01 : f32
          %mul3A_943 = vector.broadcast %mul3A_942 : f32 to vector<16xf32>
          %mul3A_944 = arith.mulf %mul3A_943, %add3A_941 : vector<16xf32>
          %max3A_945 = arith.maximumf %add3A_941, %mul3A_944 : vector<16xf32>
          %mul3A_946 = arith.mulf %max3A_940, %get3A_576 : vector<16xf32>
          %add3A_947 = arith.addf %add3A_875, %mul3A_946 : vector<16xf32>
          %mul3A_948 = arith.mulf %max3A_945, %get3A_648 : vector<16xf32>
          %add3A_949 = arith.addf %add3A_873, %mul3A_948 : vector<16xf32>
          %mul3A_950 = arith.constant 2 : i32
          %mul3A_951 = vector.broadcast %mul3A_950 : i32 to vector<16xi32>
          %mul3A_952 = arith.muli %mul3A_951, %and3A_923 : vector<16xi32>
          %add3A_953 = vector.broadcast %mul3A_653 : i32 to vector<16xi32>
          %add3A_954 = arith.addi %mul3A_952, %add3A_953 : vector<16xi32>
          %add3A_955 = arith.addf %add3A_912, %add3A_949 : vector<16xf32>
          %add3A_956 = arith.addf %add3A_910, %add3A_947 : vector<16xf32>
          %add3A_957 = arith.addf %add3A_955, %add3A_956 : vector<16xf32>
          %exp3A = math.exp %add3A_957 : vector<16xf32>
          tpu.vector_store_idx %arg14[%add3A_663, %broadcast_in_dim3A_651], %exp3A : memref<96x136xf32, #tpu.memory_space<vmem>>[vector<16xi32>, vector<16xi32>], vector<16xf32>,
          %mul3A_958 = arith.mulf %unpack3A, %exp3A : vector<16xf32>
          tpu.vector_store_idx %arg14[%add3A_663, %add3A_695], %mul3A_958 : memref<96x136xf32, #tpu.memory_space<vmem>>[vector<16xi32>, vector<16xi32>], vector<16xf32>,
          %add3A_959 = arith.constant 1 : i32
          %add3A_960 = vector.broadcast %add3A_959 : i32 to vector<16xi32>
          %add3A_961 = arith.addi %add3A_695, %add3A_960 : vector<16xi32>
          %mul3A_962 = arith.mulf %unpack3A_674, %exp3A : vector<16xf32>
          tpu.vector_store_idx %arg14[%add3A_663, %add3A_961], %mul3A_962 : memref<96x136xf32, #tpu.memory_space<vmem>>[vector<16xi32>, vector<16xi32>], vector<16xf32>,
          %mul3A_963 = arith.mulf %unpack3A_709, %exp3A : vector<16xf32>
          tpu.vector_store_idx %arg14[%add3A_663, %add3A_732], %mul3A_963 : memref<96x136xf32, #tpu.memory_space<vmem>>[vector<16xi32>, vector<16xi32>], vector<16xf32>,
          %add3A_964 = arith.constant 1 : i32
          %add3A_965 = vector.broadcast %add3A_964 : i32 to vector<16xi32>
          %add3A_966 = arith.addi %add3A_732, %add3A_965 : vector<16xi32>
          %mul3A_967 = arith.mulf %unpack3A_710, %exp3A : vector<16xf32>
          tpu.vector_store_idx %arg14[%add3A_663, %add3A_966], %mul3A_967 : memref<96x136xf32, #tpu.memory_space<vmem>>[vector<16xi32>, vector<16xi32>], vector<16xf32>,
          %mul3A_968 = arith.mulf %unpack3A_746, %exp3A : vector<16xf32>
          tpu.vector_store_idx %arg14[%add3A_663, %add3A_769], %mul3A_968 : memref<96x136xf32, #tpu.memory_space<vmem>>[vector<16xi32>, vector<16xi32>], vector<16xf32>,
          %add3A_969 = arith.constant 1 : i32
          %add3A_970 = vector.broadcast %add3A_969 : i32 to vector<16xi32>
          %add3A_971 = arith.addi %add3A_769, %add3A_970 : vector<16xi32>
          %mul3A_972 = arith.mulf %unpack3A_747, %exp3A : vector<16xf32>
          tpu.vector_store_idx %arg14[%add3A_663, %add3A_971], %mul3A_972 : memref<96x136xf32, #tpu.memory_space<vmem>>[vector<16xi32>, vector<16xi32>], vector<16xf32>,
          %mul3A_973 = arith.mulf %unpack3A_783, %exp3A : vector<16xf32>
          tpu.vector_store_idx %arg14[%add3A_663, %add3A_806], %mul3A_973 : memref<96x136xf32, #tpu.memory_space<vmem>>[vector<16xi32>, vector<16xi32>], vector<16xf32>,
          %add3A_974 = arith.constant 1 : i32
          %add3A_975 = vector.broadcast %add3A_974 : i32 to vector<16xi32>
          %add3A_976 = arith.addi %add3A_806, %add3A_975 : vector<16xi32>
          %mul3A_977 = arith.mulf %unpack3A_784, %exp3A : vector<16xf32>
          tpu.vector_store_idx %arg14[%add3A_663, %add3A_976], %mul3A_977 : memref<96x136xf32, #tpu.memory_space<vmem>>[vector<16xi32>, vector<16xi32>], vector<16xf32>,
          %mul3A_978 = arith.mulf %unpack3A_820, %exp3A : vector<16xf32>
          tpu.vector_store_idx %arg14[%add3A_663, %add3A_843], %mul3A_978 : memref<96x136xf32, #tpu.memory_space<vmem>>[vector<16xi32>, vector<16xi32>], vector<16xf32>,
          %add3A_979 = arith.constant 1 : i32
          %add3A_980 = vector.broadcast %add3A_979 : i32 to vector<16xi32>
          %add3A_981 = arith.addi %add3A_843, %add3A_980 : vector<16xi32>
          %mul3A_982 = arith.mulf %unpack3A_821, %exp3A : vector<16xf32>
          tpu.vector_store_idx %arg14[%add3A_663, %add3A_981], %mul3A_982 : memref<96x136xf32, #tpu.memory_space<vmem>>[vector<16xi32>, vector<16xi32>], vector<16xf32>,
          %mul3A_983 = arith.mulf %unpack3A_857, %exp3A : vector<16xf32>
          tpu.vector_store_idx %arg14[%add3A_663, %add3A_880], %mul3A_983 : memref<96x136xf32, #tpu.memory_space<vmem>>[vector<16xi32>, vector<16xi32>], vector<16xf32>,
          %add3A_984 = arith.constant 1 : i32
          %add3A_985 = vector.broadcast %add3A_984 : i32 to vector<16xi32>
          %add3A_986 = arith.addi %add3A_880, %add3A_985 : vector<16xi32>
          %mul3A_987 = arith.mulf %unpack3A_858, %exp3A : vector<16xf32>
          tpu.vector_store_idx %arg14[%add3A_663, %add3A_986], %mul3A_987 : memref<96x136xf32, #tpu.memory_space<vmem>>[vector<16xi32>, vector<16xi32>], vector<16xf32>,
          %mul3A_988 = arith.mulf %unpack3A_894, %exp3A : vector<16xf32>
          tpu.vector_store_idx %arg14[%add3A_663, %add3A_917], %mul3A_988 : memref<96x136xf32, #tpu.memory_space<vmem>>[vector<16xi32>, vector<16xi32>], vector<16xf32>,
          %add3A_989 = arith.constant 1 : i32
          %add3A_990 = vector.broadcast %add3A_989 : i32 to vector<16xi32>
          %add3A_991 = arith.addi %add3A_917, %add3A_990 : vector<16xi32>
          %mul3A_992 = arith.mulf %unpack3A_895, %exp3A : vector<16xf32>
          tpu.vector_store_idx %arg14[%add3A_663, %add3A_991], %mul3A_992 : memref<96x136xf32, #tpu.memory_space<vmem>>[vector<16xi32>, vector<16xi32>], vector<16xf32>,
          %mul3A_993 = arith.mulf %unpack3A_931, %exp3A : vector<16xf32>
          tpu.vector_store_idx %arg14[%add3A_663, %add3A_954], %mul3A_993 : memref<96x136xf32, #tpu.memory_space<vmem>>[vector<16xi32>, vector<16xi32>], vector<16xf32>,
          %add3A_994 = arith.constant 1 : i32
          %add3A_995 = vector.broadcast %add3A_994 : i32 to vector<16xi32>
          %add3A_996 = arith.addi %add3A_954, %add3A_995 : vector<16xi32>
          %mul3A_997 = arith.mulf %unpack3A_932, %exp3A : vector<16xf32>
          tpu.vector_store_idx %arg14[%add3A_663, %add3A_996], %mul3A_997 : memref<96x136xf32, #tpu.memory_space<vmem>>[vector<16xi32>, vector<16xi32>], vector<16xf32>,
        }
        %scan3A_658 = arith.constant 6 : i32
      }
      %scan3A_214 = arith.constant 8 : i32
      %dma_start3A_215 = arith.constant 0 : i32
      %dma_start3A_216 = arith.constant 1 : i32
      %dma_start3A_217 = arith.constant 0 : i32
      %dma_start3A_218 = tpu.memref_slice %arg9[%dma_start3A_215, %dma_start3A_216, %dma_start3A_217] : memref<4x2x96xi32, #tpu.memory_space<vmem>> -> memref<1x1x96xi32, #tpu.memory_space<vmem>>
      %dma_start3A_219 = tpu.memref_squeeze %dma_start3A_218 : memref<1x1x96xi32, #tpu.memory_space<vmem>> -> memref<96xi32, #tpu.memory_space<vmem>>
      %dma_start3A_220 = arith.constant 0 : i32
      %dma_start3A_221 = arith.constant 0 : i32
      %dma_start3A_222 = tpu.memref_slice %arg8[%dma_start3A_220, %dma_start3A_221] : memref<10048x136xf32, #tpu.memory_space<vmem_shared>> -> memref<10048x136xf32, #tpu.memory_space<vmem_shared>>
      tpu.enqueue_indirect_dma source(%arg14 : memref<96x136xf32, #tpu.memory_space<vmem>>) target(%dma_start3A_222 : memref<10048x136xf32, #tpu.memory_space<vmem_shared>>) offsets(%dma_start3A_219 : memref<96xi32, #tpu.memory_space<vmem>>) semaphore(%arg18 : memref<!tpu.dma_semaphore, #tpu.memory_space<semaphore_mem>>) {add = true}
      %add3A_223 = arith.constant 2 : i32
      %add3A_224 = arith.addi %add3A_140, %add3A_223 : i32
      %lt3A_225 = arith.constant 108 : i32
      %lt3A_226 = arith.cmpi slt, %add3A_224, %lt3A_225 : i32
      %convert_element_type3A_227 = arith.extui %lt3A_226 : i1 to i32
      %cond3A_228 = arith.constant 0 : i32
      %cond3A_229 = arith.cmpi ne, %convert_element_type3A_227, %cond3A_228 : i32
      scf.if %cond3A_229 {
        %add3A_521 = arith.constant 2 : i32
        %add3A_522 = arith.addi %add3A_140, %add3A_521 : i32
        %mul3A_523 = arith.constant 96 : i32
        %mul3A_524 = arith.muli %add3A_522, %mul3A_523 : i32
        %add3A_525 = arith.addi %mul3A_2, %mul3A_524 : i32
        %dma_start3A_526 = arith.constant 2 : i32
        %dma_start3A_527 = arith.constant 2 : i32
        %dma_start3A_528 = arith.constant 0 : i32
        %dma_start3A_529 = arith.constant 0 : i32
        %dma_start3A_530 = tpu.memref_slice %arg9[%dma_start3A_526, %dma_start3A_528, %dma_start3A_529] : memref<4x2x96xi32, #tpu.memory_space<vmem>> -> memref<1x2x96xi32, #tpu.memory_space<vmem>>
        %dma_start3A_531 = tpu.memref_squeeze %dma_start3A_530 : memref<1x2x96xi32, #tpu.memory_space<vmem>> -> memref<2x96xi32, #tpu.memory_space<vmem>>
        %dma_start3A_532 = arith.constant 0 : i32
        %dma_start3A_533 = tpu.memref_slice %arg5[%dma_start3A_532, %add3A_525] : memref<2x331776xi32, #tpu.memory_space<hbm>> -> memref<2x96xi32, #tpu.memory_space<hbm>>
        %dma_start3A_534 = tpu.memref_slice %arg16[%dma_start3A_527] : memref<4x!tpu.dma_semaphore, #tpu.memory_space<semaphore_mem>> -> memref<1x!tpu.dma_semaphore, #tpu.memory_space<semaphore_mem>>
        %dma_start3A_535 = tpu.memref_squeeze %dma_start3A_534 : memref<1x!tpu.dma_semaphore, #tpu.memory_space<semaphore_mem>> -> memref<!tpu.dma_semaphore, #tpu.memory_space<semaphore_mem>>
        %dma_start3A_536 = arith.constant 0 : i32
        %dma_start3A_537 = arith.constant 0 : i32
        %dma_start3A_538 = tpu.memref_slice %arg9[%dma_start3A_526, %dma_start3A_536, %dma_start3A_537] : memref<4x2x96xi32, #tpu.memory_space<vmem>> -> memref<1x2x96xi32, #tpu.memory_space<vmem>>
        %dma_start3A_539 = tpu.memref_squeeze %dma_start3A_538 : memref<1x2x96xi32, #tpu.memory_space<vmem>> -> memref<2x96xi32, #tpu.memory_space<vmem>>
        %dma_start3A_540 = arith.constant 0 : i32
        %dma_start3A_541 = tpu.memref_slice %arg5[%dma_start3A_540, %add3A_525] : memref<2x331776xi32, #tpu.memory_space<hbm>> -> memref<2x96xi32, #tpu.memory_space<hbm>>
        tpu.enqueue_dma source(%dma_start3A_541 : memref<2x96xi32, #tpu.memory_space<hbm>>) target(%dma_start3A_539 : memref<2x96xi32, #tpu.memory_space<vmem>>) target_semaphore(%dma_start3A_535 : memref<!tpu.dma_semaphore, #tpu.memory_space<semaphore_mem>>)
      } else {
      }
      %mul3A_230 = arith.constant 4 : i32
      %mul3A_231 = arith.muli %scan3A_136, %mul3A_230 : i32
      %add3A_232 = arith.constant 1 : i32
      %add3A_233 = arith.addi %mul3A_231, %add3A_232 : i32
      %add3A_234 = arith.constant 1 : i32
      %add3A_235 = arith.addi %add3A_233, %add3A_234 : i32
      %lt3A_236 = arith.constant 108 : i32
      %lt3A_237 = arith.cmpi slt, %add3A_235, %lt3A_236 : i32
      %convert_element_type3A_238 = arith.extui %lt3A_237 : i1 to i32
      %cond3A_239 = arith.constant 0 : i32
      %cond3A_240 = arith.cmpi ne, %convert_element_type3A_238, %cond3A_239 : i32
      scf.if %cond3A_240 {
        %add3A_521 = arith.constant 1 : i32
        %add3A_522 = arith.addi %add3A_233, %add3A_521 : i32
        %mul3A_523 = arith.constant 96 : i32
        %mul3A_524 = arith.muli %add3A_522, %mul3A_523 : i32
        %add3A_525 = arith.addi %mul3A_2, %mul3A_524 : i32
        %dma_wait3A_526 = arith.constant 2 : i32
        %dma_wait3A_527 = arith.constant 2 : i32
        %dma_wait3A_528 = arith.constant 0 : i32
        %dma_wait3A_529 = arith.constant 0 : i32
        %dma_wait3A_530 = tpu.memref_slice %arg9[%dma_wait3A_526, %dma_wait3A_528, %dma_wait3A_529] : memref<4x2x96xi32, #tpu.memory_space<vmem>> -> memref<1x2x96xi32, #tpu.memory_space<vmem>>
        %dma_wait3A_531 = tpu.memref_squeeze %dma_wait3A_530 : memref<1x2x96xi32, #tpu.memory_space<vmem>> -> memref<2x96xi32, #tpu.memory_space<vmem>>
        %dma_wait3A_532 = arith.constant 0 : i32
        %dma_wait3A_533 = tpu.memref_slice %arg5[%dma_wait3A_532, %add3A_525] : memref<2x331776xi32, #tpu.memory_space<hbm>> -> memref<2x96xi32, #tpu.memory_space<hbm>>
        %dma_wait3A_534 = tpu.memref_slice %arg16[%dma_wait3A_527] : memref<4x!tpu.dma_semaphore, #tpu.memory_space<semaphore_mem>> -> memref<1x!tpu.dma_semaphore, #tpu.memory_space<semaphore_mem>>
        %dma_wait3A_535 = tpu.memref_squeeze %dma_wait3A_534 : memref<1x!tpu.dma_semaphore, #tpu.memory_space<semaphore_mem>> -> memref<!tpu.dma_semaphore, #tpu.memory_space<semaphore_mem>>
        %dma_wait3A_536 = arith.constant 0 : i32
        %dma_wait3A_537 = arith.constant 0 : i32
        %dma_wait3A_538 = tpu.memref_slice %arg9[%dma_wait3A_526, %dma_wait3A_536, %dma_wait3A_537] : memref<4x2x96xi32, #tpu.memory_space<vmem>> -> memref<1x2x96xi32, #tpu.memory_space<vmem>>
        %dma_wait3A_539 = tpu.memref_squeeze %dma_wait3A_538 : memref<1x2x96xi32, #tpu.memory_space<vmem>> -> memref<2x96xi32, #tpu.memory_space<vmem>>
        %dma_wait3A_540 = arith.constant 0 : i32
        %dma_wait3A_541 = tpu.memref_slice %arg5[%dma_wait3A_540, %add3A_525] : memref<2x331776xi32, #tpu.memory_space<hbm>> -> memref<2x96xi32, #tpu.memory_space<hbm>>
        tpu.wait_dma2 semaphore(%dma_wait3A_535 : memref<!tpu.dma_semaphore, #tpu.memory_space<semaphore_mem>>) src(%dma_wait3A_541 : memref<2x96xi32, #tpu.memory_space<hbm>>) dst(%dma_wait3A_539 : memref<2x96xi32, #tpu.memory_space<vmem>>)
        %dma_start3A_542 = arith.constant 2 : i32
        %dma_start3A_543 = arith.constant 0 : i32
        %dma_start3A_544 = arith.constant 0 : i32
        %dma_start3A_545 = arith.constant 0 : i32
        %dma_start3A_546 = arith.constant 0 : i32
        %dma_start3A_547 = arith.constant 0 : i32
        %dma_start3A_548 = tpu.memref_slice %arg10[%dma_start3A_546, %dma_start3A_547] : memref<96x64xi32, #tpu.memory_space<vmem>> -> memref<48x64xi32, #tpu.memory_space<vmem>>
        %dma_start3A_549 = arith.constant 0 : i32
        %dma_start3A_550 = tpu.memref_slice %arg9[%dma_start3A_542, %dma_start3A_543, %dma_start3A_549] : memref<4x2x96xi32, #tpu.memory_space<vmem>> -> memref<1x1x48xi32, #tpu.memory_space<vmem>>
        %dma_start3A_551 = tpu.memref_squeeze %dma_start3A_550 : memref<1x1x48xi32, #tpu.memory_space<vmem>> -> memref<48xi32, #tpu.memory_space<vmem>>
        %dma_start3A_552 = arith.constant 0 : i32
        %dma_start3A_553 = arith.constant 0 : i32
        %dma_start3A_554 = tpu.memref_slice %arg2[%dma_start3A_552, %dma_start3A_553] : memref<10048x64xi32, #tpu.memory_space<hbm>> -> memref<10048x64xi32, #tpu.memory_space<hbm>>
        %dma_start3A_555 = tpu.memref_slice %arg17[%dma_start3A_544, %dma_start3A_545] : memref<2x4x!tpu.dma_semaphore, #tpu.memory_space<semaphore_mem>> -> memref<1x1x!tpu.dma_semaphore, #tpu.memory_space<semaphore_mem>>
        %dma_start3A_556 = tpu.memref_squeeze %dma_start3A_555 : memref<1x1x!tpu.dma_semaphore, #tpu.memory_space<semaphore_mem>> -> memref<!tpu.dma_semaphore, #tpu.memory_space<semaphore_mem>>
        tpu.enqueue_indirect_dma source(%dma_start3A_554 : memref<10048x64xi32, #tpu.memory_space<hbm>>) target(%dma_start3A_548 : memref<48x64xi32, #tpu.memory_space<vmem>>) offsets(%dma_start3A_551 : memref<48xi32, #tpu.memory_space<vmem>>) semaphore(%dma_start3A_556 : memref<!tpu.dma_semaphore, #tpu.memory_space<semaphore_mem>>)
        %dma_start3A_557 = arith.constant 2 : i32
        %dma_start3A_558 = arith.constant 1 : i32
        %dma_start3A_559 = arith.constant 0 : i32
        %dma_start3A_560 = arith.constant 2 : i32
        %dma_start3A_561 = arith.constant 0 : i32
        %dma_start3A_562 = arith.constant 0 : i32
        %dma_start3A_563 = tpu.memref_slice %arg12[%dma_start3A_561, %dma_start3A_562] : memref<96x64xi32, #tpu.memory_space<vmem>> -> memref<48x64xi32, #tpu.memory_space<vmem>>
        %dma_start3A_564 = arith.constant 0 : i32
        %dma_start3A_565 = tpu.memref_slice %arg9[%dma_start3A_557, %dma_start3A_558, %dma_start3A_564] : memref<4x2x96xi32, #tpu.memory_space<vmem>> -> memref<1x1x48xi32, #tpu.memory_space<vmem>>
        %dma_start3A_566 = tpu.memref_squeeze %dma_start3A_565 : memref<1x1x48xi32, #tpu.memory_space<vmem>> -> memref<48xi32, #tpu.memory_space<vmem>>
        %dma_start3A_567 = arith.constant 0 : i32
        %dma_start3A_568 = arith.constant 0 : i32
        %dma_start3A_569 = tpu.memref_slice %arg3[%dma_start3A_567, %dma_start3A_568] : memref<10048x64xi32, #tpu.memory_space<hbm>> -> memref<10048x64xi32, #tpu.memory_space<hbm>>
        %dma_start3A_570 = tpu.memref_slice %arg17[%dma_start3A_559, %dma_start3A_560] : memref<2x4x!tpu.dma_semaphore, #tpu.memory_space<semaphore_mem>> -> memref<1x1x!tpu.dma_semaphore, #tpu.memory_space<semaphore_mem>>
        %dma_start3A_571 = tpu.memref_squeeze %dma_start3A_570 : memref<1x1x!tpu.dma_semaphore, #tpu.memory_space<semaphore_mem>> -> memref<!tpu.dma_semaphore, #tpu.memory_space<semaphore_mem>>
        tpu.enqueue_indirect_dma source(%dma_start3A_569 : memref<10048x64xi32, #tpu.memory_space<hbm>>) target(%dma_start3A_563 : memref<48x64xi32, #tpu.memory_space<vmem>>) offsets(%dma_start3A_566 : memref<48xi32, #tpu.memory_space<vmem>>) semaphore(%dma_start3A_571 : memref<!tpu.dma_semaphore, #tpu.memory_space<semaphore_mem>>)
        %dma_start3A_572 = arith.constant 2 : i32
        %dma_start3A_573 = arith.constant 0 : i32
        %dma_start3A_574 = arith.constant 0 : i32
        %dma_start3A_575 = arith.constant 1 : i32
        %dma_start3A_576 = arith.constant 48 : i32
        %dma_start3A_577 = arith.constant 0 : i32
        %dma_start3A_578 = tpu.memref_slice %arg10[%dma_start3A_576, %dma_start3A_577] : memref<96x64xi32, #tpu.memory_space<vmem>> -> memref<48x64xi32, #tpu.memory_space<vmem>>
        %dma_start3A_579 = arith.constant 48 : i32
        %dma_start3A_580 = tpu.memref_slice %arg9[%dma_start3A_572, %dma_start3A_573, %dma_start3A_579] : memref<4x2x96xi32, #tpu.memory_space<vmem>> -> memref<1x1x48xi32, #tpu.memory_space<vmem>>
        %dma_start3A_581 = tpu.memref_squeeze %dma_start3A_580 : memref<1x1x48xi32, #tpu.memory_space<vmem>> -> memref<48xi32, #tpu.memory_space<vmem>>
        %dma_start3A_582 = arith.constant 0 : i32
        %dma_start3A_583 = arith.constant 0 : i32
        %dma_start3A_584 = tpu.memref_slice %arg2[%dma_start3A_582, %dma_start3A_583] : memref<10048x64xi32, #tpu.memory_space<hbm>> -> memref<10048x64xi32, #tpu.memory_space<hbm>>
        %dma_start3A_585 = tpu.memref_slice %arg17[%dma_start3A_574, %dma_start3A_575] : memref<2x4x!tpu.dma_semaphore, #tpu.memory_space<semaphore_mem>> -> memref<1x1x!tpu.dma_semaphore, #tpu.memory_space<semaphore_mem>>
        %dma_start3A_586 = tpu.memref_squeeze %dma_start3A_585 : memref<1x1x!tpu.dma_semaphore, #tpu.memory_space<semaphore_mem>> -> memref<!tpu.dma_semaphore, #tpu.memory_space<semaphore_mem>>
        tpu.enqueue_indirect_dma source(%dma_start3A_584 : memref<10048x64xi32, #tpu.memory_space<hbm>>) target(%dma_start3A_578 : memref<48x64xi32, #tpu.memory_space<vmem>>) offsets(%dma_start3A_581 : memref<48xi32, #tpu.memory_space<vmem>>) semaphore(%dma_start3A_586 : memref<!tpu.dma_semaphore, #tpu.memory_space<semaphore_mem>>)
        %dma_start3A_587 = arith.constant 2 : i32
        %dma_start3A_588 = arith.constant 1 : i32
        %dma_start3A_589 = arith.constant 0 : i32
        %dma_start3A_590 = arith.constant 3 : i32
        %dma_start3A_591 = arith.constant 48 : i32
        %dma_start3A_592 = arith.constant 0 : i32
        %dma_start3A_593 = tpu.memref_slice %arg12[%dma_start3A_591, %dma_start3A_592] : memref<96x64xi32, #tpu.memory_space<vmem>> -> memref<48x64xi32, #tpu.memory_space<vmem>>
        %dma_start3A_594 = arith.constant 48 : i32
        %dma_start3A_595 = tpu.memref_slice %arg9[%dma_start3A_587, %dma_start3A_588, %dma_start3A_594] : memref<4x2x96xi32, #tpu.memory_space<vmem>> -> memref<1x1x48xi32, #tpu.memory_space<vmem>>
        %dma_start3A_596 = tpu.memref_squeeze %dma_start3A_595 : memref<1x1x48xi32, #tpu.memory_space<vmem>> -> memref<48xi32, #tpu.memory_space<vmem>>
        %dma_start3A_597 = arith.constant 0 : i32
        %dma_start3A_598 = arith.constant 0 : i32
        %dma_start3A_599 = tpu.memref_slice %arg3[%dma_start3A_597, %dma_start3A_598] : memref<10048x64xi32, #tpu.memory_space<hbm>> -> memref<10048x64xi32, #tpu.memory_space<hbm>>
        %dma_start3A_600 = tpu.memref_slice %arg17[%dma_start3A_589, %dma_start3A_590] : memref<2x4x!tpu.dma_semaphore, #tpu.memory_space<semaphore_mem>> -> memref<1x1x!tpu.dma_semaphore, #tpu.memory_space<semaphore_mem>>
        %dma_start3A_601 = tpu.memref_squeeze %dma_start3A_600 : memref<1x1x!tpu.dma_semaphore, #tpu.memory_space<semaphore_mem>> -> memref<!tpu.dma_semaphore, #tpu.memory_space<semaphore_mem>>
        tpu.enqueue_indirect_dma source(%dma_start3A_599 : memref<10048x64xi32, #tpu.memory_space<hbm>>) target(%dma_start3A_593 : memref<48x64xi32, #tpu.memory_space<vmem>>) offsets(%dma_start3A_596 : memref<48xi32, #tpu.memory_space<vmem>>) semaphore(%dma_start3A_601 : memref<!tpu.dma_semaphore, #tpu.memory_space<semaphore_mem>>)
      } else {
      }
      %dma_wait3A_241 = arith.constant 1 : i32
      %dma_wait3A_242 = arith.constant 0 : i32
      %dma_wait3A_243 = arith.constant 1 : i32
      %dma_wait3A_244 = arith.constant 0 : i32
      %dma_wait3A_245 = arith.constant 0 : i32
      %dma_wait3A_246 = arith.constant 0 : i32
      %dma_wait3A_247 = tpu.memref_slice %arg11[%dma_wait3A_245, %dma_wait3A_246] : memref<96x64xi32, #tpu.memory_space<vmem>> -> memref<48x64xi32, #tpu.memory_space<vmem>>
      %dma_wait3A_248 = arith.constant 0 : i32
      %dma_wait3A_249 = tpu.memref_slice %arg9[%dma_wait3A_241, %dma_wait3A_242, %dma_wait3A_248] : memref<4x2x96xi32, #tpu.memory_space<vmem>> -> memref<1x1x48xi32, #tpu.memory_space<vmem>>
      %dma_wait3A_250 = tpu.memref_squeeze %dma_wait3A_249 : memref<1x1x48xi32, #tpu.memory_space<vmem>> -> memref<48xi32, #tpu.memory_space<vmem>>
      %dma_wait3A_251 = arith.constant 0 : i32
      %dma_wait3A_252 = arith.constant 0 : i32
      %dma_wait3A_253 = tpu.memref_slice %arg2[%dma_wait3A_251, %dma_wait3A_252] : memref<10048x64xi32, #tpu.memory_space<hbm>> -> memref<10048x64xi32, #tpu.memory_space<hbm>>
      %dma_wait3A_254 = tpu.memref_slice %arg17[%dma_wait3A_243, %dma_wait3A_244] : memref<2x4x!tpu.dma_semaphore, #tpu.memory_space<semaphore_mem>> -> memref<1x1x!tpu.dma_semaphore, #tpu.memory_space<semaphore_mem>>
      %dma_wait3A_255 = tpu.memref_squeeze %dma_wait3A_254 : memref<1x1x!tpu.dma_semaphore, #tpu.memory_space<semaphore_mem>> -> memref<!tpu.dma_semaphore, #tpu.memory_space<semaphore_mem>>
      tpu.wait_indirect_dma semaphore(%dma_wait3A_255 : memref<!tpu.dma_semaphore, #tpu.memory_space<semaphore_mem>>) src(%dma_wait3A_253 : memref<10048x64xi32, #tpu.memory_space<hbm>>) dst(%dma_wait3A_247 : memref<48x64xi32, #tpu.memory_space<vmem>>)
      %dma_wait3A_256 = arith.constant 1 : i32
      %dma_wait3A_257 = arith.constant 1 : i32
      %dma_wait3A_258 = arith.constant 1 : i32
      %dma_wait3A_259 = arith.constant 2 : i32
      %dma_wait3A_260 = arith.constant 0 : i32
      %dma_wait3A_261 = arith.constant 0 : i32
      %dma_wait3A_262 = tpu.memref_slice %arg13[%dma_wait3A_260, %dma_wait3A_261] : memref<96x64xi32, #tpu.memory_space<vmem>> -> memref<48x64xi32, #tpu.memory_space<vmem>>
      %dma_wait3A_263 = arith.constant 0 : i32
      %dma_wait3A_264 = tpu.memref_slice %arg9[%dma_wait3A_256, %dma_wait3A_257, %dma_wait3A_263] : memref<4x2x96xi32, #tpu.memory_space<vmem>> -> memref<1x1x48xi32, #tpu.memory_space<vmem>>
      %dma_wait3A_265 = tpu.memref_squeeze %dma_wait3A_264 : memref<1x1x48xi32, #tpu.memory_space<vmem>> -> memref<48xi32, #tpu.memory_space<vmem>>
      %dma_wait3A_266 = arith.constant 0 : i32
      %dma_wait3A_267 = arith.constant 0 : i32
      %dma_wait3A_268 = tpu.memref_slice %arg3[%dma_wait3A_266, %dma_wait3A_267] : memref<10048x64xi32, #tpu.memory_space<hbm>> -> memref<10048x64xi32, #tpu.memory_space<hbm>>
      %dma_wait3A_269 = tpu.memref_slice %arg17[%dma_wait3A_258, %dma_wait3A_259] : memref<2x4x!tpu.dma_semaphore, #tpu.memory_space<semaphore_mem>> -> memref<1x1x!tpu.dma_semaphore, #tpu.memory_space<semaphore_mem>>
      %dma_wait3A_270 = tpu.memref_squeeze %dma_wait3A_269 : memref<1x1x!tpu.dma_semaphore, #tpu.memory_space<semaphore_mem>> -> memref<!tpu.dma_semaphore, #tpu.memory_space<semaphore_mem>>
      tpu.wait_indirect_dma semaphore(%dma_wait3A_270 : memref<!tpu.dma_semaphore, #tpu.memory_space<semaphore_mem>>) src(%dma_wait3A_268 : memref<10048x64xi32, #tpu.memory_space<hbm>>) dst(%dma_wait3A_262 : memref<48x64xi32, #tpu.memory_space<vmem>>)
      %dma_wait3A_271 = arith.constant 1 : i32
      %dma_wait3A_272 = arith.constant 0 : i32
      %dma_wait3A_273 = arith.constant 1 : i32
      %dma_wait3A_274 = arith.constant 1 : i32
      %dma_wait3A_275 = arith.constant 48 : i32
      %dma_wait3A_276 = arith.constant 0 : i32
      %dma_wait3A_277 = tpu.memref_slice %arg11[%dma_wait3A_275, %dma_wait3A_276] : memref<96x64xi32, #tpu.memory_space<vmem>> -> memref<48x64xi32, #tpu.memory_space<vmem>>
      %dma_wait3A_278 = arith.constant 48 : i32
      %dma_wait3A_279 = tpu.memref_slice %arg9[%dma_wait3A_271, %dma_wait3A_272, %dma_wait3A_278] : memref<4x2x96xi32, #tpu.memory_space<vmem>> -> memref<1x1x48xi32, #tpu.memory_space<vmem>>
      %dma_wait3A_280 = tpu.memref_squeeze %dma_wait3A_279 : memref<1x1x48xi32, #tpu.memory_space<vmem>> -> memref<48xi32, #tpu.memory_space<vmem>>
      %dma_wait3A_281 = arith.constant 0 : i32
      %dma_wait3A_282 = arith.constant 0 : i32
      %dma_wait3A_283 = tpu.memref_slice %arg2[%dma_wait3A_281, %dma_wait3A_282] : memref<10048x64xi32, #tpu.memory_space<hbm>> -> memref<10048x64xi32, #tpu.memory_space<hbm>>
      %dma_wait3A_284 = tpu.memref_slice %arg17[%dma_wait3A_273, %dma_wait3A_274] : memref<2x4x!tpu.dma_semaphore, #tpu.memory_space<semaphore_mem>> -> memref<1x1x!tpu.dma_semaphore, #tpu.memory_space<semaphore_mem>>
      %dma_wait3A_285 = tpu.memref_squeeze %dma_wait3A_284 : memref<1x1x!tpu.dma_semaphore, #tpu.memory_space<semaphore_mem>> -> memref<!tpu.dma_semaphore, #tpu.memory_space<semaphore_mem>>
      tpu.wait_indirect_dma semaphore(%dma_wait3A_285 : memref<!tpu.dma_semaphore, #tpu.memory_space<semaphore_mem>>) src(%dma_wait3A_283 : memref<10048x64xi32, #tpu.memory_space<hbm>>) dst(%dma_wait3A_277 : memref<48x64xi32, #tpu.memory_space<vmem>>)
      %dma_wait3A_286 = arith.constant 1 : i32
      %dma_wait3A_287 = arith.constant 1 : i32
      %dma_wait3A_288 = arith.constant 1 : i32
      %dma_wait3A_289 = arith.constant 3 : i32
      %dma_wait3A_290 = arith.constant 48 : i32
      %dma_wait3A_291 = arith.constant 0 : i32
      %dma_wait3A_292 = tpu.memref_slice %arg13[%dma_wait3A_290, %dma_wait3A_291] : memref<96x64xi32, #tpu.memory_space<vmem>> -> memref<48x64xi32, #tpu.memory_space<vmem>>
      %dma_wait3A_293 = arith.constant 48 : i32
      %dma_wait3A_294 = tpu.memref_slice %arg9[%dma_wait3A_286, %dma_wait3A_287, %dma_wait3A_293] : memref<4x2x96xi32, #tpu.memory_space<vmem>> -> memref<1x1x48xi32, #tpu.memory_space<vmem>>
      %dma_wait3A_295 = tpu.memref_squeeze %dma_wait3A_294 : memref<1x1x48xi32, #tpu.memory_space<vmem>> -> memref<48xi32, #tpu.memory_space<vmem>>
      %dma_wait3A_296 = arith.constant 0 : i32
      %dma_wait3A_297 = arith.constant 0 : i32
      %dma_wait3A_298 = tpu.memref_slice %arg3[%dma_wait3A_296, %dma_wait3A_297] : memref<10048x64xi32, #tpu.memory_space<hbm>> -> memref<10048x64xi32, #tpu.memory_space<hbm>>
      %dma_wait3A_299 = tpu.memref_slice %arg17[%dma_wait3A_288, %dma_wait3A_289] : memref<2x4x!tpu.dma_semaphore, #tpu.memory_space<semaphore_mem>> -> memref<1x1x!tpu.dma_semaphore, #tpu.memory_space<semaphore_mem>>
      %dma_wait3A_300 = tpu.memref_squeeze %dma_wait3A_299 : memref<1x1x!tpu.dma_semaphore, #tpu.memory_space<semaphore_mem>> -> memref<!tpu.dma_semaphore, #tpu.memory_space<semaphore_mem>>
      tpu.wait_indirect_dma semaphore(%dma_wait3A_300 : memref<!tpu.dma_semaphore, #tpu.memory_space<semaphore_mem>>) src(%dma_wait3A_298 : memref<10048x64xi32, #tpu.memory_space<hbm>>) dst(%dma_wait3A_292 : memref<48x64xi32, #tpu.memory_space<vmem>>)
      %gt3A_301 = arith.constant 0 : i32
      %gt3A_302 = arith.cmpi sgt, %add3A_233, %gt3A_301 : i32
      %convert_element_type3A_303 = arith.extui %gt3A_302 : i1 to i32
      %cond3A_304 = arith.constant 0 : i32
      %cond3A_305 = arith.cmpi ne, %convert_element_type3A_303, %cond3A_304 : i32
      scf.if %cond3A_305 {
        %dma_wait3A_521 = arith.constant 0 : i32
        %dma_wait3A_522 = arith.constant 1 : i32
        %dma_wait3A_523 = arith.constant 0 : i32
        %dma_wait3A_524 = tpu.memref_slice %arg9[%dma_wait3A_521, %dma_wait3A_522, %dma_wait3A_523] : memref<4x2x96xi32, #tpu.memory_space<vmem>> -> memref<1x1x96xi32, #tpu.memory_space<vmem>>
        %dma_wait3A_525 = tpu.memref_squeeze %dma_wait3A_524 : memref<1x1x96xi32, #tpu.memory_space<vmem>> -> memref<96xi32, #tpu.memory_space<vmem>>
        %dma_wait3A_526 = arith.constant 0 : i32
        %dma_wait3A_527 = arith.constant 0 : i32
        %dma_wait3A_528 = tpu.memref_slice %arg8[%dma_wait3A_526, %dma_wait3A_527] : memref<10048x136xf32, #tpu.memory_space<vmem_shared>> -> memref<10048x136xf32, #tpu.memory_space<vmem_shared>>
        tpu.wait_indirect_dma semaphore(%arg18 : memref<!tpu.dma_semaphore, #tpu.memory_space<semaphore_mem>>) src(%arg14 : memref<96x136xf32, #tpu.memory_space<vmem>>) dst(%dma_wait3A_528 : memref<10048x136xf32, #tpu.memory_space<vmem_shared>>)
      } else {
      }
      %scan3A_306 = arith.constant 0 : i32
      %scan3A_307 = arith.constant 0 : i32
      %scan3A_308 = arith.constant 8 : i32
      %scan3A_309 = arith.addi %scan3A_307, %scan3A_308 : i32
      %scan3A_310 = arith.constant 1 : i32
      scf.for %scan3A_521 = %scan3A_307 to %scan3A_309 step %scan3A_310  : i32 {
        %mul3A_522 = arith.constant 16 : i32
        %mul3A_523 = arith.muli %scan3A_521, %mul3A_522 : i32
        %add3A_524 = arith.constant 0 : i32
        %add3A_525 = arith.addi %mul3A_523, %add3A_524 : i32
        %get3A = arith.index_cast %add3A_525 : i32 to index
        %get3A_526 = arith.constant 0 : index
        %get3A_527 = tpu.vector_load %arg15[%get3A, %get3A_526] {strides = array<i32>} : memref<128x16xf32, #tpu.memory_space<vmem>>, vector<16xf32>,
        %mul3A_528 = arith.constant 16 : i32
        %mul3A_529 = arith.muli %scan3A_521, %mul3A_528 : i32
        %add3A_530 = arith.constant 2 : i32
        %add3A_531 = arith.addi %mul3A_529, %add3A_530 : i32
        %get3A_532 = arith.index_cast %add3A_531 : i32 to index
        %get3A_533 = arith.constant 0 : index
        %get3A_534 = tpu.vector_load %arg15[%get3A_532, %get3A_533] {strides = array<i32>} : memref<128x16xf32, #tpu.memory_space<vmem>>, vector<16xf32>,
        %mul3A_535 = arith.constant 16 : i32
        %mul3A_536 = arith.muli %scan3A_521, %mul3A_535 : i32
        %add3A_537 = arith.constant 4 : i32
        %add3A_538 = arith.addi %mul3A_536, %add3A_537 : i32
        %get3A_539 = arith.index_cast %add3A_538 : i32 to index
        %get3A_540 = arith.constant 0 : index
        %get3A_541 = tpu.vector_load %arg15[%get3A_539, %get3A_540] {strides = array<i32>} : memref<128x16xf32, #tpu.memory_space<vmem>>, vector<16xf32>,
        %mul3A_542 = arith.constant 16 : i32
        %mul3A_543 = arith.muli %scan3A_521, %mul3A_542 : i32
        %add3A_544 = arith.constant 6 : i32
        %add3A_545 = arith.addi %mul3A_543, %add3A_544 : i32
        %get3A_546 = arith.index_cast %add3A_545 : i32 to index
        %get3A_547 = arith.constant 0 : index
        %get3A_548 = tpu.vector_load %arg15[%get3A_546, %get3A_547] {strides = array<i32>} : memref<128x16xf32, #tpu.memory_space<vmem>>, vector<16xf32>,
        %mul3A_549 = arith.constant 16 : i32
        %mul3A_550 = arith.muli %scan3A_521, %mul3A_549 : i32
        %add3A_551 = arith.constant 8 : i32
        %add3A_552 = arith.addi %mul3A_550, %add3A_551 : i32
        %get3A_553 = arith.index_cast %add3A_552 : i32 to index
        %get3A_554 = arith.constant 0 : index
        %get3A_555 = tpu.vector_load %arg15[%get3A_553, %get3A_554] {strides = array<i32>} : memref<128x16xf32, #tpu.memory_space<vmem>>, vector<16xf32>,
        %mul3A_556 = arith.constant 16 : i32
        %mul3A_557 = arith.muli %scan3A_521, %mul3A_556 : i32
        %add3A_558 = arith.constant 10 : i32
        %add3A_559 = arith.addi %mul3A_557, %add3A_558 : i32
        %get3A_560 = arith.index_cast %add3A_559 : i32 to index
        %get3A_561 = arith.constant 0 : index
        %get3A_562 = tpu.vector_load %arg15[%get3A_560, %get3A_561] {strides = array<i32>} : memref<128x16xf32, #tpu.memory_space<vmem>>, vector<16xf32>,
        %mul3A_563 = arith.constant 16 : i32
        %mul3A_564 = arith.muli %scan3A_521, %mul3A_563 : i32
        %add3A_565 = arith.constant 12 : i32
        %add3A_566 = arith.addi %mul3A_564, %add3A_565 : i32
        %get3A_567 = arith.index_cast %add3A_566 : i32 to index
        %get3A_568 = arith.constant 0 : index
        %get3A_569 = tpu.vector_load %arg15[%get3A_567, %get3A_568] {strides = array<i32>} : memref<128x16xf32, #tpu.memory_space<vmem>>, vector<16xf32>,
        %mul3A_570 = arith.constant 16 : i32
        %mul3A_571 = arith.muli %scan3A_521, %mul3A_570 : i32
        %add3A_572 = arith.constant 14 : i32
        %add3A_573 = arith.addi %mul3A_571, %add3A_572 : i32
        %get3A_574 = arith.index_cast %add3A_573 : i32 to index
        %get3A_575 = arith.constant 0 : index
        %get3A_576 = tpu.vector_load %arg15[%get3A_574, %get3A_575] {strides = array<i32>} : memref<128x16xf32, #tpu.memory_space<vmem>>, vector<16xf32>,
        %mul3A_577 = arith.constant 16 : i32
        %mul3A_578 = arith.muli %scan3A_521, %mul3A_577 : i32
        %add3A_579 = arith.constant 0 : i32
        %add3A_580 = arith.addi %mul3A_578, %add3A_579 : i32
        %add3A_581 = arith.constant 1 : i32
        %add3A_582 = arith.addi %add3A_580, %add3A_581 : i32
        %get3A_583 = arith.index_cast %add3A_582 : i32 to index
        %get3A_584 = arith.constant 0 : index
        %get3A_585 = tpu.vector_load %arg15[%get3A_583, %get3A_584] {strides = array<i32>} : memref<128x16xf32, #tpu.memory_space<vmem>>, vector<16xf32>,
        %mul3A_586 = arith.constant 16 : i32
        %mul3A_587 = arith.muli %scan3A_521, %mul3A_586 : i32
        %add3A_588 = arith.constant 2 : i32
        %add3A_589 = arith.addi %mul3A_587, %add3A_588 : i32
        %add3A_590 = arith.constant 1 : i32
        %add3A_591 = arith.addi %add3A_589, %add3A_590 : i32
        %get3A_592 = arith.index_cast %add3A_591 : i32 to index
        %get3A_593 = arith.constant 0 : index
        %get3A_594 = tpu.vector_load %arg15[%get3A_592, %get3A_593] {strides = array<i32>} : memref<128x16xf32, #tpu.memory_space<vmem>>, vector<16xf32>,
        %mul3A_595 = arith.constant 16 : i32
        %mul3A_596 = arith.muli %scan3A_521, %mul3A_595 : i32
        %add3A_597 = arith.constant 4 : i32
        %add3A_598 = arith.addi %mul3A_596, %add3A_597 : i32
        %add3A_599 = arith.constant 1 : i32
        %add3A_600 = arith.addi %add3A_598, %add3A_599 : i32
        %get3A_601 = arith.index_cast %add3A_600 : i32 to index
        %get3A_602 = arith.constant 0 : index
        %get3A_603 = tpu.vector_load %arg15[%get3A_601, %get3A_602] {strides = array<i32>} : memref<128x16xf32, #tpu.memory_space<vmem>>, vector<16xf32>,
        %mul3A_604 = arith.constant 16 : i32
        %mul3A_605 = arith.muli %scan3A_521, %mul3A_604 : i32
        %add3A_606 = arith.constant 6 : i32
        %add3A_607 = arith.addi %mul3A_605, %add3A_606 : i32
        %add3A_608 = arith.constant 1 : i32
        %add3A_609 = arith.addi %add3A_607, %add3A_608 : i32
        %get3A_610 = arith.index_cast %add3A_609 : i32 to index
        %get3A_611 = arith.constant 0 : index
        %get3A_612 = tpu.vector_load %arg15[%get3A_610, %get3A_611] {strides = array<i32>} : memref<128x16xf32, #tpu.memory_space<vmem>>, vector<16xf32>,
        %mul3A_613 = arith.constant 16 : i32
        %mul3A_614 = arith.muli %scan3A_521, %mul3A_613 : i32
        %add3A_615 = arith.constant 8 : i32
        %add3A_616 = arith.addi %mul3A_614, %add3A_615 : i32
        %add3A_617 = arith.constant 1 : i32
        %add3A_618 = arith.addi %add3A_616, %add3A_617 : i32
        %get3A_619 = arith.index_cast %add3A_618 : i32 to index
        %get3A_620 = arith.constant 0 : index
        %get3A_621 = tpu.vector_load %arg15[%get3A_619, %get3A_620] {strides = array<i32>} : memref<128x16xf32, #tpu.memory_space<vmem>>, vector<16xf32>,
        %mul3A_622 = arith.constant 16 : i32
        %mul3A_623 = arith.muli %scan3A_521, %mul3A_622 : i32
        %add3A_624 = arith.constant 10 : i32
        %add3A_625 = arith.addi %mul3A_623, %add3A_624 : i32
        %add3A_626 = arith.constant 1 : i32
        %add3A_627 = arith.addi %add3A_625, %add3A_626 : i32
        %get3A_628 = arith.index_cast %add3A_627 : i32 to index
        %get3A_629 = arith.constant 0 : index
        %get3A_630 = tpu.vector_load %arg15[%get3A_628, %get3A_629] {strides = array<i32>} : memref<128x16xf32, #tpu.memory_space<vmem>>, vector<16xf32>,
        %mul3A_631 = arith.constant 16 : i32
        %mul3A_632 = arith.muli %scan3A_521, %mul3A_631 : i32
        %add3A_633 = arith.constant 12 : i32
        %add3A_634 = arith.addi %mul3A_632, %add3A_633 : i32
        %add3A_635 = arith.constant 1 : i32
        %add3A_636 = arith.addi %add3A_634, %add3A_635 : i32
        %get3A_637 = arith.index_cast %add3A_636 : i32 to index
        %get3A_638 = arith.constant 0 : index
        %get3A_639 = tpu.vector_load %arg15[%get3A_637, %get3A_638] {strides = array<i32>} : memref<128x16xf32, #tpu.memory_space<vmem>>, vector<16xf32>,
        %mul3A_640 = arith.constant 16 : i32
        %mul3A_641 = arith.muli %scan3A_521, %mul3A_640 : i32
        %add3A_642 = arith.constant 14 : i32
        %add3A_643 = arith.addi %mul3A_641, %add3A_642 : i32
        %add3A_644 = arith.constant 1 : i32
        %add3A_645 = arith.addi %add3A_643, %add3A_644 : i32
        %get3A_646 = arith.index_cast %add3A_645 : i32 to index
        %get3A_647 = arith.constant 0 : index
        %get3A_648 = tpu.vector_load %arg15[%get3A_646, %get3A_647] {strides = array<i32>} : memref<128x16xf32, #tpu.memory_space<vmem>>, vector<16xf32>,
        %add3A_649 = arith.constant 128 : i32
        %add3A_650 = arith.addi %add3A_649, %scan3A_521 : i32
        %broadcast_in_dim3A_651 = vector.broadcast %add3A_650 : i32 to vector<16xi32>
        %mul3A_652 = arith.constant 16 : i32
        %mul3A_653 = arith.muli %scan3A_521, %mul3A_652 : i32
        %scan3A_654 = arith.constant 0 : i32
        %scan3A_655 = arith.constant 6 : i32
        %scan3A_656 = arith.addi %scan3A_654, %scan3A_655 : i32
        %scan3A_657 = arith.constant 1 : i32
        scf.for %scan3A_659 = %scan3A_654 to %scan3A_656 step %scan3A_657  : i32 {
          %mul3A_660 = arith.constant 16 : i32
          %mul3A_661 = arith.muli %scan3A_659, %mul3A_660 : i32
          %add3A_662 = vector.broadcast %mul3A_661 : i32 to vector<16xi32>
          %add3A_663 = arith.addi %add3A_662, %iota3A : vector<16xi32>
          %add3A_664 = arith.constant 0 : i32
          %add3A_665 = vector.broadcast %add3A_664 : i32 to vector<16xi32>
          %add3A_666 = arith.addi %iota3A, %add3A_665 : vector<16xi32>
          %and3A = arith.constant 7 : i32
          %and3A_667 = vector.broadcast %and3A : i32 to vector<16xi32>
          %and3A_668 = arith.andi %add3A_666, %and3A_667 : vector<16xi32>
          %mul3A_669 = arith.constant 8 : i32
          %mul3A_670 = arith.muli %mul3A_669, %scan3A_521 : i32
          %add3A_671 = vector.broadcast %mul3A_670 : i32 to vector<16xi32>
          %add3A_672 = arith.addi %and3A_668, %add3A_671 : vector<16xi32>
          %gather3A = tpu.vector_load_idx %arg11[%add3A_663, %add3A_672] : memref<96x64xi32, #tpu.memory_space<vmem>>[vector<16xi32>, vector<16xi32>], vector<16xi32>,
          %gather3A_673 = tpu.vector_load_idx %arg13[%add3A_663, %add3A_672] : memref<96x64xi32, #tpu.memory_space<vmem>>[vector<16xi32>, vector<16xi32>], vector<16xi32>,
          %bitcast3A = vector.bitcast %gather3A : vector<16xi32> to vector<32xbf16>
          %unpack3A = tpu.unpack_subelements %bitcast3A, 0 {pack_format = #tpu.pack_format<interleaved>} : vector<32xbf16> -> vector<16xf32>
          %unpack3A_674 = tpu.unpack_subelements %bitcast3A, 1 {pack_format = #tpu.pack_format<interleaved>} : vector<32xbf16> -> vector<16xf32>
          %bitcast3A_675 = vector.bitcast %gather3A_673 : vector<16xi32> to vector<32xbf16>
          %unpack3A_676 = tpu.unpack_subelements %bitcast3A_675, 0 {pack_format = #tpu.pack_format<interleaved>} : vector<32xbf16> -> vector<16xf32>
          %unpack3A_677 = tpu.unpack_subelements %bitcast3A_675, 1 {pack_format = #tpu.pack_format<interleaved>} : vector<32xbf16> -> vector<16xf32>
          %add3A_678 = arith.addf %unpack3A, %unpack3A_676 : vector<16xf32>
          %mul3A_679 = arith.constant 2.000000e-01 : f32
          %mul3A_680 = vector.broadcast %mul3A_679 : f32 to vector<16xf32>
          %mul3A_681 = arith.mulf %mul3A_680, %add3A_678 : vector<16xf32>
          %max3A = arith.maximumf %add3A_678, %mul3A_681 : vector<16xf32>
          %add3A_682 = arith.addf %unpack3A_674, %unpack3A_677 : vector<16xf32>
          %mul3A_683 = arith.constant 2.000000e-01 : f32
          %mul3A_684 = vector.broadcast %mul3A_683 : f32 to vector<16xf32>
          %mul3A_685 = arith.mulf %mul3A_684, %add3A_682 : vector<16xf32>
          %max3A_686 = arith.maximumf %add3A_682, %mul3A_685 : vector<16xf32>
          %mul3A_687 = arith.mulf %max3A, %get3A_527 : vector<16xf32>
          %add3A_688 = arith.addf %broadcast_in_dim3A_3, %mul3A_687 : vector<16xf32>
          %mul3A_689 = arith.mulf %max3A_686, %get3A_585 : vector<16xf32>
          %add3A_690 = arith.addf %broadcast_in_dim3A_3, %mul3A_689 : vector<16xf32>
          %mul3A_691 = arith.constant 2 : i32
          %mul3A_692 = vector.broadcast %mul3A_691 : i32 to vector<16xi32>
          %mul3A_693 = arith.muli %mul3A_692, %and3A_668 : vector<16xi32>
          %add3A_694 = vector.broadcast %mul3A_653 : i32 to vector<16xi32>
          %add3A_695 = arith.addi %mul3A_693, %add3A_694 : vector<16xi32>
          %add3A_696 = arith.constant 1 : i32
          %add3A_697 = vector.broadcast %add3A_696 : i32 to vector<16xi32>
          %add3A_698 = arith.addi %iota3A, %add3A_697 : vector<16xi32>
          %and3A_699 = arith.constant 7 : i32
          %and3A_700 = vector.broadcast %and3A_699 : i32 to vector<16xi32>
          %and3A_701 = arith.andi %add3A_698, %and3A_700 : vector<16xi32>
          %mul3A_702 = arith.constant 8 : i32
          %mul3A_703 = arith.muli %mul3A_702, %scan3A_521 : i32
          %add3A_704 = vector.broadcast %mul3A_703 : i32 to vector<16xi32>
          %add3A_705 = arith.addi %and3A_701, %add3A_704 : vector<16xi32>
          %gather3A_706 = tpu.vector_load_idx %arg11[%add3A_663, %add3A_705] : memref<96x64xi32, #tpu.memory_space<vmem>>[vector<16xi32>, vector<16xi32>], vector<16xi32>,
          %gather3A_707 = tpu.vector_load_idx %arg13[%add3A_663, %add3A_705] : memref<96x64xi32, #tpu.memory_space<vmem>>[vector<16xi32>, vector<16xi32>], vector<16xi32>,
          %bitcast3A_708 = vector.bitcast %gather3A_706 : vector<16xi32> to vector<32xbf16>
          %unpack3A_709 = tpu.unpack_subelements %bitcast3A_708, 0 {pack_format = #tpu.pack_format<interleaved>} : vector<32xbf16> -> vector<16xf32>
          %unpack3A_710 = tpu.unpack_subelements %bitcast3A_708, 1 {pack_format = #tpu.pack_format<interleaved>} : vector<32xbf16> -> vector<16xf32>
          %bitcast3A_711 = vector.bitcast %gather3A_707 : vector<16xi32> to vector<32xbf16>
          %unpack3A_712 = tpu.unpack_subelements %bitcast3A_711, 0 {pack_format = #tpu.pack_format<interleaved>} : vector<32xbf16> -> vector<16xf32>
          %unpack3A_713 = tpu.unpack_subelements %bitcast3A_711, 1 {pack_format = #tpu.pack_format<interleaved>} : vector<32xbf16> -> vector<16xf32>
          %add3A_714 = arith.addf %unpack3A_709, %unpack3A_712 : vector<16xf32>
          %mul3A_715 = arith.constant 2.000000e-01 : f32
          %mul3A_716 = vector.broadcast %mul3A_715 : f32 to vector<16xf32>
          %mul3A_717 = arith.mulf %mul3A_716, %add3A_714 : vector<16xf32>
          %max3A_718 = arith.maximumf %add3A_714, %mul3A_717 : vector<16xf32>
          %add3A_719 = arith.addf %unpack3A_710, %unpack3A_713 : vector<16xf32>
          %mul3A_720 = arith.constant 2.000000e-01 : f32
          %mul3A_721 = vector.broadcast %mul3A_720 : f32 to vector<16xf32>
          %mul3A_722 = arith.mulf %mul3A_721, %add3A_719 : vector<16xf32>
          %max3A_723 = arith.maximumf %add3A_719, %mul3A_722 : vector<16xf32>
          %mul3A_724 = arith.mulf %max3A_718, %get3A_534 : vector<16xf32>
          %add3A_725 = arith.addf %broadcast_in_dim3A_3, %mul3A_724 : vector<16xf32>
          %mul3A_726 = arith.mulf %max3A_723, %get3A_594 : vector<16xf32>
          %add3A_727 = arith.addf %broadcast_in_dim3A_3, %mul3A_726 : vector<16xf32>
          %mul3A_728 = arith.constant 2 : i32
          %mul3A_729 = vector.broadcast %mul3A_728 : i32 to vector<16xi32>
          %mul3A_730 = arith.muli %mul3A_729, %and3A_701 : vector<16xi32>
          %add3A_731 = vector.broadcast %mul3A_653 : i32 to vector<16xi32>
          %add3A_732 = arith.addi %mul3A_730, %add3A_731 : vector<16xi32>
          %add3A_733 = arith.constant 2 : i32
          %add3A_734 = vector.broadcast %add3A_733 : i32 to vector<16xi32>
          %add3A_735 = arith.addi %iota3A, %add3A_734 : vector<16xi32>
          %and3A_736 = arith.constant 7 : i32
          %and3A_737 = vector.broadcast %and3A_736 : i32 to vector<16xi32>
          %and3A_738 = arith.andi %add3A_735, %and3A_737 : vector<16xi32>
          %mul3A_739 = arith.constant 8 : i32
          %mul3A_740 = arith.muli %mul3A_739, %scan3A_521 : i32
          %add3A_741 = vector.broadcast %mul3A_740 : i32 to vector<16xi32>
          %add3A_742 = arith.addi %and3A_738, %add3A_741 : vector<16xi32>
          %gather3A_743 = tpu.vector_load_idx %arg11[%add3A_663, %add3A_742] : memref<96x64xi32, #tpu.memory_space<vmem>>[vector<16xi32>, vector<16xi32>], vector<16xi32>,
          %gather3A_744 = tpu.vector_load_idx %arg13[%add3A_663, %add3A_742] : memref<96x64xi32, #tpu.memory_space<vmem>>[vector<16xi32>, vector<16xi32>], vector<16xi32>,
          %bitcast3A_745 = vector.bitcast %gather3A_743 : vector<16xi32> to vector<32xbf16>
          %unpack3A_746 = tpu.unpack_subelements %bitcast3A_745, 0 {pack_format = #tpu.pack_format<interleaved>} : vector<32xbf16> -> vector<16xf32>
          %unpack3A_747 = tpu.unpack_subelements %bitcast3A_745, 1 {pack_format = #tpu.pack_format<interleaved>} : vector<32xbf16> -> vector<16xf32>
          %bitcast3A_748 = vector.bitcast %gather3A_744 : vector<16xi32> to vector<32xbf16>
          %unpack3A_749 = tpu.unpack_subelements %bitcast3A_748, 0 {pack_format = #tpu.pack_format<interleaved>} : vector<32xbf16> -> vector<16xf32>
          %unpack3A_750 = tpu.unpack_subelements %bitcast3A_748, 1 {pack_format = #tpu.pack_format<interleaved>} : vector<32xbf16> -> vector<16xf32>
          %add3A_751 = arith.addf %unpack3A_746, %unpack3A_749 : vector<16xf32>
          %mul3A_752 = arith.constant 2.000000e-01 : f32
          %mul3A_753 = vector.broadcast %mul3A_752 : f32 to vector<16xf32>
          %mul3A_754 = arith.mulf %mul3A_753, %add3A_751 : vector<16xf32>
          %max3A_755 = arith.maximumf %add3A_751, %mul3A_754 : vector<16xf32>
          %add3A_756 = arith.addf %unpack3A_747, %unpack3A_750 : vector<16xf32>
          %mul3A_757 = arith.constant 2.000000e-01 : f32
          %mul3A_758 = vector.broadcast %mul3A_757 : f32 to vector<16xf32>
          %mul3A_759 = arith.mulf %mul3A_758, %add3A_756 : vector<16xf32>
          %max3A_760 = arith.maximumf %add3A_756, %mul3A_759 : vector<16xf32>
          %mul3A_761 = arith.mulf %max3A_755, %get3A_541 : vector<16xf32>
          %add3A_762 = arith.addf %add3A_690, %mul3A_761 : vector<16xf32>
          %mul3A_763 = arith.mulf %max3A_760, %get3A_603 : vector<16xf32>
          %add3A_764 = arith.addf %add3A_688, %mul3A_763 : vector<16xf32>
          %mul3A_765 = arith.constant 2 : i32
          %mul3A_766 = vector.broadcast %mul3A_765 : i32 to vector<16xi32>
          %mul3A_767 = arith.muli %mul3A_766, %and3A_738 : vector<16xi32>
          %add3A_768 = vector.broadcast %mul3A_653 : i32 to vector<16xi32>
          %add3A_769 = arith.addi %mul3A_767, %add3A_768 : vector<16xi32>
          %add3A_770 = arith.constant 3 : i32
          %add3A_771 = vector.broadcast %add3A_770 : i32 to vector<16xi32>
          %add3A_772 = arith.addi %iota3A, %add3A_771 : vector<16xi32>
          %and3A_773 = arith.constant 7 : i32
          %and3A_774 = vector.broadcast %and3A_773 : i32 to vector<16xi32>
          %and3A_775 = arith.andi %add3A_772, %and3A_774 : vector<16xi32>
          %mul3A_776 = arith.constant 8 : i32
          %mul3A_777 = arith.muli %mul3A_776, %scan3A_521 : i32
          %add3A_778 = vector.broadcast %mul3A_777 : i32 to vector<16xi32>
          %add3A_779 = arith.addi %and3A_775, %add3A_778 : vector<16xi32>
          %gather3A_780 = tpu.vector_load_idx %arg11[%add3A_663, %add3A_779] : memref<96x64xi32, #tpu.memory_space<vmem>>[vector<16xi32>, vector<16xi32>], vector<16xi32>,
          %gather3A_781 = tpu.vector_load_idx %arg13[%add3A_663, %add3A_779] : memref<96x64xi32, #tpu.memory_space<vmem>>[vector<16xi32>, vector<16xi32>], vector<16xi32>,
          %bitcast3A_782 = vector.bitcast %gather3A_780 : vector<16xi32> to vector<32xbf16>
          %unpack3A_783 = tpu.unpack_subelements %bitcast3A_782, 0 {pack_format = #tpu.pack_format<interleaved>} : vector<32xbf16> -> vector<16xf32>
          %unpack3A_784 = tpu.unpack_subelements %bitcast3A_782, 1 {pack_format = #tpu.pack_format<interleaved>} : vector<32xbf16> -> vector<16xf32>
          %bitcast3A_785 = vector.bitcast %gather3A_781 : vector<16xi32> to vector<32xbf16>
          %unpack3A_786 = tpu.unpack_subelements %bitcast3A_785, 0 {pack_format = #tpu.pack_format<interleaved>} : vector<32xbf16> -> vector<16xf32>
          %unpack3A_787 = tpu.unpack_subelements %bitcast3A_785, 1 {pack_format = #tpu.pack_format<interleaved>} : vector<32xbf16> -> vector<16xf32>
          %add3A_788 = arith.addf %unpack3A_783, %unpack3A_786 : vector<16xf32>
          %mul3A_789 = arith.constant 2.000000e-01 : f32
          %mul3A_790 = vector.broadcast %mul3A_789 : f32 to vector<16xf32>
          %mul3A_791 = arith.mulf %mul3A_790, %add3A_788 : vector<16xf32>
          %max3A_792 = arith.maximumf %add3A_788, %mul3A_791 : vector<16xf32>
          %add3A_793 = arith.addf %unpack3A_784, %unpack3A_787 : vector<16xf32>
          %mul3A_794 = arith.constant 2.000000e-01 : f32
          %mul3A_795 = vector.broadcast %mul3A_794 : f32 to vector<16xf32>
          %mul3A_796 = arith.mulf %mul3A_795, %add3A_793 : vector<16xf32>
          %max3A_797 = arith.maximumf %add3A_793, %mul3A_796 : vector<16xf32>
          %mul3A_798 = arith.mulf %max3A_792, %get3A_548 : vector<16xf32>
          %add3A_799 = arith.addf %add3A_727, %mul3A_798 : vector<16xf32>
          %mul3A_800 = arith.mulf %max3A_797, %get3A_612 : vector<16xf32>
          %add3A_801 = arith.addf %add3A_725, %mul3A_800 : vector<16xf32>
          %mul3A_802 = arith.constant 2 : i32
          %mul3A_803 = vector.broadcast %mul3A_802 : i32 to vector<16xi32>
          %mul3A_804 = arith.muli %mul3A_803, %and3A_775 : vector<16xi32>
          %add3A_805 = vector.broadcast %mul3A_653 : i32 to vector<16xi32>
          %add3A_806 = arith.addi %mul3A_804, %add3A_805 : vector<16xi32>
          %add3A_807 = arith.constant 4 : i32
          %add3A_808 = vector.broadcast %add3A_807 : i32 to vector<16xi32>
          %add3A_809 = arith.addi %iota3A, %add3A_808 : vector<16xi32>
          %and3A_810 = arith.constant 7 : i32
          %and3A_811 = vector.broadcast %and3A_810 : i32 to vector<16xi32>
          %and3A_812 = arith.andi %add3A_809, %and3A_811 : vector<16xi32>
          %mul3A_813 = arith.constant 8 : i32
          %mul3A_814 = arith.muli %mul3A_813, %scan3A_521 : i32
          %add3A_815 = vector.broadcast %mul3A_814 : i32 to vector<16xi32>
          %add3A_816 = arith.addi %and3A_812, %add3A_815 : vector<16xi32>
          %gather3A_817 = tpu.vector_load_idx %arg11[%add3A_663, %add3A_816] : memref<96x64xi32, #tpu.memory_space<vmem>>[vector<16xi32>, vector<16xi32>], vector<16xi32>,
          %gather3A_818 = tpu.vector_load_idx %arg13[%add3A_663, %add3A_816] : memref<96x64xi32, #tpu.memory_space<vmem>>[vector<16xi32>, vector<16xi32>], vector<16xi32>,
          %bitcast3A_819 = vector.bitcast %gather3A_817 : vector<16xi32> to vector<32xbf16>
          %unpack3A_820 = tpu.unpack_subelements %bitcast3A_819, 0 {pack_format = #tpu.pack_format<interleaved>} : vector<32xbf16> -> vector<16xf32>
          %unpack3A_821 = tpu.unpack_subelements %bitcast3A_819, 1 {pack_format = #tpu.pack_format<interleaved>} : vector<32xbf16> -> vector<16xf32>
          %bitcast3A_822 = vector.bitcast %gather3A_818 : vector<16xi32> to vector<32xbf16>
          %unpack3A_823 = tpu.unpack_subelements %bitcast3A_822, 0 {pack_format = #tpu.pack_format<interleaved>} : vector<32xbf16> -> vector<16xf32>
          %unpack3A_824 = tpu.unpack_subelements %bitcast3A_822, 1 {pack_format = #tpu.pack_format<interleaved>} : vector<32xbf16> -> vector<16xf32>
          %add3A_825 = arith.addf %unpack3A_820, %unpack3A_823 : vector<16xf32>
          %mul3A_826 = arith.constant 2.000000e-01 : f32
          %mul3A_827 = vector.broadcast %mul3A_826 : f32 to vector<16xf32>
          %mul3A_828 = arith.mulf %mul3A_827, %add3A_825 : vector<16xf32>
          %max3A_829 = arith.maximumf %add3A_825, %mul3A_828 : vector<16xf32>
          %add3A_830 = arith.addf %unpack3A_821, %unpack3A_824 : vector<16xf32>
          %mul3A_831 = arith.constant 2.000000e-01 : f32
          %mul3A_832 = vector.broadcast %mul3A_831 : f32 to vector<16xf32>
          %mul3A_833 = arith.mulf %mul3A_832, %add3A_830 : vector<16xf32>
          %max3A_834 = arith.maximumf %add3A_830, %mul3A_833 : vector<16xf32>
          %mul3A_835 = arith.mulf %max3A_829, %get3A_555 : vector<16xf32>
          %add3A_836 = arith.addf %add3A_764, %mul3A_835 : vector<16xf32>
          %mul3A_837 = arith.mulf %max3A_834, %get3A_621 : vector<16xf32>
          %add3A_838 = arith.addf %add3A_762, %mul3A_837 : vector<16xf32>
          %mul3A_839 = arith.constant 2 : i32
          %mul3A_840 = vector.broadcast %mul3A_839 : i32 to vector<16xi32>
          %mul3A_841 = arith.muli %mul3A_840, %and3A_812 : vector<16xi32>
          %add3A_842 = vector.broadcast %mul3A_653 : i32 to vector<16xi32>
          %add3A_843 = arith.addi %mul3A_841, %add3A_842 : vector<16xi32>
          %add3A_844 = arith.constant 5 : i32
          %add3A_845 = vector.broadcast %add3A_844 : i32 to vector<16xi32>
          %add3A_846 = arith.addi %iota3A, %add3A_845 : vector<16xi32>
          %and3A_847 = arith.constant 7 : i32
          %and3A_848 = vector.broadcast %and3A_847 : i32 to vector<16xi32>
          %and3A_849 = arith.andi %add3A_846, %and3A_848 : vector<16xi32>
          %mul3A_850 = arith.constant 8 : i32
          %mul3A_851 = arith.muli %mul3A_850, %scan3A_521 : i32
          %add3A_852 = vector.broadcast %mul3A_851 : i32 to vector<16xi32>
          %add3A_853 = arith.addi %and3A_849, %add3A_852 : vector<16xi32>
          %gather3A_854 = tpu.vector_load_idx %arg11[%add3A_663, %add3A_853] : memref<96x64xi32, #tpu.memory_space<vmem>>[vector<16xi32>, vector<16xi32>], vector<16xi32>,
          %gather3A_855 = tpu.vector_load_idx %arg13[%add3A_663, %add3A_853] : memref<96x64xi32, #tpu.memory_space<vmem>>[vector<16xi32>, vector<16xi32>], vector<16xi32>,
          %bitcast3A_856 = vector.bitcast %gather3A_854 : vector<16xi32> to vector<32xbf16>
          %unpack3A_857 = tpu.unpack_subelements %bitcast3A_856, 0 {pack_format = #tpu.pack_format<interleaved>} : vector<32xbf16> -> vector<16xf32>
          %unpack3A_858 = tpu.unpack_subelements %bitcast3A_856, 1 {pack_format = #tpu.pack_format<interleaved>} : vector<32xbf16> -> vector<16xf32>
          %bitcast3A_859 = vector.bitcast %gather3A_855 : vector<16xi32> to vector<32xbf16>
          %unpack3A_860 = tpu.unpack_subelements %bitcast3A_859, 0 {pack_format = #tpu.pack_format<interleaved>} : vector<32xbf16> -> vector<16xf32>
          %unpack3A_861 = tpu.unpack_subelements %bitcast3A_859, 1 {pack_format = #tpu.pack_format<interleaved>} : vector<32xbf16> -> vector<16xf32>
          %add3A_862 = arith.addf %unpack3A_857, %unpack3A_860 : vector<16xf32>
          %mul3A_863 = arith.constant 2.000000e-01 : f32
          %mul3A_864 = vector.broadcast %mul3A_863 : f32 to vector<16xf32>
          %mul3A_865 = arith.mulf %mul3A_864, %add3A_862 : vector<16xf32>
          %max3A_866 = arith.maximumf %add3A_862, %mul3A_865 : vector<16xf32>
          %add3A_867 = arith.addf %unpack3A_858, %unpack3A_861 : vector<16xf32>
          %mul3A_868 = arith.constant 2.000000e-01 : f32
          %mul3A_869 = vector.broadcast %mul3A_868 : f32 to vector<16xf32>
          %mul3A_870 = arith.mulf %mul3A_869, %add3A_867 : vector<16xf32>
          %max3A_871 = arith.maximumf %add3A_867, %mul3A_870 : vector<16xf32>
          %mul3A_872 = arith.mulf %max3A_866, %get3A_562 : vector<16xf32>
          %add3A_873 = arith.addf %add3A_801, %mul3A_872 : vector<16xf32>
          %mul3A_874 = arith.mulf %max3A_871, %get3A_630 : vector<16xf32>
          %add3A_875 = arith.addf %add3A_799, %mul3A_874 : vector<16xf32>
          %mul3A_876 = arith.constant 2 : i32
          %mul3A_877 = vector.broadcast %mul3A_876 : i32 to vector<16xi32>
          %mul3A_878 = arith.muli %mul3A_877, %and3A_849 : vector<16xi32>
          %add3A_879 = vector.broadcast %mul3A_653 : i32 to vector<16xi32>
          %add3A_880 = arith.addi %mul3A_878, %add3A_879 : vector<16xi32>
          %add3A_881 = arith.constant 6 : i32
          %add3A_882 = vector.broadcast %add3A_881 : i32 to vector<16xi32>
          %add3A_883 = arith.addi %iota3A, %add3A_882 : vector<16xi32>
          %and3A_884 = arith.constant 7 : i32
          %and3A_885 = vector.broadcast %and3A_884 : i32 to vector<16xi32>
          %and3A_886 = arith.andi %add3A_883, %and3A_885 : vector<16xi32>
          %mul3A_887 = arith.constant 8 : i32
          %mul3A_888 = arith.muli %mul3A_887, %scan3A_521 : i32
          %add3A_889 = vector.broadcast %mul3A_888 : i32 to vector<16xi32>
          %add3A_890 = arith.addi %and3A_886, %add3A_889 : vector<16xi32>
          %gather3A_891 = tpu.vector_load_idx %arg11[%add3A_663, %add3A_890] : memref<96x64xi32, #tpu.memory_space<vmem>>[vector<16xi32>, vector<16xi32>], vector<16xi32>,
          %gather3A_892 = tpu.vector_load_idx %arg13[%add3A_663, %add3A_890] : memref<96x64xi32, #tpu.memory_space<vmem>>[vector<16xi32>, vector<16xi32>], vector<16xi32>,
          %bitcast3A_893 = vector.bitcast %gather3A_891 : vector<16xi32> to vector<32xbf16>
          %unpack3A_894 = tpu.unpack_subelements %bitcast3A_893, 0 {pack_format = #tpu.pack_format<interleaved>} : vector<32xbf16> -> vector<16xf32>
          %unpack3A_895 = tpu.unpack_subelements %bitcast3A_893, 1 {pack_format = #tpu.pack_format<interleaved>} : vector<32xbf16> -> vector<16xf32>
          %bitcast3A_896 = vector.bitcast %gather3A_892 : vector<16xi32> to vector<32xbf16>
          %unpack3A_897 = tpu.unpack_subelements %bitcast3A_896, 0 {pack_format = #tpu.pack_format<interleaved>} : vector<32xbf16> -> vector<16xf32>
          %unpack3A_898 = tpu.unpack_subelements %bitcast3A_896, 1 {pack_format = #tpu.pack_format<interleaved>} : vector<32xbf16> -> vector<16xf32>
          %add3A_899 = arith.addf %unpack3A_894, %unpack3A_897 : vector<16xf32>
          %mul3A_900 = arith.constant 2.000000e-01 : f32
          %mul3A_901 = vector.broadcast %mul3A_900 : f32 to vector<16xf32>
          %mul3A_902 = arith.mulf %mul3A_901, %add3A_899 : vector<16xf32>
          %max3A_903 = arith.maximumf %add3A_899, %mul3A_902 : vector<16xf32>
          %add3A_904 = arith.addf %unpack3A_895, %unpack3A_898 : vector<16xf32>
          %mul3A_905 = arith.constant 2.000000e-01 : f32
          %mul3A_906 = vector.broadcast %mul3A_905 : f32 to vector<16xf32>
          %mul3A_907 = arith.mulf %mul3A_906, %add3A_904 : vector<16xf32>
          %max3A_908 = arith.maximumf %add3A_904, %mul3A_907 : vector<16xf32>
          %mul3A_909 = arith.mulf %max3A_903, %get3A_569 : vector<16xf32>
          %add3A_910 = arith.addf %add3A_838, %mul3A_909 : vector<16xf32>
          %mul3A_911 = arith.mulf %max3A_908, %get3A_639 : vector<16xf32>
          %add3A_912 = arith.addf %add3A_836, %mul3A_911 : vector<16xf32>
          %mul3A_913 = arith.constant 2 : i32
          %mul3A_914 = vector.broadcast %mul3A_913 : i32 to vector<16xi32>
          %mul3A_915 = arith.muli %mul3A_914, %and3A_886 : vector<16xi32>
          %add3A_916 = vector.broadcast %mul3A_653 : i32 to vector<16xi32>
          %add3A_917 = arith.addi %mul3A_915, %add3A_916 : vector<16xi32>
          %add3A_918 = arith.constant 7 : i32
          %add3A_919 = vector.broadcast %add3A_918 : i32 to vector<16xi32>
          %add3A_920 = arith.addi %iota3A, %add3A_919 : vector<16xi32>
          %and3A_921 = arith.constant 7 : i32
          %and3A_922 = vector.broadcast %and3A_921 : i32 to vector<16xi32>
          %and3A_923 = arith.andi %add3A_920, %and3A_922 : vector<16xi32>
          %mul3A_924 = arith.constant 8 : i32
          %mul3A_925 = arith.muli %mul3A_924, %scan3A_521 : i32
          %add3A_926 = vector.broadcast %mul3A_925 : i32 to vector<16xi32>
          %add3A_927 = arith.addi %and3A_923, %add3A_926 : vector<16xi32>
          %gather3A_928 = tpu.vector_load_idx %arg11[%add3A_663, %add3A_927] : memref<96x64xi32, #tpu.memory_space<vmem>>[vector<16xi32>, vector<16xi32>], vector<16xi32>,
          %gather3A_929 = tpu.vector_load_idx %arg13[%add3A_663, %add3A_927] : memref<96x64xi32, #tpu.memory_space<vmem>>[vector<16xi32>, vector<16xi32>], vector<16xi32>,
          %bitcast3A_930 = vector.bitcast %gather3A_928 : vector<16xi32> to vector<32xbf16>
          %unpack3A_931 = tpu.unpack_subelements %bitcast3A_930, 0 {pack_format = #tpu.pack_format<interleaved>} : vector<32xbf16> -> vector<16xf32>
          %unpack3A_932 = tpu.unpack_subelements %bitcast3A_930, 1 {pack_format = #tpu.pack_format<interleaved>} : vector<32xbf16> -> vector<16xf32>
          %bitcast3A_933 = vector.bitcast %gather3A_929 : vector<16xi32> to vector<32xbf16>
          %unpack3A_934 = tpu.unpack_subelements %bitcast3A_933, 0 {pack_format = #tpu.pack_format<interleaved>} : vector<32xbf16> -> vector<16xf32>
          %unpack3A_935 = tpu.unpack_subelements %bitcast3A_933, 1 {pack_format = #tpu.pack_format<interleaved>} : vector<32xbf16> -> vector<16xf32>
          %add3A_936 = arith.addf %unpack3A_931, %unpack3A_934 : vector<16xf32>
          %mul3A_937 = arith.constant 2.000000e-01 : f32
          %mul3A_938 = vector.broadcast %mul3A_937 : f32 to vector<16xf32>
          %mul3A_939 = arith.mulf %mul3A_938, %add3A_936 : vector<16xf32>
          %max3A_940 = arith.maximumf %add3A_936, %mul3A_939 : vector<16xf32>
          %add3A_941 = arith.addf %unpack3A_932, %unpack3A_935 : vector<16xf32>
          %mul3A_942 = arith.constant 2.000000e-01 : f32
          %mul3A_943 = vector.broadcast %mul3A_942 : f32 to vector<16xf32>
          %mul3A_944 = arith.mulf %mul3A_943, %add3A_941 : vector<16xf32>
          %max3A_945 = arith.maximumf %add3A_941, %mul3A_944 : vector<16xf32>
          %mul3A_946 = arith.mulf %max3A_940, %get3A_576 : vector<16xf32>
          %add3A_947 = arith.addf %add3A_875, %mul3A_946 : vector<16xf32>
          %mul3A_948 = arith.mulf %max3A_945, %get3A_648 : vector<16xf32>
          %add3A_949 = arith.addf %add3A_873, %mul3A_948 : vector<16xf32>
          %mul3A_950 = arith.constant 2 : i32
          %mul3A_951 = vector.broadcast %mul3A_950 : i32 to vector<16xi32>
          %mul3A_952 = arith.muli %mul3A_951, %and3A_923 : vector<16xi32>
          %add3A_953 = vector.broadcast %mul3A_653 : i32 to vector<16xi32>
          %add3A_954 = arith.addi %mul3A_952, %add3A_953 : vector<16xi32>
          %add3A_955 = arith.addf %add3A_912, %add3A_949 : vector<16xf32>
          %add3A_956 = arith.addf %add3A_910, %add3A_947 : vector<16xf32>
          %add3A_957 = arith.addf %add3A_955, %add3A_956 : vector<16xf32>
          %exp3A = math.exp %add3A_957 : vector<16xf32>
          tpu.vector_store_idx %arg14[%add3A_663, %broadcast_in_dim3A_651], %exp3A : memref<96x136xf32, #tpu.memory_space<vmem>>[vector<16xi32>, vector<16xi32>], vector<16xf32>,
          %mul3A_958 = arith.mulf %unpack3A, %exp3A : vector<16xf32>
          tpu.vector_store_idx %arg14[%add3A_663, %add3A_695], %mul3A_958 : memref<96x136xf32, #tpu.memory_space<vmem>>[vector<16xi32>, vector<16xi32>], vector<16xf32>,
          %add3A_959 = arith.constant 1 : i32
          %add3A_960 = vector.broadcast %add3A_959 : i32 to vector<16xi32>
          %add3A_961 = arith.addi %add3A_695, %add3A_960 : vector<16xi32>
          %mul3A_962 = arith.mulf %unpack3A_674, %exp3A : vector<16xf32>
          tpu.vector_store_idx %arg14[%add3A_663, %add3A_961], %mul3A_962 : memref<96x136xf32, #tpu.memory_space<vmem>>[vector<16xi32>, vector<16xi32>], vector<16xf32>,
          %mul3A_963 = arith.mulf %unpack3A_709, %exp3A : vector<16xf32>
          tpu.vector_store_idx %arg14[%add3A_663, %add3A_732], %mul3A_963 : memref<96x136xf32, #tpu.memory_space<vmem>>[vector<16xi32>, vector<16xi32>], vector<16xf32>,
          %add3A_964 = arith.constant 1 : i32
          %add3A_965 = vector.broadcast %add3A_964 : i32 to vector<16xi32>
          %add3A_966 = arith.addi %add3A_732, %add3A_965 : vector<16xi32>
          %mul3A_967 = arith.mulf %unpack3A_710, %exp3A : vector<16xf32>
          tpu.vector_store_idx %arg14[%add3A_663, %add3A_966], %mul3A_967 : memref<96x136xf32, #tpu.memory_space<vmem>>[vector<16xi32>, vector<16xi32>], vector<16xf32>,
          %mul3A_968 = arith.mulf %unpack3A_746, %exp3A : vector<16xf32>
          tpu.vector_store_idx %arg14[%add3A_663, %add3A_769], %mul3A_968 : memref<96x136xf32, #tpu.memory_space<vmem>>[vector<16xi32>, vector<16xi32>], vector<16xf32>,
          %add3A_969 = arith.constant 1 : i32
          %add3A_970 = vector.broadcast %add3A_969 : i32 to vector<16xi32>
          %add3A_971 = arith.addi %add3A_769, %add3A_970 : vector<16xi32>
          %mul3A_972 = arith.mulf %unpack3A_747, %exp3A : vector<16xf32>
          tpu.vector_store_idx %arg14[%add3A_663, %add3A_971], %mul3A_972 : memref<96x136xf32, #tpu.memory_space<vmem>>[vector<16xi32>, vector<16xi32>], vector<16xf32>,
          %mul3A_973 = arith.mulf %unpack3A_783, %exp3A : vector<16xf32>
          tpu.vector_store_idx %arg14[%add3A_663, %add3A_806], %mul3A_973 : memref<96x136xf32, #tpu.memory_space<vmem>>[vector<16xi32>, vector<16xi32>], vector<16xf32>,
          %add3A_974 = arith.constant 1 : i32
          %add3A_975 = vector.broadcast %add3A_974 : i32 to vector<16xi32>
          %add3A_976 = arith.addi %add3A_806, %add3A_975 : vector<16xi32>
          %mul3A_977 = arith.mulf %unpack3A_784, %exp3A : vector<16xf32>
          tpu.vector_store_idx %arg14[%add3A_663, %add3A_976], %mul3A_977 : memref<96x136xf32, #tpu.memory_space<vmem>>[vector<16xi32>, vector<16xi32>], vector<16xf32>,
          %mul3A_978 = arith.mulf %unpack3A_820, %exp3A : vector<16xf32>
          tpu.vector_store_idx %arg14[%add3A_663, %add3A_843], %mul3A_978 : memref<96x136xf32, #tpu.memory_space<vmem>>[vector<16xi32>, vector<16xi32>], vector<16xf32>,
          %add3A_979 = arith.constant 1 : i32
          %add3A_980 = vector.broadcast %add3A_979 : i32 to vector<16xi32>
          %add3A_981 = arith.addi %add3A_843, %add3A_980 : vector<16xi32>
          %mul3A_982 = arith.mulf %unpack3A_821, %exp3A : vector<16xf32>
          tpu.vector_store_idx %arg14[%add3A_663, %add3A_981], %mul3A_982 : memref<96x136xf32, #tpu.memory_space<vmem>>[vector<16xi32>, vector<16xi32>], vector<16xf32>,
          %mul3A_983 = arith.mulf %unpack3A_857, %exp3A : vector<16xf32>
          tpu.vector_store_idx %arg14[%add3A_663, %add3A_880], %mul3A_983 : memref<96x136xf32, #tpu.memory_space<vmem>>[vector<16xi32>, vector<16xi32>], vector<16xf32>,
          %add3A_984 = arith.constant 1 : i32
          %add3A_985 = vector.broadcast %add3A_984 : i32 to vector<16xi32>
          %add3A_986 = arith.addi %add3A_880, %add3A_985 : vector<16xi32>
          %mul3A_987 = arith.mulf %unpack3A_858, %exp3A : vector<16xf32>
          tpu.vector_store_idx %arg14[%add3A_663, %add3A_986], %mul3A_987 : memref<96x136xf32, #tpu.memory_space<vmem>>[vector<16xi32>, vector<16xi32>], vector<16xf32>,
          %mul3A_988 = arith.mulf %unpack3A_894, %exp3A : vector<16xf32>
          tpu.vector_store_idx %arg14[%add3A_663, %add3A_917], %mul3A_988 : memref<96x136xf32, #tpu.memory_space<vmem>>[vector<16xi32>, vector<16xi32>], vector<16xf32>,
          %add3A_989 = arith.constant 1 : i32
          %add3A_990 = vector.broadcast %add3A_989 : i32 to vector<16xi32>
          %add3A_991 = arith.addi %add3A_917, %add3A_990 : vector<16xi32>
          %mul3A_992 = arith.mulf %unpack3A_895, %exp3A : vector<16xf32>
          tpu.vector_store_idx %arg14[%add3A_663, %add3A_991], %mul3A_992 : memref<96x136xf32, #tpu.memory_space<vmem>>[vector<16xi32>, vector<16xi32>], vector<16xf32>,
          %mul3A_993 = arith.mulf %unpack3A_931, %exp3A : vector<16xf32>
          tpu.vector_store_idx %arg14[%add3A_663, %add3A_954], %mul3A_993 : memref<96x136xf32, #tpu.memory_space<vmem>>[vector<16xi32>, vector<16xi32>], vector<16xf32>,
          %add3A_994 = arith.constant 1 : i32
          %add3A_995 = vector.broadcast %add3A_994 : i32 to vector<16xi32>
          %add3A_996 = arith.addi %add3A_954, %add3A_995 : vector<16xi32>
          %mul3A_997 = arith.mulf %unpack3A_932, %exp3A : vector<16xf32>
          tpu.vector_store_idx %arg14[%add3A_663, %add3A_996], %mul3A_997 : memref<96x136xf32, #tpu.memory_space<vmem>>[vector<16xi32>, vector<16xi32>], vector<16xf32>,
        }
        %scan3A_658 = arith.constant 6 : i32
      }
      %scan3A_311 = arith.constant 8 : i32
      %dma_start3A_312 = arith.constant 1 : i32
      %dma_start3A_313 = arith.constant 1 : i32
      %dma_start3A_314 = arith.constant 0 : i32
      %dma_start3A_315 = tpu.memref_slice %arg9[%dma_start3A_312, %dma_start3A_313, %dma_start3A_314] : memref<4x2x96xi32, #tpu.memory_space<vmem>> -> memref<1x1x96xi32, #tpu.memory_space<vmem>>
      %dma_start3A_316 = tpu.memref_squeeze %dma_start3A_315 : memref<1x1x96xi32, #tpu.memory_space<vmem>> -> memref<96xi32, #tpu.memory_space<vmem>>
      %dma_start3A_317 = arith.constant 0 : i32
      %dma_start3A_318 = arith.constant 0 : i32
      %dma_start3A_319 = tpu.memref_slice %arg8[%dma_start3A_317, %dma_start3A_318] : memref<10048x136xf32, #tpu.memory_space<vmem_shared>> -> memref<10048x136xf32, #tpu.memory_space<vmem_shared>>
      tpu.enqueue_indirect_dma source(%arg14 : memref<96x136xf32, #tpu.memory_space<vmem>>) target(%dma_start3A_319 : memref<10048x136xf32, #tpu.memory_space<vmem_shared>>) offsets(%dma_start3A_316 : memref<96xi32, #tpu.memory_space<vmem>>) semaphore(%arg18 : memref<!tpu.dma_semaphore, #tpu.memory_space<semaphore_mem>>) {add = true}
      %add3A_320 = arith.constant 2 : i32
      %add3A_321 = arith.addi %add3A_233, %add3A_320 : i32
      %lt3A_322 = arith.constant 108 : i32
      %lt3A_323 = arith.cmpi slt, %add3A_321, %lt3A_322 : i32
      %convert_element_type3A_324 = arith.extui %lt3A_323 : i1 to i32
      %cond3A_325 = arith.constant 0 : i32
      %cond3A_326 = arith.cmpi ne, %convert_element_type3A_324, %cond3A_325 : i32
      scf.if %cond3A_326 {
        %add3A_521 = arith.constant 2 : i32
        %add3A_522 = arith.addi %add3A_233, %add3A_521 : i32
        %mul3A_523 = arith.constant 96 : i32
        %mul3A_524 = arith.muli %add3A_522, %mul3A_523 : i32
        %add3A_525 = arith.addi %mul3A_2, %mul3A_524 : i32
        %dma_start3A_526 = arith.constant 3 : i32
        %dma_start3A_527 = arith.constant 3 : i32
        %dma_start3A_528 = arith.constant 0 : i32
        %dma_start3A_529 = arith.constant 0 : i32
        %dma_start3A_530 = tpu.memref_slice %arg9[%dma_start3A_526, %dma_start3A_528, %dma_start3A_529] : memref<4x2x96xi32, #tpu.memory_space<vmem>> -> memref<1x2x96xi32, #tpu.memory_space<vmem>>
        %dma_start3A_531 = tpu.memref_squeeze %dma_start3A_530 : memref<1x2x96xi32, #tpu.memory_space<vmem>> -> memref<2x96xi32, #tpu.memory_space<vmem>>
        %dma_start3A_532 = arith.constant 0 : i32
        %dma_start3A_533 = tpu.memref_slice %arg5[%dma_start3A_532, %add3A_525] : memref<2x331776xi32, #tpu.memory_space<hbm>> -> memref<2x96xi32, #tpu.memory_space<hbm>>
        %dma_start3A_534 = tpu.memref_slice %arg16[%dma_start3A_527] : memref<4x!tpu.dma_semaphore, #tpu.memory_space<semaphore_mem>> -> memref<1x!tpu.dma_semaphore, #tpu.memory_space<semaphore_mem>>
        %dma_start3A_535 = tpu.memref_squeeze %dma_start3A_534 : memref<1x!tpu.dma_semaphore, #tpu.memory_space<semaphore_mem>> -> memref<!tpu.dma_semaphore, #tpu.memory_space<semaphore_mem>>
        %dma_start3A_536 = arith.constant 0 : i32
        %dma_start3A_537 = arith.constant 0 : i32
        %dma_start3A_538 = tpu.memref_slice %arg9[%dma_start3A_526, %dma_start3A_536, %dma_start3A_537] : memref<4x2x96xi32, #tpu.memory_space<vmem>> -> memref<1x2x96xi32, #tpu.memory_space<vmem>>
        %dma_start3A_539 = tpu.memref_squeeze %dma_start3A_538 : memref<1x2x96xi32, #tpu.memory_space<vmem>> -> memref<2x96xi32, #tpu.memory_space<vmem>>
        %dma_start3A_540 = arith.constant 0 : i32
        %dma_start3A_541 = tpu.memref_slice %arg5[%dma_start3A_540, %add3A_525] : memref<2x331776xi32, #tpu.memory_space<hbm>> -> memref<2x96xi32, #tpu.memory_space<hbm>>
        tpu.enqueue_dma source(%dma_start3A_541 : memref<2x96xi32, #tpu.memory_space<hbm>>) target(%dma_start3A_539 : memref<2x96xi32, #tpu.memory_space<vmem>>) target_semaphore(%dma_start3A_535 : memref<!tpu.dma_semaphore, #tpu.memory_space<semaphore_mem>>)
      } else {
      }
      %mul3A_327 = arith.constant 4 : i32
      %mul3A_328 = arith.muli %scan3A_136, %mul3A_327 : i32
      %add3A_329 = arith.constant 2 : i32
      %add3A_330 = arith.addi %mul3A_328, %add3A_329 : i32
      %add3A_331 = arith.constant 1 : i32
      %add3A_332 = arith.addi %add3A_330, %add3A_331 : i32
      %lt3A_333 = arith.constant 108 : i32
      %lt3A_334 = arith.cmpi slt, %add3A_332, %lt3A_333 : i32
      %convert_element_type3A_335 = arith.extui %lt3A_334 : i1 to i32
      %cond3A_336 = arith.constant 0 : i32
      %cond3A_337 = arith.cmpi ne, %convert_element_type3A_335, %cond3A_336 : i32
      scf.if %cond3A_337 {
        %add3A_521 = arith.constant 1 : i32
        %add3A_522 = arith.addi %add3A_330, %add3A_521 : i32
        %mul3A_523 = arith.constant 96 : i32
        %mul3A_524 = arith.muli %add3A_522, %mul3A_523 : i32
        %add3A_525 = arith.addi %mul3A_2, %mul3A_524 : i32
        %dma_wait3A_526 = arith.constant 3 : i32
        %dma_wait3A_527 = arith.constant 3 : i32
        %dma_wait3A_528 = arith.constant 0 : i32
        %dma_wait3A_529 = arith.constant 0 : i32
        %dma_wait3A_530 = tpu.memref_slice %arg9[%dma_wait3A_526, %dma_wait3A_528, %dma_wait3A_529] : memref<4x2x96xi32, #tpu.memory_space<vmem>> -> memref<1x2x96xi32, #tpu.memory_space<vmem>>
        %dma_wait3A_531 = tpu.memref_squeeze %dma_wait3A_530 : memref<1x2x96xi32, #tpu.memory_space<vmem>> -> memref<2x96xi32, #tpu.memory_space<vmem>>
        %dma_wait3A_532 = arith.constant 0 : i32
        %dma_wait3A_533 = tpu.memref_slice %arg5[%dma_wait3A_532, %add3A_525] : memref<2x331776xi32, #tpu.memory_space<hbm>> -> memref<2x96xi32, #tpu.memory_space<hbm>>
        %dma_wait3A_534 = tpu.memref_slice %arg16[%dma_wait3A_527] : memref<4x!tpu.dma_semaphore, #tpu.memory_space<semaphore_mem>> -> memref<1x!tpu.dma_semaphore, #tpu.memory_space<semaphore_mem>>
        %dma_wait3A_535 = tpu.memref_squeeze %dma_wait3A_534 : memref<1x!tpu.dma_semaphore, #tpu.memory_space<semaphore_mem>> -> memref<!tpu.dma_semaphore, #tpu.memory_space<semaphore_mem>>
        %dma_wait3A_536 = arith.constant 0 : i32
        %dma_wait3A_537 = arith.constant 0 : i32
        %dma_wait3A_538 = tpu.memref_slice %arg9[%dma_wait3A_526, %dma_wait3A_536, %dma_wait3A_537] : memref<4x2x96xi32, #tpu.memory_space<vmem>> -> memref<1x2x96xi32, #tpu.memory_space<vmem>>
        %dma_wait3A_539 = tpu.memref_squeeze %dma_wait3A_538 : memref<1x2x96xi32, #tpu.memory_space<vmem>> -> memref<2x96xi32, #tpu.memory_space<vmem>>
        %dma_wait3A_540 = arith.constant 0 : i32
        %dma_wait3A_541 = tpu.memref_slice %arg5[%dma_wait3A_540, %add3A_525] : memref<2x331776xi32, #tpu.memory_space<hbm>> -> memref<2x96xi32, #tpu.memory_space<hbm>>
        tpu.wait_dma2 semaphore(%dma_wait3A_535 : memref<!tpu.dma_semaphore, #tpu.memory_space<semaphore_mem>>) src(%dma_wait3A_541 : memref<2x96xi32, #tpu.memory_space<hbm>>) dst(%dma_wait3A_539 : memref<2x96xi32, #tpu.memory_space<vmem>>)
        %dma_start3A_542 = arith.constant 3 : i32
        %dma_start3A_543 = arith.constant 0 : i32
        %dma_start3A_544 = arith.constant 1 : i32
        %dma_start3A_545 = arith.constant 0 : i32
        %dma_start3A_546 = arith.constant 0 : i32
        %dma_start3A_547 = arith.constant 0 : i32
        %dma_start3A_548 = tpu.memref_slice %arg11[%dma_start3A_546, %dma_start3A_547] : memref<96x64xi32, #tpu.memory_space<vmem>> -> memref<48x64xi32, #tpu.memory_space<vmem>>
        %dma_start3A_549 = arith.constant 0 : i32
        %dma_start3A_550 = tpu.memref_slice %arg9[%dma_start3A_542, %dma_start3A_543, %dma_start3A_549] : memref<4x2x96xi32, #tpu.memory_space<vmem>> -> memref<1x1x48xi32, #tpu.memory_space<vmem>>
        %dma_start3A_551 = tpu.memref_squeeze %dma_start3A_550 : memref<1x1x48xi32, #tpu.memory_space<vmem>> -> memref<48xi32, #tpu.memory_space<vmem>>
        %dma_start3A_552 = arith.constant 0 : i32
        %dma_start3A_553 = arith.constant 0 : i32
        %dma_start3A_554 = tpu.memref_slice %arg2[%dma_start3A_552, %dma_start3A_553] : memref<10048x64xi32, #tpu.memory_space<hbm>> -> memref<10048x64xi32, #tpu.memory_space<hbm>>
        %dma_start3A_555 = tpu.memref_slice %arg17[%dma_start3A_544, %dma_start3A_545] : memref<2x4x!tpu.dma_semaphore, #tpu.memory_space<semaphore_mem>> -> memref<1x1x!tpu.dma_semaphore, #tpu.memory_space<semaphore_mem>>
        %dma_start3A_556 = tpu.memref_squeeze %dma_start3A_555 : memref<1x1x!tpu.dma_semaphore, #tpu.memory_space<semaphore_mem>> -> memref<!tpu.dma_semaphore, #tpu.memory_space<semaphore_mem>>
        tpu.enqueue_indirect_dma source(%dma_start3A_554 : memref<10048x64xi32, #tpu.memory_space<hbm>>) target(%dma_start3A_548 : memref<48x64xi32, #tpu.memory_space<vmem>>) offsets(%dma_start3A_551 : memref<48xi32, #tpu.memory_space<vmem>>) semaphore(%dma_start3A_556 : memref<!tpu.dma_semaphore, #tpu.memory_space<semaphore_mem>>)
        %dma_start3A_557 = arith.constant 3 : i32
        %dma_start3A_558 = arith.constant 1 : i32
        %dma_start3A_559 = arith.constant 1 : i32
        %dma_start3A_560 = arith.constant 2 : i32
        %dma_start3A_561 = arith.constant 0 : i32
        %dma_start3A_562 = arith.constant 0 : i32
        %dma_start3A_563 = tpu.memref_slice %arg13[%dma_start3A_561, %dma_start3A_562] : memref<96x64xi32, #tpu.memory_space<vmem>> -> memref<48x64xi32, #tpu.memory_space<vmem>>
        %dma_start3A_564 = arith.constant 0 : i32
        %dma_start3A_565 = tpu.memref_slice %arg9[%dma_start3A_557, %dma_start3A_558, %dma_start3A_564] : memref<4x2x96xi32, #tpu.memory_space<vmem>> -> memref<1x1x48xi32, #tpu.memory_space<vmem>>
        %dma_start3A_566 = tpu.memref_squeeze %dma_start3A_565 : memref<1x1x48xi32, #tpu.memory_space<vmem>> -> memref<48xi32, #tpu.memory_space<vmem>>
        %dma_start3A_567 = arith.constant 0 : i32
        %dma_start3A_568 = arith.constant 0 : i32
        %dma_start3A_569 = tpu.memref_slice %arg3[%dma_start3A_567, %dma_start3A_568] : memref<10048x64xi32, #tpu.memory_space<hbm>> -> memref<10048x64xi32, #tpu.memory_space<hbm>>
        %dma_start3A_570 = tpu.memref_slice %arg17[%dma_start3A_559, %dma_start3A_560] : memref<2x4x!tpu.dma_semaphore, #tpu.memory_space<semaphore_mem>> -> memref<1x1x!tpu.dma_semaphore, #tpu.memory_space<semaphore_mem>>
        %dma_start3A_571 = tpu.memref_squeeze %dma_start3A_570 : memref<1x1x!tpu.dma_semaphore, #tpu.memory_space<semaphore_mem>> -> memref<!tpu.dma_semaphore, #tpu.memory_space<semaphore_mem>>
        tpu.enqueue_indirect_dma source(%dma_start3A_569 : memref<10048x64xi32, #tpu.memory_space<hbm>>) target(%dma_start3A_563 : memref<48x64xi32, #tpu.memory_space<vmem>>) offsets(%dma_start3A_566 : memref<48xi32, #tpu.memory_space<vmem>>) semaphore(%dma_start3A_571 : memref<!tpu.dma_semaphore, #tpu.memory_space<semaphore_mem>>)
        %dma_start3A_572 = arith.constant 3 : i32
        %dma_start3A_573 = arith.constant 0 : i32
        %dma_start3A_574 = arith.constant 1 : i32
        %dma_start3A_575 = arith.constant 1 : i32
        %dma_start3A_576 = arith.constant 48 : i32
        %dma_start3A_577 = arith.constant 0 : i32
        %dma_start3A_578 = tpu.memref_slice %arg11[%dma_start3A_576, %dma_start3A_577] : memref<96x64xi32, #tpu.memory_space<vmem>> -> memref<48x64xi32, #tpu.memory_space<vmem>>
        %dma_start3A_579 = arith.constant 48 : i32
        %dma_start3A_580 = tpu.memref_slice %arg9[%dma_start3A_572, %dma_start3A_573, %dma_start3A_579] : memref<4x2x96xi32, #tpu.memory_space<vmem>> -> memref<1x1x48xi32, #tpu.memory_space<vmem>>
        %dma_start3A_581 = tpu.memref_squeeze %dma_start3A_580 : memref<1x1x48xi32, #tpu.memory_space<vmem>> -> memref<48xi32, #tpu.memory_space<vmem>>
        %dma_start3A_582 = arith.constant 0 : i32
        %dma_start3A_583 = arith.constant 0 : i32
        %dma_start3A_584 = tpu.memref_slice %arg2[%dma_start3A_582, %dma_start3A_583] : memref<10048x64xi32, #tpu.memory_space<hbm>> -> memref<10048x64xi32, #tpu.memory_space<hbm>>
        %dma_start3A_585 = tpu.memref_slice %arg17[%dma_start3A_574, %dma_start3A_575] : memref<2x4x!tpu.dma_semaphore, #tpu.memory_space<semaphore_mem>> -> memref<1x1x!tpu.dma_semaphore, #tpu.memory_space<semaphore_mem>>
        %dma_start3A_586 = tpu.memref_squeeze %dma_start3A_585 : memref<1x1x!tpu.dma_semaphore, #tpu.memory_space<semaphore_mem>> -> memref<!tpu.dma_semaphore, #tpu.memory_space<semaphore_mem>>
        tpu.enqueue_indirect_dma source(%dma_start3A_584 : memref<10048x64xi32, #tpu.memory_space<hbm>>) target(%dma_start3A_578 : memref<48x64xi32, #tpu.memory_space<vmem>>) offsets(%dma_start3A_581 : memref<48xi32, #tpu.memory_space<vmem>>) semaphore(%dma_start3A_586 : memref<!tpu.dma_semaphore, #tpu.memory_space<semaphore_mem>>)
        %dma_start3A_587 = arith.constant 3 : i32
        %dma_start3A_588 = arith.constant 1 : i32
        %dma_start3A_589 = arith.constant 1 : i32
        %dma_start3A_590 = arith.constant 3 : i32
        %dma_start3A_591 = arith.constant 48 : i32
        %dma_start3A_592 = arith.constant 0 : i32
        %dma_start3A_593 = tpu.memref_slice %arg13[%dma_start3A_591, %dma_start3A_592] : memref<96x64xi32, #tpu.memory_space<vmem>> -> memref<48x64xi32, #tpu.memory_space<vmem>>
        %dma_start3A_594 = arith.constant 48 : i32
        %dma_start3A_595 = tpu.memref_slice %arg9[%dma_start3A_587, %dma_start3A_588, %dma_start3A_594] : memref<4x2x96xi32, #tpu.memory_space<vmem>> -> memref<1x1x48xi32, #tpu.memory_space<vmem>>
        %dma_start3A_596 = tpu.memref_squeeze %dma_start3A_595 : memref<1x1x48xi32, #tpu.memory_space<vmem>> -> memref<48xi32, #tpu.memory_space<vmem>>
        %dma_start3A_597 = arith.constant 0 : i32
        %dma_start3A_598 = arith.constant 0 : i32
        %dma_start3A_599 = tpu.memref_slice %arg3[%dma_start3A_597, %dma_start3A_598] : memref<10048x64xi32, #tpu.memory_space<hbm>> -> memref<10048x64xi32, #tpu.memory_space<hbm>>
        %dma_start3A_600 = tpu.memref_slice %arg17[%dma_start3A_589, %dma_start3A_590] : memref<2x4x!tpu.dma_semaphore, #tpu.memory_space<semaphore_mem>> -> memref<1x1x!tpu.dma_semaphore, #tpu.memory_space<semaphore_mem>>
        %dma_start3A_601 = tpu.memref_squeeze %dma_start3A_600 : memref<1x1x!tpu.dma_semaphore, #tpu.memory_space<semaphore_mem>> -> memref<!tpu.dma_semaphore, #tpu.memory_space<semaphore_mem>>
        tpu.enqueue_indirect_dma source(%dma_start3A_599 : memref<10048x64xi32, #tpu.memory_space<hbm>>) target(%dma_start3A_593 : memref<48x64xi32, #tpu.memory_space<vmem>>) offsets(%dma_start3A_596 : memref<48xi32, #tpu.memory_space<vmem>>) semaphore(%dma_start3A_601 : memref<!tpu.dma_semaphore, #tpu.memory_space<semaphore_mem>>)
      } else {
      }
      %dma_wait3A_338 = arith.constant 2 : i32
      %dma_wait3A_339 = arith.constant 0 : i32
      %dma_wait3A_340 = arith.constant 0 : i32
      %dma_wait3A_341 = arith.constant 0 : i32
      %dma_wait3A_342 = arith.constant 0 : i32
      %dma_wait3A_343 = arith.constant 0 : i32
      %dma_wait3A_344 = tpu.memref_slice %arg10[%dma_wait3A_342, %dma_wait3A_343] : memref<96x64xi32, #tpu.memory_space<vmem>> -> memref<48x64xi32, #tpu.memory_space<vmem>>
      %dma_wait3A_345 = arith.constant 0 : i32
      %dma_wait3A_346 = tpu.memref_slice %arg9[%dma_wait3A_338, %dma_wait3A_339, %dma_wait3A_345] : memref<4x2x96xi32, #tpu.memory_space<vmem>> -> memref<1x1x48xi32, #tpu.memory_space<vmem>>
      %dma_wait3A_347 = tpu.memref_squeeze %dma_wait3A_346 : memref<1x1x48xi32, #tpu.memory_space<vmem>> -> memref<48xi32, #tpu.memory_space<vmem>>
      %dma_wait3A_348 = arith.constant 0 : i32
      %dma_wait3A_349 = arith.constant 0 : i32
      %dma_wait3A_350 = tpu.memref_slice %arg2[%dma_wait3A_348, %dma_wait3A_349] : memref<10048x64xi32, #tpu.memory_space<hbm>> -> memref<10048x64xi32, #tpu.memory_space<hbm>>
      %dma_wait3A_351 = tpu.memref_slice %arg17[%dma_wait3A_340, %dma_wait3A_341] : memref<2x4x!tpu.dma_semaphore, #tpu.memory_space<semaphore_mem>> -> memref<1x1x!tpu.dma_semaphore, #tpu.memory_space<semaphore_mem>>
      %dma_wait3A_352 = tpu.memref_squeeze %dma_wait3A_351 : memref<1x1x!tpu.dma_semaphore, #tpu.memory_space<semaphore_mem>> -> memref<!tpu.dma_semaphore, #tpu.memory_space<semaphore_mem>>
      tpu.wait_indirect_dma semaphore(%dma_wait3A_352 : memref<!tpu.dma_semaphore, #tpu.memory_space<semaphore_mem>>) src(%dma_wait3A_350 : memref<10048x64xi32, #tpu.memory_space<hbm>>) dst(%dma_wait3A_344 : memref<48x64xi32, #tpu.memory_space<vmem>>)
      %dma_wait3A_353 = arith.constant 2 : i32
      %dma_wait3A_354 = arith.constant 1 : i32
      %dma_wait3A_355 = arith.constant 0 : i32
      %dma_wait3A_356 = arith.constant 2 : i32
      %dma_wait3A_357 = arith.constant 0 : i32
      %dma_wait3A_358 = arith.constant 0 : i32
      %dma_wait3A_359 = tpu.memref_slice %arg12[%dma_wait3A_357, %dma_wait3A_358] : memref<96x64xi32, #tpu.memory_space<vmem>> -> memref<48x64xi32, #tpu.memory_space<vmem>>
      %dma_wait3A_360 = arith.constant 0 : i32
      %dma_wait3A_361 = tpu.memref_slice %arg9[%dma_wait3A_353, %dma_wait3A_354, %dma_wait3A_360] : memref<4x2x96xi32, #tpu.memory_space<vmem>> -> memref<1x1x48xi32, #tpu.memory_space<vmem>>
      %dma_wait3A_362 = tpu.memref_squeeze %dma_wait3A_361 : memref<1x1x48xi32, #tpu.memory_space<vmem>> -> memref<48xi32, #tpu.memory_space<vmem>>
      %dma_wait3A_363 = arith.constant 0 : i32
      %dma_wait3A_364 = arith.constant 0 : i32
      %dma_wait3A_365 = tpu.memref_slice %arg3[%dma_wait3A_363, %dma_wait3A_364] : memref<10048x64xi32, #tpu.memory_space<hbm>> -> memref<10048x64xi32, #tpu.memory_space<hbm>>
      %dma_wait3A_366 = tpu.memref_slice %arg17[%dma_wait3A_355, %dma_wait3A_356] : memref<2x4x!tpu.dma_semaphore, #tpu.memory_space<semaphore_mem>> -> memref<1x1x!tpu.dma_semaphore, #tpu.memory_space<semaphore_mem>>
      %dma_wait3A_367 = tpu.memref_squeeze %dma_wait3A_366 : memref<1x1x!tpu.dma_semaphore, #tpu.memory_space<semaphore_mem>> -> memref<!tpu.dma_semaphore, #tpu.memory_space<semaphore_mem>>
      tpu.wait_indirect_dma semaphore(%dma_wait3A_367 : memref<!tpu.dma_semaphore, #tpu.memory_space<semaphore_mem>>) src(%dma_wait3A_365 : memref<10048x64xi32, #tpu.memory_space<hbm>>) dst(%dma_wait3A_359 : memref<48x64xi32, #tpu.memory_space<vmem>>)
      %dma_wait3A_368 = arith.constant 2 : i32
      %dma_wait3A_369 = arith.constant 0 : i32
      %dma_wait3A_370 = arith.constant 0 : i32
      %dma_wait3A_371 = arith.constant 1 : i32
      %dma_wait3A_372 = arith.constant 48 : i32
      %dma_wait3A_373 = arith.constant 0 : i32
      %dma_wait3A_374 = tpu.memref_slice %arg10[%dma_wait3A_372, %dma_wait3A_373] : memref<96x64xi32, #tpu.memory_space<vmem>> -> memref<48x64xi32, #tpu.memory_space<vmem>>
      %dma_wait3A_375 = arith.constant 48 : i32
      %dma_wait3A_376 = tpu.memref_slice %arg9[%dma_wait3A_368, %dma_wait3A_369, %dma_wait3A_375] : memref<4x2x96xi32, #tpu.memory_space<vmem>> -> memref<1x1x48xi32, #tpu.memory_space<vmem>>
      %dma_wait3A_377 = tpu.memref_squeeze %dma_wait3A_376 : memref<1x1x48xi32, #tpu.memory_space<vmem>> -> memref<48xi32, #tpu.memory_space<vmem>>
      %dma_wait3A_378 = arith.constant 0 : i32
      %dma_wait3A_379 = arith.constant 0 : i32
      %dma_wait3A_380 = tpu.memref_slice %arg2[%dma_wait3A_378, %dma_wait3A_379] : memref<10048x64xi32, #tpu.memory_space<hbm>> -> memref<10048x64xi32, #tpu.memory_space<hbm>>
      %dma_wait3A_381 = tpu.memref_slice %arg17[%dma_wait3A_370, %dma_wait3A_371] : memref<2x4x!tpu.dma_semaphore, #tpu.memory_space<semaphore_mem>> -> memref<1x1x!tpu.dma_semaphore, #tpu.memory_space<semaphore_mem>>
      %dma_wait3A_382 = tpu.memref_squeeze %dma_wait3A_381 : memref<1x1x!tpu.dma_semaphore, #tpu.memory_space<semaphore_mem>> -> memref<!tpu.dma_semaphore, #tpu.memory_space<semaphore_mem>>
      tpu.wait_indirect_dma semaphore(%dma_wait3A_382 : memref<!tpu.dma_semaphore, #tpu.memory_space<semaphore_mem>>) src(%dma_wait3A_380 : memref<10048x64xi32, #tpu.memory_space<hbm>>) dst(%dma_wait3A_374 : memref<48x64xi32, #tpu.memory_space<vmem>>)
      %dma_wait3A_383 = arith.constant 2 : i32
      %dma_wait3A_384 = arith.constant 1 : i32
      %dma_wait3A_385 = arith.constant 0 : i32
      %dma_wait3A_386 = arith.constant 3 : i32
      %dma_wait3A_387 = arith.constant 48 : i32
      %dma_wait3A_388 = arith.constant 0 : i32
      %dma_wait3A_389 = tpu.memref_slice %arg12[%dma_wait3A_387, %dma_wait3A_388] : memref<96x64xi32, #tpu.memory_space<vmem>> -> memref<48x64xi32, #tpu.memory_space<vmem>>
      %dma_wait3A_390 = arith.constant 48 : i32
      %dma_wait3A_391 = tpu.memref_slice %arg9[%dma_wait3A_383, %dma_wait3A_384, %dma_wait3A_390] : memref<4x2x96xi32, #tpu.memory_space<vmem>> -> memref<1x1x48xi32, #tpu.memory_space<vmem>>
      %dma_wait3A_392 = tpu.memref_squeeze %dma_wait3A_391 : memref<1x1x48xi32, #tpu.memory_space<vmem>> -> memref<48xi32, #tpu.memory_space<vmem>>
      %dma_wait3A_393 = arith.constant 0 : i32
      %dma_wait3A_394 = arith.constant 0 : i32
      %dma_wait3A_395 = tpu.memref_slice %arg3[%dma_wait3A_393, %dma_wait3A_394] : memref<10048x64xi32, #tpu.memory_space<hbm>> -> memref<10048x64xi32, #tpu.memory_space<hbm>>
      %dma_wait3A_396 = tpu.memref_slice %arg17[%dma_wait3A_385, %dma_wait3A_386] : memref<2x4x!tpu.dma_semaphore, #tpu.memory_space<semaphore_mem>> -> memref<1x1x!tpu.dma_semaphore, #tpu.memory_space<semaphore_mem>>
      %dma_wait3A_397 = tpu.memref_squeeze %dma_wait3A_396 : memref<1x1x!tpu.dma_semaphore, #tpu.memory_space<semaphore_mem>> -> memref<!tpu.dma_semaphore, #tpu.memory_space<semaphore_mem>>
      tpu.wait_indirect_dma semaphore(%dma_wait3A_397 : memref<!tpu.dma_semaphore, #tpu.memory_space<semaphore_mem>>) src(%dma_wait3A_395 : memref<10048x64xi32, #tpu.memory_space<hbm>>) dst(%dma_wait3A_389 : memref<48x64xi32, #tpu.memory_space<vmem>>)
      %gt3A_398 = arith.constant 0 : i32
      %gt3A_399 = arith.cmpi sgt, %add3A_330, %gt3A_398 : i32
      %convert_element_type3A_400 = arith.extui %gt3A_399 : i1 to i32
      %cond3A_401 = arith.constant 0 : i32
      %cond3A_402 = arith.cmpi ne, %convert_element_type3A_400, %cond3A_401 : i32
      scf.if %cond3A_402 {
        %dma_wait3A_521 = arith.constant 1 : i32
        %dma_wait3A_522 = arith.constant 1 : i32
        %dma_wait3A_523 = arith.constant 0 : i32
        %dma_wait3A_524 = tpu.memref_slice %arg9[%dma_wait3A_521, %dma_wait3A_522, %dma_wait3A_523] : memref<4x2x96xi32, #tpu.memory_space<vmem>> -> memref<1x1x96xi32, #tpu.memory_space<vmem>>
        %dma_wait3A_525 = tpu.memref_squeeze %dma_wait3A_524 : memref<1x1x96xi32, #tpu.memory_space<vmem>> -> memref<96xi32, #tpu.memory_space<vmem>>
        %dma_wait3A_526 = arith.constant 0 : i32
        %dma_wait3A_527 = arith.constant 0 : i32
        %dma_wait3A_528 = tpu.memref_slice %arg8[%dma_wait3A_526, %dma_wait3A_527] : memref<10048x136xf32, #tpu.memory_space<vmem_shared>> -> memref<10048x136xf32, #tpu.memory_space<vmem_shared>>
        tpu.wait_indirect_dma semaphore(%arg18 : memref<!tpu.dma_semaphore, #tpu.memory_space<semaphore_mem>>) src(%arg14 : memref<96x136xf32, #tpu.memory_space<vmem>>) dst(%dma_wait3A_528 : memref<10048x136xf32, #tpu.memory_space<vmem_shared>>)
      } else {
      }
      %scan3A_403 = arith.constant 0 : i32
      %scan3A_404 = arith.constant 0 : i32
      %scan3A_405 = arith.constant 8 : i32
      %scan3A_406 = arith.addi %scan3A_404, %scan3A_405 : i32
      %scan3A_407 = arith.constant 1 : i32
      scf.for %scan3A_521 = %scan3A_404 to %scan3A_406 step %scan3A_407  : i32 {
        %mul3A_522 = arith.constant 16 : i32
        %mul3A_523 = arith.muli %scan3A_521, %mul3A_522 : i32
        %add3A_524 = arith.constant 0 : i32
        %add3A_525 = arith.addi %mul3A_523, %add3A_524 : i32
        %get3A = arith.index_cast %add3A_525 : i32 to index
        %get3A_526 = arith.constant 0 : index
        %get3A_527 = tpu.vector_load %arg15[%get3A, %get3A_526] {strides = array<i32>} : memref<128x16xf32, #tpu.memory_space<vmem>>, vector<16xf32>,
        %mul3A_528 = arith.constant 16 : i32
        %mul3A_529 = arith.muli %scan3A_521, %mul3A_528 : i32
        %add3A_530 = arith.constant 2 : i32
        %add3A_531 = arith.addi %mul3A_529, %add3A_530 : i32
        %get3A_532 = arith.index_cast %add3A_531 : i32 to index
        %get3A_533 = arith.constant 0 : index
        %get3A_534 = tpu.vector_load %arg15[%get3A_532, %get3A_533] {strides = array<i32>} : memref<128x16xf32, #tpu.memory_space<vmem>>, vector<16xf32>,
        %mul3A_535 = arith.constant 16 : i32
        %mul3A_536 = arith.muli %scan3A_521, %mul3A_535 : i32
        %add3A_537 = arith.constant 4 : i32
        %add3A_538 = arith.addi %mul3A_536, %add3A_537 : i32
        %get3A_539 = arith.index_cast %add3A_538 : i32 to index
        %get3A_540 = arith.constant 0 : index
        %get3A_541 = tpu.vector_load %arg15[%get3A_539, %get3A_540] {strides = array<i32>} : memref<128x16xf32, #tpu.memory_space<vmem>>, vector<16xf32>,
        %mul3A_542 = arith.constant 16 : i32
        %mul3A_543 = arith.muli %scan3A_521, %mul3A_542 : i32
        %add3A_544 = arith.constant 6 : i32
        %add3A_545 = arith.addi %mul3A_543, %add3A_544 : i32
        %get3A_546 = arith.index_cast %add3A_545 : i32 to index
        %get3A_547 = arith.constant 0 : index
        %get3A_548 = tpu.vector_load %arg15[%get3A_546, %get3A_547] {strides = array<i32>} : memref<128x16xf32, #tpu.memory_space<vmem>>, vector<16xf32>,
        %mul3A_549 = arith.constant 16 : i32
        %mul3A_550 = arith.muli %scan3A_521, %mul3A_549 : i32
        %add3A_551 = arith.constant 8 : i32
        %add3A_552 = arith.addi %mul3A_550, %add3A_551 : i32
        %get3A_553 = arith.index_cast %add3A_552 : i32 to index
        %get3A_554 = arith.constant 0 : index
        %get3A_555 = tpu.vector_load %arg15[%get3A_553, %get3A_554] {strides = array<i32>} : memref<128x16xf32, #tpu.memory_space<vmem>>, vector<16xf32>,
        %mul3A_556 = arith.constant 16 : i32
        %mul3A_557 = arith.muli %scan3A_521, %mul3A_556 : i32
        %add3A_558 = arith.constant 10 : i32
        %add3A_559 = arith.addi %mul3A_557, %add3A_558 : i32
        %get3A_560 = arith.index_cast %add3A_559 : i32 to index
        %get3A_561 = arith.constant 0 : index
        %get3A_562 = tpu.vector_load %arg15[%get3A_560, %get3A_561] {strides = array<i32>} : memref<128x16xf32, #tpu.memory_space<vmem>>, vector<16xf32>,
        %mul3A_563 = arith.constant 16 : i32
        %mul3A_564 = arith.muli %scan3A_521, %mul3A_563 : i32
        %add3A_565 = arith.constant 12 : i32
        %add3A_566 = arith.addi %mul3A_564, %add3A_565 : i32
        %get3A_567 = arith.index_cast %add3A_566 : i32 to index
        %get3A_568 = arith.constant 0 : index
        %get3A_569 = tpu.vector_load %arg15[%get3A_567, %get3A_568] {strides = array<i32>} : memref<128x16xf32, #tpu.memory_space<vmem>>, vector<16xf32>,
        %mul3A_570 = arith.constant 16 : i32
        %mul3A_571 = arith.muli %scan3A_521, %mul3A_570 : i32
        %add3A_572 = arith.constant 14 : i32
        %add3A_573 = arith.addi %mul3A_571, %add3A_572 : i32
        %get3A_574 = arith.index_cast %add3A_573 : i32 to index
        %get3A_575 = arith.constant 0 : index
        %get3A_576 = tpu.vector_load %arg15[%get3A_574, %get3A_575] {strides = array<i32>} : memref<128x16xf32, #tpu.memory_space<vmem>>, vector<16xf32>,
        %mul3A_577 = arith.constant 16 : i32
        %mul3A_578 = arith.muli %scan3A_521, %mul3A_577 : i32
        %add3A_579 = arith.constant 0 : i32
        %add3A_580 = arith.addi %mul3A_578, %add3A_579 : i32
        %add3A_581 = arith.constant 1 : i32
        %add3A_582 = arith.addi %add3A_580, %add3A_581 : i32
        %get3A_583 = arith.index_cast %add3A_582 : i32 to index
        %get3A_584 = arith.constant 0 : index
        %get3A_585 = tpu.vector_load %arg15[%get3A_583, %get3A_584] {strides = array<i32>} : memref<128x16xf32, #tpu.memory_space<vmem>>, vector<16xf32>,
        %mul3A_586 = arith.constant 16 : i32
        %mul3A_587 = arith.muli %scan3A_521, %mul3A_586 : i32
        %add3A_588 = arith.constant 2 : i32
        %add3A_589 = arith.addi %mul3A_587, %add3A_588 : i32
        %add3A_590 = arith.constant 1 : i32
        %add3A_591 = arith.addi %add3A_589, %add3A_590 : i32
        %get3A_592 = arith.index_cast %add3A_591 : i32 to index
        %get3A_593 = arith.constant 0 : index
        %get3A_594 = tpu.vector_load %arg15[%get3A_592, %get3A_593] {strides = array<i32>} : memref<128x16xf32, #tpu.memory_space<vmem>>, vector<16xf32>,
        %mul3A_595 = arith.constant 16 : i32
        %mul3A_596 = arith.muli %scan3A_521, %mul3A_595 : i32
        %add3A_597 = arith.constant 4 : i32
        %add3A_598 = arith.addi %mul3A_596, %add3A_597 : i32
        %add3A_599 = arith.constant 1 : i32
        %add3A_600 = arith.addi %add3A_598, %add3A_599 : i32
        %get3A_601 = arith.index_cast %add3A_600 : i32 to index
        %get3A_602 = arith.constant 0 : index
        %get3A_603 = tpu.vector_load %arg15[%get3A_601, %get3A_602] {strides = array<i32>} : memref<128x16xf32, #tpu.memory_space<vmem>>, vector<16xf32>,
        %mul3A_604 = arith.constant 16 : i32
        %mul3A_605 = arith.muli %scan3A_521, %mul3A_604 : i32
        %add3A_606 = arith.constant 6 : i32
        %add3A_607 = arith.addi %mul3A_605, %add3A_606 : i32
        %add3A_608 = arith.constant 1 : i32
        %add3A_609 = arith.addi %add3A_607, %add3A_608 : i32
        %get3A_610 = arith.index_cast %add3A_609 : i32 to index
        %get3A_611 = arith.constant 0 : index
        %get3A_612 = tpu.vector_load %arg15[%get3A_610, %get3A_611] {strides = array<i32>} : memref<128x16xf32, #tpu.memory_space<vmem>>, vector<16xf32>,
        %mul3A_613 = arith.constant 16 : i32
        %mul3A_614 = arith.muli %scan3A_521, %mul3A_613 : i32
        %add3A_615 = arith.constant 8 : i32
        %add3A_616 = arith.addi %mul3A_614, %add3A_615 : i32
        %add3A_617 = arith.constant 1 : i32
        %add3A_618 = arith.addi %add3A_616, %add3A_617 : i32
        %get3A_619 = arith.index_cast %add3A_618 : i32 to index
        %get3A_620 = arith.constant 0 : index
        %get3A_621 = tpu.vector_load %arg15[%get3A_619, %get3A_620] {strides = array<i32>} : memref<128x16xf32, #tpu.memory_space<vmem>>, vector<16xf32>,
        %mul3A_622 = arith.constant 16 : i32
        %mul3A_623 = arith.muli %scan3A_521, %mul3A_622 : i32
        %add3A_624 = arith.constant 10 : i32
        %add3A_625 = arith.addi %mul3A_623, %add3A_624 : i32
        %add3A_626 = arith.constant 1 : i32
        %add3A_627 = arith.addi %add3A_625, %add3A_626 : i32
        %get3A_628 = arith.index_cast %add3A_627 : i32 to index
        %get3A_629 = arith.constant 0 : index
        %get3A_630 = tpu.vector_load %arg15[%get3A_628, %get3A_629] {strides = array<i32>} : memref<128x16xf32, #tpu.memory_space<vmem>>, vector<16xf32>,
        %mul3A_631 = arith.constant 16 : i32
        %mul3A_632 = arith.muli %scan3A_521, %mul3A_631 : i32
        %add3A_633 = arith.constant 12 : i32
        %add3A_634 = arith.addi %mul3A_632, %add3A_633 : i32
        %add3A_635 = arith.constant 1 : i32
        %add3A_636 = arith.addi %add3A_634, %add3A_635 : i32
        %get3A_637 = arith.index_cast %add3A_636 : i32 to index
        %get3A_638 = arith.constant 0 : index
        %get3A_639 = tpu.vector_load %arg15[%get3A_637, %get3A_638] {strides = array<i32>} : memref<128x16xf32, #tpu.memory_space<vmem>>, vector<16xf32>,
        %mul3A_640 = arith.constant 16 : i32
        %mul3A_641 = arith.muli %scan3A_521, %mul3A_640 : i32
        %add3A_642 = arith.constant 14 : i32
        %add3A_643 = arith.addi %mul3A_641, %add3A_642 : i32
        %add3A_644 = arith.constant 1 : i32
        %add3A_645 = arith.addi %add3A_643, %add3A_644 : i32
        %get3A_646 = arith.index_cast %add3A_645 : i32 to index
        %get3A_647 = arith.constant 0 : index
        %get3A_648 = tpu.vector_load %arg15[%get3A_646, %get3A_647] {strides = array<i32>} : memref<128x16xf32, #tpu.memory_space<vmem>>, vector<16xf32>,
        %add3A_649 = arith.constant 128 : i32
        %add3A_650 = arith.addi %add3A_649, %scan3A_521 : i32
        %broadcast_in_dim3A_651 = vector.broadcast %add3A_650 : i32 to vector<16xi32>
        %mul3A_652 = arith.constant 16 : i32
        %mul3A_653 = arith.muli %scan3A_521, %mul3A_652 : i32
        %scan3A_654 = arith.constant 0 : i32
        %scan3A_655 = arith.constant 6 : i32
        %scan3A_656 = arith.addi %scan3A_654, %scan3A_655 : i32
        %scan3A_657 = arith.constant 1 : i32
        scf.for %scan3A_659 = %scan3A_654 to %scan3A_656 step %scan3A_657  : i32 {
          %mul3A_660 = arith.constant 16 : i32
          %mul3A_661 = arith.muli %scan3A_659, %mul3A_660 : i32
          %add3A_662 = vector.broadcast %mul3A_661 : i32 to vector<16xi32>
          %add3A_663 = arith.addi %add3A_662, %iota3A : vector<16xi32>
          %add3A_664 = arith.constant 0 : i32
          %add3A_665 = vector.broadcast %add3A_664 : i32 to vector<16xi32>
          %add3A_666 = arith.addi %iota3A, %add3A_665 : vector<16xi32>
          %and3A = arith.constant 7 : i32
          %and3A_667 = vector.broadcast %and3A : i32 to vector<16xi32>
          %and3A_668 = arith.andi %add3A_666, %and3A_667 : vector<16xi32>
          %mul3A_669 = arith.constant 8 : i32
          %mul3A_670 = arith.muli %mul3A_669, %scan3A_521 : i32
          %add3A_671 = vector.broadcast %mul3A_670 : i32 to vector<16xi32>
          %add3A_672 = arith.addi %and3A_668, %add3A_671 : vector<16xi32>
          %gather3A = tpu.vector_load_idx %arg10[%add3A_663, %add3A_672] : memref<96x64xi32, #tpu.memory_space<vmem>>[vector<16xi32>, vector<16xi32>], vector<16xi32>,
          %gather3A_673 = tpu.vector_load_idx %arg12[%add3A_663, %add3A_672] : memref<96x64xi32, #tpu.memory_space<vmem>>[vector<16xi32>, vector<16xi32>], vector<16xi32>,
          %bitcast3A = vector.bitcast %gather3A : vector<16xi32> to vector<32xbf16>
          %unpack3A = tpu.unpack_subelements %bitcast3A, 0 {pack_format = #tpu.pack_format<interleaved>} : vector<32xbf16> -> vector<16xf32>
          %unpack3A_674 = tpu.unpack_subelements %bitcast3A, 1 {pack_format = #tpu.pack_format<interleaved>} : vector<32xbf16> -> vector<16xf32>
          %bitcast3A_675 = vector.bitcast %gather3A_673 : vector<16xi32> to vector<32xbf16>
          %unpack3A_676 = tpu.unpack_subelements %bitcast3A_675, 0 {pack_format = #tpu.pack_format<interleaved>} : vector<32xbf16> -> vector<16xf32>
          %unpack3A_677 = tpu.unpack_subelements %bitcast3A_675, 1 {pack_format = #tpu.pack_format<interleaved>} : vector<32xbf16> -> vector<16xf32>
          %add3A_678 = arith.addf %unpack3A, %unpack3A_676 : vector<16xf32>
          %mul3A_679 = arith.constant 2.000000e-01 : f32
          %mul3A_680 = vector.broadcast %mul3A_679 : f32 to vector<16xf32>
          %mul3A_681 = arith.mulf %mul3A_680, %add3A_678 : vector<16xf32>
          %max3A = arith.maximumf %add3A_678, %mul3A_681 : vector<16xf32>
          %add3A_682 = arith.addf %unpack3A_674, %unpack3A_677 : vector<16xf32>
          %mul3A_683 = arith.constant 2.000000e-01 : f32
          %mul3A_684 = vector.broadcast %mul3A_683 : f32 to vector<16xf32>
          %mul3A_685 = arith.mulf %mul3A_684, %add3A_682 : vector<16xf32>
          %max3A_686 = arith.maximumf %add3A_682, %mul3A_685 : vector<16xf32>
          %mul3A_687 = arith.mulf %max3A, %get3A_527 : vector<16xf32>
          %add3A_688 = arith.addf %broadcast_in_dim3A_3, %mul3A_687 : vector<16xf32>
          %mul3A_689 = arith.mulf %max3A_686, %get3A_585 : vector<16xf32>
          %add3A_690 = arith.addf %broadcast_in_dim3A_3, %mul3A_689 : vector<16xf32>
          %mul3A_691 = arith.constant 2 : i32
          %mul3A_692 = vector.broadcast %mul3A_691 : i32 to vector<16xi32>
          %mul3A_693 = arith.muli %mul3A_692, %and3A_668 : vector<16xi32>
          %add3A_694 = vector.broadcast %mul3A_653 : i32 to vector<16xi32>
          %add3A_695 = arith.addi %mul3A_693, %add3A_694 : vector<16xi32>
          %add3A_696 = arith.constant 1 : i32
          %add3A_697 = vector.broadcast %add3A_696 : i32 to vector<16xi32>
          %add3A_698 = arith.addi %iota3A, %add3A_697 : vector<16xi32>
          %and3A_699 = arith.constant 7 : i32
          %and3A_700 = vector.broadcast %and3A_699 : i32 to vector<16xi32>
          %and3A_701 = arith.andi %add3A_698, %and3A_700 : vector<16xi32>
          %mul3A_702 = arith.constant 8 : i32
          %mul3A_703 = arith.muli %mul3A_702, %scan3A_521 : i32
          %add3A_704 = vector.broadcast %mul3A_703 : i32 to vector<16xi32>
          %add3A_705 = arith.addi %and3A_701, %add3A_704 : vector<16xi32>
          %gather3A_706 = tpu.vector_load_idx %arg10[%add3A_663, %add3A_705] : memref<96x64xi32, #tpu.memory_space<vmem>>[vector<16xi32>, vector<16xi32>], vector<16xi32>,
          %gather3A_707 = tpu.vector_load_idx %arg12[%add3A_663, %add3A_705] : memref<96x64xi32, #tpu.memory_space<vmem>>[vector<16xi32>, vector<16xi32>], vector<16xi32>,
          %bitcast3A_708 = vector.bitcast %gather3A_706 : vector<16xi32> to vector<32xbf16>
          %unpack3A_709 = tpu.unpack_subelements %bitcast3A_708, 0 {pack_format = #tpu.pack_format<interleaved>} : vector<32xbf16> -> vector<16xf32>
          %unpack3A_710 = tpu.unpack_subelements %bitcast3A_708, 1 {pack_format = #tpu.pack_format<interleaved>} : vector<32xbf16> -> vector<16xf32>
          %bitcast3A_711 = vector.bitcast %gather3A_707 : vector<16xi32> to vector<32xbf16>
          %unpack3A_712 = tpu.unpack_subelements %bitcast3A_711, 0 {pack_format = #tpu.pack_format<interleaved>} : vector<32xbf16> -> vector<16xf32>
          %unpack3A_713 = tpu.unpack_subelements %bitcast3A_711, 1 {pack_format = #tpu.pack_format<interleaved>} : vector<32xbf16> -> vector<16xf32>
          %add3A_714 = arith.addf %unpack3A_709, %unpack3A_712 : vector<16xf32>
          %mul3A_715 = arith.constant 2.000000e-01 : f32
          %mul3A_716 = vector.broadcast %mul3A_715 : f32 to vector<16xf32>
          %mul3A_717 = arith.mulf %mul3A_716, %add3A_714 : vector<16xf32>
          %max3A_718 = arith.maximumf %add3A_714, %mul3A_717 : vector<16xf32>
          %add3A_719 = arith.addf %unpack3A_710, %unpack3A_713 : vector<16xf32>
          %mul3A_720 = arith.constant 2.000000e-01 : f32
          %mul3A_721 = vector.broadcast %mul3A_720 : f32 to vector<16xf32>
          %mul3A_722 = arith.mulf %mul3A_721, %add3A_719 : vector<16xf32>
          %max3A_723 = arith.maximumf %add3A_719, %mul3A_722 : vector<16xf32>
          %mul3A_724 = arith.mulf %max3A_718, %get3A_534 : vector<16xf32>
          %add3A_725 = arith.addf %broadcast_in_dim3A_3, %mul3A_724 : vector<16xf32>
          %mul3A_726 = arith.mulf %max3A_723, %get3A_594 : vector<16xf32>
          %add3A_727 = arith.addf %broadcast_in_dim3A_3, %mul3A_726 : vector<16xf32>
          %mul3A_728 = arith.constant 2 : i32
          %mul3A_729 = vector.broadcast %mul3A_728 : i32 to vector<16xi32>
          %mul3A_730 = arith.muli %mul3A_729, %and3A_701 : vector<16xi32>
          %add3A_731 = vector.broadcast %mul3A_653 : i32 to vector<16xi32>
          %add3A_732 = arith.addi %mul3A_730, %add3A_731 : vector<16xi32>
          %add3A_733 = arith.constant 2 : i32
          %add3A_734 = vector.broadcast %add3A_733 : i32 to vector<16xi32>
          %add3A_735 = arith.addi %iota3A, %add3A_734 : vector<16xi32>
          %and3A_736 = arith.constant 7 : i32
          %and3A_737 = vector.broadcast %and3A_736 : i32 to vector<16xi32>
          %and3A_738 = arith.andi %add3A_735, %and3A_737 : vector<16xi32>
          %mul3A_739 = arith.constant 8 : i32
          %mul3A_740 = arith.muli %mul3A_739, %scan3A_521 : i32
          %add3A_741 = vector.broadcast %mul3A_740 : i32 to vector<16xi32>
          %add3A_742 = arith.addi %and3A_738, %add3A_741 : vector<16xi32>
          %gather3A_743 = tpu.vector_load_idx %arg10[%add3A_663, %add3A_742] : memref<96x64xi32, #tpu.memory_space<vmem>>[vector<16xi32>, vector<16xi32>], vector<16xi32>,
          %gather3A_744 = tpu.vector_load_idx %arg12[%add3A_663, %add3A_742] : memref<96x64xi32, #tpu.memory_space<vmem>>[vector<16xi32>, vector<16xi32>], vector<16xi32>,
          %bitcast3A_745 = vector.bitcast %gather3A_743 : vector<16xi32> to vector<32xbf16>
          %unpack3A_746 = tpu.unpack_subelements %bitcast3A_745, 0 {pack_format = #tpu.pack_format<interleaved>} : vector<32xbf16> -> vector<16xf32>
          %unpack3A_747 = tpu.unpack_subelements %bitcast3A_745, 1 {pack_format = #tpu.pack_format<interleaved>} : vector<32xbf16> -> vector<16xf32>
          %bitcast3A_748 = vector.bitcast %gather3A_744 : vector<16xi32> to vector<32xbf16>
          %unpack3A_749 = tpu.unpack_subelements %bitcast3A_748, 0 {pack_format = #tpu.pack_format<interleaved>} : vector<32xbf16> -> vector<16xf32>
          %unpack3A_750 = tpu.unpack_subelements %bitcast3A_748, 1 {pack_format = #tpu.pack_format<interleaved>} : vector<32xbf16> -> vector<16xf32>
          %add3A_751 = arith.addf %unpack3A_746, %unpack3A_749 : vector<16xf32>
          %mul3A_752 = arith.constant 2.000000e-01 : f32
          %mul3A_753 = vector.broadcast %mul3A_752 : f32 to vector<16xf32>
          %mul3A_754 = arith.mulf %mul3A_753, %add3A_751 : vector<16xf32>
          %max3A_755 = arith.maximumf %add3A_751, %mul3A_754 : vector<16xf32>
          %add3A_756 = arith.addf %unpack3A_747, %unpack3A_750 : vector<16xf32>
          %mul3A_757 = arith.constant 2.000000e-01 : f32
          %mul3A_758 = vector.broadcast %mul3A_757 : f32 to vector<16xf32>
          %mul3A_759 = arith.mulf %mul3A_758, %add3A_756 : vector<16xf32>
          %max3A_760 = arith.maximumf %add3A_756, %mul3A_759 : vector<16xf32>
          %mul3A_761 = arith.mulf %max3A_755, %get3A_541 : vector<16xf32>
          %add3A_762 = arith.addf %add3A_690, %mul3A_761 : vector<16xf32>
          %mul3A_763 = arith.mulf %max3A_760, %get3A_603 : vector<16xf32>
          %add3A_764 = arith.addf %add3A_688, %mul3A_763 : vector<16xf32>
          %mul3A_765 = arith.constant 2 : i32
          %mul3A_766 = vector.broadcast %mul3A_765 : i32 to vector<16xi32>
          %mul3A_767 = arith.muli %mul3A_766, %and3A_738 : vector<16xi32>
          %add3A_768 = vector.broadcast %mul3A_653 : i32 to vector<16xi32>
          %add3A_769 = arith.addi %mul3A_767, %add3A_768 : vector<16xi32>
          %add3A_770 = arith.constant 3 : i32
          %add3A_771 = vector.broadcast %add3A_770 : i32 to vector<16xi32>
          %add3A_772 = arith.addi %iota3A, %add3A_771 : vector<16xi32>
          %and3A_773 = arith.constant 7 : i32
          %and3A_774 = vector.broadcast %and3A_773 : i32 to vector<16xi32>
          %and3A_775 = arith.andi %add3A_772, %and3A_774 : vector<16xi32>
          %mul3A_776 = arith.constant 8 : i32
          %mul3A_777 = arith.muli %mul3A_776, %scan3A_521 : i32
          %add3A_778 = vector.broadcast %mul3A_777 : i32 to vector<16xi32>
          %add3A_779 = arith.addi %and3A_775, %add3A_778 : vector<16xi32>
          %gather3A_780 = tpu.vector_load_idx %arg10[%add3A_663, %add3A_779] : memref<96x64xi32, #tpu.memory_space<vmem>>[vector<16xi32>, vector<16xi32>], vector<16xi32>,
          %gather3A_781 = tpu.vector_load_idx %arg12[%add3A_663, %add3A_779] : memref<96x64xi32, #tpu.memory_space<vmem>>[vector<16xi32>, vector<16xi32>], vector<16xi32>,
          %bitcast3A_782 = vector.bitcast %gather3A_780 : vector<16xi32> to vector<32xbf16>
          %unpack3A_783 = tpu.unpack_subelements %bitcast3A_782, 0 {pack_format = #tpu.pack_format<interleaved>} : vector<32xbf16> -> vector<16xf32>
          %unpack3A_784 = tpu.unpack_subelements %bitcast3A_782, 1 {pack_format = #tpu.pack_format<interleaved>} : vector<32xbf16> -> vector<16xf32>
          %bitcast3A_785 = vector.bitcast %gather3A_781 : vector<16xi32> to vector<32xbf16>
          %unpack3A_786 = tpu.unpack_subelements %bitcast3A_785, 0 {pack_format = #tpu.pack_format<interleaved>} : vector<32xbf16> -> vector<16xf32>
          %unpack3A_787 = tpu.unpack_subelements %bitcast3A_785, 1 {pack_format = #tpu.pack_format<interleaved>} : vector<32xbf16> -> vector<16xf32>
          %add3A_788 = arith.addf %unpack3A_783, %unpack3A_786 : vector<16xf32>
          %mul3A_789 = arith.constant 2.000000e-01 : f32
          %mul3A_790 = vector.broadcast %mul3A_789 : f32 to vector<16xf32>
          %mul3A_791 = arith.mulf %mul3A_790, %add3A_788 : vector<16xf32>
          %max3A_792 = arith.maximumf %add3A_788, %mul3A_791 : vector<16xf32>
          %add3A_793 = arith.addf %unpack3A_784, %unpack3A_787 : vector<16xf32>
          %mul3A_794 = arith.constant 2.000000e-01 : f32
          %mul3A_795 = vector.broadcast %mul3A_794 : f32 to vector<16xf32>
          %mul3A_796 = arith.mulf %mul3A_795, %add3A_793 : vector<16xf32>
          %max3A_797 = arith.maximumf %add3A_793, %mul3A_796 : vector<16xf32>
          %mul3A_798 = arith.mulf %max3A_792, %get3A_548 : vector<16xf32>
          %add3A_799 = arith.addf %add3A_727, %mul3A_798 : vector<16xf32>
          %mul3A_800 = arith.mulf %max3A_797, %get3A_612 : vector<16xf32>
          %add3A_801 = arith.addf %add3A_725, %mul3A_800 : vector<16xf32>
          %mul3A_802 = arith.constant 2 : i32
          %mul3A_803 = vector.broadcast %mul3A_802 : i32 to vector<16xi32>
          %mul3A_804 = arith.muli %mul3A_803, %and3A_775 : vector<16xi32>
          %add3A_805 = vector.broadcast %mul3A_653 : i32 to vector<16xi32>
          %add3A_806 = arith.addi %mul3A_804, %add3A_805 : vector<16xi32>
          %add3A_807 = arith.constant 4 : i32
          %add3A_808 = vector.broadcast %add3A_807 : i32 to vector<16xi32>
          %add3A_809 = arith.addi %iota3A, %add3A_808 : vector<16xi32>
          %and3A_810 = arith.constant 7 : i32
          %and3A_811 = vector.broadcast %and3A_810 : i32 to vector<16xi32>
          %and3A_812 = arith.andi %add3A_809, %and3A_811 : vector<16xi32>
          %mul3A_813 = arith.constant 8 : i32
          %mul3A_814 = arith.muli %mul3A_813, %scan3A_521 : i32
          %add3A_815 = vector.broadcast %mul3A_814 : i32 to vector<16xi32>
          %add3A_816 = arith.addi %and3A_812, %add3A_815 : vector<16xi32>
          %gather3A_817 = tpu.vector_load_idx %arg10[%add3A_663, %add3A_816] : memref<96x64xi32, #tpu.memory_space<vmem>>[vector<16xi32>, vector<16xi32>], vector<16xi32>,
          %gather3A_818 = tpu.vector_load_idx %arg12[%add3A_663, %add3A_816] : memref<96x64xi32, #tpu.memory_space<vmem>>[vector<16xi32>, vector<16xi32>], vector<16xi32>,
          %bitcast3A_819 = vector.bitcast %gather3A_817 : vector<16xi32> to vector<32xbf16>
          %unpack3A_820 = tpu.unpack_subelements %bitcast3A_819, 0 {pack_format = #tpu.pack_format<interleaved>} : vector<32xbf16> -> vector<16xf32>
          %unpack3A_821 = tpu.unpack_subelements %bitcast3A_819, 1 {pack_format = #tpu.pack_format<interleaved>} : vector<32xbf16> -> vector<16xf32>
          %bitcast3A_822 = vector.bitcast %gather3A_818 : vector<16xi32> to vector<32xbf16>
          %unpack3A_823 = tpu.unpack_subelements %bitcast3A_822, 0 {pack_format = #tpu.pack_format<interleaved>} : vector<32xbf16> -> vector<16xf32>
          %unpack3A_824 = tpu.unpack_subelements %bitcast3A_822, 1 {pack_format = #tpu.pack_format<interleaved>} : vector<32xbf16> -> vector<16xf32>
          %add3A_825 = arith.addf %unpack3A_820, %unpack3A_823 : vector<16xf32>
          %mul3A_826 = arith.constant 2.000000e-01 : f32
          %mul3A_827 = vector.broadcast %mul3A_826 : f32 to vector<16xf32>
          %mul3A_828 = arith.mulf %mul3A_827, %add3A_825 : vector<16xf32>
          %max3A_829 = arith.maximumf %add3A_825, %mul3A_828 : vector<16xf32>
          %add3A_830 = arith.addf %unpack3A_821, %unpack3A_824 : vector<16xf32>
          %mul3A_831 = arith.constant 2.000000e-01 : f32
          %mul3A_832 = vector.broadcast %mul3A_831 : f32 to vector<16xf32>
          %mul3A_833 = arith.mulf %mul3A_832, %add3A_830 : vector<16xf32>
          %max3A_834 = arith.maximumf %add3A_830, %mul3A_833 : vector<16xf32>
          %mul3A_835 = arith.mulf %max3A_829, %get3A_555 : vector<16xf32>
          %add3A_836 = arith.addf %add3A_764, %mul3A_835 : vector<16xf32>
          %mul3A_837 = arith.mulf %max3A_834, %get3A_621 : vector<16xf32>
          %add3A_838 = arith.addf %add3A_762, %mul3A_837 : vector<16xf32>
          %mul3A_839 = arith.constant 2 : i32
          %mul3A_840 = vector.broadcast %mul3A_839 : i32 to vector<16xi32>
          %mul3A_841 = arith.muli %mul3A_840, %and3A_812 : vector<16xi32>
          %add3A_842 = vector.broadcast %mul3A_653 : i32 to vector<16xi32>
          %add3A_843 = arith.addi %mul3A_841, %add3A_842 : vector<16xi32>
          %add3A_844 = arith.constant 5 : i32
          %add3A_845 = vector.broadcast %add3A_844 : i32 to vector<16xi32>
          %add3A_846 = arith.addi %iota3A, %add3A_845 : vector<16xi32>
          %and3A_847 = arith.constant 7 : i32
          %and3A_848 = vector.broadcast %and3A_847 : i32 to vector<16xi32>
          %and3A_849 = arith.andi %add3A_846, %and3A_848 : vector<16xi32>
          %mul3A_850 = arith.constant 8 : i32
          %mul3A_851 = arith.muli %mul3A_850, %scan3A_521 : i32
          %add3A_852 = vector.broadcast %mul3A_851 : i32 to vector<16xi32>
          %add3A_853 = arith.addi %and3A_849, %add3A_852 : vector<16xi32>
          %gather3A_854 = tpu.vector_load_idx %arg10[%add3A_663, %add3A_853] : memref<96x64xi32, #tpu.memory_space<vmem>>[vector<16xi32>, vector<16xi32>], vector<16xi32>,
          %gather3A_855 = tpu.vector_load_idx %arg12[%add3A_663, %add3A_853] : memref<96x64xi32, #tpu.memory_space<vmem>>[vector<16xi32>, vector<16xi32>], vector<16xi32>,
          %bitcast3A_856 = vector.bitcast %gather3A_854 : vector<16xi32> to vector<32xbf16>
          %unpack3A_857 = tpu.unpack_subelements %bitcast3A_856, 0 {pack_format = #tpu.pack_format<interleaved>} : vector<32xbf16> -> vector<16xf32>
          %unpack3A_858 = tpu.unpack_subelements %bitcast3A_856, 1 {pack_format = #tpu.pack_format<interleaved>} : vector<32xbf16> -> vector<16xf32>
          %bitcast3A_859 = vector.bitcast %gather3A_855 : vector<16xi32> to vector<32xbf16>
          %unpack3A_860 = tpu.unpack_subelements %bitcast3A_859, 0 {pack_format = #tpu.pack_format<interleaved>} : vector<32xbf16> -> vector<16xf32>
          %unpack3A_861 = tpu.unpack_subelements %bitcast3A_859, 1 {pack_format = #tpu.pack_format<interleaved>} : vector<32xbf16> -> vector<16xf32>
          %add3A_862 = arith.addf %unpack3A_857, %unpack3A_860 : vector<16xf32>
          %mul3A_863 = arith.constant 2.000000e-01 : f32
          %mul3A_864 = vector.broadcast %mul3A_863 : f32 to vector<16xf32>
          %mul3A_865 = arith.mulf %mul3A_864, %add3A_862 : vector<16xf32>
          %max3A_866 = arith.maximumf %add3A_862, %mul3A_865 : vector<16xf32>
          %add3A_867 = arith.addf %unpack3A_858, %unpack3A_861 : vector<16xf32>
          %mul3A_868 = arith.constant 2.000000e-01 : f32
          %mul3A_869 = vector.broadcast %mul3A_868 : f32 to vector<16xf32>
          %mul3A_870 = arith.mulf %mul3A_869, %add3A_867 : vector<16xf32>
          %max3A_871 = arith.maximumf %add3A_867, %mul3A_870 : vector<16xf32>
          %mul3A_872 = arith.mulf %max3A_866, %get3A_562 : vector<16xf32>
          %add3A_873 = arith.addf %add3A_801, %mul3A_872 : vector<16xf32>
          %mul3A_874 = arith.mulf %max3A_871, %get3A_630 : vector<16xf32>
          %add3A_875 = arith.addf %add3A_799, %mul3A_874 : vector<16xf32>
          %mul3A_876 = arith.constant 2 : i32
          %mul3A_877 = vector.broadcast %mul3A_876 : i32 to vector<16xi32>
          %mul3A_878 = arith.muli %mul3A_877, %and3A_849 : vector<16xi32>
          %add3A_879 = vector.broadcast %mul3A_653 : i32 to vector<16xi32>
          %add3A_880 = arith.addi %mul3A_878, %add3A_879 : vector<16xi32>
          %add3A_881 = arith.constant 6 : i32
          %add3A_882 = vector.broadcast %add3A_881 : i32 to vector<16xi32>
          %add3A_883 = arith.addi %iota3A, %add3A_882 : vector<16xi32>
          %and3A_884 = arith.constant 7 : i32
          %and3A_885 = vector.broadcast %and3A_884 : i32 to vector<16xi32>
          %and3A_886 = arith.andi %add3A_883, %and3A_885 : vector<16xi32>
          %mul3A_887 = arith.constant 8 : i32
          %mul3A_888 = arith.muli %mul3A_887, %scan3A_521 : i32
          %add3A_889 = vector.broadcast %mul3A_888 : i32 to vector<16xi32>
          %add3A_890 = arith.addi %and3A_886, %add3A_889 : vector<16xi32>
          %gather3A_891 = tpu.vector_load_idx %arg10[%add3A_663, %add3A_890] : memref<96x64xi32, #tpu.memory_space<vmem>>[vector<16xi32>, vector<16xi32>], vector<16xi32>,
          %gather3A_892 = tpu.vector_load_idx %arg12[%add3A_663, %add3A_890] : memref<96x64xi32, #tpu.memory_space<vmem>>[vector<16xi32>, vector<16xi32>], vector<16xi32>,
          %bitcast3A_893 = vector.bitcast %gather3A_891 : vector<16xi32> to vector<32xbf16>
          %unpack3A_894 = tpu.unpack_subelements %bitcast3A_893, 0 {pack_format = #tpu.pack_format<interleaved>} : vector<32xbf16> -> vector<16xf32>
          %unpack3A_895 = tpu.unpack_subelements %bitcast3A_893, 1 {pack_format = #tpu.pack_format<interleaved>} : vector<32xbf16> -> vector<16xf32>
          %bitcast3A_896 = vector.bitcast %gather3A_892 : vector<16xi32> to vector<32xbf16>
          %unpack3A_897 = tpu.unpack_subelements %bitcast3A_896, 0 {pack_format = #tpu.pack_format<interleaved>} : vector<32xbf16> -> vector<16xf32>
          %unpack3A_898 = tpu.unpack_subelements %bitcast3A_896, 1 {pack_format = #tpu.pack_format<interleaved>} : vector<32xbf16> -> vector<16xf32>
          %add3A_899 = arith.addf %unpack3A_894, %unpack3A_897 : vector<16xf32>
          %mul3A_900 = arith.constant 2.000000e-01 : f32
          %mul3A_901 = vector.broadcast %mul3A_900 : f32 to vector<16xf32>
          %mul3A_902 = arith.mulf %mul3A_901, %add3A_899 : vector<16xf32>
          %max3A_903 = arith.maximumf %add3A_899, %mul3A_902 : vector<16xf32>
          %add3A_904 = arith.addf %unpack3A_895, %unpack3A_898 : vector<16xf32>
          %mul3A_905 = arith.constant 2.000000e-01 : f32
          %mul3A_906 = vector.broadcast %mul3A_905 : f32 to vector<16xf32>
          %mul3A_907 = arith.mulf %mul3A_906, %add3A_904 : vector<16xf32>
          %max3A_908 = arith.maximumf %add3A_904, %mul3A_907 : vector<16xf32>
          %mul3A_909 = arith.mulf %max3A_903, %get3A_569 : vector<16xf32>
          %add3A_910 = arith.addf %add3A_838, %mul3A_909 : vector<16xf32>
          %mul3A_911 = arith.mulf %max3A_908, %get3A_639 : vector<16xf32>
          %add3A_912 = arith.addf %add3A_836, %mul3A_911 : vector<16xf32>
          %mul3A_913 = arith.constant 2 : i32
          %mul3A_914 = vector.broadcast %mul3A_913 : i32 to vector<16xi32>
          %mul3A_915 = arith.muli %mul3A_914, %and3A_886 : vector<16xi32>
          %add3A_916 = vector.broadcast %mul3A_653 : i32 to vector<16xi32>
          %add3A_917 = arith.addi %mul3A_915, %add3A_916 : vector<16xi32>
          %add3A_918 = arith.constant 7 : i32
          %add3A_919 = vector.broadcast %add3A_918 : i32 to vector<16xi32>
          %add3A_920 = arith.addi %iota3A, %add3A_919 : vector<16xi32>
          %and3A_921 = arith.constant 7 : i32
          %and3A_922 = vector.broadcast %and3A_921 : i32 to vector<16xi32>
          %and3A_923 = arith.andi %add3A_920, %and3A_922 : vector<16xi32>
          %mul3A_924 = arith.constant 8 : i32
          %mul3A_925 = arith.muli %mul3A_924, %scan3A_521 : i32
          %add3A_926 = vector.broadcast %mul3A_925 : i32 to vector<16xi32>
          %add3A_927 = arith.addi %and3A_923, %add3A_926 : vector<16xi32>
          %gather3A_928 = tpu.vector_load_idx %arg10[%add3A_663, %add3A_927] : memref<96x64xi32, #tpu.memory_space<vmem>>[vector<16xi32>, vector<16xi32>], vector<16xi32>,
          %gather3A_929 = tpu.vector_load_idx %arg12[%add3A_663, %add3A_927] : memref<96x64xi32, #tpu.memory_space<vmem>>[vector<16xi32>, vector<16xi32>], vector<16xi32>,
          %bitcast3A_930 = vector.bitcast %gather3A_928 : vector<16xi32> to vector<32xbf16>
          %unpack3A_931 = tpu.unpack_subelements %bitcast3A_930, 0 {pack_format = #tpu.pack_format<interleaved>} : vector<32xbf16> -> vector<16xf32>
          %unpack3A_932 = tpu.unpack_subelements %bitcast3A_930, 1 {pack_format = #tpu.pack_format<interleaved>} : vector<32xbf16> -> vector<16xf32>
          %bitcast3A_933 = vector.bitcast %gather3A_929 : vector<16xi32> to vector<32xbf16>
          %unpack3A_934 = tpu.unpack_subelements %bitcast3A_933, 0 {pack_format = #tpu.pack_format<interleaved>} : vector<32xbf16> -> vector<16xf32>
          %unpack3A_935 = tpu.unpack_subelements %bitcast3A_933, 1 {pack_format = #tpu.pack_format<interleaved>} : vector<32xbf16> -> vector<16xf32>
          %add3A_936 = arith.addf %unpack3A_931, %unpack3A_934 : vector<16xf32>
          %mul3A_937 = arith.constant 2.000000e-01 : f32
          %mul3A_938 = vector.broadcast %mul3A_937 : f32 to vector<16xf32>
          %mul3A_939 = arith.mulf %mul3A_938, %add3A_936 : vector<16xf32>
          %max3A_940 = arith.maximumf %add3A_936, %mul3A_939 : vector<16xf32>
          %add3A_941 = arith.addf %unpack3A_932, %unpack3A_935 : vector<16xf32>
          %mul3A_942 = arith.constant 2.000000e-01 : f32
          %mul3A_943 = vector.broadcast %mul3A_942 : f32 to vector<16xf32>
          %mul3A_944 = arith.mulf %mul3A_943, %add3A_941 : vector<16xf32>
          %max3A_945 = arith.maximumf %add3A_941, %mul3A_944 : vector<16xf32>
          %mul3A_946 = arith.mulf %max3A_940, %get3A_576 : vector<16xf32>
          %add3A_947 = arith.addf %add3A_875, %mul3A_946 : vector<16xf32>
          %mul3A_948 = arith.mulf %max3A_945, %get3A_648 : vector<16xf32>
          %add3A_949 = arith.addf %add3A_873, %mul3A_948 : vector<16xf32>
          %mul3A_950 = arith.constant 2 : i32
          %mul3A_951 = vector.broadcast %mul3A_950 : i32 to vector<16xi32>
          %mul3A_952 = arith.muli %mul3A_951, %and3A_923 : vector<16xi32>
          %add3A_953 = vector.broadcast %mul3A_653 : i32 to vector<16xi32>
          %add3A_954 = arith.addi %mul3A_952, %add3A_953 : vector<16xi32>
          %add3A_955 = arith.addf %add3A_912, %add3A_949 : vector<16xf32>
          %add3A_956 = arith.addf %add3A_910, %add3A_947 : vector<16xf32>
          %add3A_957 = arith.addf %add3A_955, %add3A_956 : vector<16xf32>
          %exp3A = math.exp %add3A_957 : vector<16xf32>
          tpu.vector_store_idx %arg14[%add3A_663, %broadcast_in_dim3A_651], %exp3A : memref<96x136xf32, #tpu.memory_space<vmem>>[vector<16xi32>, vector<16xi32>], vector<16xf32>,
          %mul3A_958 = arith.mulf %unpack3A, %exp3A : vector<16xf32>
          tpu.vector_store_idx %arg14[%add3A_663, %add3A_695], %mul3A_958 : memref<96x136xf32, #tpu.memory_space<vmem>>[vector<16xi32>, vector<16xi32>], vector<16xf32>,
          %add3A_959 = arith.constant 1 : i32
          %add3A_960 = vector.broadcast %add3A_959 : i32 to vector<16xi32>
          %add3A_961 = arith.addi %add3A_695, %add3A_960 : vector<16xi32>
          %mul3A_962 = arith.mulf %unpack3A_674, %exp3A : vector<16xf32>
          tpu.vector_store_idx %arg14[%add3A_663, %add3A_961], %mul3A_962 : memref<96x136xf32, #tpu.memory_space<vmem>>[vector<16xi32>, vector<16xi32>], vector<16xf32>,
          %mul3A_963 = arith.mulf %unpack3A_709, %exp3A : vector<16xf32>
          tpu.vector_store_idx %arg14[%add3A_663, %add3A_732], %mul3A_963 : memref<96x136xf32, #tpu.memory_space<vmem>>[vector<16xi32>, vector<16xi32>], vector<16xf32>,
          %add3A_964 = arith.constant 1 : i32
          %add3A_965 = vector.broadcast %add3A_964 : i32 to vector<16xi32>
          %add3A_966 = arith.addi %add3A_732, %add3A_965 : vector<16xi32>
          %mul3A_967 = arith.mulf %unpack3A_710, %exp3A : vector<16xf32>
          tpu.vector_store_idx %arg14[%add3A_663, %add3A_966], %mul3A_967 : memref<96x136xf32, #tpu.memory_space<vmem>>[vector<16xi32>, vector<16xi32>], vector<16xf32>,
          %mul3A_968 = arith.mulf %unpack3A_746, %exp3A : vector<16xf32>
          tpu.vector_store_idx %arg14[%add3A_663, %add3A_769], %mul3A_968 : memref<96x136xf32, #tpu.memory_space<vmem>>[vector<16xi32>, vector<16xi32>], vector<16xf32>,
          %add3A_969 = arith.constant 1 : i32
          %add3A_970 = vector.broadcast %add3A_969 : i32 to vector<16xi32>
          %add3A_971 = arith.addi %add3A_769, %add3A_970 : vector<16xi32>
          %mul3A_972 = arith.mulf %unpack3A_747, %exp3A : vector<16xf32>
          tpu.vector_store_idx %arg14[%add3A_663, %add3A_971], %mul3A_972 : memref<96x136xf32, #tpu.memory_space<vmem>>[vector<16xi32>, vector<16xi32>], vector<16xf32>,
          %mul3A_973 = arith.mulf %unpack3A_783, %exp3A : vector<16xf32>
          tpu.vector_store_idx %arg14[%add3A_663, %add3A_806], %mul3A_973 : memref<96x136xf32, #tpu.memory_space<vmem>>[vector<16xi32>, vector<16xi32>], vector<16xf32>,
          %add3A_974 = arith.constant 1 : i32
          %add3A_975 = vector.broadcast %add3A_974 : i32 to vector<16xi32>
          %add3A_976 = arith.addi %add3A_806, %add3A_975 : vector<16xi32>
          %mul3A_977 = arith.mulf %unpack3A_784, %exp3A : vector<16xf32>
          tpu.vector_store_idx %arg14[%add3A_663, %add3A_976], %mul3A_977 : memref<96x136xf32, #tpu.memory_space<vmem>>[vector<16xi32>, vector<16xi32>], vector<16xf32>,
          %mul3A_978 = arith.mulf %unpack3A_820, %exp3A : vector<16xf32>
          tpu.vector_store_idx %arg14[%add3A_663, %add3A_843], %mul3A_978 : memref<96x136xf32, #tpu.memory_space<vmem>>[vector<16xi32>, vector<16xi32>], vector<16xf32>,
          %add3A_979 = arith.constant 1 : i32
          %add3A_980 = vector.broadcast %add3A_979 : i32 to vector<16xi32>
          %add3A_981 = arith.addi %add3A_843, %add3A_980 : vector<16xi32>
          %mul3A_982 = arith.mulf %unpack3A_821, %exp3A : vector<16xf32>
          tpu.vector_store_idx %arg14[%add3A_663, %add3A_981], %mul3A_982 : memref<96x136xf32, #tpu.memory_space<vmem>>[vector<16xi32>, vector<16xi32>], vector<16xf32>,
          %mul3A_983 = arith.mulf %unpack3A_857, %exp3A : vector<16xf32>
          tpu.vector_store_idx %arg14[%add3A_663, %add3A_880], %mul3A_983 : memref<96x136xf32, #tpu.memory_space<vmem>>[vector<16xi32>, vector<16xi32>], vector<16xf32>,
          %add3A_984 = arith.constant 1 : i32
          %add3A_985 = vector.broadcast %add3A_984 : i32 to vector<16xi32>
          %add3A_986 = arith.addi %add3A_880, %add3A_985 : vector<16xi32>
          %mul3A_987 = arith.mulf %unpack3A_858, %exp3A : vector<16xf32>
          tpu.vector_store_idx %arg14[%add3A_663, %add3A_986], %mul3A_987 : memref<96x136xf32, #tpu.memory_space<vmem>>[vector<16xi32>, vector<16xi32>], vector<16xf32>,
          %mul3A_988 = arith.mulf %unpack3A_894, %exp3A : vector<16xf32>
          tpu.vector_store_idx %arg14[%add3A_663, %add3A_917], %mul3A_988 : memref<96x136xf32, #tpu.memory_space<vmem>>[vector<16xi32>, vector<16xi32>], vector<16xf32>,
          %add3A_989 = arith.constant 1 : i32
          %add3A_990 = vector.broadcast %add3A_989 : i32 to vector<16xi32>
          %add3A_991 = arith.addi %add3A_917, %add3A_990 : vector<16xi32>
          %mul3A_992 = arith.mulf %unpack3A_895, %exp3A : vector<16xf32>
          tpu.vector_store_idx %arg14[%add3A_663, %add3A_991], %mul3A_992 : memref<96x136xf32, #tpu.memory_space<vmem>>[vector<16xi32>, vector<16xi32>], vector<16xf32>,
          %mul3A_993 = arith.mulf %unpack3A_931, %exp3A : vector<16xf32>
          tpu.vector_store_idx %arg14[%add3A_663, %add3A_954], %mul3A_993 : memref<96x136xf32, #tpu.memory_space<vmem>>[vector<16xi32>, vector<16xi32>], vector<16xf32>,
          %add3A_994 = arith.constant 1 : i32
          %add3A_995 = vector.broadcast %add3A_994 : i32 to vector<16xi32>
          %add3A_996 = arith.addi %add3A_954, %add3A_995 : vector<16xi32>
          %mul3A_997 = arith.mulf %unpack3A_932, %exp3A : vector<16xf32>
          tpu.vector_store_idx %arg14[%add3A_663, %add3A_996], %mul3A_997 : memref<96x136xf32, #tpu.memory_space<vmem>>[vector<16xi32>, vector<16xi32>], vector<16xf32>,
        }
        %scan3A_658 = arith.constant 6 : i32
      }
      %scan3A_408 = arith.constant 8 : i32
      %dma_start3A_409 = arith.constant 2 : i32
      %dma_start3A_410 = arith.constant 1 : i32
      %dma_start3A_411 = arith.constant 0 : i32
      %dma_start3A_412 = tpu.memref_slice %arg9[%dma_start3A_409, %dma_start3A_410, %dma_start3A_411] : memref<4x2x96xi32, #tpu.memory_space<vmem>> -> memref<1x1x96xi32, #tpu.memory_space<vmem>>
      %dma_start3A_413 = tpu.memref_squeeze %dma_start3A_412 : memref<1x1x96xi32, #tpu.memory_space<vmem>> -> memref<96xi32, #tpu.memory_space<vmem>>
      %dma_start3A_414 = arith.constant 0 : i32
      %dma_start3A_415 = arith.constant 0 : i32
      %dma_start3A_416 = tpu.memref_slice %arg8[%dma_start3A_414, %dma_start3A_415] : memref<10048x136xf32, #tpu.memory_space<vmem_shared>> -> memref<10048x136xf32, #tpu.memory_space<vmem_shared>>
      tpu.enqueue_indirect_dma source(%arg14 : memref<96x136xf32, #tpu.memory_space<vmem>>) target(%dma_start3A_416 : memref<10048x136xf32, #tpu.memory_space<vmem_shared>>) offsets(%dma_start3A_413 : memref<96xi32, #tpu.memory_space<vmem>>) semaphore(%arg18 : memref<!tpu.dma_semaphore, #tpu.memory_space<semaphore_mem>>) {add = true}
      %add3A_417 = arith.constant 2 : i32
      %add3A_418 = arith.addi %add3A_330, %add3A_417 : i32
      %lt3A_419 = arith.constant 108 : i32
      %lt3A_420 = arith.cmpi slt, %add3A_418, %lt3A_419 : i32
      %convert_element_type3A_421 = arith.extui %lt3A_420 : i1 to i32
      %cond3A_422 = arith.constant 0 : i32
      %cond3A_423 = arith.cmpi ne, %convert_element_type3A_421, %cond3A_422 : i32
      scf.if %cond3A_423 {
        %add3A_521 = arith.constant 2 : i32
        %add3A_522 = arith.addi %add3A_330, %add3A_521 : i32
        %mul3A_523 = arith.constant 96 : i32
        %mul3A_524 = arith.muli %add3A_522, %mul3A_523 : i32
        %add3A_525 = arith.addi %mul3A_2, %mul3A_524 : i32
        %dma_start3A_526 = arith.constant 0 : i32
        %dma_start3A_527 = arith.constant 0 : i32
        %dma_start3A_528 = arith.constant 0 : i32
        %dma_start3A_529 = arith.constant 0 : i32
        %dma_start3A_530 = tpu.memref_slice %arg9[%dma_start3A_526, %dma_start3A_528, %dma_start3A_529] : memref<4x2x96xi32, #tpu.memory_space<vmem>> -> memref<1x2x96xi32, #tpu.memory_space<vmem>>
        %dma_start3A_531 = tpu.memref_squeeze %dma_start3A_530 : memref<1x2x96xi32, #tpu.memory_space<vmem>> -> memref<2x96xi32, #tpu.memory_space<vmem>>
        %dma_start3A_532 = arith.constant 0 : i32
        %dma_start3A_533 = tpu.memref_slice %arg5[%dma_start3A_532, %add3A_525] : memref<2x331776xi32, #tpu.memory_space<hbm>> -> memref<2x96xi32, #tpu.memory_space<hbm>>
        %dma_start3A_534 = tpu.memref_slice %arg16[%dma_start3A_527] : memref<4x!tpu.dma_semaphore, #tpu.memory_space<semaphore_mem>> -> memref<1x!tpu.dma_semaphore, #tpu.memory_space<semaphore_mem>>
        %dma_start3A_535 = tpu.memref_squeeze %dma_start3A_534 : memref<1x!tpu.dma_semaphore, #tpu.memory_space<semaphore_mem>> -> memref<!tpu.dma_semaphore, #tpu.memory_space<semaphore_mem>>
        %dma_start3A_536 = arith.constant 0 : i32
        %dma_start3A_537 = arith.constant 0 : i32
        %dma_start3A_538 = tpu.memref_slice %arg9[%dma_start3A_526, %dma_start3A_536, %dma_start3A_537] : memref<4x2x96xi32, #tpu.memory_space<vmem>> -> memref<1x2x96xi32, #tpu.memory_space<vmem>>
        %dma_start3A_539 = tpu.memref_squeeze %dma_start3A_538 : memref<1x2x96xi32, #tpu.memory_space<vmem>> -> memref<2x96xi32, #tpu.memory_space<vmem>>
        %dma_start3A_540 = arith.constant 0 : i32
        %dma_start3A_541 = tpu.memref_slice %arg5[%dma_start3A_540, %add3A_525] : memref<2x331776xi32, #tpu.memory_space<hbm>> -> memref<2x96xi32, #tpu.memory_space<hbm>>
        tpu.enqueue_dma source(%dma_start3A_541 : memref<2x96xi32, #tpu.memory_space<hbm>>) target(%dma_start3A_539 : memref<2x96xi32, #tpu.memory_space<vmem>>) target_semaphore(%dma_start3A_535 : memref<!tpu.dma_semaphore, #tpu.memory_space<semaphore_mem>>)
      } else {
      }
      %mul3A_424 = arith.constant 4 : i32
      %mul3A_425 = arith.muli %scan3A_136, %mul3A_424 : i32
      %add3A_426 = arith.constant 3 : i32
      %add3A_427 = arith.addi %mul3A_425, %add3A_426 : i32
      %add3A_428 = arith.constant 1 : i32
      %add3A_429 = arith.addi %add3A_427, %add3A_428 : i32
      %lt3A_430 = arith.constant 108 : i32
      %lt3A_431 = arith.cmpi slt, %add3A_429, %lt3A_430 : i32
      %convert_element_type3A_432 = arith.extui %lt3A_431 : i1 to i32
      %cond3A_433 = arith.constant 0 : i32
      %cond3A_434 = arith.cmpi ne, %convert_element_type3A_432, %cond3A_433 : i32
      scf.if %cond3A_434 {
        %add3A_521 = arith.constant 1 : i32
        %add3A_522 = arith.addi %add3A_427, %add3A_521 : i32
        %mul3A_523 = arith.constant 96 : i32
        %mul3A_524 = arith.muli %add3A_522, %mul3A_523 : i32
        %add3A_525 = arith.addi %mul3A_2, %mul3A_524 : i32
        %dma_wait3A_526 = arith.constant 0 : i32
        %dma_wait3A_527 = arith.constant 0 : i32
        %dma_wait3A_528 = arith.constant 0 : i32
        %dma_wait3A_529 = arith.constant 0 : i32
        %dma_wait3A_530 = tpu.memref_slice %arg9[%dma_wait3A_526, %dma_wait3A_528, %dma_wait3A_529] : memref<4x2x96xi32, #tpu.memory_space<vmem>> -> memref<1x2x96xi32, #tpu.memory_space<vmem>>
        %dma_wait3A_531 = tpu.memref_squeeze %dma_wait3A_530 : memref<1x2x96xi32, #tpu.memory_space<vmem>> -> memref<2x96xi32, #tpu.memory_space<vmem>>
        %dma_wait3A_532 = arith.constant 0 : i32
        %dma_wait3A_533 = tpu.memref_slice %arg5[%dma_wait3A_532, %add3A_525] : memref<2x331776xi32, #tpu.memory_space<hbm>> -> memref<2x96xi32, #tpu.memory_space<hbm>>
        %dma_wait3A_534 = tpu.memref_slice %arg16[%dma_wait3A_527] : memref<4x!tpu.dma_semaphore, #tpu.memory_space<semaphore_mem>> -> memref<1x!tpu.dma_semaphore, #tpu.memory_space<semaphore_mem>>
        %dma_wait3A_535 = tpu.memref_squeeze %dma_wait3A_534 : memref<1x!tpu.dma_semaphore, #tpu.memory_space<semaphore_mem>> -> memref<!tpu.dma_semaphore, #tpu.memory_space<semaphore_mem>>
        %dma_wait3A_536 = arith.constant 0 : i32
        %dma_wait3A_537 = arith.constant 0 : i32
        %dma_wait3A_538 = tpu.memref_slice %arg9[%dma_wait3A_526, %dma_wait3A_536, %dma_wait3A_537] : memref<4x2x96xi32, #tpu.memory_space<vmem>> -> memref<1x2x96xi32, #tpu.memory_space<vmem>>
        %dma_wait3A_539 = tpu.memref_squeeze %dma_wait3A_538 : memref<1x2x96xi32, #tpu.memory_space<vmem>> -> memref<2x96xi32, #tpu.memory_space<vmem>>
        %dma_wait3A_540 = arith.constant 0 : i32
        %dma_wait3A_541 = tpu.memref_slice %arg5[%dma_wait3A_540, %add3A_525] : memref<2x331776xi32, #tpu.memory_space<hbm>> -> memref<2x96xi32, #tpu.memory_space<hbm>>
        tpu.wait_dma2 semaphore(%dma_wait3A_535 : memref<!tpu.dma_semaphore, #tpu.memory_space<semaphore_mem>>) src(%dma_wait3A_541 : memref<2x96xi32, #tpu.memory_space<hbm>>) dst(%dma_wait3A_539 : memref<2x96xi32, #tpu.memory_space<vmem>>)
        %dma_start3A_542 = arith.constant 0 : i32
        %dma_start3A_543 = arith.constant 0 : i32
        %dma_start3A_544 = arith.constant 0 : i32
        %dma_start3A_545 = arith.constant 0 : i32
        %dma_start3A_546 = arith.constant 0 : i32
        %dma_start3A_547 = arith.constant 0 : i32
        %dma_start3A_548 = tpu.memref_slice %arg10[%dma_start3A_546, %dma_start3A_547] : memref<96x64xi32, #tpu.memory_space<vmem>> -> memref<48x64xi32, #tpu.memory_space<vmem>>
        %dma_start3A_549 = arith.constant 0 : i32
        %dma_start3A_550 = tpu.memref_slice %arg9[%dma_start3A_542, %dma_start3A_543, %dma_start3A_549] : memref<4x2x96xi32, #tpu.memory_space<vmem>> -> memref<1x1x48xi32, #tpu.memory_space<vmem>>
        %dma_start3A_551 = tpu.memref_squeeze %dma_start3A_550 : memref<1x1x48xi32, #tpu.memory_space<vmem>> -> memref<48xi32, #tpu.memory_space<vmem>>
        %dma_start3A_552 = arith.constant 0 : i32
        %dma_start3A_553 = arith.constant 0 : i32
        %dma_start3A_554 = tpu.memref_slice %arg2[%dma_start3A_552, %dma_start3A_553] : memref<10048x64xi32, #tpu.memory_space<hbm>> -> memref<10048x64xi32, #tpu.memory_space<hbm>>
        %dma_start3A_555 = tpu.memref_slice %arg17[%dma_start3A_544, %dma_start3A_545] : memref<2x4x!tpu.dma_semaphore, #tpu.memory_space<semaphore_mem>> -> memref<1x1x!tpu.dma_semaphore, #tpu.memory_space<semaphore_mem>>
        %dma_start3A_556 = tpu.memref_squeeze %dma_start3A_555 : memref<1x1x!tpu.dma_semaphore, #tpu.memory_space<semaphore_mem>> -> memref<!tpu.dma_semaphore, #tpu.memory_space<semaphore_mem>>
        tpu.enqueue_indirect_dma source(%dma_start3A_554 : memref<10048x64xi32, #tpu.memory_space<hbm>>) target(%dma_start3A_548 : memref<48x64xi32, #tpu.memory_space<vmem>>) offsets(%dma_start3A_551 : memref<48xi32, #tpu.memory_space<vmem>>) semaphore(%dma_start3A_556 : memref<!tpu.dma_semaphore, #tpu.memory_space<semaphore_mem>>)
        %dma_start3A_557 = arith.constant 0 : i32
        %dma_start3A_558 = arith.constant 1 : i32
        %dma_start3A_559 = arith.constant 0 : i32
        %dma_start3A_560 = arith.constant 2 : i32
        %dma_start3A_561 = arith.constant 0 : i32
        %dma_start3A_562 = arith.constant 0 : i32
        %dma_start3A_563 = tpu.memref_slice %arg12[%dma_start3A_561, %dma_start3A_562] : memref<96x64xi32, #tpu.memory_space<vmem>> -> memref<48x64xi32, #tpu.memory_space<vmem>>
        %dma_start3A_564 = arith.constant 0 : i32
        %dma_start3A_565 = tpu.memref_slice %arg9[%dma_start3A_557, %dma_start3A_558, %dma_start3A_564] : memref<4x2x96xi32, #tpu.memory_space<vmem>> -> memref<1x1x48xi32, #tpu.memory_space<vmem>>
        %dma_start3A_566 = tpu.memref_squeeze %dma_start3A_565 : memref<1x1x48xi32, #tpu.memory_space<vmem>> -> memref<48xi32, #tpu.memory_space<vmem>>
        %dma_start3A_567 = arith.constant 0 : i32
        %dma_start3A_568 = arith.constant 0 : i32
        %dma_start3A_569 = tpu.memref_slice %arg3[%dma_start3A_567, %dma_start3A_568] : memref<10048x64xi32, #tpu.memory_space<hbm>> -> memref<10048x64xi32, #tpu.memory_space<hbm>>
        %dma_start3A_570 = tpu.memref_slice %arg17[%dma_start3A_559, %dma_start3A_560] : memref<2x4x!tpu.dma_semaphore, #tpu.memory_space<semaphore_mem>> -> memref<1x1x!tpu.dma_semaphore, #tpu.memory_space<semaphore_mem>>
        %dma_start3A_571 = tpu.memref_squeeze %dma_start3A_570 : memref<1x1x!tpu.dma_semaphore, #tpu.memory_space<semaphore_mem>> -> memref<!tpu.dma_semaphore, #tpu.memory_space<semaphore_mem>>
        tpu.enqueue_indirect_dma source(%dma_start3A_569 : memref<10048x64xi32, #tpu.memory_space<hbm>>) target(%dma_start3A_563 : memref<48x64xi32, #tpu.memory_space<vmem>>) offsets(%dma_start3A_566 : memref<48xi32, #tpu.memory_space<vmem>>) semaphore(%dma_start3A_571 : memref<!tpu.dma_semaphore, #tpu.memory_space<semaphore_mem>>)
        %dma_start3A_572 = arith.constant 0 : i32
        %dma_start3A_573 = arith.constant 0 : i32
        %dma_start3A_574 = arith.constant 0 : i32
        %dma_start3A_575 = arith.constant 1 : i32
        %dma_start3A_576 = arith.constant 48 : i32
        %dma_start3A_577 = arith.constant 0 : i32
        %dma_start3A_578 = tpu.memref_slice %arg10[%dma_start3A_576, %dma_start3A_577] : memref<96x64xi32, #tpu.memory_space<vmem>> -> memref<48x64xi32, #tpu.memory_space<vmem>>
        %dma_start3A_579 = arith.constant 48 : i32
        %dma_start3A_580 = tpu.memref_slice %arg9[%dma_start3A_572, %dma_start3A_573, %dma_start3A_579] : memref<4x2x96xi32, #tpu.memory_space<vmem>> -> memref<1x1x48xi32, #tpu.memory_space<vmem>>
        %dma_start3A_581 = tpu.memref_squeeze %dma_start3A_580 : memref<1x1x48xi32, #tpu.memory_space<vmem>> -> memref<48xi32, #tpu.memory_space<vmem>>
        %dma_start3A_582 = arith.constant 0 : i32
        %dma_start3A_583 = arith.constant 0 : i32
        %dma_start3A_584 = tpu.memref_slice %arg2[%dma_start3A_582, %dma_start3A_583] : memref<10048x64xi32, #tpu.memory_space<hbm>> -> memref<10048x64xi32, #tpu.memory_space<hbm>>
        %dma_start3A_585 = tpu.memref_slice %arg17[%dma_start3A_574, %dma_start3A_575] : memref<2x4x!tpu.dma_semaphore, #tpu.memory_space<semaphore_mem>> -> memref<1x1x!tpu.dma_semaphore, #tpu.memory_space<semaphore_mem>>
        %dma_start3A_586 = tpu.memref_squeeze %dma_start3A_585 : memref<1x1x!tpu.dma_semaphore, #tpu.memory_space<semaphore_mem>> -> memref<!tpu.dma_semaphore, #tpu.memory_space<semaphore_mem>>
        tpu.enqueue_indirect_dma source(%dma_start3A_584 : memref<10048x64xi32, #tpu.memory_space<hbm>>) target(%dma_start3A_578 : memref<48x64xi32, #tpu.memory_space<vmem>>) offsets(%dma_start3A_581 : memref<48xi32, #tpu.memory_space<vmem>>) semaphore(%dma_start3A_586 : memref<!tpu.dma_semaphore, #tpu.memory_space<semaphore_mem>>)
        %dma_start3A_587 = arith.constant 0 : i32
        %dma_start3A_588 = arith.constant 1 : i32
        %dma_start3A_589 = arith.constant 0 : i32
        %dma_start3A_590 = arith.constant 3 : i32
        %dma_start3A_591 = arith.constant 48 : i32
        %dma_start3A_592 = arith.constant 0 : i32
        %dma_start3A_593 = tpu.memref_slice %arg12[%dma_start3A_591, %dma_start3A_592] : memref<96x64xi32, #tpu.memory_space<vmem>> -> memref<48x64xi32, #tpu.memory_space<vmem>>
        %dma_start3A_594 = arith.constant 48 : i32
        %dma_start3A_595 = tpu.memref_slice %arg9[%dma_start3A_587, %dma_start3A_588, %dma_start3A_594] : memref<4x2x96xi32, #tpu.memory_space<vmem>> -> memref<1x1x48xi32, #tpu.memory_space<vmem>>
        %dma_start3A_596 = tpu.memref_squeeze %dma_start3A_595 : memref<1x1x48xi32, #tpu.memory_space<vmem>> -> memref<48xi32, #tpu.memory_space<vmem>>
        %dma_start3A_597 = arith.constant 0 : i32
        %dma_start3A_598 = arith.constant 0 : i32
        %dma_start3A_599 = tpu.memref_slice %arg3[%dma_start3A_597, %dma_start3A_598] : memref<10048x64xi32, #tpu.memory_space<hbm>> -> memref<10048x64xi32, #tpu.memory_space<hbm>>
        %dma_start3A_600 = tpu.memref_slice %arg17[%dma_start3A_589, %dma_start3A_590] : memref<2x4x!tpu.dma_semaphore, #tpu.memory_space<semaphore_mem>> -> memref<1x1x!tpu.dma_semaphore, #tpu.memory_space<semaphore_mem>>
        %dma_start3A_601 = tpu.memref_squeeze %dma_start3A_600 : memref<1x1x!tpu.dma_semaphore, #tpu.memory_space<semaphore_mem>> -> memref<!tpu.dma_semaphore, #tpu.memory_space<semaphore_mem>>
        tpu.enqueue_indirect_dma source(%dma_start3A_599 : memref<10048x64xi32, #tpu.memory_space<hbm>>) target(%dma_start3A_593 : memref<48x64xi32, #tpu.memory_space<vmem>>) offsets(%dma_start3A_596 : memref<48xi32, #tpu.memory_space<vmem>>) semaphore(%dma_start3A_601 : memref<!tpu.dma_semaphore, #tpu.memory_space<semaphore_mem>>)
      } else {
      }
      %dma_wait3A_435 = arith.constant 3 : i32
      %dma_wait3A_436 = arith.constant 0 : i32
      %dma_wait3A_437 = arith.constant 1 : i32
      %dma_wait3A_438 = arith.constant 0 : i32
      %dma_wait3A_439 = arith.constant 0 : i32
      %dma_wait3A_440 = arith.constant 0 : i32
      %dma_wait3A_441 = tpu.memref_slice %arg11[%dma_wait3A_439, %dma_wait3A_440] : memref<96x64xi32, #tpu.memory_space<vmem>> -> memref<48x64xi32, #tpu.memory_space<vmem>>
      %dma_wait3A_442 = arith.constant 0 : i32
      %dma_wait3A_443 = tpu.memref_slice %arg9[%dma_wait3A_435, %dma_wait3A_436, %dma_wait3A_442] : memref<4x2x96xi32, #tpu.memory_space<vmem>> -> memref<1x1x48xi32, #tpu.memory_space<vmem>>
      %dma_wait3A_444 = tpu.memref_squeeze %dma_wait3A_443 : memref<1x1x48xi32, #tpu.memory_space<vmem>> -> memref<48xi32, #tpu.memory_space<vmem>>
      %dma_wait3A_445 = arith.constant 0 : i32
      %dma_wait3A_446 = arith.constant 0 : i32
      %dma_wait3A_447 = tpu.memref_slice %arg2[%dma_wait3A_445, %dma_wait3A_446] : memref<10048x64xi32, #tpu.memory_space<hbm>> -> memref<10048x64xi32, #tpu.memory_space<hbm>>
      %dma_wait3A_448 = tpu.memref_slice %arg17[%dma_wait3A_437, %dma_wait3A_438] : memref<2x4x!tpu.dma_semaphore, #tpu.memory_space<semaphore_mem>> -> memref<1x1x!tpu.dma_semaphore, #tpu.memory_space<semaphore_mem>>
      %dma_wait3A_449 = tpu.memref_squeeze %dma_wait3A_448 : memref<1x1x!tpu.dma_semaphore, #tpu.memory_space<semaphore_mem>> -> memref<!tpu.dma_semaphore, #tpu.memory_space<semaphore_mem>>
      tpu.wait_indirect_dma semaphore(%dma_wait3A_449 : memref<!tpu.dma_semaphore, #tpu.memory_space<semaphore_mem>>) src(%dma_wait3A_447 : memref<10048x64xi32, #tpu.memory_space<hbm>>) dst(%dma_wait3A_441 : memref<48x64xi32, #tpu.memory_space<vmem>>)
      %dma_wait3A_450 = arith.constant 3 : i32
      %dma_wait3A_451 = arith.constant 1 : i32
      %dma_wait3A_452 = arith.constant 1 : i32
      %dma_wait3A_453 = arith.constant 2 : i32
      %dma_wait3A_454 = arith.constant 0 : i32
      %dma_wait3A_455 = arith.constant 0 : i32
      %dma_wait3A_456 = tpu.memref_slice %arg13[%dma_wait3A_454, %dma_wait3A_455] : memref<96x64xi32, #tpu.memory_space<vmem>> -> memref<48x64xi32, #tpu.memory_space<vmem>>
      %dma_wait3A_457 = arith.constant 0 : i32
      %dma_wait3A_458 = tpu.memref_slice %arg9[%dma_wait3A_450, %dma_wait3A_451, %dma_wait3A_457] : memref<4x2x96xi32, #tpu.memory_space<vmem>> -> memref<1x1x48xi32, #tpu.memory_space<vmem>>
      %dma_wait3A_459 = tpu.memref_squeeze %dma_wait3A_458 : memref<1x1x48xi32, #tpu.memory_space<vmem>> -> memref<48xi32, #tpu.memory_space<vmem>>
      %dma_wait3A_460 = arith.constant 0 : i32
      %dma_wait3A_461 = arith.constant 0 : i32
      %dma_wait3A_462 = tpu.memref_slice %arg3[%dma_wait3A_460, %dma_wait3A_461] : memref<10048x64xi32, #tpu.memory_space<hbm>> -> memref<10048x64xi32, #tpu.memory_space<hbm>>
      %dma_wait3A_463 = tpu.memref_slice %arg17[%dma_wait3A_452, %dma_wait3A_453] : memref<2x4x!tpu.dma_semaphore, #tpu.memory_space<semaphore_mem>> -> memref<1x1x!tpu.dma_semaphore, #tpu.memory_space<semaphore_mem>>
      %dma_wait3A_464 = tpu.memref_squeeze %dma_wait3A_463 : memref<1x1x!tpu.dma_semaphore, #tpu.memory_space<semaphore_mem>> -> memref<!tpu.dma_semaphore, #tpu.memory_space<semaphore_mem>>
      tpu.wait_indirect_dma semaphore(%dma_wait3A_464 : memref<!tpu.dma_semaphore, #tpu.memory_space<semaphore_mem>>) src(%dma_wait3A_462 : memref<10048x64xi32, #tpu.memory_space<hbm>>) dst(%dma_wait3A_456 : memref<48x64xi32, #tpu.memory_space<vmem>>)
      %dma_wait3A_465 = arith.constant 3 : i32
      %dma_wait3A_466 = arith.constant 0 : i32
      %dma_wait3A_467 = arith.constant 1 : i32
      %dma_wait3A_468 = arith.constant 1 : i32
      %dma_wait3A_469 = arith.constant 48 : i32
      %dma_wait3A_470 = arith.constant 0 : i32
      %dma_wait3A_471 = tpu.memref_slice %arg11[%dma_wait3A_469, %dma_wait3A_470] : memref<96x64xi32, #tpu.memory_space<vmem>> -> memref<48x64xi32, #tpu.memory_space<vmem>>
      %dma_wait3A_472 = arith.constant 48 : i32
      %dma_wait3A_473 = tpu.memref_slice %arg9[%dma_wait3A_465, %dma_wait3A_466, %dma_wait3A_472] : memref<4x2x96xi32, #tpu.memory_space<vmem>> -> memref<1x1x48xi32, #tpu.memory_space<vmem>>
      %dma_wait3A_474 = tpu.memref_squeeze %dma_wait3A_473 : memref<1x1x48xi32, #tpu.memory_space<vmem>> -> memref<48xi32, #tpu.memory_space<vmem>>
      %dma_wait3A_475 = arith.constant 0 : i32
      %dma_wait3A_476 = arith.constant 0 : i32
      %dma_wait3A_477 = tpu.memref_slice %arg2[%dma_wait3A_475, %dma_wait3A_476] : memref<10048x64xi32, #tpu.memory_space<hbm>> -> memref<10048x64xi32, #tpu.memory_space<hbm>>
      %dma_wait3A_478 = tpu.memref_slice %arg17[%dma_wait3A_467, %dma_wait3A_468] : memref<2x4x!tpu.dma_semaphore, #tpu.memory_space<semaphore_mem>> -> memref<1x1x!tpu.dma_semaphore, #tpu.memory_space<semaphore_mem>>
      %dma_wait3A_479 = tpu.memref_squeeze %dma_wait3A_478 : memref<1x1x!tpu.dma_semaphore, #tpu.memory_space<semaphore_mem>> -> memref<!tpu.dma_semaphore, #tpu.memory_space<semaphore_mem>>
      tpu.wait_indirect_dma semaphore(%dma_wait3A_479 : memref<!tpu.dma_semaphore, #tpu.memory_space<semaphore_mem>>) src(%dma_wait3A_477 : memref<10048x64xi32, #tpu.memory_space<hbm>>) dst(%dma_wait3A_471 : memref<48x64xi32, #tpu.memory_space<vmem>>)
      %dma_wait3A_480 = arith.constant 3 : i32
      %dma_wait3A_481 = arith.constant 1 : i32
      %dma_wait3A_482 = arith.constant 1 : i32
      %dma_wait3A_483 = arith.constant 3 : i32
      %dma_wait3A_484 = arith.constant 48 : i32
      %dma_wait3A_485 = arith.constant 0 : i32
      %dma_wait3A_486 = tpu.memref_slice %arg13[%dma_wait3A_484, %dma_wait3A_485] : memref<96x64xi32, #tpu.memory_space<vmem>> -> memref<48x64xi32, #tpu.memory_space<vmem>>
      %dma_wait3A_487 = arith.constant 48 : i32
      %dma_wait3A_488 = tpu.memref_slice %arg9[%dma_wait3A_480, %dma_wait3A_481, %dma_wait3A_487] : memref<4x2x96xi32, #tpu.memory_space<vmem>> -> memref<1x1x48xi32, #tpu.memory_space<vmem>>
      %dma_wait3A_489 = tpu.memref_squeeze %dma_wait3A_488 : memref<1x1x48xi32, #tpu.memory_space<vmem>> -> memref<48xi32, #tpu.memory_space<vmem>>
      %dma_wait3A_490 = arith.constant 0 : i32
      %dma_wait3A_491 = arith.constant 0 : i32
      %dma_wait3A_492 = tpu.memref_slice %arg3[%dma_wait3A_490, %dma_wait3A_491] : memref<10048x64xi32, #tpu.memory_space<hbm>> -> memref<10048x64xi32, #tpu.memory_space<hbm>>
      %dma_wait3A_493 = tpu.memref_slice %arg17[%dma_wait3A_482, %dma_wait3A_483] : memref<2x4x!tpu.dma_semaphore, #tpu.memory_space<semaphore_mem>> -> memref<1x1x!tpu.dma_semaphore, #tpu.memory_space<semaphore_mem>>
      %dma_wait3A_494 = tpu.memref_squeeze %dma_wait3A_493 : memref<1x1x!tpu.dma_semaphore, #tpu.memory_space<semaphore_mem>> -> memref<!tpu.dma_semaphore, #tpu.memory_space<semaphore_mem>>
      tpu.wait_indirect_dma semaphore(%dma_wait3A_494 : memref<!tpu.dma_semaphore, #tpu.memory_space<semaphore_mem>>) src(%dma_wait3A_492 : memref<10048x64xi32, #tpu.memory_space<hbm>>) dst(%dma_wait3A_486 : memref<48x64xi32, #tpu.memory_space<vmem>>)
      %gt3A_495 = arith.constant 0 : i32
      %gt3A_496 = arith.cmpi sgt, %add3A_427, %gt3A_495 : i32
      %convert_element_type3A_497 = arith.extui %gt3A_496 : i1 to i32
      %cond3A_498 = arith.constant 0 : i32
      %cond3A_499 = arith.cmpi ne, %convert_element_type3A_497, %cond3A_498 : i32
      scf.if %cond3A_499 {
        %dma_wait3A_521 = arith.constant 2 : i32
        %dma_wait3A_522 = arith.constant 1 : i32
        %dma_wait3A_523 = arith.constant 0 : i32
        %dma_wait3A_524 = tpu.memref_slice %arg9[%dma_wait3A_521, %dma_wait3A_522, %dma_wait3A_523] : memref<4x2x96xi32, #tpu.memory_space<vmem>> -> memref<1x1x96xi32, #tpu.memory_space<vmem>>
        %dma_wait3A_525 = tpu.memref_squeeze %dma_wait3A_524 : memref<1x1x96xi32, #tpu.memory_space<vmem>> -> memref<96xi32, #tpu.memory_space<vmem>>
        %dma_wait3A_526 = arith.constant 0 : i32
        %dma_wait3A_527 = arith.constant 0 : i32
        %dma_wait3A_528 = tpu.memref_slice %arg8[%dma_wait3A_526, %dma_wait3A_527] : memref<10048x136xf32, #tpu.memory_space<vmem_shared>> -> memref<10048x136xf32, #tpu.memory_space<vmem_shared>>
        tpu.wait_indirect_dma semaphore(%arg18 : memref<!tpu.dma_semaphore, #tpu.memory_space<semaphore_mem>>) src(%arg14 : memref<96x136xf32, #tpu.memory_space<vmem>>) dst(%dma_wait3A_528 : memref<10048x136xf32, #tpu.memory_space<vmem_shared>>)
      } else {
      }
      %scan3A_500 = arith.constant 0 : i32
      %scan3A_501 = arith.constant 0 : i32
      %scan3A_502 = arith.constant 8 : i32
      %scan3A_503 = arith.addi %scan3A_501, %scan3A_502 : i32
      %scan3A_504 = arith.constant 1 : i32
      scf.for %scan3A_521 = %scan3A_501 to %scan3A_503 step %scan3A_504  : i32 {
        %mul3A_522 = arith.constant 16 : i32
        %mul3A_523 = arith.muli %scan3A_521, %mul3A_522 : i32
        %add3A_524 = arith.constant 0 : i32
        %add3A_525 = arith.addi %mul3A_523, %add3A_524 : i32
        %get3A = arith.index_cast %add3A_525 : i32 to index
        %get3A_526 = arith.constant 0 : index
        %get3A_527 = tpu.vector_load %arg15[%get3A, %get3A_526] {strides = array<i32>} : memref<128x16xf32, #tpu.memory_space<vmem>>, vector<16xf32>,
        %mul3A_528 = arith.constant 16 : i32
        %mul3A_529 = arith.muli %scan3A_521, %mul3A_528 : i32
        %add3A_530 = arith.constant 2 : i32
        %add3A_531 = arith.addi %mul3A_529, %add3A_530 : i32
        %get3A_532 = arith.index_cast %add3A_531 : i32 to index
        %get3A_533 = arith.constant 0 : index
        %get3A_534 = tpu.vector_load %arg15[%get3A_532, %get3A_533] {strides = array<i32>} : memref<128x16xf32, #tpu.memory_space<vmem>>, vector<16xf32>,
        %mul3A_535 = arith.constant 16 : i32
        %mul3A_536 = arith.muli %scan3A_521, %mul3A_535 : i32
        %add3A_537 = arith.constant 4 : i32
        %add3A_538 = arith.addi %mul3A_536, %add3A_537 : i32
        %get3A_539 = arith.index_cast %add3A_538 : i32 to index
        %get3A_540 = arith.constant 0 : index
        %get3A_541 = tpu.vector_load %arg15[%get3A_539, %get3A_540] {strides = array<i32>} : memref<128x16xf32, #tpu.memory_space<vmem>>, vector<16xf32>,
        %mul3A_542 = arith.constant 16 : i32
        %mul3A_543 = arith.muli %scan3A_521, %mul3A_542 : i32
        %add3A_544 = arith.constant 6 : i32
        %add3A_545 = arith.addi %mul3A_543, %add3A_544 : i32
        %get3A_546 = arith.index_cast %add3A_545 : i32 to index
        %get3A_547 = arith.constant 0 : index
        %get3A_548 = tpu.vector_load %arg15[%get3A_546, %get3A_547] {strides = array<i32>} : memref<128x16xf32, #tpu.memory_space<vmem>>, vector<16xf32>,
        %mul3A_549 = arith.constant 16 : i32
        %mul3A_550 = arith.muli %scan3A_521, %mul3A_549 : i32
        %add3A_551 = arith.constant 8 : i32
        %add3A_552 = arith.addi %mul3A_550, %add3A_551 : i32
        %get3A_553 = arith.index_cast %add3A_552 : i32 to index
        %get3A_554 = arith.constant 0 : index
        %get3A_555 = tpu.vector_load %arg15[%get3A_553, %get3A_554] {strides = array<i32>} : memref<128x16xf32, #tpu.memory_space<vmem>>, vector<16xf32>,
        %mul3A_556 = arith.constant 16 : i32
        %mul3A_557 = arith.muli %scan3A_521, %mul3A_556 : i32
        %add3A_558 = arith.constant 10 : i32
        %add3A_559 = arith.addi %mul3A_557, %add3A_558 : i32
        %get3A_560 = arith.index_cast %add3A_559 : i32 to index
        %get3A_561 = arith.constant 0 : index
        %get3A_562 = tpu.vector_load %arg15[%get3A_560, %get3A_561] {strides = array<i32>} : memref<128x16xf32, #tpu.memory_space<vmem>>, vector<16xf32>,
        %mul3A_563 = arith.constant 16 : i32
        %mul3A_564 = arith.muli %scan3A_521, %mul3A_563 : i32
        %add3A_565 = arith.constant 12 : i32
        %add3A_566 = arith.addi %mul3A_564, %add3A_565 : i32
        %get3A_567 = arith.index_cast %add3A_566 : i32 to index
        %get3A_568 = arith.constant 0 : index
        %get3A_569 = tpu.vector_load %arg15[%get3A_567, %get3A_568] {strides = array<i32>} : memref<128x16xf32, #tpu.memory_space<vmem>>, vector<16xf32>,
        %mul3A_570 = arith.constant 16 : i32
        %mul3A_571 = arith.muli %scan3A_521, %mul3A_570 : i32
        %add3A_572 = arith.constant 14 : i32
        %add3A_573 = arith.addi %mul3A_571, %add3A_572 : i32
        %get3A_574 = arith.index_cast %add3A_573 : i32 to index
        %get3A_575 = arith.constant 0 : index
        %get3A_576 = tpu.vector_load %arg15[%get3A_574, %get3A_575] {strides = array<i32>} : memref<128x16xf32, #tpu.memory_space<vmem>>, vector<16xf32>,
        %mul3A_577 = arith.constant 16 : i32
        %mul3A_578 = arith.muli %scan3A_521, %mul3A_577 : i32
        %add3A_579 = arith.constant 0 : i32
        %add3A_580 = arith.addi %mul3A_578, %add3A_579 : i32
        %add3A_581 = arith.constant 1 : i32
        %add3A_582 = arith.addi %add3A_580, %add3A_581 : i32
        %get3A_583 = arith.index_cast %add3A_582 : i32 to index
        %get3A_584 = arith.constant 0 : index
        %get3A_585 = tpu.vector_load %arg15[%get3A_583, %get3A_584] {strides = array<i32>} : memref<128x16xf32, #tpu.memory_space<vmem>>, vector<16xf32>,
        %mul3A_586 = arith.constant 16 : i32
        %mul3A_587 = arith.muli %scan3A_521, %mul3A_586 : i32
        %add3A_588 = arith.constant 2 : i32
        %add3A_589 = arith.addi %mul3A_587, %add3A_588 : i32
        %add3A_590 = arith.constant 1 : i32
        %add3A_591 = arith.addi %add3A_589, %add3A_590 : i32
        %get3A_592 = arith.index_cast %add3A_591 : i32 to index
        %get3A_593 = arith.constant 0 : index
        %get3A_594 = tpu.vector_load %arg15[%get3A_592, %get3A_593] {strides = array<i32>} : memref<128x16xf32, #tpu.memory_space<vmem>>, vector<16xf32>,
        %mul3A_595 = arith.constant 16 : i32
        %mul3A_596 = arith.muli %scan3A_521, %mul3A_595 : i32
        %add3A_597 = arith.constant 4 : i32
        %add3A_598 = arith.addi %mul3A_596, %add3A_597 : i32
        %add3A_599 = arith.constant 1 : i32
        %add3A_600 = arith.addi %add3A_598, %add3A_599 : i32
        %get3A_601 = arith.index_cast %add3A_600 : i32 to index
        %get3A_602 = arith.constant 0 : index
        %get3A_603 = tpu.vector_load %arg15[%get3A_601, %get3A_602] {strides = array<i32>} : memref<128x16xf32, #tpu.memory_space<vmem>>, vector<16xf32>,
        %mul3A_604 = arith.constant 16 : i32
        %mul3A_605 = arith.muli %scan3A_521, %mul3A_604 : i32
        %add3A_606 = arith.constant 6 : i32
        %add3A_607 = arith.addi %mul3A_605, %add3A_606 : i32
        %add3A_608 = arith.constant 1 : i32
        %add3A_609 = arith.addi %add3A_607, %add3A_608 : i32
        %get3A_610 = arith.index_cast %add3A_609 : i32 to index
        %get3A_611 = arith.constant 0 : index
        %get3A_612 = tpu.vector_load %arg15[%get3A_610, %get3A_611] {strides = array<i32>} : memref<128x16xf32, #tpu.memory_space<vmem>>, vector<16xf32>,
        %mul3A_613 = arith.constant 16 : i32
        %mul3A_614 = arith.muli %scan3A_521, %mul3A_613 : i32
        %add3A_615 = arith.constant 8 : i32
        %add3A_616 = arith.addi %mul3A_614, %add3A_615 : i32
        %add3A_617 = arith.constant 1 : i32
        %add3A_618 = arith.addi %add3A_616, %add3A_617 : i32
        %get3A_619 = arith.index_cast %add3A_618 : i32 to index
        %get3A_620 = arith.constant 0 : index
        %get3A_621 = tpu.vector_load %arg15[%get3A_619, %get3A_620] {strides = array<i32>} : memref<128x16xf32, #tpu.memory_space<vmem>>, vector<16xf32>,
        %mul3A_622 = arith.constant 16 : i32
        %mul3A_623 = arith.muli %scan3A_521, %mul3A_622 : i32
        %add3A_624 = arith.constant 10 : i32
        %add3A_625 = arith.addi %mul3A_623, %add3A_624 : i32
        %add3A_626 = arith.constant 1 : i32
        %add3A_627 = arith.addi %add3A_625, %add3A_626 : i32
        %get3A_628 = arith.index_cast %add3A_627 : i32 to index
        %get3A_629 = arith.constant 0 : index
        %get3A_630 = tpu.vector_load %arg15[%get3A_628, %get3A_629] {strides = array<i32>} : memref<128x16xf32, #tpu.memory_space<vmem>>, vector<16xf32>,
        %mul3A_631 = arith.constant 16 : i32
        %mul3A_632 = arith.muli %scan3A_521, %mul3A_631 : i32
        %add3A_633 = arith.constant 12 : i32
        %add3A_634 = arith.addi %mul3A_632, %add3A_633 : i32
        %add3A_635 = arith.constant 1 : i32
        %add3A_636 = arith.addi %add3A_634, %add3A_635 : i32
        %get3A_637 = arith.index_cast %add3A_636 : i32 to index
        %get3A_638 = arith.constant 0 : index
        %get3A_639 = tpu.vector_load %arg15[%get3A_637, %get3A_638] {strides = array<i32>} : memref<128x16xf32, #tpu.memory_space<vmem>>, vector<16xf32>,
        %mul3A_640 = arith.constant 16 : i32
        %mul3A_641 = arith.muli %scan3A_521, %mul3A_640 : i32
        %add3A_642 = arith.constant 14 : i32
        %add3A_643 = arith.addi %mul3A_641, %add3A_642 : i32
        %add3A_644 = arith.constant 1 : i32
        %add3A_645 = arith.addi %add3A_643, %add3A_644 : i32
        %get3A_646 = arith.index_cast %add3A_645 : i32 to index
        %get3A_647 = arith.constant 0 : index
        %get3A_648 = tpu.vector_load %arg15[%get3A_646, %get3A_647] {strides = array<i32>} : memref<128x16xf32, #tpu.memory_space<vmem>>, vector<16xf32>,
        %add3A_649 = arith.constant 128 : i32
        %add3A_650 = arith.addi %add3A_649, %scan3A_521 : i32
        %broadcast_in_dim3A_651 = vector.broadcast %add3A_650 : i32 to vector<16xi32>
        %mul3A_652 = arith.constant 16 : i32
        %mul3A_653 = arith.muli %scan3A_521, %mul3A_652 : i32
        %scan3A_654 = arith.constant 0 : i32
        %scan3A_655 = arith.constant 6 : i32
        %scan3A_656 = arith.addi %scan3A_654, %scan3A_655 : i32
        %scan3A_657 = arith.constant 1 : i32
        scf.for %scan3A_659 = %scan3A_654 to %scan3A_656 step %scan3A_657  : i32 {
          %mul3A_660 = arith.constant 16 : i32
          %mul3A_661 = arith.muli %scan3A_659, %mul3A_660 : i32
          %add3A_662 = vector.broadcast %mul3A_661 : i32 to vector<16xi32>
          %add3A_663 = arith.addi %add3A_662, %iota3A : vector<16xi32>
          %add3A_664 = arith.constant 0 : i32
          %add3A_665 = vector.broadcast %add3A_664 : i32 to vector<16xi32>
          %add3A_666 = arith.addi %iota3A, %add3A_665 : vector<16xi32>
          %and3A = arith.constant 7 : i32
          %and3A_667 = vector.broadcast %and3A : i32 to vector<16xi32>
          %and3A_668 = arith.andi %add3A_666, %and3A_667 : vector<16xi32>
          %mul3A_669 = arith.constant 8 : i32
          %mul3A_670 = arith.muli %mul3A_669, %scan3A_521 : i32
          %add3A_671 = vector.broadcast %mul3A_670 : i32 to vector<16xi32>
          %add3A_672 = arith.addi %and3A_668, %add3A_671 : vector<16xi32>
          %gather3A = tpu.vector_load_idx %arg11[%add3A_663, %add3A_672] : memref<96x64xi32, #tpu.memory_space<vmem>>[vector<16xi32>, vector<16xi32>], vector<16xi32>,
          %gather3A_673 = tpu.vector_load_idx %arg13[%add3A_663, %add3A_672] : memref<96x64xi32, #tpu.memory_space<vmem>>[vector<16xi32>, vector<16xi32>], vector<16xi32>,
          %bitcast3A = vector.bitcast %gather3A : vector<16xi32> to vector<32xbf16>
          %unpack3A = tpu.unpack_subelements %bitcast3A, 0 {pack_format = #tpu.pack_format<interleaved>} : vector<32xbf16> -> vector<16xf32>
          %unpack3A_674 = tpu.unpack_subelements %bitcast3A, 1 {pack_format = #tpu.pack_format<interleaved>} : vector<32xbf16> -> vector<16xf32>
          %bitcast3A_675 = vector.bitcast %gather3A_673 : vector<16xi32> to vector<32xbf16>
          %unpack3A_676 = tpu.unpack_subelements %bitcast3A_675, 0 {pack_format = #tpu.pack_format<interleaved>} : vector<32xbf16> -> vector<16xf32>
          %unpack3A_677 = tpu.unpack_subelements %bitcast3A_675, 1 {pack_format = #tpu.pack_format<interleaved>} : vector<32xbf16> -> vector<16xf32>
          %add3A_678 = arith.addf %unpack3A, %unpack3A_676 : vector<16xf32>
          %mul3A_679 = arith.constant 2.000000e-01 : f32
          %mul3A_680 = vector.broadcast %mul3A_679 : f32 to vector<16xf32>
          %mul3A_681 = arith.mulf %mul3A_680, %add3A_678 : vector<16xf32>
          %max3A = arith.maximumf %add3A_678, %mul3A_681 : vector<16xf32>
          %add3A_682 = arith.addf %unpack3A_674, %unpack3A_677 : vector<16xf32>
          %mul3A_683 = arith.constant 2.000000e-01 : f32
          %mul3A_684 = vector.broadcast %mul3A_683 : f32 to vector<16xf32>
          %mul3A_685 = arith.mulf %mul3A_684, %add3A_682 : vector<16xf32>
          %max3A_686 = arith.maximumf %add3A_682, %mul3A_685 : vector<16xf32>
          %mul3A_687 = arith.mulf %max3A, %get3A_527 : vector<16xf32>
          %add3A_688 = arith.addf %broadcast_in_dim3A_3, %mul3A_687 : vector<16xf32>
          %mul3A_689 = arith.mulf %max3A_686, %get3A_585 : vector<16xf32>
          %add3A_690 = arith.addf %broadcast_in_dim3A_3, %mul3A_689 : vector<16xf32>
          %mul3A_691 = arith.constant 2 : i32
          %mul3A_692 = vector.broadcast %mul3A_691 : i32 to vector<16xi32>
          %mul3A_693 = arith.muli %mul3A_692, %and3A_668 : vector<16xi32>
          %add3A_694 = vector.broadcast %mul3A_653 : i32 to vector<16xi32>
          %add3A_695 = arith.addi %mul3A_693, %add3A_694 : vector<16xi32>
          %add3A_696 = arith.constant 1 : i32
          %add3A_697 = vector.broadcast %add3A_696 : i32 to vector<16xi32>
          %add3A_698 = arith.addi %iota3A, %add3A_697 : vector<16xi32>
          %and3A_699 = arith.constant 7 : i32
          %and3A_700 = vector.broadcast %and3A_699 : i32 to vector<16xi32>
          %and3A_701 = arith.andi %add3A_698, %and3A_700 : vector<16xi32>
          %mul3A_702 = arith.constant 8 : i32
          %mul3A_703 = arith.muli %mul3A_702, %scan3A_521 : i32
          %add3A_704 = vector.broadcast %mul3A_703 : i32 to vector<16xi32>
          %add3A_705 = arith.addi %and3A_701, %add3A_704 : vector<16xi32>
          %gather3A_706 = tpu.vector_load_idx %arg11[%add3A_663, %add3A_705] : memref<96x64xi32, #tpu.memory_space<vmem>>[vector<16xi32>, vector<16xi32>], vector<16xi32>,
          %gather3A_707 = tpu.vector_load_idx %arg13[%add3A_663, %add3A_705] : memref<96x64xi32, #tpu.memory_space<vmem>>[vector<16xi32>, vector<16xi32>], vector<16xi32>,
          %bitcast3A_708 = vector.bitcast %gather3A_706 : vector<16xi32> to vector<32xbf16>
          %unpack3A_709 = tpu.unpack_subelements %bitcast3A_708, 0 {pack_format = #tpu.pack_format<interleaved>} : vector<32xbf16> -> vector<16xf32>
          %unpack3A_710 = tpu.unpack_subelements %bitcast3A_708, 1 {pack_format = #tpu.pack_format<interleaved>} : vector<32xbf16> -> vector<16xf32>
          %bitcast3A_711 = vector.bitcast %gather3A_707 : vector<16xi32> to vector<32xbf16>
          %unpack3A_712 = tpu.unpack_subelements %bitcast3A_711, 0 {pack_format = #tpu.pack_format<interleaved>} : vector<32xbf16> -> vector<16xf32>
          %unpack3A_713 = tpu.unpack_subelements %bitcast3A_711, 1 {pack_format = #tpu.pack_format<interleaved>} : vector<32xbf16> -> vector<16xf32>
          %add3A_714 = arith.addf %unpack3A_709, %unpack3A_712 : vector<16xf32>
          %mul3A_715 = arith.constant 2.000000e-01 : f32
          %mul3A_716 = vector.broadcast %mul3A_715 : f32 to vector<16xf32>
          %mul3A_717 = arith.mulf %mul3A_716, %add3A_714 : vector<16xf32>
          %max3A_718 = arith.maximumf %add3A_714, %mul3A_717 : vector<16xf32>
          %add3A_719 = arith.addf %unpack3A_710, %unpack3A_713 : vector<16xf32>
          %mul3A_720 = arith.constant 2.000000e-01 : f32
          %mul3A_721 = vector.broadcast %mul3A_720 : f32 to vector<16xf32>
          %mul3A_722 = arith.mulf %mul3A_721, %add3A_719 : vector<16xf32>
          %max3A_723 = arith.maximumf %add3A_719, %mul3A_722 : vector<16xf32>
          %mul3A_724 = arith.mulf %max3A_718, %get3A_534 : vector<16xf32>
          %add3A_725 = arith.addf %broadcast_in_dim3A_3, %mul3A_724 : vector<16xf32>
          %mul3A_726 = arith.mulf %max3A_723, %get3A_594 : vector<16xf32>
          %add3A_727 = arith.addf %broadcast_in_dim3A_3, %mul3A_726 : vector<16xf32>
          %mul3A_728 = arith.constant 2 : i32
          %mul3A_729 = vector.broadcast %mul3A_728 : i32 to vector<16xi32>
          %mul3A_730 = arith.muli %mul3A_729, %and3A_701 : vector<16xi32>
          %add3A_731 = vector.broadcast %mul3A_653 : i32 to vector<16xi32>
          %add3A_732 = arith.addi %mul3A_730, %add3A_731 : vector<16xi32>
          %add3A_733 = arith.constant 2 : i32
          %add3A_734 = vector.broadcast %add3A_733 : i32 to vector<16xi32>
          %add3A_735 = arith.addi %iota3A, %add3A_734 : vector<16xi32>
          %and3A_736 = arith.constant 7 : i32
          %and3A_737 = vector.broadcast %and3A_736 : i32 to vector<16xi32>
          %and3A_738 = arith.andi %add3A_735, %and3A_737 : vector<16xi32>
          %mul3A_739 = arith.constant 8 : i32
          %mul3A_740 = arith.muli %mul3A_739, %scan3A_521 : i32
          %add3A_741 = vector.broadcast %mul3A_740 : i32 to vector<16xi32>
          %add3A_742 = arith.addi %and3A_738, %add3A_741 : vector<16xi32>
          %gather3A_743 = tpu.vector_load_idx %arg11[%add3A_663, %add3A_742] : memref<96x64xi32, #tpu.memory_space<vmem>>[vector<16xi32>, vector<16xi32>], vector<16xi32>,
          %gather3A_744 = tpu.vector_load_idx %arg13[%add3A_663, %add3A_742] : memref<96x64xi32, #tpu.memory_space<vmem>>[vector<16xi32>, vector<16xi32>], vector<16xi32>,
          %bitcast3A_745 = vector.bitcast %gather3A_743 : vector<16xi32> to vector<32xbf16>
          %unpack3A_746 = tpu.unpack_subelements %bitcast3A_745, 0 {pack_format = #tpu.pack_format<interleaved>} : vector<32xbf16> -> vector<16xf32>
          %unpack3A_747 = tpu.unpack_subelements %bitcast3A_745, 1 {pack_format = #tpu.pack_format<interleaved>} : vector<32xbf16> -> vector<16xf32>
          %bitcast3A_748 = vector.bitcast %gather3A_744 : vector<16xi32> to vector<32xbf16>
          %unpack3A_749 = tpu.unpack_subelements %bitcast3A_748, 0 {pack_format = #tpu.pack_format<interleaved>} : vector<32xbf16> -> vector<16xf32>
          %unpack3A_750 = tpu.unpack_subelements %bitcast3A_748, 1 {pack_format = #tpu.pack_format<interleaved>} : vector<32xbf16> -> vector<16xf32>
          %add3A_751 = arith.addf %unpack3A_746, %unpack3A_749 : vector<16xf32>
          %mul3A_752 = arith.constant 2.000000e-01 : f32
          %mul3A_753 = vector.broadcast %mul3A_752 : f32 to vector<16xf32>
          %mul3A_754 = arith.mulf %mul3A_753, %add3A_751 : vector<16xf32>
          %max3A_755 = arith.maximumf %add3A_751, %mul3A_754 : vector<16xf32>
          %add3A_756 = arith.addf %unpack3A_747, %unpack3A_750 : vector<16xf32>
          %mul3A_757 = arith.constant 2.000000e-01 : f32
          %mul3A_758 = vector.broadcast %mul3A_757 : f32 to vector<16xf32>
          %mul3A_759 = arith.mulf %mul3A_758, %add3A_756 : vector<16xf32>
          %max3A_760 = arith.maximumf %add3A_756, %mul3A_759 : vector<16xf32>
          %mul3A_761 = arith.mulf %max3A_755, %get3A_541 : vector<16xf32>
          %add3A_762 = arith.addf %add3A_690, %mul3A_761 : vector<16xf32>
          %mul3A_763 = arith.mulf %max3A_760, %get3A_603 : vector<16xf32>
          %add3A_764 = arith.addf %add3A_688, %mul3A_763 : vector<16xf32>
          %mul3A_765 = arith.constant 2 : i32
          %mul3A_766 = vector.broadcast %mul3A_765 : i32 to vector<16xi32>
          %mul3A_767 = arith.muli %mul3A_766, %and3A_738 : vector<16xi32>
          %add3A_768 = vector.broadcast %mul3A_653 : i32 to vector<16xi32>
          %add3A_769 = arith.addi %mul3A_767, %add3A_768 : vector<16xi32>
          %add3A_770 = arith.constant 3 : i32
          %add3A_771 = vector.broadcast %add3A_770 : i32 to vector<16xi32>
          %add3A_772 = arith.addi %iota3A, %add3A_771 : vector<16xi32>
          %and3A_773 = arith.constant 7 : i32
          %and3A_774 = vector.broadcast %and3A_773 : i32 to vector<16xi32>
          %and3A_775 = arith.andi %add3A_772, %and3A_774 : vector<16xi32>
          %mul3A_776 = arith.constant 8 : i32
          %mul3A_777 = arith.muli %mul3A_776, %scan3A_521 : i32
          %add3A_778 = vector.broadcast %mul3A_777 : i32 to vector<16xi32>
          %add3A_779 = arith.addi %and3A_775, %add3A_778 : vector<16xi32>
          %gather3A_780 = tpu.vector_load_idx %arg11[%add3A_663, %add3A_779] : memref<96x64xi32, #tpu.memory_space<vmem>>[vector<16xi32>, vector<16xi32>], vector<16xi32>,
          %gather3A_781 = tpu.vector_load_idx %arg13[%add3A_663, %add3A_779] : memref<96x64xi32, #tpu.memory_space<vmem>>[vector<16xi32>, vector<16xi32>], vector<16xi32>,
          %bitcast3A_782 = vector.bitcast %gather3A_780 : vector<16xi32> to vector<32xbf16>
          %unpack3A_783 = tpu.unpack_subelements %bitcast3A_782, 0 {pack_format = #tpu.pack_format<interleaved>} : vector<32xbf16> -> vector<16xf32>
          %unpack3A_784 = tpu.unpack_subelements %bitcast3A_782, 1 {pack_format = #tpu.pack_format<interleaved>} : vector<32xbf16> -> vector<16xf32>
          %bitcast3A_785 = vector.bitcast %gather3A_781 : vector<16xi32> to vector<32xbf16>
          %unpack3A_786 = tpu.unpack_subelements %bitcast3A_785, 0 {pack_format = #tpu.pack_format<interleaved>} : vector<32xbf16> -> vector<16xf32>
          %unpack3A_787 = tpu.unpack_subelements %bitcast3A_785, 1 {pack_format = #tpu.pack_format<interleaved>} : vector<32xbf16> -> vector<16xf32>
          %add3A_788 = arith.addf %unpack3A_783, %unpack3A_786 : vector<16xf32>
          %mul3A_789 = arith.constant 2.000000e-01 : f32
          %mul3A_790 = vector.broadcast %mul3A_789 : f32 to vector<16xf32>
          %mul3A_791 = arith.mulf %mul3A_790, %add3A_788 : vector<16xf32>
          %max3A_792 = arith.maximumf %add3A_788, %mul3A_791 : vector<16xf32>
          %add3A_793 = arith.addf %unpack3A_784, %unpack3A_787 : vector<16xf32>
          %mul3A_794 = arith.constant 2.000000e-01 : f32
          %mul3A_795 = vector.broadcast %mul3A_794 : f32 to vector<16xf32>
          %mul3A_796 = arith.mulf %mul3A_795, %add3A_793 : vector<16xf32>
          %max3A_797 = arith.maximumf %add3A_793, %mul3A_796 : vector<16xf32>
          %mul3A_798 = arith.mulf %max3A_792, %get3A_548 : vector<16xf32>
          %add3A_799 = arith.addf %add3A_727, %mul3A_798 : vector<16xf32>
          %mul3A_800 = arith.mulf %max3A_797, %get3A_612 : vector<16xf32>
          %add3A_801 = arith.addf %add3A_725, %mul3A_800 : vector<16xf32>
          %mul3A_802 = arith.constant 2 : i32
          %mul3A_803 = vector.broadcast %mul3A_802 : i32 to vector<16xi32>
          %mul3A_804 = arith.muli %mul3A_803, %and3A_775 : vector<16xi32>
          %add3A_805 = vector.broadcast %mul3A_653 : i32 to vector<16xi32>
          %add3A_806 = arith.addi %mul3A_804, %add3A_805 : vector<16xi32>
          %add3A_807 = arith.constant 4 : i32
          %add3A_808 = vector.broadcast %add3A_807 : i32 to vector<16xi32>
          %add3A_809 = arith.addi %iota3A, %add3A_808 : vector<16xi32>
          %and3A_810 = arith.constant 7 : i32
          %and3A_811 = vector.broadcast %and3A_810 : i32 to vector<16xi32>
          %and3A_812 = arith.andi %add3A_809, %and3A_811 : vector<16xi32>
          %mul3A_813 = arith.constant 8 : i32
          %mul3A_814 = arith.muli %mul3A_813, %scan3A_521 : i32
          %add3A_815 = vector.broadcast %mul3A_814 : i32 to vector<16xi32>
          %add3A_816 = arith.addi %and3A_812, %add3A_815 : vector<16xi32>
          %gather3A_817 = tpu.vector_load_idx %arg11[%add3A_663, %add3A_816] : memref<96x64xi32, #tpu.memory_space<vmem>>[vector<16xi32>, vector<16xi32>], vector<16xi32>,
          %gather3A_818 = tpu.vector_load_idx %arg13[%add3A_663, %add3A_816] : memref<96x64xi32, #tpu.memory_space<vmem>>[vector<16xi32>, vector<16xi32>], vector<16xi32>,
          %bitcast3A_819 = vector.bitcast %gather3A_817 : vector<16xi32> to vector<32xbf16>
          %unpack3A_820 = tpu.unpack_subelements %bitcast3A_819, 0 {pack_format = #tpu.pack_format<interleaved>} : vector<32xbf16> -> vector<16xf32>
          %unpack3A_821 = tpu.unpack_subelements %bitcast3A_819, 1 {pack_format = #tpu.pack_format<interleaved>} : vector<32xbf16> -> vector<16xf32>
          %bitcast3A_822 = vector.bitcast %gather3A_818 : vector<16xi32> to vector<32xbf16>
          %unpack3A_823 = tpu.unpack_subelements %bitcast3A_822, 0 {pack_format = #tpu.pack_format<interleaved>} : vector<32xbf16> -> vector<16xf32>
          %unpack3A_824 = tpu.unpack_subelements %bitcast3A_822, 1 {pack_format = #tpu.pack_format<interleaved>} : vector<32xbf16> -> vector<16xf32>
          %add3A_825 = arith.addf %unpack3A_820, %unpack3A_823 : vector<16xf32>
          %mul3A_826 = arith.constant 2.000000e-01 : f32
          %mul3A_827 = vector.broadcast %mul3A_826 : f32 to vector<16xf32>
          %mul3A_828 = arith.mulf %mul3A_827, %add3A_825 : vector<16xf32>
          %max3A_829 = arith.maximumf %add3A_825, %mul3A_828 : vector<16xf32>
          %add3A_830 = arith.addf %unpack3A_821, %unpack3A_824 : vector<16xf32>
          %mul3A_831 = arith.constant 2.000000e-01 : f32
          %mul3A_832 = vector.broadcast %mul3A_831 : f32 to vector<16xf32>
          %mul3A_833 = arith.mulf %mul3A_832, %add3A_830 : vector<16xf32>
          %max3A_834 = arith.maximumf %add3A_830, %mul3A_833 : vector<16xf32>
          %mul3A_835 = arith.mulf %max3A_829, %get3A_555 : vector<16xf32>
          %add3A_836 = arith.addf %add3A_764, %mul3A_835 : vector<16xf32>
          %mul3A_837 = arith.mulf %max3A_834, %get3A_621 : vector<16xf32>
          %add3A_838 = arith.addf %add3A_762, %mul3A_837 : vector<16xf32>
          %mul3A_839 = arith.constant 2 : i32
          %mul3A_840 = vector.broadcast %mul3A_839 : i32 to vector<16xi32>
          %mul3A_841 = arith.muli %mul3A_840, %and3A_812 : vector<16xi32>
          %add3A_842 = vector.broadcast %mul3A_653 : i32 to vector<16xi32>
          %add3A_843 = arith.addi %mul3A_841, %add3A_842 : vector<16xi32>
          %add3A_844 = arith.constant 5 : i32
          %add3A_845 = vector.broadcast %add3A_844 : i32 to vector<16xi32>
          %add3A_846 = arith.addi %iota3A, %add3A_845 : vector<16xi32>
          %and3A_847 = arith.constant 7 : i32
          %and3A_848 = vector.broadcast %and3A_847 : i32 to vector<16xi32>
          %and3A_849 = arith.andi %add3A_846, %and3A_848 : vector<16xi32>
          %mul3A_850 = arith.constant 8 : i32
          %mul3A_851 = arith.muli %mul3A_850, %scan3A_521 : i32
          %add3A_852 = vector.broadcast %mul3A_851 : i32 to vector<16xi32>
          %add3A_853 = arith.addi %and3A_849, %add3A_852 : vector<16xi32>
          %gather3A_854 = tpu.vector_load_idx %arg11[%add3A_663, %add3A_853] : memref<96x64xi32, #tpu.memory_space<vmem>>[vector<16xi32>, vector<16xi32>], vector<16xi32>,
          %gather3A_855 = tpu.vector_load_idx %arg13[%add3A_663, %add3A_853] : memref<96x64xi32, #tpu.memory_space<vmem>>[vector<16xi32>, vector<16xi32>], vector<16xi32>,
          %bitcast3A_856 = vector.bitcast %gather3A_854 : vector<16xi32> to vector<32xbf16>
          %unpack3A_857 = tpu.unpack_subelements %bitcast3A_856, 0 {pack_format = #tpu.pack_format<interleaved>} : vector<32xbf16> -> vector<16xf32>
          %unpack3A_858 = tpu.unpack_subelements %bitcast3A_856, 1 {pack_format = #tpu.pack_format<interleaved>} : vector<32xbf16> -> vector<16xf32>
          %bitcast3A_859 = vector.bitcast %gather3A_855 : vector<16xi32> to vector<32xbf16>
          %unpack3A_860 = tpu.unpack_subelements %bitcast3A_859, 0 {pack_format = #tpu.pack_format<interleaved>} : vector<32xbf16> -> vector<16xf32>
          %unpack3A_861 = tpu.unpack_subelements %bitcast3A_859, 1 {pack_format = #tpu.pack_format<interleaved>} : vector<32xbf16> -> vector<16xf32>
          %add3A_862 = arith.addf %unpack3A_857, %unpack3A_860 : vector<16xf32>
          %mul3A_863 = arith.constant 2.000000e-01 : f32
          %mul3A_864 = vector.broadcast %mul3A_863 : f32 to vector<16xf32>
          %mul3A_865 = arith.mulf %mul3A_864, %add3A_862 : vector<16xf32>
          %max3A_866 = arith.maximumf %add3A_862, %mul3A_865 : vector<16xf32>
          %add3A_867 = arith.addf %unpack3A_858, %unpack3A_861 : vector<16xf32>
          %mul3A_868 = arith.constant 2.000000e-01 : f32
          %mul3A_869 = vector.broadcast %mul3A_868 : f32 to vector<16xf32>
          %mul3A_870 = arith.mulf %mul3A_869, %add3A_867 : vector<16xf32>
          %max3A_871 = arith.maximumf %add3A_867, %mul3A_870 : vector<16xf32>
          %mul3A_872 = arith.mulf %max3A_866, %get3A_562 : vector<16xf32>
          %add3A_873 = arith.addf %add3A_801, %mul3A_872 : vector<16xf32>
          %mul3A_874 = arith.mulf %max3A_871, %get3A_630 : vector<16xf32>
          %add3A_875 = arith.addf %add3A_799, %mul3A_874 : vector<16xf32>
          %mul3A_876 = arith.constant 2 : i32
          %mul3A_877 = vector.broadcast %mul3A_876 : i32 to vector<16xi32>
          %mul3A_878 = arith.muli %mul3A_877, %and3A_849 : vector<16xi32>
          %add3A_879 = vector.broadcast %mul3A_653 : i32 to vector<16xi32>
          %add3A_880 = arith.addi %mul3A_878, %add3A_879 : vector<16xi32>
          %add3A_881 = arith.constant 6 : i32
          %add3A_882 = vector.broadcast %add3A_881 : i32 to vector<16xi32>
          %add3A_883 = arith.addi %iota3A, %add3A_882 : vector<16xi32>
          %and3A_884 = arith.constant 7 : i32
          %and3A_885 = vector.broadcast %and3A_884 : i32 to vector<16xi32>
          %and3A_886 = arith.andi %add3A_883, %and3A_885 : vector<16xi32>
          %mul3A_887 = arith.constant 8 : i32
          %mul3A_888 = arith.muli %mul3A_887, %scan3A_521 : i32
          %add3A_889 = vector.broadcast %mul3A_888 : i32 to vector<16xi32>
          %add3A_890 = arith.addi %and3A_886, %add3A_889 : vector<16xi32>
          %gather3A_891 = tpu.vector_load_idx %arg11[%add3A_663, %add3A_890] : memref<96x64xi32, #tpu.memory_space<vmem>>[vector<16xi32>, vector<16xi32>], vector<16xi32>,
          %gather3A_892 = tpu.vector_load_idx %arg13[%add3A_663, %add3A_890] : memref<96x64xi32, #tpu.memory_space<vmem>>[vector<16xi32>, vector<16xi32>], vector<16xi32>,
          %bitcast3A_893 = vector.bitcast %gather3A_891 : vector<16xi32> to vector<32xbf16>
          %unpack3A_894 = tpu.unpack_subelements %bitcast3A_893, 0 {pack_format = #tpu.pack_format<interleaved>} : vector<32xbf16> -> vector<16xf32>
          %unpack3A_895 = tpu.unpack_subelements %bitcast3A_893, 1 {pack_format = #tpu.pack_format<interleaved>} : vector<32xbf16> -> vector<16xf32>
          %bitcast3A_896 = vector.bitcast %gather3A_892 : vector<16xi32> to vector<32xbf16>
          %unpack3A_897 = tpu.unpack_subelements %bitcast3A_896, 0 {pack_format = #tpu.pack_format<interleaved>} : vector<32xbf16> -> vector<16xf32>
          %unpack3A_898 = tpu.unpack_subelements %bitcast3A_896, 1 {pack_format = #tpu.pack_format<interleaved>} : vector<32xbf16> -> vector<16xf32>
          %add3A_899 = arith.addf %unpack3A_894, %unpack3A_897 : vector<16xf32>
          %mul3A_900 = arith.constant 2.000000e-01 : f32
          %mul3A_901 = vector.broadcast %mul3A_900 : f32 to vector<16xf32>
          %mul3A_902 = arith.mulf %mul3A_901, %add3A_899 : vector<16xf32>
          %max3A_903 = arith.maximumf %add3A_899, %mul3A_902 : vector<16xf32>
          %add3A_904 = arith.addf %unpack3A_895, %unpack3A_898 : vector<16xf32>
          %mul3A_905 = arith.constant 2.000000e-01 : f32
          %mul3A_906 = vector.broadcast %mul3A_905 : f32 to vector<16xf32>
          %mul3A_907 = arith.mulf %mul3A_906, %add3A_904 : vector<16xf32>
          %max3A_908 = arith.maximumf %add3A_904, %mul3A_907 : vector<16xf32>
          %mul3A_909 = arith.mulf %max3A_903, %get3A_569 : vector<16xf32>
          %add3A_910 = arith.addf %add3A_838, %mul3A_909 : vector<16xf32>
          %mul3A_911 = arith.mulf %max3A_908, %get3A_639 : vector<16xf32>
          %add3A_912 = arith.addf %add3A_836, %mul3A_911 : vector<16xf32>
          %mul3A_913 = arith.constant 2 : i32
          %mul3A_914 = vector.broadcast %mul3A_913 : i32 to vector<16xi32>
          %mul3A_915 = arith.muli %mul3A_914, %and3A_886 : vector<16xi32>
          %add3A_916 = vector.broadcast %mul3A_653 : i32 to vector<16xi32>
          %add3A_917 = arith.addi %mul3A_915, %add3A_916 : vector<16xi32>
          %add3A_918 = arith.constant 7 : i32
          %add3A_919 = vector.broadcast %add3A_918 : i32 to vector<16xi32>
          %add3A_920 = arith.addi %iota3A, %add3A_919 : vector<16xi32>
          %and3A_921 = arith.constant 7 : i32
          %and3A_922 = vector.broadcast %and3A_921 : i32 to vector<16xi32>
          %and3A_923 = arith.andi %add3A_920, %and3A_922 : vector<16xi32>
          %mul3A_924 = arith.constant 8 : i32
          %mul3A_925 = arith.muli %mul3A_924, %scan3A_521 : i32
          %add3A_926 = vector.broadcast %mul3A_925 : i32 to vector<16xi32>
          %add3A_927 = arith.addi %and3A_923, %add3A_926 : vector<16xi32>
          %gather3A_928 = tpu.vector_load_idx %arg11[%add3A_663, %add3A_927] : memref<96x64xi32, #tpu.memory_space<vmem>>[vector<16xi32>, vector<16xi32>], vector<16xi32>,
          %gather3A_929 = tpu.vector_load_idx %arg13[%add3A_663, %add3A_927] : memref<96x64xi32, #tpu.memory_space<vmem>>[vector<16xi32>, vector<16xi32>], vector<16xi32>,
          %bitcast3A_930 = vector.bitcast %gather3A_928 : vector<16xi32> to vector<32xbf16>
          %unpack3A_931 = tpu.unpack_subelements %bitcast3A_930, 0 {pack_format = #tpu.pack_format<interleaved>} : vector<32xbf16> -> vector<16xf32>
          %unpack3A_932 = tpu.unpack_subelements %bitcast3A_930, 1 {pack_format = #tpu.pack_format<interleaved>} : vector<32xbf16> -> vector<16xf32>
          %bitcast3A_933 = vector.bitcast %gather3A_929 : vector<16xi32> to vector<32xbf16>
          %unpack3A_934 = tpu.unpack_subelements %bitcast3A_933, 0 {pack_format = #tpu.pack_format<interleaved>} : vector<32xbf16> -> vector<16xf32>
          %unpack3A_935 = tpu.unpack_subelements %bitcast3A_933, 1 {pack_format = #tpu.pack_format<interleaved>} : vector<32xbf16> -> vector<16xf32>
          %add3A_936 = arith.addf %unpack3A_931, %unpack3A_934 : vector<16xf32>
          %mul3A_937 = arith.constant 2.000000e-01 : f32
          %mul3A_938 = vector.broadcast %mul3A_937 : f32 to vector<16xf32>
          %mul3A_939 = arith.mulf %mul3A_938, %add3A_936 : vector<16xf32>
          %max3A_940 = arith.maximumf %add3A_936, %mul3A_939 : vector<16xf32>
          %add3A_941 = arith.addf %unpack3A_932, %unpack3A_935 : vector<16xf32>
          %mul3A_942 = arith.constant 2.000000e-01 : f32
          %mul3A_943 = vector.broadcast %mul3A_942 : f32 to vector<16xf32>
          %mul3A_944 = arith.mulf %mul3A_943, %add3A_941 : vector<16xf32>
          %max3A_945 = arith.maximumf %add3A_941, %mul3A_944 : vector<16xf32>
          %mul3A_946 = arith.mulf %max3A_940, %get3A_576 : vector<16xf32>
          %add3A_947 = arith.addf %add3A_875, %mul3A_946 : vector<16xf32>
          %mul3A_948 = arith.mulf %max3A_945, %get3A_648 : vector<16xf32>
          %add3A_949 = arith.addf %add3A_873, %mul3A_948 : vector<16xf32>
          %mul3A_950 = arith.constant 2 : i32
          %mul3A_951 = vector.broadcast %mul3A_950 : i32 to vector<16xi32>
          %mul3A_952 = arith.muli %mul3A_951, %and3A_923 : vector<16xi32>
          %add3A_953 = vector.broadcast %mul3A_653 : i32 to vector<16xi32>
          %add3A_954 = arith.addi %mul3A_952, %add3A_953 : vector<16xi32>
          %add3A_955 = arith.addf %add3A_912, %add3A_949 : vector<16xf32>
          %add3A_956 = arith.addf %add3A_910, %add3A_947 : vector<16xf32>
          %add3A_957 = arith.addf %add3A_955, %add3A_956 : vector<16xf32>
          %exp3A = math.exp %add3A_957 : vector<16xf32>
          tpu.vector_store_idx %arg14[%add3A_663, %broadcast_in_dim3A_651], %exp3A : memref<96x136xf32, #tpu.memory_space<vmem>>[vector<16xi32>, vector<16xi32>], vector<16xf32>,
          %mul3A_958 = arith.mulf %unpack3A, %exp3A : vector<16xf32>
          tpu.vector_store_idx %arg14[%add3A_663, %add3A_695], %mul3A_958 : memref<96x136xf32, #tpu.memory_space<vmem>>[vector<16xi32>, vector<16xi32>], vector<16xf32>,
          %add3A_959 = arith.constant 1 : i32
          %add3A_960 = vector.broadcast %add3A_959 : i32 to vector<16xi32>
          %add3A_961 = arith.addi %add3A_695, %add3A_960 : vector<16xi32>
          %mul3A_962 = arith.mulf %unpack3A_674, %exp3A : vector<16xf32>
          tpu.vector_store_idx %arg14[%add3A_663, %add3A_961], %mul3A_962 : memref<96x136xf32, #tpu.memory_space<vmem>>[vector<16xi32>, vector<16xi32>], vector<16xf32>,
          %mul3A_963 = arith.mulf %unpack3A_709, %exp3A : vector<16xf32>
          tpu.vector_store_idx %arg14[%add3A_663, %add3A_732], %mul3A_963 : memref<96x136xf32, #tpu.memory_space<vmem>>[vector<16xi32>, vector<16xi32>], vector<16xf32>,
          %add3A_964 = arith.constant 1 : i32
          %add3A_965 = vector.broadcast %add3A_964 : i32 to vector<16xi32>
          %add3A_966 = arith.addi %add3A_732, %add3A_965 : vector<16xi32>
          %mul3A_967 = arith.mulf %unpack3A_710, %exp3A : vector<16xf32>
          tpu.vector_store_idx %arg14[%add3A_663, %add3A_966], %mul3A_967 : memref<96x136xf32, #tpu.memory_space<vmem>>[vector<16xi32>, vector<16xi32>], vector<16xf32>,
          %mul3A_968 = arith.mulf %unpack3A_746, %exp3A : vector<16xf32>
          tpu.vector_store_idx %arg14[%add3A_663, %add3A_769], %mul3A_968 : memref<96x136xf32, #tpu.memory_space<vmem>>[vector<16xi32>, vector<16xi32>], vector<16xf32>,
          %add3A_969 = arith.constant 1 : i32
          %add3A_970 = vector.broadcast %add3A_969 : i32 to vector<16xi32>
          %add3A_971 = arith.addi %add3A_769, %add3A_970 : vector<16xi32>
          %mul3A_972 = arith.mulf %unpack3A_747, %exp3A : vector<16xf32>
          tpu.vector_store_idx %arg14[%add3A_663, %add3A_971], %mul3A_972 : memref<96x136xf32, #tpu.memory_space<vmem>>[vector<16xi32>, vector<16xi32>], vector<16xf32>,
          %mul3A_973 = arith.mulf %unpack3A_783, %exp3A : vector<16xf32>
          tpu.vector_store_idx %arg14[%add3A_663, %add3A_806], %mul3A_973 : memref<96x136xf32, #tpu.memory_space<vmem>>[vector<16xi32>, vector<16xi32>], vector<16xf32>,
          %add3A_974 = arith.constant 1 : i32
          %add3A_975 = vector.broadcast %add3A_974 : i32 to vector<16xi32>
          %add3A_976 = arith.addi %add3A_806, %add3A_975 : vector<16xi32>
          %mul3A_977 = arith.mulf %unpack3A_784, %exp3A : vector<16xf32>
          tpu.vector_store_idx %arg14[%add3A_663, %add3A_976], %mul3A_977 : memref<96x136xf32, #tpu.memory_space<vmem>>[vector<16xi32>, vector<16xi32>], vector<16xf32>,
          %mul3A_978 = arith.mulf %unpack3A_820, %exp3A : vector<16xf32>
          tpu.vector_store_idx %arg14[%add3A_663, %add3A_843], %mul3A_978 : memref<96x136xf32, #tpu.memory_space<vmem>>[vector<16xi32>, vector<16xi32>], vector<16xf32>,
          %add3A_979 = arith.constant 1 : i32
          %add3A_980 = vector.broadcast %add3A_979 : i32 to vector<16xi32>
          %add3A_981 = arith.addi %add3A_843, %add3A_980 : vector<16xi32>
          %mul3A_982 = arith.mulf %unpack3A_821, %exp3A : vector<16xf32>
          tpu.vector_store_idx %arg14[%add3A_663, %add3A_981], %mul3A_982 : memref<96x136xf32, #tpu.memory_space<vmem>>[vector<16xi32>, vector<16xi32>], vector<16xf32>,
          %mul3A_983 = arith.mulf %unpack3A_857, %exp3A : vector<16xf32>
          tpu.vector_store_idx %arg14[%add3A_663, %add3A_880], %mul3A_983 : memref<96x136xf32, #tpu.memory_space<vmem>>[vector<16xi32>, vector<16xi32>], vector<16xf32>,
          %add3A_984 = arith.constant 1 : i32
          %add3A_985 = vector.broadcast %add3A_984 : i32 to vector<16xi32>
          %add3A_986 = arith.addi %add3A_880, %add3A_985 : vector<16xi32>
          %mul3A_987 = arith.mulf %unpack3A_858, %exp3A : vector<16xf32>
          tpu.vector_store_idx %arg14[%add3A_663, %add3A_986], %mul3A_987 : memref<96x136xf32, #tpu.memory_space<vmem>>[vector<16xi32>, vector<16xi32>], vector<16xf32>,
          %mul3A_988 = arith.mulf %unpack3A_894, %exp3A : vector<16xf32>
          tpu.vector_store_idx %arg14[%add3A_663, %add3A_917], %mul3A_988 : memref<96x136xf32, #tpu.memory_space<vmem>>[vector<16xi32>, vector<16xi32>], vector<16xf32>,
          %add3A_989 = arith.constant 1 : i32
          %add3A_990 = vector.broadcast %add3A_989 : i32 to vector<16xi32>
          %add3A_991 = arith.addi %add3A_917, %add3A_990 : vector<16xi32>
          %mul3A_992 = arith.mulf %unpack3A_895, %exp3A : vector<16xf32>
          tpu.vector_store_idx %arg14[%add3A_663, %add3A_991], %mul3A_992 : memref<96x136xf32, #tpu.memory_space<vmem>>[vector<16xi32>, vector<16xi32>], vector<16xf32>,
          %mul3A_993 = arith.mulf %unpack3A_931, %exp3A : vector<16xf32>
          tpu.vector_store_idx %arg14[%add3A_663, %add3A_954], %mul3A_993 : memref<96x136xf32, #tpu.memory_space<vmem>>[vector<16xi32>, vector<16xi32>], vector<16xf32>,
          %add3A_994 = arith.constant 1 : i32
          %add3A_995 = vector.broadcast %add3A_994 : i32 to vector<16xi32>
          %add3A_996 = arith.addi %add3A_954, %add3A_995 : vector<16xi32>
          %mul3A_997 = arith.mulf %unpack3A_932, %exp3A : vector<16xf32>
          tpu.vector_store_idx %arg14[%add3A_663, %add3A_996], %mul3A_997 : memref<96x136xf32, #tpu.memory_space<vmem>>[vector<16xi32>, vector<16xi32>], vector<16xf32>,
        }
        %scan3A_658 = arith.constant 6 : i32
      }
      %scan3A_505 = arith.constant 8 : i32
      %dma_start3A_506 = arith.constant 3 : i32
      %dma_start3A_507 = arith.constant 1 : i32
      %dma_start3A_508 = arith.constant 0 : i32
      %dma_start3A_509 = tpu.memref_slice %arg9[%dma_start3A_506, %dma_start3A_507, %dma_start3A_508] : memref<4x2x96xi32, #tpu.memory_space<vmem>> -> memref<1x1x96xi32, #tpu.memory_space<vmem>>
      %dma_start3A_510 = tpu.memref_squeeze %dma_start3A_509 : memref<1x1x96xi32, #tpu.memory_space<vmem>> -> memref<96xi32, #tpu.memory_space<vmem>>
      %dma_start3A_511 = arith.constant 0 : i32
      %dma_start3A_512 = arith.constant 0 : i32
      %dma_start3A_513 = tpu.memref_slice %arg8[%dma_start3A_511, %dma_start3A_512] : memref<10048x136xf32, #tpu.memory_space<vmem_shared>> -> memref<10048x136xf32, #tpu.memory_space<vmem_shared>>
      tpu.enqueue_indirect_dma source(%arg14 : memref<96x136xf32, #tpu.memory_space<vmem>>) target(%dma_start3A_513 : memref<10048x136xf32, #tpu.memory_space<vmem_shared>>) offsets(%dma_start3A_510 : memref<96xi32, #tpu.memory_space<vmem>>) semaphore(%arg18 : memref<!tpu.dma_semaphore, #tpu.memory_space<semaphore_mem>>) {add = true}
      %add3A_514 = arith.constant 2 : i32
      %add3A_515 = arith.addi %add3A_427, %add3A_514 : i32
      %lt3A_516 = arith.constant 108 : i32
      %lt3A_517 = arith.cmpi slt, %add3A_515, %lt3A_516 : i32
      %convert_element_type3A_518 = arith.extui %lt3A_517 : i1 to i32
      %cond3A_519 = arith.constant 0 : i32
      %cond3A_520 = arith.cmpi ne, %convert_element_type3A_518, %cond3A_519 : i32
      scf.if %cond3A_520 {
        %add3A_521 = arith.constant 2 : i32
        %add3A_522 = arith.addi %add3A_427, %add3A_521 : i32
        %mul3A_523 = arith.constant 96 : i32
        %mul3A_524 = arith.muli %add3A_522, %mul3A_523 : i32
        %add3A_525 = arith.addi %mul3A_2, %mul3A_524 : i32
        %dma_start3A_526 = arith.constant 1 : i32
        %dma_start3A_527 = arith.constant 1 : i32
        %dma_start3A_528 = arith.constant 0 : i32
        %dma_start3A_529 = arith.constant 0 : i32
        %dma_start3A_530 = tpu.memref_slice %arg9[%dma_start3A_526, %dma_start3A_528, %dma_start3A_529] : memref<4x2x96xi32, #tpu.memory_space<vmem>> -> memref<1x2x96xi32, #tpu.memory_space<vmem>>
        %dma_start3A_531 = tpu.memref_squeeze %dma_start3A_530 : memref<1x2x96xi32, #tpu.memory_space<vmem>> -> memref<2x96xi32, #tpu.memory_space<vmem>>
        %dma_start3A_532 = arith.constant 0 : i32
        %dma_start3A_533 = tpu.memref_slice %arg5[%dma_start3A_532, %add3A_525] : memref<2x331776xi32, #tpu.memory_space<hbm>> -> memref<2x96xi32, #tpu.memory_space<hbm>>
        %dma_start3A_534 = tpu.memref_slice %arg16[%dma_start3A_527] : memref<4x!tpu.dma_semaphore, #tpu.memory_space<semaphore_mem>> -> memref<1x!tpu.dma_semaphore, #tpu.memory_space<semaphore_mem>>
        %dma_start3A_535 = tpu.memref_squeeze %dma_start3A_534 : memref<1x!tpu.dma_semaphore, #tpu.memory_space<semaphore_mem>> -> memref<!tpu.dma_semaphore, #tpu.memory_space<semaphore_mem>>
        %dma_start3A_536 = arith.constant 0 : i32
        %dma_start3A_537 = arith.constant 0 : i32
        %dma_start3A_538 = tpu.memref_slice %arg9[%dma_start3A_526, %dma_start3A_536, %dma_start3A_537] : memref<4x2x96xi32, #tpu.memory_space<vmem>> -> memref<1x2x96xi32, #tpu.memory_space<vmem>>
        %dma_start3A_539 = tpu.memref_squeeze %dma_start3A_538 : memref<1x2x96xi32, #tpu.memory_space<vmem>> -> memref<2x96xi32, #tpu.memory_space<vmem>>
        %dma_start3A_540 = arith.constant 0 : i32
        %dma_start3A_541 = tpu.memref_slice %arg5[%dma_start3A_540, %add3A_525] : memref<2x331776xi32, #tpu.memory_space<hbm>> -> memref<2x96xi32, #tpu.memory_space<hbm>>
        tpu.enqueue_dma source(%dma_start3A_541 : memref<2x96xi32, #tpu.memory_space<hbm>>) target(%dma_start3A_539 : memref<2x96xi32, #tpu.memory_space<vmem>>) target_semaphore(%dma_start3A_535 : memref<!tpu.dma_semaphore, #tpu.memory_space<semaphore_mem>>)
      } else {
      }
    }
    %scan3A_122 = arith.constant 27 : i32
    %dma_wait3A_123 = arith.constant 3 : i32
    %dma_wait3A_124 = arith.constant 1 : i32
    %dma_wait3A_125 = arith.constant 0 : i32
    %dma_wait3A_126 = tpu.memref_slice %arg9[%dma_wait3A_123, %dma_wait3A_124, %dma_wait3A_125] : memref<4x2x96xi32, #tpu.memory_space<vmem>> -> memref<1x1x96xi32, #tpu.memory_space<vmem>>
    %dma_wait3A_127 = tpu.memref_squeeze %dma_wait3A_126 : memref<1x1x96xi32, #tpu.memory_space<vmem>> -> memref<96xi32, #tpu.memory_space<vmem>>
    %dma_wait3A_128 = arith.constant 0 : i32
    %dma_wait3A_129 = arith.constant 0 : i32
    %dma_wait3A_130 = tpu.memref_slice %arg8[%dma_wait3A_128, %dma_wait3A_129] : memref<10048x136xf32, #tpu.memory_space<vmem_shared>> -> memref<10048x136xf32, #tpu.memory_space<vmem_shared>>
    tpu.wait_indirect_dma semaphore(%arg18 : memref<!tpu.dma_semaphore, #tpu.memory_space<semaphore_mem>>) src(%arg14 : memref<96x136xf32, #tpu.memory_space<vmem>>) dst(%dma_wait3A_130 : memref<10048x136xf32, #tpu.memory_space<vmem_shared>>)
    %barrier3A_131 = arith.constant 0 : index
    tpu.barrier barrier_id(%barrier3A_131)
    %mul3A_132 = arith.constant 628 : i32
    %mul3A_133 = arith.muli %arg1, %mul3A_132 : i32
    %mul3A_134 = arith.constant 628 : i32
    %mul3A_135 = arith.muli %arg1, %mul3A_134 : i32
    "tpu.region"() ({
      %run_scoped3A = tpu.sem_alloc : memref<!tpu.dma_semaphore, #tpu.memory_space<semaphore_mem>>
      %dma_start3A_136 = arith.constant 0 : i32
      %dma_start3A_137 = tpu.memref_slice %arg7[%arg0, %mul3A_135, %dma_start3A_136] : memref<2x10048x136xf32, #tpu.memory_space<hbm>> -> memref<1x628x136xf32, #tpu.memory_space<hbm>>
      %dma_start3A_138 = tpu.memref_squeeze %dma_start3A_137 : memref<1x628x136xf32, #tpu.memory_space<hbm>> -> memref<628x136xf32, #tpu.memory_space<hbm>>
      %dma_start3A_139 = arith.constant 0 : i32
      %dma_start3A_140 = tpu.memref_slice %arg8[%mul3A_133, %dma_start3A_139] : memref<10048x136xf32, #tpu.memory_space<vmem_shared>> -> memref<628x136xf32, #tpu.memory_space<vmem_shared>>
      tpu.enqueue_dma source(%dma_start3A_140 : memref<628x136xf32, #tpu.memory_space<vmem_shared>>) target(%dma_start3A_138 : memref<628x136xf32, #tpu.memory_space<hbm>>) target_semaphore(%run_scoped3A : memref<!tpu.dma_semaphore, #tpu.memory_space<semaphore_mem>>)
      %dma_wait3A_141 = arith.constant 0 : i32
      %dma_wait3A_142 = tpu.memref_slice %arg7[%arg0, %mul3A_135, %dma_wait3A_141] : memref<2x10048x136xf32, #tpu.memory_space<hbm>> -> memref<1x628x136xf32, #tpu.memory_space<hbm>>
      %dma_wait3A_143 = tpu.memref_squeeze %dma_wait3A_142 : memref<1x628x136xf32, #tpu.memory_space<hbm>> -> memref<628x136xf32, #tpu.memory_space<hbm>>
      %dma_wait3A_144 = arith.constant 0 : i32
      %dma_wait3A_145 = tpu.memref_slice %arg8[%mul3A_133, %dma_wait3A_144] : memref<10048x136xf32, #tpu.memory_space<vmem_shared>> -> memref<628x136xf32, #tpu.memory_space<vmem_shared>>
      tpu.wait_dma2 semaphore(%run_scoped3A : memref<!tpu.dma_semaphore, #tpu.memory_space<semaphore_mem>>) src(%dma_wait3A_145 : memref<628x136xf32, #tpu.memory_space<vmem_shared>>) dst(%dma_wait3A_143 : memref<628x136xf32, #tpu.memory_space<hbm>>)
      tpu.yield
    }) : () -> ()
    return
  }
}

module attributes {stable_mosaic.version = 14 : i64} {
  func.func @_proj_body(%arg0: i32, %arg1: memref<1256x128xf32, #tpu.memory_space<vmem>>, %arg2: memref<128x128xf32, #tpu.memory_space<vmem>>, %arg3: memref<1x128xf32, #tpu.memory_space<vmem>>, %arg4: memref<128x128xf32, #tpu.memory_space<vmem>>, %arg5: memref<1x128xf32, #tpu.memory_space<vmem>>, %arg6: memref<1256x128xbf16, #tpu.memory_space<vmem>>, %arg7: memref<1256x128xbf16, #tpu.memory_space<vmem>>) attributes {dimension_semantics = [#tpu.dimension_semantics<arbitrary>], iteration_bounds = array<i64: 8>, scalar_prefetch = 0 : i64, scratch_operands = 0 : i64, tpu.core_type = #tpu.core_type<tc>, window_params = [{transform_indices = @transform_0, window_bounds = array<i64: 1256, 128>}, {pipeline_mode = #tpu.pipeline_mode<synchronous>, transform_indices = @transform_1, window_bounds = array<i64: 128, 128>}, {pipeline_mode = #tpu.pipeline_mode<synchronous>, transform_indices = @transform_2, window_bounds = array<i64: 1, 128>}, {pipeline_mode = #tpu.pipeline_mode<synchronous>, transform_indices = @transform_3, window_bounds = array<i64: 128, 128>}, {pipeline_mode = #tpu.pipeline_mode<synchronous>, transform_indices = @transform_4, window_bounds = array<i64: 1, 128>}, {transform_indices = @transform_5, window_bounds = array<i64: 1256, 128>}, {transform_indices = @transform_6, window_bounds = array<i64: 1256, 128>}]} {
    %get3A = arith.constant 0 : index
    %get3A_0 = arith.constant 0 : index
    %get3A_1 = vector.load %arg1[%get3A, %get3A_0] : memref<1256x128xf32, #tpu.memory_space<vmem>>, vector<1256x128xf32>
    %get3A_2 = arith.constant 0 : index
    %get3A_3 = arith.constant 0 : index
    %get3A_4 = vector.load %arg2[%get3A_2, %get3A_3] : memref<128x128xf32, #tpu.memory_space<vmem>>, vector<128x128xf32>
    %dot_general3A = arith.constant dense<0.000000e+00> : vector<1256x128xf32>
    %dot_general3A_5 = tpu.matmul %get3A_1, %get3A_4, %dot_general3A {dimension_numbers = #tpu.dot_dimension_numbers<[1], [0], [0], [1], [0, 0, 1, 1], [], []>, transpose_lhs_hint = false} : vector<1256x128xf32>, vector<128x128xf32>, vector<1256x128xf32> -> vector<1256x128xf32>
    %get3A_6 = arith.constant 0 : index
    %get3A_7 = arith.constant 0 : index
    %get3A_8 = vector.load %arg3[%get3A_6, %get3A_7] : memref<1x128xf32, #tpu.memory_space<vmem>>, vector<1x128xf32>
    %add3A = vector.broadcast %get3A_8 : vector<1x128xf32> to vector<1256x128xf32>
    %add3A_9 = arith.addf %dot_general3A_5, %add3A : vector<1256x128xf32>
    %convert_element_type3A = arith.truncf %add3A_9 : vector<1256x128xf32> to vector<1256x128xbf16>
    %swap3A = arith.constant 0 : index
    %swap3A_10 = arith.constant 0 : index
    %swap3A_11 = vector.load %arg6[%swap3A, %swap3A_10] : memref<1256x128xbf16, #tpu.memory_space<vmem>>, vector<1256x128xbf16>
    tpu.vector_store %arg6[%swap3A, %swap3A_10], %convert_element_type3A {strides = array<i32>} : memref<1256x128xbf16, #tpu.memory_space<vmem>>, vector<1256x128xbf16>,
    %get3A_12 = arith.constant 0 : index
    %get3A_13 = arith.constant 0 : index
    %get3A_14 = vector.load %arg4[%get3A_12, %get3A_13] : memref<128x128xf32, #tpu.memory_space<vmem>>, vector<128x128xf32>
    %dot_general3A_15 = arith.constant dense<0.000000e+00> : vector<1256x128xf32>
    %dot_general3A_16 = tpu.matmul %get3A_1, %get3A_14, %dot_general3A_15 {dimension_numbers = #tpu.dot_dimension_numbers<[1], [0], [0], [1], [0, 0, 1, 1], [], []>, transpose_lhs_hint = false} : vector<1256x128xf32>, vector<128x128xf32>, vector<1256x128xf32> -> vector<1256x128xf32>
    %get3A_17 = arith.constant 0 : index
    %get3A_18 = arith.constant 0 : index
    %get3A_19 = vector.load %arg5[%get3A_17, %get3A_18] : memref<1x128xf32, #tpu.memory_space<vmem>>, vector<1x128xf32>
    %add3A_20 = vector.broadcast %get3A_19 : vector<1x128xf32> to vector<1256x128xf32>
    %add3A_21 = arith.addf %dot_general3A_16, %add3A_20 : vector<1256x128xf32>
    %convert_element_type3A_22 = arith.truncf %add3A_21 : vector<1256x128xf32> to vector<1256x128xbf16>
    %swap3A_23 = arith.constant 0 : index
    %swap3A_24 = arith.constant 0 : index
    %swap3A_25 = vector.load %arg7[%swap3A_23, %swap3A_24] : memref<1256x128xbf16, #tpu.memory_space<vmem>>, vector<1256x128xbf16>
    tpu.vector_store %arg7[%swap3A_23, %swap3A_24], %convert_element_type3A_22 {strides = array<i32>} : memref<1256x128xbf16, #tpu.memory_space<vmem>>, vector<1256x128xbf16>,
    return
  }
  func.func @transform_0(%arg0: i32) -> (i32, i32) {
    %c0_i32 = arith.constant 0 : i32
    %c0_i32_0 = arith.constant 0 : i32
    return %arg0, %c0_i32 : i32, i32
  }
  func.func @transform_1(%arg0: i32) -> (i32, i32) {
    %c0_i32 = arith.constant 0 : i32
    %c0_i32_0 = arith.constant 0 : i32
    %c0_i32_1 = arith.constant 0 : i32
    return %c0_i32, %c0_i32_0 : i32, i32
  }
  func.func @transform_2(%arg0: i32) -> (i32, i32) {
    %c0_i32 = arith.constant 0 : i32
    %c0_i32_0 = arith.constant 0 : i32
    %c0_i32_1 = arith.constant 0 : i32
    return %c0_i32, %c0_i32_0 : i32, i32
  }
  func.func @transform_3(%arg0: i32) -> (i32, i32) {
    %c0_i32 = arith.constant 0 : i32
    %c0_i32_0 = arith.constant 0 : i32
    %c0_i32_1 = arith.constant 0 : i32
    return %c0_i32, %c0_i32_0 : i32, i32
  }
  func.func @transform_4(%arg0: i32) -> (i32, i32) {
    %c0_i32 = arith.constant 0 : i32
    %c0_i32_0 = arith.constant 0 : i32
    %c0_i32_1 = arith.constant 0 : i32
    return %c0_i32, %c0_i32_0 : i32, i32
  }
  func.func @transform_5(%arg0: i32) -> (i32, i32) {
    %c0_i32 = arith.constant 0 : i32
    %c0_i32_0 = arith.constant 0 : i32
    return %arg0, %c0_i32 : i32, i32
  }
  func.func @transform_6(%arg0: i32) -> (i32, i32) {
    %c0_i32 = arith.constant 0 : i32
    %c0_i32_0 = arith.constant 0 : i32
    return %arg0, %c0_i32 : i32, i32
  }
}

module attributes {stable_mosaic.version = 14 : i64} {
  func.func @_epi_body(%arg0: i32, %arg1: memref<2x1000x128xf32, #tpu.memory_space<vmem>>, %arg2: memref<2x1000x8xf32, #tpu.memory_space<vmem>>, %arg3: memref<1000x128xf32, #tpu.memory_space<vmem>>, %arg4: memref<128x128xf32, #tpu.memory_space<vmem>>, %arg5: memref<1x128xf32, #tpu.memory_space<vmem>>, %arg6: memref<1x128xf32, #tpu.memory_space<vmem>>, %arg7: memref<8x128xf32, #tpu.memory_space<vmem>>, %arg8: memref<1x128xf32, #tpu.memory_space<vmem>>, %arg9: memref<1x128xf32, #tpu.memory_space<vmem>>, %arg10: memref<1000x128xf32, #tpu.memory_space<vmem>>) attributes {dimension_semantics = [#tpu.dimension_semantics<arbitrary>], iteration_bounds = array<i64: 10>, scalar_prefetch = 0 : i64, scratch_operands = 0 : i64, tpu.core_type = #tpu.core_type<tc>, window_params = [{transform_indices = @transform_0, window_bounds = array<i64: 2, 1000, 128>}, {transform_indices = @transform_1, window_bounds = array<i64: 2, 1000, 8>}, {transform_indices = @transform_2, window_bounds = array<i64: 1000, 128>}, {pipeline_mode = #tpu.pipeline_mode<synchronous>, transform_indices = @transform_3, window_bounds = array<i64: 128, 128>}, {pipeline_mode = #tpu.pipeline_mode<synchronous>, transform_indices = @transform_4, window_bounds = array<i64: 1, 128>}, {pipeline_mode = #tpu.pipeline_mode<synchronous>, transform_indices = @transform_5, window_bounds = array<i64: 1, 128>}, {pipeline_mode = #tpu.pipeline_mode<synchronous>, transform_indices = @transform_6, window_bounds = array<i64: 8, 128>}, {pipeline_mode = #tpu.pipeline_mode<synchronous>, transform_indices = @transform_7, window_bounds = array<i64: 1, 128>}, {pipeline_mode = #tpu.pipeline_mode<synchronous>, transform_indices = @transform_8, window_bounds = array<i64: 1, 128>}, {transform_indices = @transform_9, window_bounds = array<i64: 1000, 128>}]} {
    %get3A = arith.constant 0 : index
    %get3A_0 = arith.constant 0 : index
    %get3A_1 = arith.constant 0 : index
    %get3A_2 = vector.load %arg1[%get3A, %get3A_0, %get3A_1] : memref<2x1000x128xf32, #tpu.memory_space<vmem>>, vector<1x1000x128xf32>
    %get3A_3 = vector.shape_cast %get3A_2 : vector<1x1000x128xf32> to vector<1000x128xf32>
    %get3A_4 = arith.constant 1 : index
    %get3A_5 = arith.constant 0 : index
    %get3A_6 = arith.constant 0 : index
    %get3A_7 = vector.load %arg1[%get3A_4, %get3A_5, %get3A_6] : memref<2x1000x128xf32, #tpu.memory_space<vmem>>, vector<1x1000x128xf32>
    %get3A_8 = vector.shape_cast %get3A_7 : vector<1x1000x128xf32> to vector<1000x128xf32>
    %add3A = arith.addf %get3A_3, %get3A_8 : vector<1000x128xf32>
    %get3A_9 = arith.constant 0 : index
    %get3A_10 = arith.constant 0 : index
    %get3A_11 = arith.constant 0 : index
    %get3A_12 = vector.load %arg2[%get3A_9, %get3A_10, %get3A_11] : memref<2x1000x8xf32, #tpu.memory_space<vmem>>, vector<1x1000x8xf32>
    %get3A_13 = vector.shape_cast %get3A_12 : vector<1x1000x8xf32> to vector<1000x8xf32>
    %get3A_14 = arith.constant 1 : index
    %get3A_15 = arith.constant 0 : index
    %get3A_16 = arith.constant 0 : index
    %get3A_17 = vector.load %arg2[%get3A_14, %get3A_15, %get3A_16] : memref<2x1000x8xf32, #tpu.memory_space<vmem>>, vector<1x1000x8xf32>
    %get3A_18 = vector.shape_cast %get3A_17 : vector<1x1000x8xf32> to vector<1000x8xf32>
    %add3A_19 = arith.addf %get3A_13, %get3A_18 : vector<1000x8xf32>
    %get3A_20 = arith.constant 0 : index
    %get3A_21 = arith.constant 0 : index
    %get3A_22 = vector.load %arg7[%get3A_20, %get3A_21] : memref<8x128xf32, #tpu.memory_space<vmem>>, vector<8x128xf32>
    %dot_general3A = arith.constant dense<0.000000e+00> : vector<1000x128xf32>
    %dot_general3A_23 = tpu.matmul %add3A_19, %get3A_22, %dot_general3A {dimension_numbers = #tpu.dot_dimension_numbers<[1], [0], [0], [1], [0, 0, 1, 1], [], []>, transpose_lhs_hint = false} : vector<1000x8xf32>, vector<8x128xf32>, vector<1000x128xf32> -> vector<1000x128xf32>
    %add3A_24 = arith.constant 1.000000e-16 : f32
    %add3A_25 = vector.broadcast %add3A_24 : f32 to vector<1000x128xf32>
    %add3A_26 = arith.addf %dot_general3A_23, %add3A_25 : vector<1000x128xf32>
    %div3A = arith.divf %add3A, %add3A_26 : vector<1000x128xf32>
    %get3A_27 = arith.constant 0 : index
    %get3A_28 = arith.constant 0 : index
    %get3A_29 = vector.load %arg6[%get3A_27, %get3A_28] : memref<1x128xf32, #tpu.memory_space<vmem>>, vector<1x128xf32>
    %add3A_30 = vector.broadcast %get3A_29 : vector<1x128xf32> to vector<1000x128xf32>
    %add3A_31 = arith.addf %div3A, %add3A_30 : vector<1000x128xf32>
    %get3A_32 = arith.constant 0 : index
    %get3A_33 = arith.constant 0 : index
    %get3A_34 = vector.load %arg3[%get3A_32, %get3A_33] : memref<1000x128xf32, #tpu.memory_space<vmem>>, vector<1000x128xf32>
    %get3A_35 = arith.constant 0 : index
    %get3A_36 = arith.constant 0 : index
    %get3A_37 = vector.load %arg4[%get3A_35, %get3A_36] : memref<128x128xf32, #tpu.memory_space<vmem>>, vector<128x128xf32>
    %dot_general3A_38 = arith.constant dense<0.000000e+00> : vector<1000x128xf32>
    %dot_general3A_39 = tpu.matmul %get3A_34, %get3A_37, %dot_general3A_38 {dimension_numbers = #tpu.dot_dimension_numbers<[1], [0], [0], [1], [0, 0, 1, 1], [], []>, transpose_lhs_hint = false} : vector<1000x128xf32>, vector<128x128xf32>, vector<1000x128xf32> -> vector<1000x128xf32>
    %get3A_40 = arith.constant 0 : index
    %get3A_41 = arith.constant 0 : index
    %get3A_42 = vector.load %arg5[%get3A_40, %get3A_41] : memref<1x128xf32, #tpu.memory_space<vmem>>, vector<1x128xf32>
    %add3A_43 = vector.broadcast %get3A_42 : vector<1x128xf32> to vector<1000x128xf32>
    %add3A_44 = arith.addf %dot_general3A_39, %add3A_43 : vector<1000x128xf32>
    %add3A_45 = arith.addf %add3A_31, %add3A_44 : vector<1000x128xf32>
    %reduce_sum3A = arith.constant dense<0.000000e+00> : vector<1000xf32>
    %reduce_sum3A_46 = vector.multi_reduction <add>, %add3A_45, %reduce_sum3A [1] : vector<1000x128xf32> to vector<1000xf32>
    %broadcast_in_dim3A = vector.shape_cast %reduce_sum3A_46 : vector<1000xf32> to vector<1000x1xf32>
    %div3A_47 = arith.constant 1.280000e+02 : f32
    %div3A_48 = vector.broadcast %div3A_47 : f32 to vector<1000x1xf32>
    %div3A_49 = arith.divf %broadcast_in_dim3A, %div3A_48 : vector<1000x1xf32>
    %sub3A = vector.broadcast %div3A_49 : vector<1000x1xf32> to vector<1000x128xf32>
    %sub3A_50 = arith.subf %add3A_45, %sub3A : vector<1000x128xf32>
    %mul3A = arith.mulf %sub3A_50, %sub3A_50 : vector<1000x128xf32>
    %reduce_sum3A_51 = arith.constant dense<0.000000e+00> : vector<1000xf32>
    %reduce_sum3A_52 = vector.multi_reduction <add>, %mul3A, %reduce_sum3A_51 [1] : vector<1000x128xf32> to vector<1000xf32>
    %broadcast_in_dim3A_53 = vector.shape_cast %reduce_sum3A_52 : vector<1000xf32> to vector<1000x1xf32>
    %div3A_54 = arith.constant 1.280000e+02 : f32
    %div3A_55 = vector.broadcast %div3A_54 : f32 to vector<1000x1xf32>
    %div3A_56 = arith.divf %broadcast_in_dim3A_53, %div3A_55 : vector<1000x1xf32>
    %add3A_57 = arith.constant 9.99999974E-6 : f32
    %add3A_58 = vector.broadcast %add3A_57 : f32 to vector<1000x1xf32>
    %add3A_59 = arith.addf %div3A_56, %add3A_58 : vector<1000x1xf32>
    %rsqrt3A = math.rsqrt %add3A_59 : vector<1000x1xf32>
    %mul3A_60 = vector.broadcast %rsqrt3A : vector<1000x1xf32> to vector<1000x128xf32>
    %mul3A_61 = arith.mulf %sub3A_50, %mul3A_60 : vector<1000x128xf32>
    %get3A_62 = arith.constant 0 : index
    %get3A_63 = arith.constant 0 : index
    %get3A_64 = vector.load %arg8[%get3A_62, %get3A_63] : memref<1x128xf32, #tpu.memory_space<vmem>>, vector<1x128xf32>
    %mul3A_65 = vector.broadcast %get3A_64 : vector<1x128xf32> to vector<1000x128xf32>
    %mul3A_66 = arith.mulf %mul3A_61, %mul3A_65 : vector<1000x128xf32>
    %get3A_67 = arith.constant 0 : index
    %get3A_68 = arith.constant 0 : index
    %get3A_69 = vector.load %arg9[%get3A_67, %get3A_68] : memref<1x128xf32, #tpu.memory_space<vmem>>, vector<1x128xf32>
    %add3A_70 = vector.broadcast %get3A_69 : vector<1x128xf32> to vector<1000x128xf32>
    %add3A_71 = arith.addf %mul3A_66, %add3A_70 : vector<1000x128xf32>
    %mul3A_72 = arith.constant 5.000000e-01 : f32
    %mul3A_73 = vector.broadcast %mul3A_72 : f32 to vector<1000x128xf32>
    %mul3A_74 = arith.mulf %mul3A_73, %add3A_71 : vector<1000x128xf32>
    %mul3A_75 = arith.constant 0.707106769 : f32
    %mul3A_76 = vector.broadcast %mul3A_75 : f32 to vector<1000x128xf32>
    %mul3A_77 = arith.mulf %add3A_71, %mul3A_76 : vector<1000x128xf32>
    %erf3A = math.erf %mul3A_77 : vector<1000x128xf32>
    %add3A_78 = arith.constant 1.000000e+00 : f32
    %add3A_79 = vector.broadcast %add3A_78 : f32 to vector<1000x128xf32>
    %add3A_80 = arith.addf %add3A_79, %erf3A : vector<1000x128xf32>
    %mul3A_81 = arith.mulf %mul3A_74, %add3A_80 : vector<1000x128xf32>
    %swap3A = arith.constant 0 : index
    %swap3A_82 = arith.constant 0 : index
    %swap3A_83 = vector.load %arg10[%swap3A, %swap3A_82] : memref<1000x128xf32, #tpu.memory_space<vmem>>, vector<1000x128xf32>
    tpu.vector_store %arg10[%swap3A, %swap3A_82], %mul3A_81 {strides = array<i32>} : memref<1000x128xf32, #tpu.memory_space<vmem>>, vector<1000x128xf32>,
    return
  }
  func.func @transform_0(%arg0: i32) -> (i32, i32, i32) {
    %c0_i32 = arith.constant 0 : i32
    %c0_i32_0 = arith.constant 0 : i32
    %c0_i32_1 = arith.constant 0 : i32
    return %c0_i32, %arg0, %c0_i32_0 : i32, i32, i32
  }
  func.func @transform_1(%arg0: i32) -> (i32, i32, i32) {
    %c0_i32 = arith.constant 0 : i32
    %c0_i32_0 = arith.constant 0 : i32
    %c0_i32_1 = arith.constant 0 : i32
    return %c0_i32, %arg0, %c0_i32_0 : i32, i32, i32
  }
  func.func @transform_2(%arg0: i32) -> (i32, i32) {
    %c0_i32 = arith.constant 0 : i32
    %c0_i32_0 = arith.constant 0 : i32
    return %arg0, %c0_i32 : i32, i32
  }
  func.func @transform_3(%arg0: i32) -> (i32, i32) {
    %c0_i32 = arith.constant 0 : i32
    %c0_i32_0 = arith.constant 0 : i32
    %c0_i32_1 = arith.constant 0 : i32
    return %c0_i32, %c0_i32_0 : i32, i32
  }
  func.func @transform_4(%arg0: i32) -> (i32, i32) {
    %c0_i32 = arith.constant 0 : i32
    %c0_i32_0 = arith.constant 0 : i32
    %c0_i32_1 = arith.constant 0 : i32
    return %c0_i32, %c0_i32_0 : i32, i32
  }
  func.func @transform_5(%arg0: i32) -> (i32, i32) {
    %c0_i32 = arith.constant 0 : i32
    %c0_i32_0 = arith.constant 0 : i32
    %c0_i32_1 = arith.constant 0 : i32
    return %c0_i32, %c0_i32_0 : i32, i32
  }
  func.func @transform_6(%arg0: i32) -> (i32, i32) {
    %c0_i32 = arith.constant 0 : i32
    %c0_i32_0 = arith.constant 0 : i32
    %c0_i32_1 = arith.constant 0 : i32
    return %c0_i32, %c0_i32_0 : i32, i32
  }
  func.func @transform_7(%arg0: i32) -> (i32, i32) {
    %c0_i32 = arith.constant 0 : i32
    %c0_i32_0 = arith.constant 0 : i32
    %c0_i32_1 = arith.constant 0 : i32
    return %c0_i32, %c0_i32_0 : i32, i32
  }
  func.func @transform_8(%arg0: i32) -> (i32, i32) {
    %c0_i32 = arith.constant 0 : i32
    %c0_i32_0 = arith.constant 0 : i32
    %c0_i32_1 = arith.constant 0 : i32
    return %c0_i32, %c0_i32_0 : i32, i32
  }
  func.func @transform_9(%arg0: i32) -> (i32, i32) {
    %c0_i32 = arith.constant 0 : i32
    %c0_i32_0 = arith.constant 0 : i32
    return %arg0, %c0_i32 : i32, i32
  }
}

</mosaic_0001>

<sc_bundles>
// kernel: kernel.5.cloned.1.call-start
scs
__scs_entry_jumppad:
0x0: {  	(pc) =	sbr.rel $0x88, $3  }
0x1: {  	(tag) =	ssettag $0x0;
	lr =	simm.s32 $0x1  }
0x2: {  	[smem:$0x3F93] =	sst lr;
	_ =	strace $0xD0000000  }
0x3: {  	_ = 	snop  }
0x4: {  	_ = 	snop  }
0x5: {  	_ = 	snop  }
0x6: {  	_ = 	snop  }
0x7: {  	_ = 	snop  }
__scs_overlays_trampoline_lowered:
0x8: {  	[smem:$0x3FA2] =	sst s0  }
0x9: {  	[smem:$0x3FA3] =	sst s1  }
0xa: {  	[smem:$0x3FA4] =	sst s2  }
0xb: {  	[smem:$0x3FA5] =	sst s3  }
0xc: {  	[smem:$0x3FA6] =	sst s4  }
0xd: {  	[smem:$0x3FA7] =	sst s5  }
0xe: {  	[smem:$0x3FA8] =	sst s6  }
0xf: {  	[smem:$0x3FA9] =	sst s7  }
0x10: {  	[smem:$0x3FAA] =	sst s8  }
0x11: {  	[smem:$0x3FAB] =	sst s9;
	s0 =	simm.s32 @!p0 $0x0  }
0x12: {  	s1 =	sld [smem:$0x3F91];
	s0 =	simm.s32 @p0 $0x1  }
0x13: {  	[smem:$0x3FAC] =	sst s0;
	s0 =	simm.s32 @!p1 $0x0  }
0x14: {  	s2 =	sld [smem:$0x3F90];
	s0 =	simm.s32 @p1 $0x1  }
0x15: {  	[smem:$0x3FAD] =	sst s0;
	s0 =	simm.s32 @!p2 $0x0  }
0x16: {  	s3 =	sld [smem:$0x3FDB];
	s0 =	simm.s32 @p2 $0x1  }
0x17: {  	s4 =	simm.s32 $0x1BF5;
	[smem:$0x3FAF] =	sst s0  }
0x18: {  	s0 =	sld [smem:$0x3F92];
	_ =	swait.ge [sflag:s4], $0x0  }
0x19: {  	s7 =	sld [smem:$0x3F93]  }
0x1a: {  	s8 =	sadd.s32 $0xFFFFE003, lr  }
0x1b: {  	s9 =	sadd.s32 $0xFFFFFEF7, lr;
	s5 =	simm.s32 $0xFFFFFFFF;
	p2 =	slt.u32 s8, $0xFFFFF086  }
0x1c: {  	p1 =	slt.u32 s9, $0xF7A;
	s5 =	simm.s32 @!p2 $0x0  }
0x1d: {  	s5 =	simm.s32 @p1 $0x1;
	p0 =	seq.s32 s7, s2  }
0x1e: {  	s7 =	smul.u32 @!p0 $0xF7A, s2;
	p2 =	seq.s32 @!p0 s5, $0x0  }
0x1f: {  	s9 =	smul.u32 $0xF7A, s1;
	s8 =	simm.s32 @!p0 $0x1BF5;
	p2 =	por !p2, p0  }
0x20: {  	[sflag:s8] =	ssyncset.s32 @!p0 $0xFFFFF086;
	s6 =	sadd.s32 @!p0 s3, s7;
	s7 =	simm.s32 @!p0 $0x108  }
0x21: {  	s3 =	sadd.s32 s3, s9;
	s6 =	sadd.s32 @!p0 $0x88, s6;
	s7 =	simm.s32 @p2 $0x1082  }
0x22: {  	[simem:s7], [sflag:s8] =	dma.local @!p0 [hbm:s6], $0xF7A  }
0x23: {  	s9 =	sor.u32 $0xD0000000, s2;
	s6 =	simm.s32 $0x108;
	_ =	swait.ge @!p0 [sflag:s8], $0x0  }
0x24: {  	s3 =	sadd.s32 $0x88, s3;
	s6 =	simm.s32 @!p1 $0x1082;
	[sflag:s4] =	ssyncset.s32 $0xFFFFF086  }
0x25: {  	[simem:s6], [sflag:s4] =	dma.local [hbm:s3], $0xF7A  }
0x26: {  	[smem:$0x3F93] =	sst s1;
	(tag) =	ssettag s2;
	_ =	strace s9  }
0x27: {  	s1 =	sld [smem:$0x3FA3]  }
0x28: {  	s2 =	sld [smem:$0x3FA4]  }
0x29: {  	s4 =	sld [smem:$0x3FA6]  }
0x2a: {  	p0 =	seq.s32 s5, $0x0;
	s5 =	sld [smem:$0x3FA7]  }
0x2b: {  	s6 =	sld [smem:$0x3FA8]  }
0x2c: {  	s7 =	sld [smem:$0x3FA9]  }
0x2d: {  	s3 =	simm.s32 $0x108;
	s8 =	sld [smem:$0x3FAA]  }
0x2e: {  	s3 =	simm.s32 @!p0 $0x1082;
	s9 =	sld [smem:$0x3FAB]  }
0x2f: {  	lr =	sadd.s32 s0, s3;
	s0 =	sld [smem:$0x3FA2]  }
0x30: {  	s3 =	sld [smem:$0x3FA5]  }
0x31: {  	[smem:$0x3FAE] =	sst s10  }
0x32: {  	s10 =	sld [smem:$0x3FAC];
	_ =	sdelay $0x3  }
0x33: {  	p0 =	seq.s32 s10, $0x1;
	s10 =	sld [smem:$0x3FAE];
	_ =	sdelay $0x3  }
0x34: {  	[smem:$0x3FAE] =	sst s10  }
0x35: {  	s10 =	sld [smem:$0x3FAD];
	_ =	sdelay $0x3  }
0x36: {  	p1 =	seq.s32 s10, $0x1;
	s10 =	sld [smem:$0x3FAE];
	_ =	sdelay $0x3  }
0x37: {  	[smem:$0x3FAE] =	sst s10  }
0x38: {  	s10 =	sld [smem:$0x3FAF]  }
0x39: {  	_ = 	snop;
	(pc) =	sbr.ind lr, $3  }
0x3a: {  	_ = 	snop  }
0x3b: {  	_ = 	snop  }
0x3c: {  	p2 =	seq.s32 s10, $0x1;
	s10 =	sld [smem:$0x3FAE]  }
0x3d: {  	_ =	shalt  }
0x3e: {  	_ =	shalt  }
0x3f: {  	_ =	shalt  }
0x40: {  	_ =	shalt  }
0x41: {  	_ =	shalt  }
0x42: {  	_ =	shalt  }
0x43: {  	_ =	shalt  }
0x44: {  	_ =	shalt  }
0x45: {  	_ =	shalt  }
0x46: {  	_ =	shalt  }
0x47: {  	_ =	shalt  }
0x48: {  	_ =	shalt  }
0x49: {  	_ =	shalt  }
0x4a: {  	_ =	shalt  }
0x4b: {  	_ =	shalt  }
0x4c: {  	_ =	shalt  }
0x4d: {  	_ =	shalt  }
0x4e: {  	_ =	shalt  }
0x4f: {  	_ =	shalt  }
0x50: {  	_ =	shalt  }
0x51: {  	_ =	shalt  }
0x52: {  	_ =	shalt  }
0x53: {  	_ =	shalt  }
0x54: {  	_ =	shalt  }
0x55: {  	_ =	shalt  }
0x56: {  	_ =	shalt  }
0x57: {  	_ =	shalt  }
0x58: {  	_ =	shalt  }
0x59: {  	_ =	shalt  }
0x5a: {  	_ =	shalt  }
0x5b: {  	_ =	shalt  }
0x5c: {  	_ =	shalt  }
0x5d: {  	_ =	shalt  }
0x5e: {  	_ =	shalt  }
0x5f: {  	_ =	shalt  }
0x60: {  	_ =	shalt  }
0x61: {  	_ =	shalt  }
0x62: {  	_ =	shalt  }
0x63: {  	_ =	shalt  }
0x64: {  	_ =	shalt  }
0x65: {  	_ =	shalt  }
0x66: {  	_ =	shalt  }
0x67: {  	_ =	shalt  }
0x68: {  	_ =	shalt  }
0x69: {  	_ =	shalt  }
0x6a: {  	_ =	shalt  }
0x6b: {  	_ =	shalt  }
0x6c: {  	_ =	shalt  }
0x6d: {  	_ =	shalt  }
0x6e: {  	_ =	shalt  }
0x6f: {  	_ =	shalt  }
0x70: {  	_ =	shalt  }
0x71: {  	_ =	shalt  }
0x72: {  	_ =	shalt  }
0x73: {  	_ =	shalt  }
0x74: {  	_ =	shalt  }
0x75: {  	_ =	shalt  }
0x76: {  	_ =	shalt  }
0x77: {  	_ =	shalt  }
0x78: {  	_ =	shalt  }
0x79: {  	_ =	shalt  }
0x7a: {  	_ =	shalt  }
0x7b: {  	_ =	shalt  }
0x7c: {  	_ =	shalt  }
0x7d: {  	_ =	shalt  }
0x7e: {  	_ =	shalt  }
0x7f: {  	_ =	shalt  }
0x80: {  	_ =	shalt  }
0x81: {  	_ =	shalt  }
0x82: {  	_ =	shalt  }
0x83: {  	_ =	shalt  }
0x84: {  	_ =	shalt  }
0x85: {  	_ =	shalt  }
0x86: {  	_ =	shalt  }
0x87: {  	_ =	shalt  }
.Lfunc_end0:
.L_simem_size_0:
called_computation_lowered:
.L_overlay_start_0:
0x88: {  	s2 =	sld [smem:$0x3FD9]  }
0x89: {  	s3 =	sld [smem:$0x3FFE];
	_ =	sdelay $0x1  }
0x8a: {  	s1 =	srdreg.scid  }
0x8b: {  	s0 =	sand.u32 $0x1, s1  }
0x8c: {  	s17 =	sshll.u32 s0, $0xA;
	s2 =	sadd.s32 s3, s2  }
0x8d: {  	s2 =	sadd.s32 s2, s17  }
0x8e: {  	[smem:$0x3FBA] =	sst s2  }
0x8f: {  	_ = 	snop  }
0x90: {  	s2 =	sld [smem:$0x3FD0];
	(tm) =	ssettm $0x1  }
0x91: {  	s18 =	sld [smem:$0x3FFB];
	_ =	sdelay $0x3  }
0x92: {  	_ =	strace s18  }
0x93: {  	s3 =	sld [smem:$0x3FFC];
	_ =	sdelay $0x3  }
0x94: {  	_ =	strace s3  }
0x95: {  	s3 =	sld [smem:$0x3FFD];
	_ =	sdelay $0x3  }
0x96: {  	_ =	strace s3  }
0x97: {  	_ =	strace $0x8FFFFFFF  }
0x98: {  	s19 =	sld [smem:$0x3FDB];
	_ =	sdelay $0x1  }
0x99: {  	s4 =	simm.s32 $_scs_section_size  }
0x9a: {  	s5 =	simm.s32 $_size__tile_overlayer_lowered;
	s6 =	simm.s32 $_tile_overlayer_lowered  }
0x9b: {  	s22 =	simm.s32 $0x1BFF;
	s21 =	sshll.u32 s6, $0x1;
	s3 =	sadd.s32 s4, s19  }
0x9c: {  	s7 =	simm.s32 $0x0;
	s20 =	sshll.u32 s5, $0x1;
	s5 =	sadd.s32 s21, s3  }
0x9d: {  	[timem:s7], [sflag:s22] =	dma.local [hbm:s5], s20  }
0x9e: {  	_ =	swait.ge [sflag:s22], s20  }
0x9f: {  	s4 =	ssub.s32 $0x0, s20;
	[sflag:s22] =	ssyncset.done $0x0  }
0xa0: {  	[sflag:s22] =	ssyncadd.s32 s4;
	_ =	sdelay $0x1  }
0xa1: {  	s23 =	simm.s32 $0x1B8B  }
0xa2: {  	_ =	swait.ge [sflag:s23], $0x1  }
0xa3: {  	[sflag:s23] =	ssyncset.done $0x0  }
0xa4: {  	s25 =	simm.s32 $0x1B8E;
	s24 =	sld [smem:$0x3FFE];
	[sflag:s23] =	ssyncadd.s32 $0xFFFFFFFF  }
0xa5: {  	s26 =	simm.s32 $execute0_lowered;
	[smem:$0x3FD2] =	sst s25  }
0xa6: {  	s5 =	sshll.u32 s26, $0x1;
	_ =	strace $0x80000046;
	[dreg:$0x1] =	wrdreg $0xFFFFFFFF  }
0xa7: {  	s28 =	simm.s32 $_size_execute0_lowered;
	s3 =	sadd.s32 s3, s5;
	[dreg:$0x0] =	wrdreg $0x0  }
0xa8: {  	s5 =	sshll.u32 s28, $0x1;
	[dreg:$0x2] =	wrdreg s3  }
0xa9: {  	[dreg:$0x3] =	wrdreg s5  }
0xaa: {  	[dreg:$0x4] =	wrdreg $0xC0  }
0xab: {  	_ =	task [dreg:s7], $0x5FFFF  }
0xac: {  	[dreg:$0x1] =	wrdreg $0xFFFFFFFF  }
0xad: {  	[dreg:$0x0] =	wrdreg $0x60  }
0xae: {  	[dreg:$0x2] =	wrdreg s24  }
0xaf: {  	[dreg:$0x3] =	wrdreg s2  }
0xb0: {  	[dreg:$0x4] =	wrdreg $0x0  }
0xb1: {  	[dreg:$0x5] =	wrdreg $0x9  }
0xb2: {  	_ =	task.clear_ibuf [dreg:s7], $0x6FFFF;
	_ =	strace $0x90000046  }
0xb3: {  	s29 =	simm.s32 $0x9;
	_ =	strace $0x80000048  }
0xb4: {  	_ =	swait.ge [sflag:s29], $0x1  }
0xb5: {  	[sflag:s29] =	ssyncadd.s32 $0xFFFFFFFF  }
0xb6: {  	_ =	strace $0x90000048  }
0xb7: {  	_ =	sfence  }
0xb8: {  	s30 =	sld [smem:$0x0];
	_ =	sdelay $0x2  }
0xb9: {  	s31 =	sshll.u32 s1, $0xD;
	s1 =	sshrl.u32 s1, $0x2  }
0xba: {  	s3 =	sand.u32 $0x4000, s31;
	s1 =	sadd.s32 s1, s30  }
0xbb: {  	s0 =	sor.u32 s3, s0;
	s1 =	sshll.u32 s1, $0x11  }
0xbc: {  	s0 =	sor.u32 s1, s0  }
0xbd: {  	s0 =	sadd.s32 $0x8F2B, s0  }
0xbe: {  	[sflag:s0] =	ssyncadd.remote.s32 $0x1  }
0xbf: {  	_ =	sfence.sel $0xFFFF  }
0xc0: {  	[dreg:$0x0] =	wrdreg $0xFFFFFFFF;
	(pc) =	sbr.abs _section_cstart, $3  }
0xc1: {  	[dreg:$0x1] =	wrdreg $0xFFFFFFFF  }
0xc2: {  	_ =	task.clear_ibuf [dreg:s7], $0x2FFFF;
	_ =	strace $0x9FFFFFFF  }
0xc3: {  	(tm) =	ssettm $0x7FFFFFFF  }
tec
execute0_lowered:
.L_overlay_start_1:
0x0: {  	(tag) =	ssettag $0x1  }
0x1: {  	s0 =	rddreg [dreg:$0x0]  }
0x2: {  	s1 =	rddreg [dreg:$0x1]  }
0x3: {  	s3 =	rddreg [dreg:$0x2]  }
0x4: {  	s6 =	simm.s32 $0x0;
	s2 =	srdreg.scid;
	s11 =	stileid.u32  }
0x5: {  	vm0 =	vcmask $0x1B0C;
	s12 =	simm.s32 $0x14E60;
	s28 =	simm.s32 $0x150A0;
	s30 =	simm.s32 $0x180A0  }
0x6: {  	vm1 =	vcmask $0x3B2C;
	vm2 =	vcmask $0x1708;
	v49 =	vimm.s32 $0x7654321;
	s31 =	simm.s32 $0x168A0;
	s16 =	simm.s32 $0x5;
	s29 =	simm.s32 $0x9  }
0x7: {  	vm3 =	vcmask $0x3728;
	v50 =	vimm.s32 $0x10765432;
	v52 =	vimm.s32 $0x21076543;
	s14 =	simm.s32 $0xC;
	s13 =	simm.s32 $0x4;
	s2 =	sand.u32 $0x1, s2  }
0x8: {  	v53 =	vimm.s32 $0x32107654;
	v54 =	vimm.s32 $0x43210765;
	s4 =	smul.u32 $0x14DA0, s11;
	s5 =	sshll.u32 s11, $0x1;
	[smem:$0x7FF] =	sst s6  }
0x9: {  	v28 =	vlaneseq.u32;
	vm4 =	vcmask $0x1304;
	v55 =	vimm.s32 $0x54321076;
	s6 =	sadd.s32 $0x1800, s0;
	s9 =	sadd.s32 $0x1600, s0;
	s18 =	sadd.s32 $0x28C00, s0  }
0xa: {  	v41 =	vimm.s32 $0x0;
	vm5 =	vcmask $0x3324;
	v57 =	vimm.s32 $0x65432107;
	s26 =	sshll.u32 s11, $0x6;
	s11 =	simm.s32 $0xD;
	s7 =	smul.u32 $0x14DA00, s2  }
0xb: {  	v43 =	vimm.s32 $0x8;
	v58 =	vimm.s32 $0x1070503;
	v59 =	vimm.s32 $0x60402;
	s17 =	sor.u32 s2, s5;
	_ =	strace $0x80000047;
	[dreg:$0x4] =	wrdreg s9  }
0xc: {  	v60 =	vimm.s32 $0x2000604;
	v61 =	vimm.s32 $0x3010705;
	v2 =	vsel vm0, $0x8, v41;
	s5 =	sadd.s32 $0x15200, s0;
	[dreg:$0x5] =	wrdreg s18;
	s2 =	ssub.s32 $0x2, s2  }
0xd: {  	v62 =	vimm.s32 $0x4020006;
	v3 =	vsel vm2, $0x8, v41;
	v2 =	vsel vm1, $0x8, v2;
	s18 =	simm.s32 $0x51000;
	s8 =	smul.u32 $0x2880, s17;
	s10 =	sshrl.u32 s2, $0x1  }
0xe: {  	v0 =	vshrl.u32 v28, $0x2;
	v44 =	vsel vm0, $0x0, v43;
	v42 =	vsel vm3, $0x8, v3;
	[tilespmem:$0x1FF40] =	vst v2;
	s17 =	simm.s32 $0x60;
	s7 =	sadd.s32 s4, s7;
	s2 =	ssub.s32 s2, s10  }
0xf: {  	v45 =	vsel vm2, $0x0, v43;
	v0 =	vand.u32 $0x1, v0;
	v46 =	vsel vm1, $0x0, v44;
	[tilespmem:$0x1FF50] =	vst v42;
	s4 =	sadd.s32 s4, s3;
	s10 =	simm.s32 $0x0;
	s21 =	sadd.s32 $0xC0, s8  }
0x10: {  	v47 =	vsel vm3, $0x0, v45;
	v1 =	vmul.u32 $0x8, v0;
	v0 =	vmul.u32 $0xFFFFFFF8, v0;
	[tilespmem:$0x1FF80] =	vst v46;
	s19 =	sshrl.u32 s8, $0x3;
	s22 =	sadd.s32 $0x120, s8;
	[dreg:$0x8] =	wrdreg s21  }
0x11: {  	v63 =	vimm.s32 $0x5030107;
	v48 =	vsel vm4, $0x0, v43;
	v51 =	vunpack.c.l.s4.s8 v49;
	[tilespmem:$0x1FF90] =	vst v47;
	s7 =	sshrl.u32 s7, $0x3;
	s23 =	sadd.s32 $0x180, s8;
	[dreg:$0x9] =	wrdreg s22  }
0x12: {  	v56 =	vunpack.c.l.s4.s8 v54;
	[tilespmem:$0x1FF30] =	vst v1;
	s24 =	sadd.s32 $0x1E0, s8;
	v1 =	vsel vm4, $0x8, v41;
	s25 =	smax.u32 s2, $0x1;
	v0 =	vadd.s32 $0x8, v0;
	[dreg:$0xa] =	wrdreg s23  }
0x13: {  	v29 =	vand.u32 $0x7, v28;
	v3 =	vunpack.c.l.s4.s8 v57;
	s8 =	sor.u32 $0x1C0E, s26;
	s26 =	simm.s32 $0x30;
	[dreg:$0xb] =	wrdreg s24;
	v1 =	vsel vm5, $0x8, v1;
	[tilespmem:$0x1FF70] =	vst v0  }
0x14: {  	v33 =	vunpack.c.0.s8.s32 v56;
	s9 =	sadd.s32 s1, s19;
	s0 =	sadd.s32 s7, s0;
	[dreg:$0xd] =	wrdreg s25;
	v0 =	vsel vm5, $0x0, v48;
	[tilespmem:$0x1FF60] =	vst v1;
	v1 =	vunpack.c.l.s4.s8 v52  }
0x15: {  	v4 =	vand.u32 $0x3, v28;
	v11 =	vunpack.c.0.s8.s32 v3;
	s22 =	simm.s32 $0xE;
	s19 =	simm.s32 $0x198A0;
	s25 =	simm.s32 $0x6;
	[tilespmem:$0x1FFA0] =	vst v0;
	v0 =	vunpack.c.l.s4.s8 v53  }
.Ltmp0:
0x16: {  	v19 =	vunpack.c.0.s8.s32 v59;
	[tilespmem:$0x1FFE0] =	vst v33;
	s23 =	simm.s32 $0x8;
	[dreg:$0xe] =	wrdreg s8;
	v32 =	vunpack.c.0.s8.s32 v1;
	v1 =	vunpack.c.l.s4.s8 v55;
	(pc) =	sbr.rel .LBB2_1-.Ltmp0, $4  }
0x17: {  	v20 =	vunpack.c.0.s8.s32 v58;
	v21 =	vunpack.c.0.s8.s32 v60;
	s24 =	simm.s32 $0x1B0A0;
	[tilespmem:$0x1FFC0] =	vst v11;
	[dreg:$0x6] =	wrdreg s9;
	s20 =	sadd.s32 $0xC, s9;
	v34 =	vunpack.c.0.s8.s32 v0  }
0x18: {  	v15 =	vmul.u32 $0x2, v4;
	v2 =	vunpack.c.l.s4.s8 v50;
	s7 =	simm.s32 $0x3;
	s0 =	sadd.s32 $0x2B600, s0;
	[dreg:$0x7] =	wrdreg s20;
	v10 =	vunpack.c.0.s8.s32 v1;
	[tilespmem:$0x1FFD0] =	vst v32  }
0x19: {  	v22 =	vunpack.c.0.s8.s32 v61;
	v23 =	vunpack.c.0.s8.s32 v62;
	v24 =	vunpack.c.0.s8.s32 v63;
	s21 =	simm.s32 $0xA;
	s9 =	simm.s32 $0x7;
	[dreg:$0xc] =	wrdreg s0;
	[tilespmem:$0x1FFF0] =	vst v34  }
0x1a: {  	v30 =	vunpack.c.0.s8.s32 v51;
	v18 =	vor.u32 $0x1, v15;
	v31 =	vunpack.c.0.s8.s32 v2;
	s20 =	sshrl.u32 s4, $0x3;
	s4 =	simm.s32 $0x2;
	s0 =	simm.s32 $0xB;
	[tilespmem:$0x1FFB0] =	vst v10  }
.LBB2_20:
0x1b: {  	_ =	swait.ge [sflag:s11], $0x3300  }
0x1c: {  	[sflag:s11] =	ssyncset.done $0x0  }
0x1d: {  	[sflag:s11] =	ssyncadd.s32 $0xFFFFCD00  }
0x1e: {  	[bflag:$0x0] =	sbarrier.arrive $0xFFFF  }
0x1f: {  	s2 =	rddreg [dreg:$0xc]  }
0x20: {  	s22 =	simm.s32 $0xE;
	s8 =	rddreg [dreg:$0xe]  }
0x21: {  	[hbm:s2], [sflag:s8] =	dma.local [spmem:s20], $0x29B4  }
0x22: {  	_ =	swait.ge [sflag:s22], $0x29B4  }
0x23: {  	s10 =	rddreg [dreg:$0xf]  }
0x24: {  	s15 =	rddreg [dreg:$0xd];
	s10 =	sadd.s32 $0x1, s10  }
0x25: {  	p0 =	sne.s32 s10, s15  }
.Ltmp1:
0x26: {  	_ = 	snop;
	(pc) =	sbr.rel @!p0 .LBB2_21-.Ltmp1, $3  }
0x27: {  	_ =	sdelay $0x1  }
0x28: {  	[sflag:s22] =	ssyncset.done $0x0  }
0x29: {  	s12 =	simm.s32 $0x14E60;
	[sflag:s22] =	ssyncadd.s32 $0xFFFFD64C  }
.LBB2_1:
0x2a: {  	[dreg:$0xf] =	wrdreg s10  }
0x2b: {  	s2 =	rddreg [dreg:$0x6];
	s10 =	simm.s32 $0x14DA0  }
0x2c: {  	[tilespmem:s10], [sflag:$0x1] =	stream.strided.gather [hbm4b:s2+s17], $0xC0, s18, s17, $0x38;
	[tilespmem:$0x1EBA0] =	vst v63  }
0x2d: {  	s15 =	rddreg [dreg:$0x7]  }
0x2e: {  	[tilespmem:s12], [sflag:$0x2] =	stream.strided.gather [hbm4b:s15+s17], $0xC0, s18, s17, $0x38;
	[tilespmem:$0x1EBA0] =	vst v63  }
0x2f: {  	s2 =	simm.s32 $0x0;
	s18 =	smov.u32 s20  }
0x30: {  	s20 =	smov.u32 s8;
	s8 =	rddreg [dreg:$0x4];
	s15 =	simm.s32 $0x1E3A0  }
0x31: {  	[tilespmem:s15], [sflag:$0xE] =	stream.linear.gather [hbm4b:s8+s2], $0x800, $0x38;
	[tilespmem:$0x1EBA0] =	vst v63  }
0x32: {  	_ =	swait.ge [sflag:s22], $0x800  }
0x33: {  	[sflag:s22] =	ssyncset.done $0x0  }
0x34: {  	s8 =	rddreg [dreg:$0x5];
	[sflag:s22] =	ssyncadd.s32 $0xFFFFF800  }
0x35: {  	[spmem:s18], [sflag:s20] =	dma.local [hbm:s8], $0x29B4  }
0x36: {  	_ =	swait.ge [sflag:s22], $0x29B4  }
0x37: {  	[sflag:s22] =	ssyncset.done $0x0  }
0x38: {  	s15 =	simm.s32 $0x1;
	[sflag:s22] =	ssyncadd.s32 $0xFFFFD64C  }
0x39: {  	_ =	swait.ge [sflag:s15], $0xC0  }
0x3a: {  	[sflag:s15] =	ssyncset.done $0x0  }
0x3b: {  	[sflag:s15] =	ssyncadd.s32 $0xFFFFFF40  }
0x3c: {  	[tilespmem:s28], [sflag:$0x5] =	stream.indirect.gather [hbm4b:s5+s26], $0x40, s10, s26, $0xb8;
	[tilespmem:$0x1EBA0] =	vst v63  }
0x3d: {  	s22 =	simm.s32 $0x14E00  }
0x3e: {  	[tilespmem:s30], [sflag:$0x7] =	stream.indirect.gather [hbm4b:s6+s26], $0x40, s22, s26, $0xb8;
	[tilespmem:$0x1EBA0] =	vst v63  }
0x3f: {  	s8 =	simm.s32 $0x14DD0;
	s10 =	simm.s32 $0x15CA0  }
0x40: {  	[tilespmem:s10], [sflag:$0x6] =	stream.indirect.gather [hbm4b:s5+s26], $0x40, s8, s26, $0xb8;
	[tilespmem:$0x1EBA0] =	vst v63  }
0x41: {  	s2 =	simm.s32 $0x0;
	s15 =	simm.s32 $0x14E30;
	s22 =	simm.s32 $0x18CA0  }
0x42: {  	[tilespmem:s22], [sflag:$0x8] =	stream.indirect.gather [hbm4b:s6+s26], $0x40, s15, s26, $0xb8;
	[tilespmem:$0x1EBA0] =	vst v63  }
0x43: {  	s20 =	smov.u32 s18;
	s18 =	simm.s32 $0x51000;
	[bflag:$0x0] =	sbarrier.arrive $0xFFFF  }
.LBB2_2:
0x44: {  	_ =	swait.ge [sflag:s4], $0xC0  }
0x45: {  	[sflag:s4] =	ssyncset.done $0x0  }
0x46: {  	[sflag:s4] =	ssyncadd.s32 $0xFFFFFF40  }
0x47: {  	[tilespmem:s31], [sflag:$0x9] =	stream.indirect.gather [hbm4b:s5+s26], $0x40, s12, s26, $0xb8;
	[tilespmem:$0x1EBA0] =	vst v63  }
0x48: {  	s8 =	simm.s32 $0x14EC0  }
0x49: {  	[tilespmem:s19], [sflag:$0xB] =	stream.indirect.gather [hbm4b:s6+s26], $0x40, s8, s26, $0xb8;
	[tilespmem:$0x1EBA0] =	vst v63  }
0x4a: {  	s10 =	simm.s32 $0x174A0;
	s12 =	simm.s32 $0x14E90  }
0x4b: {  	[tilespmem:s10], [sflag:$0xA] =	stream.indirect.gather [hbm4b:s5+s26], $0x40, s12, s26, $0xb8;
	[tilespmem:$0x1EBA0] =	vst v63  }
0x4c: {  	s15 =	simm.s32 $0x14EF0;
	s22 =	simm.s32 $0x1A4A0  }
0x4d: {  	[tilespmem:s22], [sflag:$0xC] =	stream.indirect.gather [hbm4b:s6+s26], $0x40, s15, s26, $0xb8;
	[tilespmem:$0x1EBA0] =	vst v63  }
0x4e: {  	_ =	swait.ge [sflag:s16], $0xC00  }
0x4f: {  	[sflag:s16] =	ssyncset.done $0x0  }
0x50: {  	[sflag:s16] =	ssyncadd.s32 $0xFFFFF400  }
0x51: {  	_ =	swait.ge [sflag:s9], $0xC00  }
0x52: {  	[sflag:s9] =	ssyncset.done $0x0  }
0x53: {  	[sflag:s9] =	ssyncadd.s32 $0xFFFFF400  }
0x54: {  	_ =	swait.ge [sflag:s25], $0xC00  }
0x55: {  	[sflag:s25] =	ssyncset.done $0x0  }
0x56: {  	[sflag:s25] =	ssyncadd.s32 $0xFFFFF400  }
0x57: {  	_ =	swait.ge [sflag:s23], $0xC00  }
0x58: {  	p0 =	seq.s32 s2, $0x0;
	[sflag:s23] =	ssyncset.done $0x0  }
0x59: {  	s8 =	simm.s32 @!p0 $0xD;
	[sflag:s23] =	ssyncadd.s32 $0xFFFFF400  }
0x5a: {  	_ =	swait.ge @!p0 [sflag:s8], $0x3300  }
0x5b: {  	[sflag:s8] =	ssyncset.done @!p0 $0x0  }
0x5c: {  	s15 =	simm.s32 $0x0;
	[sflag:s8] =	ssyncadd.s32 @!p0 $0xFFFFCD00;
	s8 =	simm.s32 $0x0  }
.LBB2_3:
0x5d: {  	s10 =	sshll.u32 s15, $0x3;
	v3 =	vor.u32 s8, v28  }
0x5e: {  	v1 =	vmov s10;
	v0 =	vshll.u32 v3, $0x6  }
0x5f: {  	v7 =	vmov s15;
	v0 =	vadd.s32 v1, v0  }
0x60: {  	v7 =	vand.u32 $0x7, v7;
	[tilespmem:$0x1FE30] =	vst v1;
	v1 =	vor.u32 v29, v0  }
0x61: {  	v7 =	vor.u32 $0x80, v7;
	v2 =	vor.u32 v30, v0  }
0x62: {  	v7 =	vbroadcast v7, $0x0;
	_ =	sdelay $0x1  }
0x63: {  	v4 =	vor.u32 v33, v0;
	[tilespmem:$0x1FE40] =	vst v7;
	v7 =	vld [tilespmem:$0x1FF30]  }
0x64: {  	v5 =	vld.idx.msk [tilespmem:v1+s28+$0x0], $0xffff  }
0x65: {  	v6 =	vld.idx.msk [tilespmem:v2+s30+$0x0], $0xffff  }
0x66: {  	v2 =	vld.idx.msk [tilespmem:v2+s28+$0x0], $0xffff  }
0x67: {  	v8 =	vor.u32 v32, v0;
	v1 =	vld.idx.msk [tilespmem:v1+s30+$0x0], $0xffff  }
0x68: {  	v9 =	vld.idx.msk [tilespmem:v4+s30+$0x0], $0xffff  }
0x69: {  	s22 =	sshll.u32 s15, $0x8;
	s12 =	sshll.u32 s15, $0x4;
	v10 =	vor.u32 v10, v0;
	v11 =	vor.u32 v11, v0;
	v4 =	vld.idx.msk [tilespmem:v4+s28+$0x0], $0xffff  }
0x6a: {  	s22 =	sand.u32 $0x3FFFFF00, s22;
	v14 =	vor.u32 s12, v7;
	v7 =	vor.u32 v31, v0;
	v12 =	vunpack.i.u.bf16.f32 v6  }
0x6b: {  	v17 =	vld [tilespmem:s22+$0x1E3D0];
	v38 =	vunpack.i.u.bf16.f32 v2;
	v40 =	vunpack.i.l.bf16.f32 v2;
	v2 =	vunpack.i.l.bf16.f32 v6  }
0x6c: {  	v44 =	vunpack.i.l.bf16.f32 v5;
	v6 =	vunpack.i.l.bf16.f32 v1;
	v43 =	vunpack.i.u.bf16.f32 v5;
	v5 =	vld.idx.msk [tilespmem:v8+s30+$0x0], $0xffff  }
0x6d: {  	v55 =	vunpack.i.u.bf16.f32 v9;
	v8 =	vld.idx.msk [tilespmem:v8+s28+$0x0], $0xffff;
	v6 =	vadd.f32 v6, v44;
	v12 =	vadd.f32 v12, v38  }
0x6e: {  	v13 =	vld [tilespmem:s22+$0x1E3A0];
	v9 =	vunpack.i.l.bf16.f32 v9;
	v37 =	vunpack.i.u.bf16.f32 v4;
	v39 =	vunpack.i.l.bf16.f32 v4  }
0x6f: {  	v2 =	vadd.f32 v2, v40;
	v35 =	vld.idx.msk [tilespmem:v7+s30+$0x0], $0xffff;
	v57 =	vmul.f32 $2.000000030e-01, v6;
	v4 =	vmul.f32 $2.000000030e-01, v12  }
0x70: {  	v0 =	vor.u32 v34, v0;
	v1 =	vunpack.i.u.bf16.f32 v1;
	v9 =	vadd.f32 v9, v39;
	v7 =	vld.idx.msk [tilespmem:v7+s28+$0x0], $0xffff  }
0x71: {  	v56 =	vmul.f32 $2.000000030e-01, v2;
	v6 =	vmax.f32 v6, v57;
	v4 =	vmax.f32 v12, v4  }
0x72: {  	v16 =	vld [tilespmem:s22+$0x1E3C0];
	v50 =	vunpack.i.u.bf16.f32 v8;
	v12 =	vmul.f32 v4, v17;
	v4 =	vunpack.i.u.bf16.f32 v5  }
0x73: {  	[tilespmem:$0x1FE50] =	vst v13;
	v36 =	vadd.f32 v55, v37;
	v6 =	vmul.f32 v6, v13;
	v13 =	vld [tilespmem:s22+$0x1E410];
	v4 =	vadd.f32 v4, v50  }
0x74: {  	v26 =	vld [tilespmem:s22+$0x1E440];
	v46 =	vmul.f32 $2.000000030e-01, v9;
	v2 =	vmax.f32 v2, v56;
	v63 =	vunpack.i.l.bf16.f32 v8  }
0x75: {  	v47 =	vld.idx.msk [tilespmem:v11+s28+$0x0], $0xffff;
	v59 =	vunpack.i.l.bf16.f32 v7;
	v61 =	vunpack.i.u.bf16.f32 v7;
	v7 =	vmul.f32 $2.000000030e-01, v4  }
0x76: {  	v8 =	vld.idx.msk [tilespmem:v11+s30+$0x0], $0xffff;
	v11 =	vadd.f32 v1, v43;
	v42 =	vunpack.i.u.bf16.f32 v35;
	v35 =	vunpack.i.l.bf16.f32 v35  }
0x77: {  	v25 =	vld [tilespmem:s22+$0x1E3E0];
	v5 =	vunpack.i.l.bf16.f32 v5;
	v48 =	vadd.f32 v35, v59;
	v4 =	vmax.f32 v4, v7  }
0x78: {  	v2 =	vmul.f32 v2, v16;
	v5 =	vadd.f32 v5, v63;
	[tilespmem:$0x1FEB0] =	vst v13;
	v49 =	vmul.f32 v4, v13;
	v13 =	vld [tilespmem:s22+$0x1E400]  }
0x79: {  	v45 =	vmul.f32 $2.000000030e-01, v36;
	v1 =	vmax.f32 v9, v46;
	v58 =	vmul.f32 $2.000000030e-01, v48  }
0x7a: {  	v62 =	vadd.f32 $0.0e+00, v2;
	v2 =	vmul.f32 $2.000000030e-01, v11;
	v54 =	vmul.f32 $2.000000030e-01, v5  }
0x7b: {  	[tilespmem:$0x1FE60] =	vst v17;
	v17 =	vld [tilespmem:s22+$0x1E450];
	v52 =	vunpack.i.l.bf16.f32 v8;
	v7 =	vmul.f32 v1, v26;
	v1 =	vmax.f32 v48, v58  }
0x7c: {  	v5 =	vmax.f32 v5, v54;
	v48 =	vmul.f32 v1, v25;
	v1 =	vunpack.i.l.bf16.f32 v47  }
0x7d: {  	v52 =	vadd.f32 v52, v1;
	[tilespmem:$0x1FEE0] =	vst v13;
	v5 =	vmul.f32 v5, v13;
	v13 =	vld [tilespmem:s22+$0x1E480]  }
0x7e: {  	v9 =	vmax.f32 v36, v45;
	v12 =	vadd.f32 $0.0e+00, v12;
	v11 =	vmax.f32 v11, v2  }
0x7f: {  	v51 =	vld.idx.msk [tilespmem:v10+s28+$0x0], $0xffff;
	v2 =	vunpack.i.u.bf16.f32 v47;
	v8 =	vunpack.i.u.bf16.f32 v8;
	v36 =	vmul.f32 $2.000000030e-01, v52  }
0x80: {  	v53 =	vld.idx.msk [tilespmem:v10+s30+$0x0], $0xffff;
	v9 =	vmul.f32 v9, v17;
	v8 =	vadd.f32 v8, v2;
	v5 =	vadd.f32 v5, v12  }
0x81: {  	v41 =	vld.idx.msk [tilespmem:v0+s30+$0x0], $0xffff;
	v46 =	vadd.f32 v49, v62;
	v52 =	vmax.f32 v52, v36  }
0x82: {  	[tilespmem:$0x1FE70] =	vst v16;
	v16 =	vld [tilespmem:s22+$0x1E3B0];
	v62 =	vmul.f32 $2.000000030e-01, v8;
	v5 =	vadd.f32 v9, v5;
	v52 =	vmul.f32 v52, v13  }
0x83: {  	v0 =	vld.idx.msk [tilespmem:v0+s28+$0x0], $0xffff  }
0x84: {  	v8 =	vmax.f32 v8, v62;
	v62 =	vadd.f32 v52, v5;
	v5 =	vld [tilespmem:$0x1FF50];
	_ =	sdelay $0x1  }
0x85: {  	v42 =	vadd.f32 v42, v61;
	[tilespmem:$0x1FE90] =	vst v17;
	v17 =	vld [tilespmem:s22+$0x1E3F0]  }
0x86: {  	v56 =	vunpack.i.u.bf16.f32 v53;
	v53 =	vunpack.i.l.bf16.f32 v53;
	v11 =	vmul.f32 v11, v16  }
0x87: {  	v32 =	vunpack.i.l.bf16.f32 v41;
	v10 =	vmul.f32 $2.000000030e-01, v42;
	v4 =	vunpack.i.u.bf16.f32 v0  }
0x88: {  	v34 =	vadd.f32 $0.0e+00, v11;
	v11 =	vunpack.i.l.bf16.f32 v51;
	v52 =	vor.u32 s12, v5;
	v5 =	vld [tilespmem:$0x1FF60]  }
0x89: {  	v0 =	vunpack.i.l.bf16.f32 v0;
	v10 =	vmax.f32 v42, v10;
	v53 =	vadd.f32 v53, v11  }
0x8a: {  	v60 =	vunpack.i.u.bf16.f32 v41;
	v57 =	vadd.f32 v32, v0;
	[tilespmem:$0x1FED0] =	vst v17;
	v55 =	vmul.f32 v10, v17;
	v17 =	vld [tilespmem:s22+$0x1E420]  }
0x8b: {  	[tilespmem:$0x1FEC0] =	vst v16;
	v16 =	vld [tilespmem:s22+$0x1E430];
	v45 =	vadd.f32 v60, v4;
	v41 =	vmul.f32 $2.000000030e-01, v53  }
0x8c: {  	v6 =	vadd.f32 $0.0e+00, v6;
	v12 =	vmul.f32 $2.000000030e-01, v57  }
0x8d: {  	v33 =	vmul.f32 $2.000000030e-01, v45;
	v9 =	vmax.f32 v53, v41;
	v53 =	vor.u32 s12, v5;
	v5 =	vld [tilespmem:$0x1FF70]  }
0x8e: {  	v12 =	vmax.f32 v57, v12  }
0x8f: {  	[tilespmem:$0x1FE80] =	vst v26;
	v26 =	vld [tilespmem:s22+$0x1E460];
	v49 =	vmax.f32 v45, v33;
	v6 =	vadd.f32 v55, v6;
	v12 =	vmul.f32 v12, v17  }
0x90: {  	[tilespmem:$0x1FEA0] =	vst v25;
	v25 =	vld [tilespmem:s22+$0x1E470];
	v54 =	vadd.f32 v48, v34;
	v10 =	vunpack.i.u.bf16.f32 v51;
	v58 =	vmul.f32 v49, v16  }
0x91: {  	[tilespmem:$0x1FEF0] =	vst v16;
	v35 =	vadd.f32 v56, v10;
	v16 =	vld [tilespmem:s22+$0x1E490];
	v6 =	vadd.f32 v12, v6  }
0x92: {  	v12 =	vadd.f32 v58, v54;
	v54 =	vor.u32 s12, v5;
	v5 =	vmul.u32 $0x88, v3;
	v3 =	vld [tilespmem:$0x1FF80];
	_ =	sdelay $0x1  }
0x93: {  	v60 =	vmul.f32 $2.000000030e-01, v35;
	_ =	sdelay $0x1  }
0x94: {  	v7 =	vadd.f32 v7, v46;
	v51 =	vmax.f32 v35, v60;
	v8 =	vmul.f32 v8, v16  }
0x95: {  	v42 =	vmul.f32 v51, v25;
	v9 =	vmul.f32 v9, v26;
	v55 =	vor.u32 s12, v3;
	v3 =	vld [tilespmem:$0x1FF90]  }
0x96: {  	v7 =	vadd.f32 v8, v7  }
0x97: {  	v8 =	vadd.f32 v9, v12;
	v6 =	vadd.f32 v42, v6  }
0x98: {  	[tilespmem:$0x1FF20] =	vst v13;
	v13 =	vld [tilespmem:$0x1FF40]  }
0x99: {  	v6 =	vadd.f32 v7, v6;
	v7 =	vadd.f32 v62, v8  }
0x9a: {  	v57 =	vor.u32 s12, v3;
	v3 =	vld [tilespmem:$0x1FFA0]  }
0x9b: {  	v12 =	vadd.f32 v7, v6;
	_ =	sdelay $0x1  }
0x9c: {  	v47 =	vmov v14;
	v51 =	vor.u32 s12, v13;
	v12 =	vmul.f32 $1.442695020e+00, v12  }
0x9d: {  	[tilespmem:$0x1FF00] =	vst v25;
	v9 =	vadd.s32 v14, v5;
	v8 =	vadd.s32 v51, v5;
	v7 =	vadd.s32 v53, v5  }
0x9e: {  	v49 =	vmovc v26;
	[tilespmem:$0x1FF10] =	vst v17;
	v6 =	vadd.s32 v54, v5;
	v62 =	vadd.s32 v55, v5;
	v58 =	vor.u32 s12, v3  }
0x9f: {  	s22 =	simm.s32 $0x10;
	v45 =	vmovc v16;
	v56 =	vadd.s32 v57, v5;
	v3 =	vadd.s32 v52, v5;
	v60 =	vadd.s32 v58, v5  }
.LBB2_4:
0xa0: {  	_ = 	snop  }
0xa1: {  	(erf) = vpow2.f32 v12;
	v12 =	vld [tilespmem:$0x1FE40];
	_ =	sdelay $0x4  }
0xa2: {  	v5 =	vadd.s32 v12, v5;
	_ =	sdelay $0x1  }
0xa3: {  	v14 =	vor.u32 v15, v9  }
0xa4: {  	v9 =	vor.u32 v18, v9  }
0xa5: {  	v25 =	vor.u32 v19, v8;
	v27 =	vpop (erf)  }
0xa6: {  	v8 =	vor.u32 v20, v8;
	[tilespmem:v5+s24+$0x0] =	vst.idx.msk $0xffff, v27;
	v5 =	vmul.f32 v27, v44  }
0xa7: {  	v26 =	vor.u32 v22, v3;
	v3 =	vor.u32 v21, v3;
	v43 =	vmul.f32 v27, v43  }
0xa8: {  	v40 =	vmul.f32 v27, v40;
	[tilespmem:v14+s24+$0x0] =	vst.idx.msk $0xffff, v5  }
0xa9: {  	v17 =	vor.u32 v23, v7;
	v38 =	vmul.f32 v27, v38;
	[tilespmem:v9+s24+$0x0] =	vst.idx.msk $0xffff, v43  }
0xaa: {  	v7 =	vor.u32 v24, v7;
	v5 =	vmul.f32 v27, v59;
	[tilespmem:v25+s24+$0x0] =	vst.idx.msk $0xffff, v40  }
0xab: {  	v16 =	vor.u32 v15, v6;
	v14 =	vmul.f32 v27, v61;
	[tilespmem:v8+s24+$0x0] =	vst.idx.msk $0xffff, v38  }
0xac: {  	v6 =	vor.u32 v18, v6;
	v9 =	vmul.f32 v27, v63;
	[tilespmem:v3+s24+$0x0] =	vst.idx.msk $0xffff, v5  }
0xad: {  	v34 =	vmul.f32 v27, v50;
	[tilespmem:v26+s24+$0x0] =	vst.idx.msk $0xffff, v14  }
0xae: {  	v0 =	vmul.f32 v27, v0;
	[tilespmem:v17+s24+$0x0] =	vst.idx.msk $0xffff, v9  }
0xaf: {  	v4 =	vmul.f32 v27, v4;
	[tilespmem:v7+s24+$0x0] =	vst.idx.msk $0xffff, v34  }
0xb0: {  	v17 =	vld [tilespmem:$0x1FE30];
	[tilespmem:v16+s24+$0x0] =	vst.idx.msk $0xffff, v0  }
0xb1: {  	[tilespmem:v6+s24+$0x0] =	vst.idx.msk $0xffff, v4;
	v6 =	vld [tilespmem:$0x1FFE0]  }
0xb2: {  	s10 =	smov.u32 s22  }
0xb3: {  	v12 =	vor.u32 v19, v62;
	v5 =	vor.u32 s10, v28  }
0xb4: {  	v14 =	vshll.u32 v5, $0x6;
	v9 =	vor.u32 v20, v62  }
0xb5: {  	v7 =	vor.u32 v21, v56;
	v14 =	vadd.s32 v17, v14  }
0xb6: {  	v8 =	vmul.f32 v27, v39;
	v0 =	vor.u32 v22, v56;
	v26 =	vor.u32 v6, v14;
	v6 =	vld [tilespmem:$0x1FFB0]  }
0xb7: {  	v25 =	vmul.f32 v27, v37;
	v3 =	vmul.f32 v27, v11;
	v11 =	vor.u32 v23, v60  }
0xb8: {  	v13 =	vor.u32 v24, v60;
	[tilespmem:v12+s24+$0x0] =	vst.idx.msk $0xffff, v8  }
0xb9: {  	v10 =	vmul.f32 v27, v10;
	[tilespmem:v9+s24+$0x0] =	vst.idx.msk $0xffff, v25;
	v16 =	vor.u32 v29, v14  }
0xba: {  	v1 =	vmul.f32 v27, v1;
	v17 =	vor.u32 v30, v14;
	[tilespmem:v7+s24+$0x0] =	vst.idx.msk $0xffff, v3  }
0xbb: {  	v2 =	vmul.f32 v27, v2;
	[tilespmem:v0+s24+$0x0] =	vst.idx.msk $0xffff, v10;
	v12 =	vor.u32 v6, v14;
	v6 =	vld [tilespmem:$0x1FFC0]  }
0xbc: {  	[tilespmem:v11+s24+$0x0] =	vst.idx.msk $0xffff, v1  }
0xbd: {  	[tilespmem:v13+s24+$0x0] =	vst.idx.msk $0xffff, v2  }
0xbe: {  	v4 =	vor.u32 v31, v14;
	v0 =	vld.idx.msk [tilespmem:v16+s28+$0x0], $0xffff  }
0xbf: {  	v1 =	vld.idx.msk [tilespmem:v17+s30+$0x0], $0xffff  }
0xc0: {  	v27 =	vor.u32 v6, v14;
	v6 =	vld [tilespmem:$0x1FFD0]  }
0xc1: {  	v2 =	vld.idx.msk [tilespmem:v17+s28+$0x0], $0xffff  }
0xc2: {  	v10 =	vld.idx.msk [tilespmem:v16+s30+$0x0], $0xffff  }
0xc3: {  	v16 =	vld.idx.msk [tilespmem:v4+s28+$0x0], $0xffff  }
0xc4: {  	v4 =	vld.idx.msk [tilespmem:v4+s30+$0x0], $0xffff  }
0xc5: {  	v13 =	vld.idx.msk [tilespmem:v26+s28+$0x0], $0xffff;
	v25 =	vor.u32 v6, v14  }
0xc6: {  	v11 =	vld.idx.msk [tilespmem:v26+s30+$0x0], $0xffff;
	v17 =	vunpack.i.u.bf16.f32 v1;
	v38 =	vunpack.i.u.bf16.f32 v2  }
0xc7: {  	v26 =	vld [tilespmem:$0x1FFF0];
	v43 =	vunpack.i.u.bf16.f32 v0;
	v44 =	vunpack.i.l.bf16.f32 v0;
	v0 =	vunpack.i.l.bf16.f32 v10  }
0xc8: {  	v40 =	vunpack.i.l.bf16.f32 v2;
	v1 =	vunpack.i.l.bf16.f32 v1;
	v0 =	vadd.f32 v0, v44  }
0xc9: {  	v33 =	vld [tilespmem:$0x1FE70];
	v2 =	vunpack.i.u.bf16.f32 v10;
	v1 =	vadd.f32 v1, v40;
	v17 =	vadd.f32 v17, v38  }
0xca: {  	v37 =	vunpack.i.u.bf16.f32 v13;
	v39 =	vunpack.i.l.bf16.f32 v13;
	v13 =	vmul.f32 $2.000000030e-01, v0;
	v10 =	vld.idx.msk [tilespmem:v25+s30+$0x0], $0xffff  }
0xcb: {  	v42 =	vmovc v29;
	v29 =	vunpack.i.u.bf16.f32 v4;
	v35 =	vmul.f32 $2.000000030e-01, v1;
	v36 =	vmul.f32 $2.000000030e-01, v17;
	v25 =	vld.idx.msk [tilespmem:v25+s28+$0x0], $0xffff  }
0xcc: {  	v0 =	vmax.f32 v0, v13;
	v14 =	vor.u32 v26, v14;
	v26 =	vunpack.i.u.bf16.f32 v11  }
0xcd: {  	v13 =	vmax.f32 v17, v36;
	v17 =	vld [tilespmem:$0x1FE50];
	v11 =	vunpack.i.l.bf16.f32 v11;
	v26 =	vadd.f32 v26, v37  }
0xce: {  	v59 =	vunpack.i.l.bf16.f32 v16;
	v4 =	vunpack.i.l.bf16.f32 v4;
	v11 =	vadd.f32 v11, v39  }
0xcf: {  	v46 =	vmovc v30;
	v4 =	vadd.f32 v4, v59;
	v1 =	vmax.f32 v1, v35;
	v30 =	vmul.f32 $2.000000030e-01, v26  }
0xd0: {  	v1 =	vmul.f32 v1, v33;
	v32 =	vmul.f32 $2.000000030e-01, v11;
	v50 =	vunpack.i.u.bf16.f32 v25  }
0xd1: {  	v63 =	vunpack.i.l.bf16.f32 v25;
	v25 =	vmax.f32 v26, v30;
	v26 =	vmul.f32 $2.000000030e-01, v4  }
0xd2: {  	v17 =	vmul.f32 v0, v17;
	v0 =	vld [tilespmem:$0x1FE60]  }
0xd3: {  	v11 =	vmax.f32 v11, v32;
	v32 =	vadd.f32 $0.0e+00, v1;
	v1 =	vmax.f32 v4, v26;
	v4 =	vld [tilespmem:$0x1FE90];
	_ =	sdelay $0x3  }
0xd4: {  	v13 =	vmul.f32 v13, v0;
	v0 =	vunpack.i.u.bf16.f32 v10  }
0xd5: {  	v0 =	vadd.f32 v0, v50;
	v25 =	vmul.f32 v25, v4;
	v4 =	vld [tilespmem:$0x1FEA0]  }
0xd6: {  	v48 =	vmov v31;
	v31 =	vld.idx.msk [tilespmem:v27+s28+$0x0], $0xffff  }
0xd7: {  	v61 =	vunpack.i.u.bf16.f32 v16;
	v28 =	vld.idx.msk [tilespmem:v14+s30+$0x0], $0xffff;
	v16 =	vmul.f32 $2.000000030e-01, v0  }
0xd8: {  	v14 =	vld.idx.msk [tilespmem:v14+s28+$0x0], $0xffff  }
0xd9: {  	v0 =	vmax.f32 v0, v16;
	v16 =	vld [tilespmem:$0x1FE80]  }
0xda: {  	v26 =	vmul.f32 v1, v4;
	v1 =	vld [tilespmem:$0x1FEB0];
	_ =	sdelay $0x1  }
0xdb: {  	v2 =	vadd.f32 v2, v43;
	_ =	sdelay $0x1  }
0xdc: {  	v34 =	vmul.f32 $2.000000030e-01, v2;
	v11 =	vmul.f32 v11, v16  }
0xdd: {  	v16 =	vld.idx.msk [tilespmem:v12+s28+$0x0], $0xffff;
	v4 =	vunpack.i.u.bf16.f32 v14;
	v33 =	vmul.f32 v0, v1;
	v1 =	vunpack.i.l.bf16.f32 v31  }
0xde: {  	v0 =	vunpack.i.l.bf16.f32 v14;
	v14 =	vmax.f32 v2, v34;
	v2 =	vunpack.i.u.bf16.f32 v31;
	v31 =	vld [tilespmem:$0x1FEC0]  }
0xdf: {  	v29 =	vadd.f32 v29, v61;
	v10 =	vunpack.i.l.bf16.f32 v10;
	v12 =	vld.idx.msk [tilespmem:v12+s30+$0x0], $0xffff  }
0xe0: {  	v10 =	vadd.f32 v10, v63  }
0xe1: {  	v36 =	vmul.f32 $2.000000030e-01, v29  }
0xe2: {  	v27 =	vld.idx.msk [tilespmem:v27+s30+$0x0], $0xffff;
	v41 =	vmul.f32 $2.000000030e-01, v10  }
0xe3: {  	v29 =	vmax.f32 v29, v36;
	v32 =	vadd.f32 v33, v32;
	v14 =	vmul.f32 v14, v31;
	v31 =	vld [tilespmem:$0x1FED0]  }
0xe4: {  	v36 =	vunpack.i.u.bf16.f32 v12;
	v34 =	vmax.f32 v10, v41;
	v10 =	vunpack.i.u.bf16.f32 v16  }
0xe5: {  	v32 =	vadd.f32 v11, v32;
	v11 =	vunpack.i.l.bf16.f32 v16;
	v16 =	vadd.f32 v36, v10;
	v36 =	vld [tilespmem:$0x1FEE0];
	_ =	sdelay $0x1  }
0xe6: {  	v35 =	vunpack.i.l.bf16.f32 v27;
	v17 =	vadd.f32 $0.0e+00, v17  }
0xe7: {  	v30 =	vunpack.i.u.bf16.f32 v28;
	v28 =	vunpack.i.l.bf16.f32 v28;
	v29 =	vmul.f32 v29, v31  }
0xe8: {  	v13 =	vadd.f32 $0.0e+00, v13;
	v12 =	vunpack.i.l.bf16.f32 v12;
	v28 =	vadd.f32 v28, v0  }
0xe9: {  	v14 =	vadd.f32 $0.0e+00, v14;
	v34 =	vmul.f32 v34, v36;
	v17 =	vadd.f32 v29, v17;
	v29 =	vld [tilespmem:$0x1FF10]  }
0xea: {  	v27 =	vunpack.i.u.bf16.f32 v27;
	v30 =	vadd.f32 v30, v4;
	v12 =	vadd.f32 v12, v11  }
0xeb: {  	v14 =	vadd.f32 v26, v14;
	v26 =	vld [tilespmem:$0x1FEF0];
	v13 =	vadd.f32 v34, v13;
	v34 =	vmul.f32 $2.000000030e-01, v28  }
0xec: {  	v41 =	vmul.f32 $2.000000030e-01, v30;
	v27 =	vadd.f32 v27, v2  }
0xed: {  	v33 =	vld [tilespmem:$0x1FF00];
	v36 =	vmul.f32 $2.000000030e-01, v12;
	v31 =	vadd.f32 v35, v1;
	v28 =	vmax.f32 v28, v34  }
0xee: {  	v35 =	vmul.f32 $2.000000030e-01, v27;
	v28 =	vmul.f32 v28, v29;
	v29 =	vld [tilespmem:$0x1FF20]  }
0xef: {  	v30 =	vmax.f32 v30, v41;
	v12 =	vmax.f32 v12, v36;
	v41 =	vmul.f32 $2.000000030e-01, v31  }
0xf0: {  	v27 =	vmax.f32 v27, v35;
	v26 =	vmul.f32 v30, v26;
	v30 =	vmul.f32 $2.000000030e-01, v16  }
0xf1: {  	v12 =	vmul.f32 v12, v49;
	v13 =	vadd.f32 v25, v13;
	v25 =	vmul.f32 v27, v45  }
0xf2: {  	v41 =	vmax.f32 v31, v41;
	v16 =	vmax.f32 v16, v30;
	v14 =	vadd.f32 v26, v14  }
0xf3: {  	v16 =	vmul.f32 v16, v33;
	v17 =	vadd.f32 v28, v17;
	v41 =	vmul.f32 v41, v29  }
0xf4: {  	v25 =	vadd.f32 v25, v32;
	v12 =	vadd.f32 v12, v14  }
0xf5: {  	v14 =	vadd.f32 v16, v17;
	v13 =	vadd.f32 v41, v13  }
0xf6: {  	p0 =	sne.s32 s22, $0x50;
	v5 =	vmul.u32 $0x88, v5  }
.Ltmp2:
0xf7: {  	v14 =	vadd.f32 v25, v14;
	v12 =	vadd.f32 v13, v12;
	(pc) =	sbr.rel @p0 .LBB2_4-.Ltmp2, $4  }
0xf8: {  	v62 =	vadd.s32 v55, v5;
	v60 =	vadd.s32 v58, v5;
	v56 =	vadd.s32 v57, v5  }
0xf9: {  	v8 =	vadd.s32 v51, v5;
	v9 =	vadd.s32 v47, v5;
	v12 =	vadd.f32 v12, v14  }
0xfa: {  	v3 =	vadd.s32 v52, v5;
	v7 =	vadd.s32 v53, v5;
	v6 =	vadd.s32 v54, v5  }
0xfb: {  	s22 =	sadd.s32 $0x10, s22;
	v31 =	vmovc v48;
	v30 =	vmovc v46;
	v28 =	vlaneseq.u32;
	v29 =	vmov v42;
	v12 =	vmul.f32 $1.442695020e+00, v12  }
0xfc: {  	_ = 	snop  }
0xfd: {  	(erf) = vpow2.f32 v12  }
0xfe: {  	v12 =	vld [tilespmem:$0x1FE40];
	_ =	sdelay $0x4  }
0xff: {  	v5 =	vadd.s32 v12, v5  }
0x100: {  	v12 =	vor.u32 v15, v9  }
0x101: {  	v9 =	vor.u32 v18, v9  }
0x102: {  	v13 =	vor.u32 v19, v8;
	v14 =	vpop (erf)  }
0x103: {  	v8 =	vor.u32 v20, v8;
	v16 =	vmul.f32 v14, v44  }
0x104: {  	v17 =	vor.u32 v21, v3;
	[tilespmem:v5+s24+$0x0] =	vst.idx.msk $0xffff, v14;
	v49 =	vmul.f32 v14, v43  }
0x105: {  	v51 =	vor.u32 v22, v3;
	v25 =	vmul.f32 v14, v40;
	[tilespmem:v12+s24+$0x0] =	vst.idx.msk $0xffff, v16  }
0x106: {  	v12 =	vor.u32 v23, v7;
	v16 =	vmul.f32 v14, v38;
	[tilespmem:v9+s24+$0x0] =	vst.idx.msk $0xffff, v49  }
0x107: {  	v52 =	vor.u32 v24, v7;
	v53 =	vmul.f32 v14, v59;
	[tilespmem:v13+s24+$0x0] =	vst.idx.msk $0xffff, v25  }
0x108: {  	v9 =	vor.u32 v15, v6;
	v13 =	vmul.f32 v14, v61;
	[tilespmem:v8+s24+$0x0] =	vst.idx.msk $0xffff, v16  }
0x109: {  	v54 =	vor.u32 v18, v6;
	v8 =	vmul.f32 v14, v63;
	[tilespmem:v17+s24+$0x0] =	vst.idx.msk $0xffff, v53  }
0x10a: {  	v55 =	vor.u32 v19, v62;
	v16 =	vmul.f32 v14, v50;
	[tilespmem:v51+s24+$0x0] =	vst.idx.msk $0xffff, v13  }
0x10b: {  	v57 =	vor.u32 v20, v62;
	v0 =	vmul.f32 v14, v0;
	[tilespmem:v12+s24+$0x0] =	vst.idx.msk $0xffff, v8  }
0x10c: {  	v58 =	vor.u32 v21, v56;
	v4 =	vmul.f32 v14, v4;
	[tilespmem:v52+s24+$0x0] =	vst.idx.msk $0xffff, v16  }
0x10d: {  	v59 =	vor.u32 v22, v56;
	v8 =	vmul.f32 v14, v39;
	[tilespmem:v9+s24+$0x0] =	vst.idx.msk $0xffff, v0  }
0x10e: {  	s15 =	sadd.s32 $0x1, s15;
	v12 =	vor.u32 v23, v60;
	v9 =	vmul.f32 v14, v37;
	[tilespmem:v54+s24+$0x0] =	vst.idx.msk $0xffff, v4  }
0x10f: {  	p0 =	sne.s32 s15, $0x8;
	v62 =	vmul.f32 v14, v11;
	v61 =	vor.u32 v24, v60;
	[tilespmem:v55+s24+$0x0] =	vst.idx.msk $0xffff, v8  }
.Ltmp3:
0x110: {  	v32 =	vld [tilespmem:$0x1FFD0];
	v63 =	vmul.f32 v14, v10;
	[tilespmem:v57+s24+$0x0] =	vst.idx.msk $0xffff, v9;
	(pc) =	sbr.rel @p0 .LBB2_3-.Ltmp3, $4  }
0x111: {  	v34 =	vld [tilespmem:$0x1FFF0];
	v1 =	vmul.f32 v14, v1;
	[tilespmem:v58+s24+$0x0] =	vst.idx.msk $0xffff, v62  }
0x112: {  	v33 =	vld [tilespmem:$0x1FFE0];
	v2 =	vmul.f32 v14, v2;
	[tilespmem:v59+s24+$0x0] =	vst.idx.msk $0xffff, v63  }
0x113: {  	v11 =	vld [tilespmem:$0x1FFC0];
	[tilespmem:v12+s24+$0x0] =	vst.idx.msk $0xffff, v1  }
0x114: {  	v10 =	vld [tilespmem:$0x1FFB0];
	[tilespmem:v61+s24+$0x0] =	vst.idx.msk $0xffff, v2  }
0x115: {  	s8 =	smul.u32 $0x180, s2;
	s10 =	simm.s32 $0x14E00;
	s22 =	rddreg [dreg:$0x8]  }
0x116: {  	[spmem:s3] =	stream.indirect.scatter.add.f32 [tilespmem:s24], [sflag:$0xD], $0x88, s10, s17, $0xb8;
	[tilespmem:$0x1EBA0] =	vst v63  }
0x117: {  	s10 =	sadd.s32 s8, s22  }
0x118: {  	s10 =	sshrl.u32 s10, $0x3  }
0x119: {  	s12 =	simm.s32 $0x14F20;
	s10 =	sadd.s32 s1, s10  }
0x11a: {  	[tilespmem:s12], [sflag:$0x3] =	stream.strided.gather [hbm4b:s10+s17], $0xC0, s18, s17, $0x38;
	[tilespmem:$0x1EBA0] =	vst v63  }
0x11b: {  	_ =	swait.ge [sflag:s7], $0xC0  }
0x11c: {  	[sflag:s7] =	ssyncset.done $0x0  }
0x11d: {  	[sflag:s7] =	ssyncadd.s32 $0xFFFFFF40  }
0x11e: {  	[tilespmem:s28], [sflag:$0x5] =	stream.indirect.gather [hbm4b:s5+s26], $0x40, s12, s26, $0xb8;
	[tilespmem:$0x1EBA0] =	vst v63  }
0x11f: {  	s12 =	simm.s32 $0x14F80  }
0x120: {  	[tilespmem:s30], [sflag:$0x7] =	stream.indirect.gather [hbm4b:s6+s26], $0x40, s12, s26, $0xb8;
	[tilespmem:$0x1EBA0] =	vst v63  }
0x121: {  	s15 =	simm.s32 $0x15CA0;
	s22 =	simm.s32 $0x14F50  }
0x122: {  	[tilespmem:s15], [sflag:$0x6] =	stream.indirect.gather [hbm4b:s5+s26], $0x40, s22, s26, $0xb8;
	[tilespmem:$0x1EBA0] =	vst v63  }
0x123: {  	s15 =	simm.s32 $0x18CA0;
	s22 =	simm.s32 $0x14FB0  }
0x124: {  	[tilespmem:s15], [sflag:$0x8] =	stream.indirect.gather [hbm4b:s6+s26], $0x40, s22, s26, $0xb8;
	[tilespmem:$0x1EBA0] =	vst v63  }
0x125: {  	_ =	swait.ge [sflag:s29], $0xC00  }
0x126: {  	[sflag:s29] =	ssyncset.done $0x0  }
0x127: {  	[sflag:s29] =	ssyncadd.s32 $0xFFFFF400  }
0x128: {  	_ =	swait.ge [sflag:s0], $0xC00  }
0x129: {  	[sflag:s0] =	ssyncset.done $0x0  }
0x12a: {  	[sflag:s0] =	ssyncadd.s32 $0xFFFFF400  }
0x12b: {  	_ =	swait.ge [sflag:s21], $0xC00  }
0x12c: {  	[sflag:s21] =	ssyncset.done $0x0  }
0x12d: {  	[sflag:s21] =	ssyncadd.s32 $0xFFFFF400  }
0x12e: {  	_ =	swait.ge [sflag:s14], $0xC00  }
0x12f: {  	[sflag:s14] =	ssyncset.done $0x0  }
0x130: {  	[sflag:s14] =	ssyncadd.s32 $0xFFFFF400  }
0x131: {  	_ =	swait.ge [sflag:s11], $0x3300  }
0x132: {  	[sflag:s11] =	ssyncset.done $0x0  }
0x133: {  	s15 =	simm.s32 $0x0;
	s22 =	simm.s32 $0x0;
	[sflag:s11] =	ssyncadd.s32 $0xFFFFCD00  }
.LBB2_7:
0x134: {  	s10 =	sshll.u32 s22, $0x3;
	v3 =	vor.u32 s15, v28  }
0x135: {  	v1 =	vmov s10;
	v0 =	vshll.u32 v3, $0x6  }
0x136: {  	v7 =	vmov s22;
	v0 =	vadd.s32 v1, v0  }
0x137: {  	v7 =	vand.u32 $0x7, v7;
	[tilespmem:$0x1FD00] =	vst v1;
	v1 =	vor.u32 v29, v0  }
0x138: {  	v7 =	vor.u32 $0x80, v7;
	v2 =	vor.u32 v30, v0  }
0x139: {  	v7 =	vbroadcast v7, $0x0;
	_ =	sdelay $0x1  }
0x13a: {  	v4 =	vor.u32 v33, v0;
	[tilespmem:$0x1FD10] =	vst v7;
	v7 =	vld [tilespmem:$0x1FF30]  }
0x13b: {  	v5 =	vld.idx.msk [tilespmem:v1+s31+$0x0], $0xffff  }
0x13c: {  	v6 =	vld.idx.msk [tilespmem:v2+s19+$0x0], $0xffff  }
0x13d: {  	v2 =	vld.idx.msk [tilespmem:v2+s31+$0x0], $0xffff  }
0x13e: {  	v1 =	vld.idx.msk [tilespmem:v1+s19+$0x0], $0xffff  }
0x13f: {  	s12 =	sshll.u32 s22, $0x8;
	v8 =	vor.u32 v32, v0;
	v9 =	vld.idx.msk [tilespmem:v4+s19+$0x0], $0xffff  }
0x140: {  	s12 =	sand.u32 $0x3FFFFF00, s12;
	s10 =	sshll.u32 s22, $0x4;
	v10 =	vor.u32 v10, v0;
	v11 =	vor.u32 v11, v0;
	v4 =	vld.idx.msk [tilespmem:v4+s31+$0x0], $0xffff  }
0x141: {  	v25 =	vld [tilespmem:s12+$0x1E3A0];
	v60 =	vor.u32 s10, v7;
	v7 =	vor.u32 v31, v0;
	v0 =	vor.u32 v34, v0  }
0x142: {  	v26 =	vld [tilespmem:s12+$0x1E3C0];
	v12 =	vunpack.i.u.bf16.f32 v6;
	v38 =	vunpack.i.u.bf16.f32 v2;
	v40 =	vunpack.i.l.bf16.f32 v2  }
0x143: {  	v27 =	vld [tilespmem:s12+$0x1E3D0];
	v2 =	vunpack.i.l.bf16.f32 v6;
	v44 =	vunpack.i.l.bf16.f32 v5;
	v6 =	vunpack.i.l.bf16.f32 v1  }
0x144: {  	v43 =	vunpack.i.u.bf16.f32 v5;
	v5 =	vld.idx.msk [tilespmem:v8+s19+$0x0], $0xffff;
	v13 =	vunpack.i.u.bf16.f32 v9;
	v9 =	vunpack.i.l.bf16.f32 v9  }
0x145: {  	v8 =	vld.idx.msk [tilespmem:v8+s31+$0x0], $0xffff;
	v37 =	vunpack.i.u.bf16.f32 v4;
	v2 =	vadd.f32 v2, v40;
	v6 =	vadd.f32 v6, v44  }
0x146: {  	v45 =	vld [tilespmem:s12+$0x1E440];
	v39 =	vunpack.i.l.bf16.f32 v4;
	v12 =	vadd.f32 v12, v38;
	v13 =	vadd.f32 v13, v37  }
0x147: {  	v49 =	vld [tilespmem:s12+$0x1E410];
	v9 =	vadd.f32 v9, v39;
	v16 =	vmul.f32 $2.000000030e-01, v2;
	v17 =	vmul.f32 $2.000000030e-01, v6  }
0x148: {  	v1 =	vunpack.i.u.bf16.f32 v1;
	v14 =	vld.idx.msk [tilespmem:v7+s19+$0x0], $0xffff;
	v4 =	vmul.f32 $2.000000030e-01, v12;
	v35 =	vmul.f32 $2.000000030e-01, v13  }
0x149: {  	v7 =	vld.idx.msk [tilespmem:v7+s31+$0x0], $0xffff;
	v36 =	vmul.f32 $2.000000030e-01, v9;
	v2 =	vmax.f32 v2, v16;
	v6 =	vmax.f32 v6, v17  }
0x14a: {  	v41 =	vld.idx.msk [tilespmem:v11+s31+$0x0], $0xffff;
	v4 =	vmax.f32 v12, v4;
	v50 =	vunpack.i.u.bf16.f32 v8;
	v63 =	vunpack.i.l.bf16.f32 v8  }
0x14b: {  	v8 =	vld.idx.msk [tilespmem:v11+s19+$0x0], $0xffff;
	v11 =	vadd.f32 v1, v43;
	v1 =	vmax.f32 v9, v36;
	v9 =	vmax.f32 v13, v35  }
0x14c: {  	v16 =	vld.idx.msk [tilespmem:v0+s19+$0x0], $0xffff;
	v6 =	vmul.f32 v6, v25;
	v12 =	vmul.f32 v4, v27;
	v4 =	vunpack.i.u.bf16.f32 v5  }
0x14d: {  	[tilespmem:$0x1FD30] =	vst v27;
	v27 =	vld [tilespmem:s12+$0x1E450];
	v5 =	vunpack.i.l.bf16.f32 v5;
	v2 =	vmul.f32 v2, v26;
	v17 =	vunpack.i.u.bf16.f32 v14  }
0x14e: {  	v0 =	vld.idx.msk [tilespmem:v0+s31+$0x0], $0xffff;
	v4 =	vadd.f32 v4, v50;
	v59 =	vunpack.i.l.bf16.f32 v7;
	v14 =	vunpack.i.l.bf16.f32 v14  }
0x14f: {  	v61 =	vunpack.i.u.bf16.f32 v7;
	v5 =	vadd.f32 v5, v63;
	v14 =	vadd.f32 v14, v59  }
0x150: {  	v17 =	vadd.f32 v17, v61;
	v62 =	vadd.f32 $0.0e+00, v2;
	v7 =	vmul.f32 $2.000000030e-01, v4  }
0x151: {  	v58 =	vld [tilespmem:s12+$0x1E3B0];
	[tilespmem:$0x1FD20] =	vst v25;
	v2 =	vmul.f32 $2.000000030e-01, v11;
	v13 =	vmul.f32 $2.000000030e-01, v14;
	v25 =	vunpack.i.u.bf16.f32 v16  }
0x152: {  	v47 =	vld [tilespmem:s12+$0x1E3E0];
	v4 =	vmax.f32 v4, v7;
	v7 =	vmul.f32 v1, v45;
	v9 =	vmul.f32 v9, v27  }
0x153: {  	[tilespmem:$0x1FD60] =	vst v27;
	v27 =	vld.idx.msk [tilespmem:v10+s19+$0x0], $0xffff;
	v1 =	vmax.f32 v14, v13;
	v14 =	vmul.f32 v4, v49;
	v4 =	vunpack.i.u.bf16.f32 v0  }
0x154: {  	v12 =	vadd.f32 $0.0e+00, v12;
	v57 =	vmul.f32 $2.000000030e-01, v5;
	v51 =	vadd.f32 v25, v4;
	v25 =	vld [tilespmem:s12+$0x1E400]  }
0x155: {  	v11 =	vmax.f32 v11, v2;
	v2 =	vunpack.i.u.bf16.f32 v41;
	v16 =	vunpack.i.l.bf16.f32 v16  }
0x156: {  	[tilespmem:$0x1FD40] =	vst v26;
	v26 =	vld.idx.msk [tilespmem:v10+s31+$0x0], $0xffff;
	v10 =	vmul.f32 $2.000000030e-01, v17;
	v11 =	vmul.f32 v11, v58;
	v5 =	vmax.f32 v5, v57  }
0x157: {  	v55 =	vld [tilespmem:s12+$0x1E3F0];
	v0 =	vunpack.i.l.bf16.f32 v0;
	v13 =	vmul.f32 v1, v47;
	v14 =	vadd.f32 v14, v62  }
0x158: {  	[tilespmem:$0x1FD90] =	vst v58;
	v58 =	vld [tilespmem:s12+$0x1E430];
	v1 =	vunpack.i.l.bf16.f32 v41;
	v16 =	vadd.f32 v16, v0;
	v41 =	vunpack.i.u.bf16.f32 v27  }
0x159: {  	v7 =	vadd.f32 v7, v14;
	v14 =	vunpack.i.l.bf16.f32 v27;
	v27 =	vld [tilespmem:s12+$0x1E420];
	v5 =	vmul.f32 v5, v25  }
0x15a: {  	v56 =	vunpack.i.l.bf16.f32 v8;
	v10 =	vmax.f32 v17, v10;
	v36 =	vadd.f32 $0.0e+00, v11  }
0x15b: {  	v62 =	vmul.f32 $2.000000030e-01, v51;
	v5 =	vadd.f32 v5, v12;
	v12 =	vmul.f32 $2.000000030e-01, v16  }
0x15c: {  	v6 =	vadd.f32 $0.0e+00, v6;
	v17 =	vmul.f32 v10, v55;
	v52 =	vadd.f32 v56, v1  }
0x15d: {  	v13 =	vadd.f32 v13, v36;
	v51 =	vmax.f32 v51, v62;
	v12 =	vmax.f32 v16, v12  }
0x15e: {  	v6 =	vadd.f32 v17, v6;
	[tilespmem:$0x1FDB0] =	vst v25;
	v25 =	vld [tilespmem:s12+$0x1E480];
	v51 =	vmul.f32 v51, v58;
	v12 =	vmul.f32 v12, v27  }
0x15f: {  	v11 =	vunpack.i.l.bf16.f32 v26  }
0x160: {  	v54 =	vmul.f32 $2.000000030e-01, v52;
	v6 =	vadd.f32 v12, v6;
	v12 =	vadd.f32 v51, v13;
	v13 =	vld [tilespmem:$0x1FF40]  }
0x161: {  	v14 =	vadd.f32 v14, v11  }
0x162: {  	v52 =	vmax.f32 v52, v54  }
0x163: {  	v62 =	vmul.f32 $2.000000030e-01, v14;
	v5 =	vadd.f32 v9, v5;
	v17 =	vmul.f32 v52, v25;
	_ =	sdelay $0x1  }
0x164: {  	v9 =	vmax.f32 v14, v62;
	v14 =	vor.u32 s10, v13;
	v13 =	vadd.f32 v17, v5;
	v5 =	vld [tilespmem:$0x1FF50];
	_ =	sdelay $0x1  }
0x165: {  	v10 =	vunpack.i.u.bf16.f32 v26  }
0x166: {  	v26 =	vld [tilespmem:s12+$0x1E470];
	v53 =	vadd.f32 v41, v10;
	_ =	sdelay $0x1  }
0x167: {  	[tilespmem:$0x1FDA0] =	vst v55;
	v55 =	vmul.f32 $2.000000030e-01, v53;
	v17 =	vor.u32 s10, v5;
	v5 =	vld [tilespmem:$0x1FF60];
	_ =	sdelay $0x1  }
0x168: {  	v53 =	vmax.f32 v53, v55  }
0x169: {  	v16 =	vmul.f32 v53, v26;
	_ =	sdelay $0x1  }
0x16a: {  	v6 =	vadd.f32 v16, v6;
	v16 =	vor.u32 s10, v5;
	v5 =	vld [tilespmem:$0x1FF70];
	_ =	sdelay $0x2  }
0x16b: {  	[tilespmem:$0x1FD80] =	vst v49;
	v49 =	vld [tilespmem:s12+$0x1E490]  }
0x16c: {  	v8 =	vunpack.i.u.bf16.f32 v8;
	[tilespmem:$0x1FDC0] =	vst v58;
	v58 =	vld [tilespmem:s12+$0x1E460]  }
0x16d: {  	v8 =	vadd.f32 v8, v2;
	[tilespmem:$0x1FDF0] =	vst v25;
	v25 =	vor.u32 s10, v5;
	v5 =	vmul.u32 $0x88, v3;
	v3 =	vld [tilespmem:$0x1FF80];
	_ =	sdelay $0x1  }
0x16e: {  	v56 =	vmul.f32 $2.000000030e-01, v8;
	_ =	sdelay $0x1  }
0x16f: {  	v8 =	vmax.f32 v8, v56  }
0x170: {  	v8 =	vmul.f32 v8, v49;
	[tilespmem:$0x1FDD0] =	vst v26;
	v9 =	vmul.f32 v9, v58;
	v26 =	vor.u32 s10, v3;
	v3 =	vld [tilespmem:$0x1FF90];
	_ =	sdelay $0x1  }
0x171: {  	v7 =	vadd.f32 v8, v7;
	v8 =	vadd.f32 v9, v12  }
0x172: {  	[tilespmem:$0x1FD50] =	vst v45  }
0x173: {  	[tilespmem:$0x1FD70] =	vst v47;
	v6 =	vadd.f32 v7, v6;
	v7 =	vadd.f32 v13, v8  }
0x174: {  	[tilespmem:$0x1FE20] =	vst v60;
	v13 =	vor.u32 s10, v3;
	v3 =	vld [tilespmem:$0x1FFA0]  }
0x175: {  	[tilespmem:$0x1FE00] =	vst v49;
	v12 =	vadd.f32 v7, v6  }
0x176: {  	[tilespmem:$0x1FDE0] =	vst v27  }
0x177: {  	[tilespmem:$0x1FE10] =	vst v58;
	v52 =	vmovc v14;
	v53 =	vmov v17;
	v12 =	vmul.f32 $1.442695020e+00, v12;
	v54 =	vmov v16  }
0x178: {  	v55 =	vmovc v25;
	v9 =	vadd.s32 v60, v5;
	v8 =	vadd.s32 v14, v5;
	v7 =	vadd.s32 v16, v5  }
0x179: {  	v6 =	vadd.s32 v25, v5;
	v57 =	vmovc v26;
	v62 =	vadd.s32 v26, v5;
	v58 =	vmovc v13;
	v27 =	vor.u32 s10, v3  }
0x17a: {  	v56 =	vadd.s32 v13, v5;
	v3 =	vadd.s32 v17, v5;
	s10 =	simm.s32 $0x10;
	v51 =	vmovc v27;
	v60 =	vadd.s32 v27, v5  }
.LBB2_8:
0x17b: {  	_ = 	snop  }
0x17c: {  	(erf) = vpow2.f32 v12;
	v12 =	vld [tilespmem:$0x1FD10];
	_ =	sdelay $0x4  }
0x17d: {  	v5 =	vadd.s32 v12, v5;
	_ =	sdelay $0x1  }
0x17e: {  	v14 =	vor.u32 v15, v9  }
0x17f: {  	v9 =	vor.u32 v18, v9  }
0x180: {  	v25 =	vor.u32 v19, v8;
	v27 =	vpop (erf)  }
0x181: {  	v8 =	vor.u32 v20, v8;
	[tilespmem:v5+s24+$0x0] =	vst.idx.msk $0xffff, v27;
	v5 =	vmul.f32 v27, v44  }
0x182: {  	v26 =	vor.u32 v22, v3;
	v3 =	vor.u32 v21, v3;
	v43 =	vmul.f32 v27, v43  }
0x183: {  	v40 =	vmul.f32 v27, v40;
	[tilespmem:v14+s24+$0x0] =	vst.idx.msk $0xffff, v5  }
0x184: {  	v17 =	vor.u32 v23, v7;
	v38 =	vmul.f32 v27, v38;
	[tilespmem:v9+s24+$0x0] =	vst.idx.msk $0xffff, v43  }
0x185: {  	v5 =	vmul.f32 v27, v59;
	[tilespmem:v25+s24+$0x0] =	vst.idx.msk $0xffff, v40  }
0x186: {  	v7 =	vor.u32 v24, v7;
	v14 =	vmul.f32 v27, v61;
	[tilespmem:v8+s24+$0x0] =	vst.idx.msk $0xffff, v38  }
0x187: {  	v16 =	vor.u32 v15, v6;
	v9 =	vmul.f32 v27, v63;
	[tilespmem:v3+s24+$0x0] =	vst.idx.msk $0xffff, v5  }
0x188: {  	v6 =	vor.u32 v18, v6;
	[tilespmem:v26+s24+$0x0] =	vst.idx.msk $0xffff, v14  }
0x189: {  	v12 =	vor.u32 v19, v62;
	v61 =	vmul.f32 v27, v50;
	[tilespmem:v17+s24+$0x0] =	vst.idx.msk $0xffff, v9;
	v17 =	vld [tilespmem:$0x1FD00]  }
0x18a: {  	v0 =	vmul.f32 v27, v0;
	v4 =	vmul.f32 v27, v4;
	v9 =	vor.u32 v20, v62  }
0x18b: {  	s12 =	smov.u32 s10;
	v25 =	vmul.f32 v27, v37;
	[tilespmem:v7+s24+$0x0] =	vst.idx.msk $0xffff, v61;
	v7 =	vor.u32 v21, v56  }
0x18c: {  	v8 =	vmul.f32 v27, v39;
	v5 =	vor.u32 s12, v28;
	[tilespmem:v16+s24+$0x0] =	vst.idx.msk $0xffff, v0;
	v0 =	vor.u32 v22, v56  }
0x18d: {  	v3 =	vmul.f32 v27, v11;
	v11 =	vor.u32 v23, v60;
	v14 =	vshll.u32 v5, $0x6;
	[tilespmem:v6+s24+$0x0] =	vst.idx.msk $0xffff, v4  }
0x18e: {  	v13 =	vor.u32 v24, v60;
	[tilespmem:v12+s24+$0x0] =	vst.idx.msk $0xffff, v8;
	v14 =	vadd.s32 v17, v14  }
0x18f: {  	v10 =	vmul.f32 v27, v10;
	[tilespmem:v9+s24+$0x0] =	vst.idx.msk $0xffff, v25;
	v16 =	vor.u32 v29, v14  }
0x190: {  	v1 =	vmul.f32 v27, v1;
	v17 =	vor.u32 v30, v14;
	[tilespmem:v7+s24+$0x0] =	vst.idx.msk $0xffff, v3  }
0x191: {  	v2 =	vmul.f32 v27, v2;
	[tilespmem:v0+s24+$0x0] =	vst.idx.msk $0xffff, v10  }
0x192: {  	[tilespmem:v11+s24+$0x0] =	vst.idx.msk $0xffff, v1  }
0x193: {  	[tilespmem:v13+s24+$0x0] =	vst.idx.msk $0xffff, v2  }
0x194: {  	v26 =	vor.u32 v33, v14;
	v0 =	vld.idx.msk [tilespmem:v16+s31+$0x0], $0xffff  }
0x195: {  	v1 =	vld.idx.msk [tilespmem:v17+s19+$0x0], $0xffff  }
0x196: {  	v2 =	vld.idx.msk [tilespmem:v17+s31+$0x0], $0xffff  }
0x197: {  	v4 =	vor.u32 v31, v14;
	v10 =	vld.idx.msk [tilespmem:v16+s19+$0x0], $0xffff;
	_ =	sdelay $0x1  }
0x198: {  	v13 =	vld.idx.msk [tilespmem:v26+s31+$0x0], $0xffff  }
0x199: {  	v25 =	vor.u32 v32, v14  }
0x19a: {  	v11 =	vld.idx.msk [tilespmem:v26+s19+$0x0], $0xffff;
	v17 =	vunpack.i.u.bf16.f32 v1;
	v38 =	vunpack.i.u.bf16.f32 v2  }
0x19b: {  	v16 =	vld.idx.msk [tilespmem:v4+s31+$0x0], $0xffff;
	v43 =	vunpack.i.u.bf16.f32 v0;
	v44 =	vunpack.i.l.bf16.f32 v0;
	v0 =	vunpack.i.l.bf16.f32 v10  }
0x19c: {  	v4 =	vld.idx.msk [tilespmem:v4+s19+$0x0], $0xffff;
	v0 =	vadd.f32 v0, v44;
	v17 =	vadd.f32 v17, v38  }
0x19d: {  	v6 =	vld [tilespmem:$0x1FFB0];
	v40 =	vunpack.i.l.bf16.f32 v2;
	v2 =	vunpack.i.u.bf16.f32 v10;
	v37 =	vunpack.i.u.bf16.f32 v13  }
0x19e: {  	v10 =	vld.idx.msk [tilespmem:v25+s19+$0x0], $0xffff;
	v39 =	vunpack.i.l.bf16.f32 v13;
	v13 =	vmul.f32 $2.000000030e-01, v0;
	v35 =	vmul.f32 $2.000000030e-01, v17  }
0x19f: {  	v1 =	vunpack.i.l.bf16.f32 v1;
	v26 =	vunpack.i.u.bf16.f32 v11;
	v25 =	vld.idx.msk [tilespmem:v25+s31+$0x0], $0xffff  }
0x1a0: {  	v1 =	vadd.f32 v1, v40;
	v0 =	vmax.f32 v0, v13;
	v13 =	vmax.f32 v17, v35;
	v35 =	vld [tilespmem:$0x1FD40]  }
0x1a1: {  	v29 =	vunpack.i.u.bf16.f32 v4;
	v26 =	vadd.f32 v26, v37  }
0x1a2: {  	v59 =	vunpack.i.l.bf16.f32 v16;
	v4 =	vunpack.i.l.bf16.f32 v4;
	v63 =	vmul.f32 $2.000000030e-01, v1  }
0x1a3: {  	v12 =	vor.u32 v6, v14;
	v4 =	vadd.f32 v4, v59;
	v30 =	vmul.f32 $2.000000030e-01, v26  }
0x1a4: {  	v6 =	vld [tilespmem:$0x1FFC0];
	v1 =	vmax.f32 v1, v63;
	v50 =	vunpack.i.u.bf16.f32 v25;
	v63 =	vunpack.i.l.bf16.f32 v25  }
0x1a5: {  	v25 =	vmax.f32 v26, v30;
	v26 =	vmul.f32 $2.000000030e-01, v4;
	v1 =	vmul.f32 v1, v35  }
0x1a6: {  	v17 =	vld [tilespmem:$0x1FD20]  }
0x1a7: {  	v47 =	vmov v32;
	v32 =	vadd.f32 $0.0e+00, v1;
	v1 =	vmax.f32 v4, v26;
	v4 =	vld [tilespmem:$0x1FD60];
	_ =	sdelay $0x1  }
0x1a8: {  	v27 =	vor.u32 v6, v14;
	v14 =	vor.u32 v34, v14;
	_ =	sdelay $0x1  }
0x1a9: {  	v17 =	vmul.f32 v0, v17;
	v0 =	vld [tilespmem:$0x1FD30]  }
0x1aa: {  	v25 =	vmul.f32 v25, v4;
	v4 =	vld [tilespmem:$0x1FD70];
	_ =	sdelay $0x1  }
0x1ab: {  	v28 =	vld.idx.msk [tilespmem:v14+s19+$0x0], $0xffff  }
0x1ac: {  	v14 =	vld.idx.msk [tilespmem:v14+s31+$0x0], $0xffff  }
0x1ad: {  	v31 =	vld.idx.msk [tilespmem:v27+s31+$0x0], $0xffff;
	v13 =	vmul.f32 v13, v0;
	v0 =	vunpack.i.u.bf16.f32 v10  }
0x1ae: {  	v11 =	vunpack.i.l.bf16.f32 v11;
	v0 =	vadd.f32 v0, v50;
	v26 =	vmul.f32 v1, v4;
	v1 =	vld [tilespmem:$0x1FD80]  }
0x1af: {  	v11 =	vadd.f32 v11, v39  }
0x1b0: {  	v61 =	vunpack.i.u.bf16.f32 v16;
	v2 =	vadd.f32 v2, v43;
	v16 =	vmul.f32 $2.000000030e-01, v0  }
0x1b1: {  	v36 =	vmul.f32 $2.000000030e-01, v11;
	v10 =	vunpack.i.l.bf16.f32 v10  }
0x1b2: {  	v45 =	vmovc v34;
	v34 =	vmul.f32 $2.000000030e-01, v2;
	v10 =	vadd.f32 v10, v63;
	v0 =	vmax.f32 v0, v16;
	v16 =	vld [tilespmem:$0x1FD50]  }
0x1b3: {  	v49 =	vmovc v33;
	v4 =	vunpack.i.u.bf16.f32 v14;
	v33 =	vmul.f32 v0, v1;
	v1 =	vunpack.i.l.bf16.f32 v31  }
0x1b4: {  	v0 =	vunpack.i.l.bf16.f32 v14;
	v14 =	vmax.f32 v2, v34;
	v2 =	vunpack.i.u.bf16.f32 v31;
	v31 =	vld [tilespmem:$0x1FD90]  }
0x1b5: {  	v30 =	vunpack.i.u.bf16.f32 v28  }
0x1b6: {  	v27 =	vld.idx.msk [tilespmem:v27+s19+$0x0], $0xffff;
	v11 =	vmax.f32 v11, v36;
	v41 =	vmul.f32 $2.000000030e-01, v10;
	v30 =	vadd.f32 v30, v4  }
0x1b7: {  	v11 =	vmul.f32 v11, v16;
	v16 =	vld.idx.msk [tilespmem:v12+s31+$0x0], $0xffff  }
0x1b8: {  	v29 =	vadd.f32 v29, v61;
	v12 =	vld.idx.msk [tilespmem:v12+s19+$0x0], $0xffff;
	v34 =	vmax.f32 v10, v41;
	v41 =	vmul.f32 $2.000000030e-01, v30  }
0x1b9: {  	v14 =	vmul.f32 v14, v31;
	v31 =	vld [tilespmem:$0x1FDA0]  }
0x1ba: {  	v36 =	vmul.f32 $2.000000030e-01, v29;
	v30 =	vmax.f32 v30, v41;
	v41 =	vld [tilespmem:$0x1FDB0]  }
0x1bb: {  	v28 =	vunpack.i.l.bf16.f32 v28;
	v17 =	vadd.f32 $0.0e+00, v17;
	v14 =	vadd.f32 $0.0e+00, v14  }
0x1bc: {  	v29 =	vmax.f32 v29, v36;
	v13 =	vadd.f32 $0.0e+00, v13;
	v28 =	vadd.f32 v28, v0  }
0x1bd: {  	v35 =	vunpack.i.l.bf16.f32 v27;
	v32 =	vadd.f32 v33, v32;
	v14 =	vadd.f32 v26, v14;
	v26 =	vld [tilespmem:$0x1FDC0]  }
0x1be: {  	v10 =	vunpack.i.u.bf16.f32 v16;
	v29 =	vmul.f32 v29, v31;
	v31 =	vadd.f32 v35, v1  }
0x1bf: {  	v36 =	vunpack.i.u.bf16.f32 v12;
	v32 =	vadd.f32 v11, v32;
	v34 =	vmul.f32 v34, v41  }
0x1c0: {  	v11 =	vunpack.i.l.bf16.f32 v16;
	v16 =	vadd.f32 v36, v10;
	v33 =	vmul.f32 $2.000000030e-01, v31  }
0x1c1: {  	v13 =	vadd.f32 v34, v13;
	v17 =	vadd.f32 v29, v17;
	v29 =	vld [tilespmem:$0x1FDE0]  }
0x1c2: {  	v27 =	vunpack.i.u.bf16.f32 v27;
	v26 =	vmul.f32 v30, v26;
	v30 =	vmul.f32 $2.000000030e-01, v16  }
0x1c3: {  	v27 =	vadd.f32 v27, v2;
	v41 =	vmul.f32 $2.000000030e-01, v28;
	v13 =	vadd.f32 v25, v13;
	v25 =	vld [tilespmem:$0x1FE00]  }
0x1c4: {  	v12 =	vunpack.i.l.bf16.f32 v12;
	v16 =	vmax.f32 v16, v30;
	v30 =	vmax.f32 v31, v33;
	v33 =	vmovc v49;
	v49 =	vld [tilespmem:$0x1FDD0]  }
0x1c5: {  	v12 =	vadd.f32 v12, v11;
	v28 =	vmax.f32 v28, v41;
	v14 =	vadd.f32 v26, v14;
	v26 =	vld [tilespmem:$0x1FE10]  }
0x1c6: {  	v28 =	vmul.f32 v28, v29;
	v29 =	vld [tilespmem:$0x1FDF0]  }
0x1c7: {  	v36 =	vmul.f32 $2.000000030e-01, v12;
	v35 =	vmul.f32 $2.000000030e-01, v27;
	_ =	sdelay $0x1  }
0x1c8: {  	v12 =	vmax.f32 v12, v36;
	v27 =	vmax.f32 v27, v35  }
0x1c9: {  	v25 =	vmul.f32 v27, v25;
	v12 =	vmul.f32 v12, v26  }
0x1ca: {  	v17 =	vadd.f32 v28, v17;
	v16 =	vmul.f32 v16, v49;
	v49 =	vmul.f32 v30, v29  }
0x1cb: {  	v25 =	vadd.f32 v25, v32;
	v12 =	vadd.f32 v12, v14  }
0x1cc: {  	v5 =	vmul.u32 $0x88, v5;
	v6 =	vld [tilespmem:$0x1FE20];
	v14 =	vadd.f32 v16, v17;
	v13 =	vadd.f32 v49, v13  }
0x1cd: {  	p0 =	sne.s32 s10, $0x50  }
.Ltmp4:
0x1ce: {  	v62 =	vadd.s32 v57, v5;
	v14 =	vadd.f32 v25, v14;
	v12 =	vadd.f32 v13, v12;
	(pc) =	sbr.rel @p0 .LBB2_8-.Ltmp4, $4  }
0x1cf: {  	v60 =	vadd.s32 v51, v5;
	v56 =	vadd.s32 v58, v5;
	v8 =	vadd.s32 v52, v5  }
0x1d0: {  	v3 =	vadd.s32 v53, v5;
	v7 =	vadd.s32 v54, v5;
	v12 =	vadd.f32 v12, v14  }
0x1d1: {  	v9 =	vadd.s32 v6, v5;
	v6 =	vadd.s32 v55, v5;
	v34 =	vmovc v45;
	v31 =	vmov v48  }
0x1d2: {  	s10 =	sadd.s32 $0x10, s10;
	v32 =	vmovc v47;
	v28 =	vlaneseq.u32;
	v30 =	vmovc v46;
	v29 =	vmov v42;
	v12 =	vmul.f32 $1.442695020e+00, v12  }
0x1d3: {  	_ = 	snop  }
0x1d4: {  	(erf) = vpow2.f32 v12  }
0x1d5: {  	v12 =	vld [tilespmem:$0x1FD10];
	_ =	sdelay $0x4  }
0x1d6: {  	v5 =	vadd.s32 v12, v5  }
0x1d7: {  	v12 =	vor.u32 v15, v9  }
0x1d8: {  	v9 =	vor.u32 v18, v9  }
0x1d9: {  	v13 =	vor.u32 v19, v8;
	v14 =	vpop (erf)  }
0x1da: {  	v8 =	vor.u32 v20, v8;
	v16 =	vmul.f32 v14, v44  }
0x1db: {  	v17 =	vor.u32 v21, v3;
	[tilespmem:v5+s24+$0x0] =	vst.idx.msk $0xffff, v14;
	v49 =	vmul.f32 v14, v43  }
0x1dc: {  	v51 =	vor.u32 v22, v3;
	v25 =	vmul.f32 v14, v40;
	[tilespmem:v12+s24+$0x0] =	vst.idx.msk $0xffff, v16  }
0x1dd: {  	v12 =	vor.u32 v23, v7;
	v16 =	vmul.f32 v14, v38;
	[tilespmem:v9+s24+$0x0] =	vst.idx.msk $0xffff, v49  }
0x1de: {  	v52 =	vor.u32 v24, v7;
	v53 =	vmul.f32 v14, v59;
	[tilespmem:v13+s24+$0x0] =	vst.idx.msk $0xffff, v25  }
0x1df: {  	v9 =	vor.u32 v15, v6;
	v13 =	vmul.f32 v14, v61;
	[tilespmem:v8+s24+$0x0] =	vst.idx.msk $0xffff, v16  }
0x1e0: {  	v54 =	vor.u32 v18, v6;
	v8 =	vmul.f32 v14, v63;
	[tilespmem:v17+s24+$0x0] =	vst.idx.msk $0xffff, v53  }
0x1e1: {  	v55 =	vor.u32 v19, v62;
	v16 =	vmul.f32 v14, v50;
	[tilespmem:v51+s24+$0x0] =	vst.idx.msk $0xffff, v13  }
0x1e2: {  	v57 =	vor.u32 v20, v62;
	v0 =	vmul.f32 v14, v0;
	[tilespmem:v12+s24+$0x0] =	vst.idx.msk $0xffff, v8  }
0x1e3: {  	v58 =	vor.u32 v21, v56;
	v4 =	vmul.f32 v14, v4;
	[tilespmem:v52+s24+$0x0] =	vst.idx.msk $0xffff, v16  }
0x1e4: {  	v59 =	vor.u32 v22, v56;
	v8 =	vmul.f32 v14, v39;
	[tilespmem:v9+s24+$0x0] =	vst.idx.msk $0xffff, v0  }
0x1e5: {  	s22 =	sadd.s32 $0x1, s22;
	v12 =	vor.u32 v23, v60;
	v9 =	vmul.f32 v14, v37;
	[tilespmem:v54+s24+$0x0] =	vst.idx.msk $0xffff, v4  }
0x1e6: {  	p0 =	sne.s32 s22, $0x8;
	v62 =	vmul.f32 v14, v11;
	v61 =	vor.u32 v24, v60;
	[tilespmem:v55+s24+$0x0] =	vst.idx.msk $0xffff, v8  }
.Ltmp5:
0x1e7: {  	v63 =	vmul.f32 v14, v10;
	[tilespmem:v57+s24+$0x0] =	vst.idx.msk $0xffff, v9;
	(pc) =	sbr.rel @p0 .LBB2_7-.Ltmp5, $4  }
0x1e8: {  	v1 =	vmul.f32 v14, v1;
	[tilespmem:v58+s24+$0x0] =	vst.idx.msk $0xffff, v62  }
0x1e9: {  	v2 =	vmul.f32 v14, v2;
	[tilespmem:v59+s24+$0x0] =	vst.idx.msk $0xffff, v63  }
0x1ea: {  	v11 =	vld [tilespmem:$0x1FFC0];
	[tilespmem:v12+s24+$0x0] =	vst.idx.msk $0xffff, v1  }
0x1eb: {  	v10 =	vld [tilespmem:$0x1FFB0];
	[tilespmem:v61+s24+$0x0] =	vst.idx.msk $0xffff, v2  }
0x1ec: {  	s10 =	simm.s32 $0x14EC0;
	s22 =	rddreg [dreg:$0x9]  }
0x1ed: {  	[spmem:s3] =	stream.indirect.scatter.add.f32 [tilespmem:s24], [sflag:$0xD], $0x88, s10, s17, $0xb8;
	[tilespmem:$0x1EBA0] =	vst v63  }
0x1ee: {  	s10 =	sadd.s32 s8, s22  }
0x1ef: {  	s10 =	sshrl.u32 s10, $0x3  }
0x1f0: {  	s12 =	simm.s32 $0x14FE0;
	s10 =	sadd.s32 s1, s10  }
0x1f1: {  	[tilespmem:s12], [sflag:$0x4] =	stream.strided.gather [hbm4b:s10+s17], $0xC0, s18, s17, $0x38;
	[tilespmem:$0x1EBA0] =	vst v63  }
0x1f2: {  	_ =	swait.ge [sflag:s13], $0xC0  }
0x1f3: {  	[sflag:s13] =	ssyncset.done $0x0  }
0x1f4: {  	[sflag:s13] =	ssyncadd.s32 $0xFFFFFF40  }
0x1f5: {  	[tilespmem:s31], [sflag:$0x9] =	stream.indirect.gather [hbm4b:s5+s26], $0x40, s12, s26, $0xb8;
	[tilespmem:$0x1EBA0] =	vst v63  }
0x1f6: {  	s12 =	simm.s32 $0x15040  }
0x1f7: {  	[tilespmem:s19], [sflag:$0xB] =	stream.indirect.gather [hbm4b:s6+s26], $0x40, s12, s26, $0xb8;
	[tilespmem:$0x1EBA0] =	vst v63  }
0x1f8: {  	s15 =	simm.s32 $0x174A0;
	s22 =	simm.s32 $0x15010  }
0x1f9: {  	[tilespmem:s15], [sflag:$0xA] =	stream.indirect.gather [hbm4b:s5+s26], $0x40, s22, s26, $0xb8;
	[tilespmem:$0x1EBA0] =	vst v63  }
0x1fa: {  	s15 =	simm.s32 $0x1A4A0;
	s22 =	simm.s32 $0x15070  }
0x1fb: {  	[tilespmem:s15], [sflag:$0xC] =	stream.indirect.gather [hbm4b:s6+s26], $0x40, s22, s26, $0xb8;
	[tilespmem:$0x1EBA0] =	vst v63  }
0x1fc: {  	_ =	swait.ge [sflag:s16], $0xC00  }
0x1fd: {  	[sflag:s16] =	ssyncset.done $0x0  }
0x1fe: {  	[sflag:s16] =	ssyncadd.s32 $0xFFFFF400  }
0x1ff: {  	_ =	swait.ge [sflag:s9], $0xC00  }
0x200: {  	[sflag:s9] =	ssyncset.done $0x0  }
0x201: {  	[sflag:s9] =	ssyncadd.s32 $0xFFFFF400  }
0x202: {  	_ =	swait.ge [sflag:s25], $0xC00  }
0x203: {  	[sflag:s25] =	ssyncset.done $0x0  }
0x204: {  	[sflag:s25] =	ssyncadd.s32 $0xFFFFF400  }
0x205: {  	_ =	swait.ge [sflag:s23], $0xC00  }
0x206: {  	[sflag:s23] =	ssyncset.done $0x0  }
0x207: {  	[sflag:s23] =	ssyncadd.s32 $0xFFFFF400  }
0x208: {  	_ =	swait.ge [sflag:s11], $0x3300  }
0x209: {  	[sflag:s11] =	ssyncset.done $0x0  }
0x20a: {  	s15 =	simm.s32 $0x0;
	s22 =	simm.s32 $0x0;
	[sflag:s11] =	ssyncadd.s32 $0xFFFFCD00  }
.LBB2_11:
0x20b: {  	s10 =	sshll.u32 s22, $0x3;
	v3 =	vor.u32 s15, v28  }
0x20c: {  	v1 =	vmov s10;
	v0 =	vshll.u32 v3, $0x6  }
0x20d: {  	v7 =	vmov s22;
	v0 =	vadd.s32 v1, v0  }
0x20e: {  	v7 =	vand.u32 $0x7, v7;
	[tilespmem:$0x1FBE0] =	vst v1;
	v1 =	vor.u32 v29, v0  }
0x20f: {  	v7 =	vor.u32 $0x80, v7;
	v2 =	vor.u32 v30, v0  }
0x210: {  	v7 =	vbroadcast v7, $0x0;
	_ =	sdelay $0x1  }
0x211: {  	v4 =	vor.u32 v33, v0;
	[tilespmem:$0x1FBF0] =	vst v7;
	v7 =	vld [tilespmem:$0x1FF30]  }
0x212: {  	v5 =	vld.idx.msk [tilespmem:v1+s28+$0x0], $0xffff  }
0x213: {  	v6 =	vld.idx.msk [tilespmem:v2+s30+$0x0], $0xffff  }
0x214: {  	v2 =	vld.idx.msk [tilespmem:v2+s28+$0x0], $0xffff  }
0x215: {  	v1 =	vld.idx.msk [tilespmem:v1+s30+$0x0], $0xffff  }
0x216: {  	s12 =	sshll.u32 s22, $0x8;
	v8 =	vor.u32 v32, v0;
	v9 =	vld.idx.msk [tilespmem:v4+s30+$0x0], $0xffff  }
0x217: {  	s12 =	sand.u32 $0x3FFFFF00, s12;
	s10 =	sshll.u32 s22, $0x4;
	v10 =	vor.u32 v10, v0;
	v11 =	vor.u32 v11, v0;
	v4 =	vld.idx.msk [tilespmem:v4+s28+$0x0], $0xffff  }
0x218: {  	v25 =	vld [tilespmem:s12+$0x1E3A0];
	v60 =	vor.u32 s10, v7;
	v7 =	vor.u32 v31, v0;
	v0 =	vor.u32 v34, v0  }
0x219: {  	v26 =	vld [tilespmem:s12+$0x1E3C0];
	v12 =	vunpack.i.u.bf16.f32 v6;
	v38 =	vunpack.i.u.bf16.f32 v2;
	v40 =	vunpack.i.l.bf16.f32 v2  }
0x21a: {  	v27 =	vld [tilespmem:s12+$0x1E3D0];
	v2 =	vunpack.i.l.bf16.f32 v6;
	v44 =	vunpack.i.l.bf16.f32 v5;
	v6 =	vunpack.i.l.bf16.f32 v1  }
0x21b: {  	v43 =	vunpack.i.u.bf16.f32 v5;
	v5 =	vld.idx.msk [tilespmem:v8+s30+$0x0], $0xffff;
	v13 =	vunpack.i.u.bf16.f32 v9;
	v9 =	vunpack.i.l.bf16.f32 v9  }
0x21c: {  	v8 =	vld.idx.msk [tilespmem:v8+s28+$0x0], $0xffff;
	v37 =	vunpack.i.u.bf16.f32 v4;
	v2 =	vadd.f32 v2, v40;
	v6 =	vadd.f32 v6, v44  }
0x21d: {  	v49 =	vld [tilespmem:s12+$0x1E440];
	v39 =	vunpack.i.l.bf16.f32 v4;
	v12 =	vadd.f32 v12, v38;
	v13 =	vadd.f32 v13, v37  }
0x21e: {  	v51 =	vld [tilespmem:s12+$0x1E410];
	v9 =	vadd.f32 v9, v39;
	v16 =	vmul.f32 $2.000000030e-01, v2;
	v17 =	vmul.f32 $2.000000030e-01, v6  }
0x21f: {  	v1 =	vunpack.i.u.bf16.f32 v1;
	v14 =	vld.idx.msk [tilespmem:v7+s30+$0x0], $0xffff;
	v4 =	vmul.f32 $2.000000030e-01, v12;
	v35 =	vmul.f32 $2.000000030e-01, v13  }
0x220: {  	v7 =	vld.idx.msk [tilespmem:v7+s28+$0x0], $0xffff;
	v36 =	vmul.f32 $2.000000030e-01, v9;
	v2 =	vmax.f32 v2, v16;
	v6 =	vmax.f32 v6, v17  }
0x221: {  	v41 =	vld.idx.msk [tilespmem:v11+s28+$0x0], $0xffff;
	v4 =	vmax.f32 v12, v4;
	v50 =	vunpack.i.u.bf16.f32 v8;
	v63 =	vunpack.i.l.bf16.f32 v8  }
0x222: {  	v8 =	vld.idx.msk [tilespmem:v11+s30+$0x0], $0xffff;
	v11 =	vadd.f32 v1, v43;
	v1 =	vmax.f32 v9, v36;
	v9 =	vmax.f32 v13, v35  }
0x223: {  	v52 =	vld [tilespmem:s12+$0x1E3F0];
	v6 =	vmul.f32 v6, v25;
	v12 =	vmul.f32 v4, v27;
	v4 =	vunpack.i.u.bf16.f32 v5  }
0x224: {  	v16 =	vld.idx.msk [tilespmem:v0+s30+$0x0], $0xffff;
	v5 =	vunpack.i.l.bf16.f32 v5;
	v2 =	vmul.f32 v2, v26;
	v17 =	vunpack.i.u.bf16.f32 v14  }
0x225: {  	v57 =	vld [tilespmem:s12+$0x1E400];
	v4 =	vadd.f32 v4, v50;
	v59 =	vunpack.i.l.bf16.f32 v7;
	v14 =	vunpack.i.l.bf16.f32 v14  }
0x226: {  	[tilespmem:$0x1FC10] =	vst v27;
	v27 =	vld [tilespmem:s12+$0x1E450];
	v61 =	vunpack.i.u.bf16.f32 v7;
	v5 =	vadd.f32 v5, v63;
	v14 =	vadd.f32 v14, v59  }
0x227: {  	v36 =	vld [tilespmem:s12+$0x1E3B0];
	v17 =	vadd.f32 v17, v61;
	v35 =	vadd.f32 $0.0e+00, v2;
	v2 =	vmul.f32 $2.000000030e-01, v11  }
0x228: {  	[tilespmem:$0x1FC00] =	vst v25;
	v0 =	vld.idx.msk [tilespmem:v0+s28+$0x0], $0xffff;
	v12 =	vadd.f32 $0.0e+00, v12;
	v7 =	vmul.f32 $2.000000030e-01, v4;
	v62 =	vmul.f32 $2.000000030e-01, v5  }
0x229: {  	v33 =	vld [tilespmem:s12+$0x1E3E0];
	[tilespmem:$0x1FC20] =	vst v26;
	v13 =	vmul.f32 $2.000000030e-01, v14;
	v25 =	vunpack.i.u.bf16.f32 v16;
	v58 =	vunpack.i.l.bf16.f32 v8  }
0x22a: {  	v26 =	vld.idx.msk [tilespmem:v10+s28+$0x0], $0xffff;
	v11 =	vmax.f32 v11, v2;
	v4 =	vmax.f32 v4, v7;
	v7 =	vmul.f32 v1, v49  }
0x22b: {  	v16 =	vunpack.i.l.bf16.f32 v16;
	[tilespmem:$0x1FC40] =	vst v27;
	v9 =	vmul.f32 v9, v27;
	v27 =	vld.idx.msk [tilespmem:v10+s30+$0x0], $0xffff;
	v10 =	vmul.f32 $2.000000030e-01, v17  }
0x22c: {  	v11 =	vmul.f32 v11, v36;
	v5 =	vmax.f32 v5, v62;
	v1 =	vmax.f32 v14, v13  }
0x22d: {  	v14 =	vmul.f32 v4, v51;
	v4 =	vunpack.i.u.bf16.f32 v0;
	v0 =	vunpack.i.l.bf16.f32 v0  }
0x22e: {  	v5 =	vmul.f32 v5, v57;
	v13 =	vmul.f32 v1, v33;
	v1 =	vunpack.i.l.bf16.f32 v41  }
0x22f: {  	v56 =	vadd.f32 v25, v4;
	v10 =	vmax.f32 v17, v10;
	v14 =	vadd.f32 v14, v35  }
0x230: {  	[tilespmem:$0x1FC80] =	vst v52;
	v16 =	vadd.f32 v16, v0;
	v17 =	vmul.f32 v10, v52;
	v52 =	vadd.f32 v58, v1;
	v58 =	vld [tilespmem:s12+$0x1E430]  }
0x231: {  	v25 =	vunpack.i.u.bf16.f32 v27;
	v7 =	vadd.f32 v7, v14;
	v14 =	vunpack.i.l.bf16.f32 v27;
	v27 =	vld [tilespmem:s12+$0x1E420]  }
0x232: {  	v35 =	vadd.f32 $0.0e+00, v11  }
0x233: {  	v5 =	vadd.f32 v5, v12;
	v62 =	vmul.f32 $2.000000030e-01, v56;
	v12 =	vmul.f32 $2.000000030e-01, v16  }
0x234: {  	v6 =	vadd.f32 $0.0e+00, v6;
	v10 =	vunpack.i.u.bf16.f32 v26;
	v11 =	vunpack.i.l.bf16.f32 v26  }
0x235: {  	[tilespmem:$0x1FC60] =	vst v51;
	v13 =	vadd.f32 v13, v35;
	v51 =	vmax.f32 v56, v62;
	v12 =	vmax.f32 v16, v12  }
0x236: {  	v26 =	vld [tilespmem:s12+$0x1E480];
	v6 =	vadd.f32 v17, v6;
	v51 =	vmul.f32 v51, v58;
	v12 =	vmul.f32 v12, v27;
	_ =	sdelay $0x1  }
0x237: {  	v54 =	vmul.f32 $2.000000030e-01, v52;
	v6 =	vadd.f32 v12, v6;
	v12 =	vadd.f32 v51, v13;
	v13 =	vld [tilespmem:$0x1FF40]  }
0x238: {  	v14 =	vadd.f32 v14, v11  }
0x239: {  	v52 =	vmax.f32 v52, v54  }
0x23a: {  	v5 =	vadd.f32 v9, v5;
	v62 =	vmul.f32 $2.000000030e-01, v14;
	v17 =	vmul.f32 v52, v26;
	_ =	sdelay $0x1  }
0x23b: {  	v9 =	vmax.f32 v14, v62;
	v14 =	vor.u32 s10, v13;
	v13 =	vadd.f32 v17, v5;
	v5 =	vld [tilespmem:$0x1FF50];
	_ =	sdelay $0x3  }
0x23c: {  	v53 =	vadd.f32 v25, v10;
	v25 =	vld [tilespmem:s12+$0x1E470]  }
0x23d: {  	v52 =	vor.u32 s10, v5;
	v5 =	vld [tilespmem:$0x1FF60];
	_ =	sdelay $0x1  }
0x23e: {  	v55 =	vmul.f32 $2.000000030e-01, v53;
	_ =	sdelay $0x1  }
0x23f: {  	v53 =	vmax.f32 v53, v55  }
0x240: {  	v16 =	vmul.f32 v53, v25;
	v53 =	vor.u32 s10, v5;
	v5 =	vld [tilespmem:$0x1FF70];
	_ =	sdelay $0x2  }
0x241: {  	[tilespmem:$0x1FC30] =	vst v49;
	v2 =	vunpack.i.u.bf16.f32 v41;
	v8 =	vunpack.i.u.bf16.f32 v8;
	v49 =	vld [tilespmem:s12+$0x1E490]  }
0x242: {  	v8 =	vadd.f32 v8, v2;
	[tilespmem:$0x1FCA0] =	vst v58;
	v58 =	vld [tilespmem:s12+$0x1E460]  }
0x243: {  	v54 =	vor.u32 s10, v5;
	v5 =	vmul.u32 $0x88, v3;
	v3 =	vld [tilespmem:$0x1FF80]  }
0x244: {  	v56 =	vmul.f32 $2.000000030e-01, v8;
	_ =	sdelay $0x1  }
0x245: {  	v8 =	vmax.f32 v8, v56  }
0x246: {  	v8 =	vmul.f32 v8, v49  }
0x247: {  	v9 =	vmul.f32 v9, v58;
	v55 =	vor.u32 s10, v3;
	v3 =	vld [tilespmem:$0x1FF90]  }
0x248: {  	v7 =	vadd.f32 v8, v7  }
0x249: {  	v6 =	vadd.f32 v16, v6;
	v8 =	vadd.f32 v9, v12  }
0x24a: {  	[tilespmem:$0x1FC90] =	vst v57  }
0x24b: {  	[tilespmem:$0x1FC50] =	vst v33;
	v6 =	vadd.f32 v7, v6;
	v7 =	vadd.f32 v13, v8  }
0x24c: {  	[tilespmem:$0x1FC70] =	vst v36;
	v57 =	vor.u32 s10, v3;
	v3 =	vld [tilespmem:$0x1FFA0]  }
0x24d: {  	[tilespmem:$0x1FCE0] =	vst v49;
	v12 =	vadd.f32 v7, v6  }
0x24e: {  	[tilespmem:$0x1FCD0] =	vst v26  }
0x24f: {  	[tilespmem:$0x1FCC0] =	vst v27;
	v12 =	vmul.f32 $1.442695020e+00, v12  }
0x250: {  	[tilespmem:$0x1FCB0] =	vst v25;
	v9 =	vadd.s32 v60, v5;
	v8 =	vadd.s32 v14, v5;
	v7 =	vadd.s32 v53, v5  }
0x251: {  	v49 =	vmovc v60;
	[tilespmem:$0x1FCF0] =	vst v58;
	v6 =	vadd.s32 v54, v5;
	v62 =	vadd.s32 v55, v5;
	v58 =	vor.u32 s10, v3  }
0x252: {  	v51 =	vmovc v14;
	v56 =	vadd.s32 v57, v5;
	v3 =	vadd.s32 v52, v5;
	s10 =	simm.s32 $0x10;
	v60 =	vadd.s32 v58, v5  }
.LBB2_12:
0x253: {  	_ = 	snop  }
0x254: {  	(erf) = vpow2.f32 v12;
	v12 =	vld [tilespmem:$0x1FBF0];
	_ =	sdelay $0x4  }
0x255: {  	v5 =	vadd.s32 v12, v5;
	_ =	sdelay $0x1  }
0x256: {  	v14 =	vor.u32 v15, v9  }
0x257: {  	v9 =	vor.u32 v18, v9  }
0x258: {  	v25 =	vor.u32 v19, v8;
	v27 =	vpop (erf)  }
0x259: {  	v8 =	vor.u32 v20, v8;
	[tilespmem:v5+s24+$0x0] =	vst.idx.msk $0xffff, v27;
	v5 =	vmul.f32 v27, v44  }
0x25a: {  	v26 =	vor.u32 v22, v3;
	v3 =	vor.u32 v21, v3;
	v43 =	vmul.f32 v27, v43  }
0x25b: {  	v40 =	vmul.f32 v27, v40;
	[tilespmem:v14+s24+$0x0] =	vst.idx.msk $0xffff, v5  }
0x25c: {  	v17 =	vor.u32 v23, v7;
	v38 =	vmul.f32 v27, v38;
	[tilespmem:v9+s24+$0x0] =	vst.idx.msk $0xffff, v43  }
0x25d: {  	v5 =	vmul.f32 v27, v59;
	[tilespmem:v25+s24+$0x0] =	vst.idx.msk $0xffff, v40  }
0x25e: {  	v7 =	vor.u32 v24, v7;
	v14 =	vmul.f32 v27, v61;
	[tilespmem:v8+s24+$0x0] =	vst.idx.msk $0xffff, v38  }
0x25f: {  	v16 =	vor.u32 v15, v6;
	v9 =	vmul.f32 v27, v63;
	[tilespmem:v3+s24+$0x0] =	vst.idx.msk $0xffff, v5  }
0x260: {  	v6 =	vor.u32 v18, v6;
	[tilespmem:v26+s24+$0x0] =	vst.idx.msk $0xffff, v14  }
0x261: {  	v12 =	vor.u32 v19, v62;
	v33 =	vmul.f32 v27, v50;
	[tilespmem:v17+s24+$0x0] =	vst.idx.msk $0xffff, v9;
	v17 =	vld [tilespmem:$0x1FBE0]  }
0x262: {  	v0 =	vmul.f32 v27, v0;
	v4 =	vmul.f32 v27, v4;
	v9 =	vor.u32 v20, v62  }
0x263: {  	s12 =	smov.u32 s10;
	v25 =	vmul.f32 v27, v37;
	[tilespmem:v7+s24+$0x0] =	vst.idx.msk $0xffff, v33;
	v7 =	vor.u32 v21, v56  }
0x264: {  	v8 =	vmul.f32 v27, v39;
	v5 =	vor.u32 s12, v28;
	[tilespmem:v16+s24+$0x0] =	vst.idx.msk $0xffff, v0;
	v0 =	vor.u32 v22, v56  }
0x265: {  	v3 =	vmul.f32 v27, v11;
	v11 =	vor.u32 v23, v60;
	v14 =	vshll.u32 v5, $0x6;
	[tilespmem:v6+s24+$0x0] =	vst.idx.msk $0xffff, v4  }
0x266: {  	v13 =	vor.u32 v24, v60;
	v6 =	vld [tilespmem:$0x1FFE0];
	[tilespmem:v12+s24+$0x0] =	vst.idx.msk $0xffff, v8;
	v14 =	vadd.s32 v17, v14  }
0x267: {  	v10 =	vmul.f32 v27, v10;
	[tilespmem:v9+s24+$0x0] =	vst.idx.msk $0xffff, v25;
	v16 =	vor.u32 v29, v14  }
0x268: {  	v1 =	vmul.f32 v27, v1;
	v17 =	vor.u32 v30, v14;
	[tilespmem:v7+s24+$0x0] =	vst.idx.msk $0xffff, v3  }
0x269: {  	v2 =	vmul.f32 v27, v2;
	[tilespmem:v0+s24+$0x0] =	vst.idx.msk $0xffff, v10  }
0x26a: {  	[tilespmem:v11+s24+$0x0] =	vst.idx.msk $0xffff, v1  }
0x26b: {  	v4 =	vor.u32 v31, v14;
	v26 =	vor.u32 v6, v14;
	v6 =	vld [tilespmem:$0x1FFB0];
	[tilespmem:v13+s24+$0x0] =	vst.idx.msk $0xffff, v2  }
0x26c: {  	v0 =	vld.idx.msk [tilespmem:v16+s28+$0x0], $0xffff  }
0x26d: {  	v1 =	vld.idx.msk [tilespmem:v17+s30+$0x0], $0xffff  }
0x26e: {  	v2 =	vld.idx.msk [tilespmem:v17+s28+$0x0], $0xffff  }
0x26f: {  	v10 =	vld.idx.msk [tilespmem:v16+s30+$0x0], $0xffff  }
0x270: {  	v16 =	vld.idx.msk [tilespmem:v4+s28+$0x0], $0xffff  }
0x271: {  	v25 =	vor.u32 v32, v14;
	v4 =	vld.idx.msk [tilespmem:v4+s30+$0x0], $0xffff  }
0x272: {  	v11 =	vld.idx.msk [tilespmem:v26+s30+$0x0], $0xffff  }
0x273: {  	v12 =	vor.u32 v6, v14;
	v13 =	vld.idx.msk [tilespmem:v26+s28+$0x0], $0xffff;
	v17 =	vunpack.i.u.bf16.f32 v1  }
0x274: {  	v6 =	vld [tilespmem:$0x1FFC0];
	v38 =	vunpack.i.u.bf16.f32 v2;
	v40 =	vunpack.i.l.bf16.f32 v2;
	v1 =	vunpack.i.l.bf16.f32 v1  }
0x275: {  	v43 =	vunpack.i.u.bf16.f32 v0;
	v2 =	vunpack.i.u.bf16.f32 v10;
	v44 =	vunpack.i.l.bf16.f32 v0  }
0x276: {  	v0 =	vunpack.i.l.bf16.f32 v10;
	v10 =	vld.idx.msk [tilespmem:v25+s30+$0x0], $0xffff;
	v29 =	vunpack.i.u.bf16.f32 v4;
	v59 =	vunpack.i.l.bf16.f32 v16  }
0x277: {  	v25 =	vld.idx.msk [tilespmem:v25+s28+$0x0], $0xffff;
	v4 =	vunpack.i.l.bf16.f32 v4;
	v1 =	vadd.f32 v1, v40;
	v0 =	vadd.f32 v0, v44  }
0x278: {  	v33 =	vld [tilespmem:$0x1FC20];
	v17 =	vadd.f32 v17, v38;
	v26 =	vunpack.i.u.bf16.f32 v11;
	v37 =	vunpack.i.u.bf16.f32 v13  }
0x279: {  	v27 =	vor.u32 v6, v14;
	v14 =	vor.u32 v34, v14;
	v26 =	vadd.f32 v26, v37  }
0x27a: {  	v39 =	vunpack.i.l.bf16.f32 v13;
	v34 =	vmul.f32 $2.000000030e-01, v1;
	v13 =	vmul.f32 $2.000000030e-01, v0  }
0x27b: {  	v4 =	vadd.f32 v4, v59;
	v35 =	vmul.f32 $2.000000030e-01, v17;
	v30 =	vmul.f32 $2.000000030e-01, v26  }
0x27c: {  	v1 =	vmax.f32 v1, v34;
	v50 =	vunpack.i.u.bf16.f32 v25;
	v63 =	vunpack.i.l.bf16.f32 v25  }
0x27d: {  	v1 =	vmul.f32 v1, v33;
	v25 =	vmax.f32 v26, v30;
	v26 =	vmul.f32 $2.000000030e-01, v4  }
0x27e: {  	v0 =	vmax.f32 v0, v13;
	v13 =	vmax.f32 v17, v35;
	v17 =	vld [tilespmem:$0x1FC00]  }
0x27f: {  	v32 =	vadd.f32 $0.0e+00, v1;
	v1 =	vmax.f32 v4, v26;
	v4 =	vld [tilespmem:$0x1FC40];
	_ =	sdelay $0x3  }
0x280: {  	v17 =	vmul.f32 v0, v17;
	v0 =	vld [tilespmem:$0x1FC10]  }
0x281: {  	v25 =	vmul.f32 v25, v4;
	v4 =	vld [tilespmem:$0x1FC50];
	_ =	sdelay $0x1  }
0x282: {  	v28 =	vld.idx.msk [tilespmem:v14+s30+$0x0], $0xffff  }
0x283: {  	v14 =	vld.idx.msk [tilespmem:v14+s28+$0x0], $0xffff  }
0x284: {  	v31 =	vld.idx.msk [tilespmem:v27+s28+$0x0], $0xffff;
	v13 =	vmul.f32 v13, v0;
	v0 =	vunpack.i.u.bf16.f32 v10  }
0x285: {  	v0 =	vadd.f32 v0, v50;
	v26 =	vmul.f32 v1, v4;
	v1 =	vld [tilespmem:$0x1FC60];
	_ =	sdelay $0x1  }
0x286: {  	v61 =	vunpack.i.u.bf16.f32 v16;
	v2 =	vadd.f32 v2, v43;
	v16 =	vmul.f32 $2.000000030e-01, v0  }
0x287: {  	v10 =	vunpack.i.l.bf16.f32 v10  }
0x288: {  	v34 =	vmul.f32 $2.000000030e-01, v2;
	v10 =	vadd.f32 v10, v63;
	v0 =	vmax.f32 v0, v16  }
0x289: {  	v4 =	vunpack.i.u.bf16.f32 v14;
	v33 =	vmul.f32 v0, v1;
	v1 =	vunpack.i.l.bf16.f32 v31  }
0x28a: {  	v0 =	vunpack.i.l.bf16.f32 v14;
	v14 =	vmax.f32 v2, v34;
	v2 =	vunpack.i.u.bf16.f32 v31;
	v31 =	vld [tilespmem:$0x1FC70]  }
0x28b: {  	v11 =	vunpack.i.l.bf16.f32 v11;
	v30 =	vunpack.i.u.bf16.f32 v28  }
0x28c: {  	v11 =	vadd.f32 v11, v39;
	v41 =	vmul.f32 $2.000000030e-01, v10;
	v16 =	vld [tilespmem:$0x1FC30];
	v30 =	vadd.f32 v30, v4  }
0x28d: {  	v29 =	vadd.f32 v29, v61;
	v27 =	vld.idx.msk [tilespmem:v27+s30+$0x0], $0xffff  }
0x28e: {  	v36 =	vmul.f32 $2.000000030e-01, v11;
	v34 =	vmax.f32 v10, v41;
	v41 =	vmul.f32 $2.000000030e-01, v30  }
0x28f: {  	v14 =	vmul.f32 v14, v31;
	v31 =	vld [tilespmem:$0x1FC80]  }
0x290: {  	v11 =	vmax.f32 v11, v36;
	v36 =	vmul.f32 $2.000000030e-01, v29;
	v30 =	vmax.f32 v30, v41;
	v41 =	vld [tilespmem:$0x1FC90]  }
0x291: {  	v11 =	vmul.f32 v11, v16;
	v16 =	vld.idx.msk [tilespmem:v12+s28+$0x0], $0xffff;
	v14 =	vadd.f32 $0.0e+00, v14  }
0x292: {  	v29 =	vmax.f32 v29, v36;
	v35 =	vunpack.i.l.bf16.f32 v27;
	v28 =	vunpack.i.l.bf16.f32 v28;
	v12 =	vld.idx.msk [tilespmem:v12+s30+$0x0], $0xffff  }
0x293: {  	v27 =	vunpack.i.u.bf16.f32 v27;
	v17 =	vadd.f32 $0.0e+00, v17;
	v14 =	vadd.f32 v26, v14;
	v26 =	vld [tilespmem:$0x1FCA0]  }
0x294: {  	v13 =	vadd.f32 $0.0e+00, v13;
	v32 =	vadd.f32 v33, v32;
	v29 =	vmul.f32 v29, v31  }
0x295: {  	v28 =	vadd.f32 v28, v0;
	v27 =	vadd.f32 v27, v2;
	v34 =	vmul.f32 v34, v41  }
0x296: {  	v32 =	vadd.f32 v11, v32;
	v17 =	vadd.f32 v29, v17;
	v29 =	vld [tilespmem:$0x1FCC0]  }
0x297: {  	v36 =	vunpack.i.u.bf16.f32 v12;
	v12 =	vunpack.i.l.bf16.f32 v12;
	v13 =	vadd.f32 v34, v13  }
0x298: {  	v11 =	vunpack.i.l.bf16.f32 v16;
	v41 =	vld [tilespmem:$0x1FCB0];
	v34 =	vmul.f32 $2.000000030e-01, v28;
	v26 =	vmul.f32 v30, v26  }
0x299: {  	v10 =	vunpack.i.u.bf16.f32 v16;
	v12 =	vadd.f32 v12, v11;
	v13 =	vadd.f32 v25, v13;
	v25 =	vld [tilespmem:$0x1FCE0]  }
0x29a: {  	v16 =	vadd.f32 v36, v10;
	v28 =	vmax.f32 v28, v34;
	v14 =	vadd.f32 v26, v14;
	v26 =	vld [tilespmem:$0x1FCF0]  }
0x29b: {  	v36 =	vmul.f32 $2.000000030e-01, v12;
	v31 =	vadd.f32 v35, v1;
	v28 =	vmul.f32 v28, v29;
	v29 =	vld [tilespmem:$0x1FCD0]  }
0x29c: {  	v35 =	vmul.f32 $2.000000030e-01, v27;
	v30 =	vmul.f32 $2.000000030e-01, v16  }
0x29d: {  	v33 =	vmul.f32 $2.000000030e-01, v31  }
0x29e: {  	v12 =	vmax.f32 v12, v36;
	v27 =	vmax.f32 v27, v35;
	v16 =	vmax.f32 v16, v30  }
0x29f: {  	v30 =	vmax.f32 v31, v33;
	v25 =	vmul.f32 v27, v25;
	v12 =	vmul.f32 v12, v26  }
0x2a0: {  	v16 =	vmul.f32 v16, v41;
	v17 =	vadd.f32 v28, v17;
	v41 =	vmul.f32 v30, v29  }
0x2a1: {  	v25 =	vadd.f32 v25, v32;
	v12 =	vadd.f32 v12, v14  }
0x2a2: {  	v5 =	vmul.u32 $0x88, v5;
	v14 =	vadd.f32 v16, v17;
	v13 =	vadd.f32 v41, v13  }
0x2a3: {  	p0 =	sne.s32 s10, $0x50  }
.Ltmp6:
0x2a4: {  	v62 =	vadd.s32 v55, v5;
	v14 =	vadd.f32 v25, v14;
	v12 =	vadd.f32 v13, v12;
	(pc) =	sbr.rel @p0 .LBB2_12-.Ltmp6, $4  }
0x2a5: {  	v60 =	vadd.s32 v58, v5;
	v56 =	vadd.s32 v57, v5;
	v8 =	vadd.s32 v51, v5  }
0x2a6: {  	v9 =	vadd.s32 v49, v5;
	v3 =	vadd.s32 v52, v5;
	v12 =	vadd.f32 v12, v14  }
0x2a7: {  	v7 =	vadd.s32 v53, v5;
	v6 =	vadd.s32 v54, v5;
	v34 =	vmovc v45;
	v31 =	vmov v48  }
0x2a8: {  	s10 =	sadd.s32 $0x10, s10;
	v32 =	vmovc v47;
	v28 =	vlaneseq.u32;
	v30 =	vmovc v46;
	v29 =	vmov v42;
	v12 =	vmul.f32 $1.442695020e+00, v12  }
0x2a9: {  	_ = 	snop  }
0x2aa: {  	(erf) = vpow2.f32 v12  }
0x2ab: {  	v12 =	vld [tilespmem:$0x1FBF0];
	_ =	sdelay $0x4  }
0x2ac: {  	v5 =	vadd.s32 v12, v5  }
0x2ad: {  	v12 =	vor.u32 v15, v9  }
0x2ae: {  	v9 =	vor.u32 v18, v9  }
0x2af: {  	v13 =	vor.u32 v19, v8;
	v14 =	vpop (erf)  }
0x2b0: {  	v8 =	vor.u32 v20, v8;
	v16 =	vmul.f32 v14, v44  }
0x2b1: {  	v17 =	vor.u32 v21, v3;
	[tilespmem:v5+s24+$0x0] =	vst.idx.msk $0xffff, v14;
	v49 =	vmul.f32 v14, v43  }
0x2b2: {  	v51 =	vor.u32 v22, v3;
	v25 =	vmul.f32 v14, v40;
	[tilespmem:v12+s24+$0x0] =	vst.idx.msk $0xffff, v16  }
0x2b3: {  	v12 =	vor.u32 v23, v7;
	v16 =	vmul.f32 v14, v38;
	[tilespmem:v9+s24+$0x0] =	vst.idx.msk $0xffff, v49  }
0x2b4: {  	v52 =	vor.u32 v24, v7;
	v53 =	vmul.f32 v14, v59;
	[tilespmem:v13+s24+$0x0] =	vst.idx.msk $0xffff, v25  }
0x2b5: {  	v9 =	vor.u32 v15, v6;
	v13 =	vmul.f32 v14, v61;
	[tilespmem:v8+s24+$0x0] =	vst.idx.msk $0xffff, v16  }
0x2b6: {  	v54 =	vor.u32 v18, v6;
	v8 =	vmul.f32 v14, v63;
	[tilespmem:v17+s24+$0x0] =	vst.idx.msk $0xffff, v53  }
0x2b7: {  	v55 =	vor.u32 v19, v62;
	v16 =	vmul.f32 v14, v50;
	[tilespmem:v51+s24+$0x0] =	vst.idx.msk $0xffff, v13  }
0x2b8: {  	v57 =	vor.u32 v20, v62;
	v0 =	vmul.f32 v14, v0;
	[tilespmem:v12+s24+$0x0] =	vst.idx.msk $0xffff, v8  }
0x2b9: {  	v58 =	vor.u32 v21, v56;
	v4 =	vmul.f32 v14, v4;
	[tilespmem:v52+s24+$0x0] =	vst.idx.msk $0xffff, v16  }
0x2ba: {  	v59 =	vor.u32 v22, v56;
	v8 =	vmul.f32 v14, v39;
	[tilespmem:v9+s24+$0x0] =	vst.idx.msk $0xffff, v0  }
0x2bb: {  	s22 =	sadd.s32 $0x1, s22;
	v12 =	vor.u32 v23, v60;
	v9 =	vmul.f32 v14, v37;
	[tilespmem:v54+s24+$0x0] =	vst.idx.msk $0xffff, v4  }
0x2bc: {  	p0 =	sne.s32 s22, $0x8;
	v62 =	vmul.f32 v14, v11;
	v61 =	vor.u32 v24, v60;
	[tilespmem:v55+s24+$0x0] =	vst.idx.msk $0xffff, v8  }
.Ltmp7:
0x2bd: {  	v63 =	vmul.f32 v14, v10;
	[tilespmem:v57+s24+$0x0] =	vst.idx.msk $0xffff, v9;
	(pc) =	sbr.rel @p0 .LBB2_11-.Ltmp7, $4  }
0x2be: {  	v1 =	vmul.f32 v14, v1;
	[tilespmem:v58+s24+$0x0] =	vst.idx.msk $0xffff, v62  }
0x2bf: {  	v33 =	vld [tilespmem:$0x1FFE0];
	v2 =	vmul.f32 v14, v2;
	[tilespmem:v59+s24+$0x0] =	vst.idx.msk $0xffff, v63  }
0x2c0: {  	v11 =	vld [tilespmem:$0x1FFC0];
	[tilespmem:v12+s24+$0x0] =	vst.idx.msk $0xffff, v1  }
0x2c1: {  	v10 =	vld [tilespmem:$0x1FFB0];
	[tilespmem:v61+s24+$0x0] =	vst.idx.msk $0xffff, v2  }
0x2c2: {  	s10 =	simm.s32 $0x14F80  }
0x2c3: {  	[spmem:s3] =	stream.indirect.scatter.add.f32 [tilespmem:s24], [sflag:$0xD], $0x88, s10, s17, $0xb8;
	[tilespmem:$0x1EBA0] =	vst v63  }
0x2c4: {  	p0 =	seq.s32 s2, $0x1A;
	s10 =	rddreg [dreg:$0xa]  }
0x2c5: {  	s10 =	sadd.s32 @!p0 s8, s10  }
0x2c6: {  	s12 =	simm.s32 @!p0 $0x60;
	s10 =	sshrl.u32 @!p0 s10, $0x3  }
0x2c7: {  	s15 =	simm.s32 @!p0 $0x51000;
	s22 =	simm.s32 @!p0 $0x14DA0;
	s10 =	sadd.s32 @!p0 s1, s10  }
0x2c8: {  	[tilespmem:s22], [sflag:$0x1] =	stream.strided.gather @!p0 [hbm4b:s10+s12], $0xC0, s15, s12, $0x38;
	[tilespmem:$0x1EBA0] =	vst v63  }
0x2c9: {  	s10 =	simm.s32 @!p0 $0x1  }
0x2ca: {  	_ =	swait.ge @!p0 [sflag:s10], $0xC0  }
0x2cb: {  	[sflag:s10] =	ssyncset.done @!p0 $0x0  }
0x2cc: {  	s12 =	simm.s32 @!p0 $0x150A0;
	[sflag:s10] =	ssyncadd.s32 @!p0 $0xFFFFFF40;
	s10 =	simm.s32 @!p0 $0x30  }
0x2cd: {  	[tilespmem:s12], [sflag:$0x5] =	stream.indirect.gather @!p0 [hbm4b:s5+s10], $0x40, s22, s10, $0xb8;
	[tilespmem:$0x1EBA0] =	vst v63  }
0x2ce: {  	s15 =	simm.s32 @!p0 $0x180A0;
	s12 =	simm.s32 @!p0 $0x14E00  }
0x2cf: {  	[tilespmem:s15], [sflag:$0x7] =	stream.indirect.gather @!p0 [hbm4b:s6+s10], $0x40, s12, s10, $0xb8;
	[tilespmem:$0x1EBA0] =	vst v63  }
0x2d0: {  	s12 =	simm.s32 @!p0 $0x14DD0;
	s15 =	simm.s32 @!p0 $0x15CA0  }
0x2d1: {  	[tilespmem:s15], [sflag:$0x6] =	stream.indirect.gather @!p0 [hbm4b:s5+s10], $0x40, s12, s10, $0xb8;
	[tilespmem:$0x1EBA0] =	vst v63  }
0x2d2: {  	s12 =	simm.s32 @!p0 $0x14E30;
	s15 =	simm.s32 @!p0 $0x18CA0  }
0x2d3: {  	[tilespmem:s15], [sflag:$0x8] =	stream.indirect.gather @!p0 [hbm4b:s6+s10], $0x40, s12, s10, $0xb8;
	[tilespmem:$0x1EBA0] =	vst v63  }
0x2d4: {  	_ =	swait.ge [sflag:s29], $0xC00  }
0x2d5: {  	[sflag:s29] =	ssyncset.done $0x0  }
0x2d6: {  	[sflag:s29] =	ssyncadd.s32 $0xFFFFF400  }
0x2d7: {  	_ =	swait.ge [sflag:s0], $0xC00  }
0x2d8: {  	[sflag:s0] =	ssyncset.done $0x0  }
0x2d9: {  	[sflag:s0] =	ssyncadd.s32 $0xFFFFF400  }
0x2da: {  	_ =	swait.ge [sflag:s21], $0xC00  }
0x2db: {  	[sflag:s21] =	ssyncset.done $0x0  }
0x2dc: {  	[sflag:s21] =	ssyncadd.s32 $0xFFFFF400  }
0x2dd: {  	_ =	swait.ge [sflag:s14], $0xC00  }
0x2de: {  	[sflag:s14] =	ssyncset.done $0x0  }
0x2df: {  	[sflag:s14] =	ssyncadd.s32 $0xFFFFF400  }
0x2e0: {  	_ =	swait.ge [sflag:s11], $0x3300  }
0x2e1: {  	[sflag:s11] =	ssyncset.done $0x0  }
0x2e2: {  	s22 =	simm.s32 $0x0;
	s15 =	simm.s32 $0x0;
	[sflag:s11] =	ssyncadd.s32 $0xFFFFCD00  }
.LBB2_15:
0x2e3: {  	s10 =	sshll.u32 s22, $0x3;
	v3 =	vor.u32 s15, v28  }
0x2e4: {  	v1 =	vmov s10;
	v0 =	vshll.u32 v3, $0x6  }
0x2e5: {  	v7 =	vmov s22;
	v0 =	vadd.s32 v1, v0  }
0x2e6: {  	v7 =	vand.u32 $0x7, v7;
	[tilespmem:$0x1FAC0] =	vst v1;
	v1 =	vor.u32 v29, v0  }
0x2e7: {  	v7 =	vor.u32 $0x80, v7;
	v2 =	vor.u32 v30, v0  }
0x2e8: {  	v7 =	vbroadcast v7, $0x0;
	_ =	sdelay $0x1  }
0x2e9: {  	v4 =	vor.u32 v33, v0;
	[tilespmem:$0x1FAD0] =	vst v7;
	v7 =	vld [tilespmem:$0x1FF30]  }
0x2ea: {  	v5 =	vld.idx.msk [tilespmem:v1+s31+$0x0], $0xffff  }
0x2eb: {  	v6 =	vld.idx.msk [tilespmem:v2+s19+$0x0], $0xffff  }
0x2ec: {  	v2 =	vld.idx.msk [tilespmem:v2+s31+$0x0], $0xffff  }
0x2ed: {  	v1 =	vld.idx.msk [tilespmem:v1+s19+$0x0], $0xffff  }
0x2ee: {  	s12 =	sshll.u32 s22, $0x8;
	v8 =	vor.u32 v32, v0;
	v9 =	vld.idx.msk [tilespmem:v4+s19+$0x0], $0xffff  }
0x2ef: {  	s12 =	sand.u32 $0x3FFFFF00, s12;
	s10 =	sshll.u32 s22, $0x4;
	v10 =	vor.u32 v10, v0;
	v11 =	vor.u32 v11, v0;
	v4 =	vld.idx.msk [tilespmem:v4+s31+$0x0], $0xffff  }
0x2f0: {  	v25 =	vld [tilespmem:s12+$0x1E3A0];
	v60 =	vor.u32 s10, v7;
	v7 =	vor.u32 v31, v0;
	v0 =	vor.u32 v34, v0  }
0x2f1: {  	v26 =	vld [tilespmem:s12+$0x1E3C0];
	v12 =	vunpack.i.u.bf16.f32 v6;
	v38 =	vunpack.i.u.bf16.f32 v2;
	v40 =	vunpack.i.l.bf16.f32 v2  }
0x2f2: {  	v27 =	vld [tilespmem:s12+$0x1E3D0];
	v2 =	vunpack.i.l.bf16.f32 v6;
	v44 =	vunpack.i.l.bf16.f32 v5;
	v6 =	vunpack.i.l.bf16.f32 v1  }
0x2f3: {  	v43 =	vunpack.i.u.bf16.f32 v5;
	v5 =	vld.idx.msk [tilespmem:v8+s19+$0x0], $0xffff;
	v13 =	vunpack.i.u.bf16.f32 v9;
	v9 =	vunpack.i.l.bf16.f32 v9  }
0x2f4: {  	v8 =	vld.idx.msk [tilespmem:v8+s31+$0x0], $0xffff;
	v37 =	vunpack.i.u.bf16.f32 v4;
	v2 =	vadd.f32 v2, v40;
	v6 =	vadd.f32 v6, v44  }
0x2f5: {  	v49 =	vld [tilespmem:s12+$0x1E440];
	v39 =	vunpack.i.l.bf16.f32 v4;
	v12 =	vadd.f32 v12, v38;
	v13 =	vadd.f32 v13, v37  }
0x2f6: {  	v51 =	vld [tilespmem:s12+$0x1E410];
	v9 =	vadd.f32 v9, v39;
	v16 =	vmul.f32 $2.000000030e-01, v2;
	v17 =	vmul.f32 $2.000000030e-01, v6  }
0x2f7: {  	v1 =	vunpack.i.u.bf16.f32 v1;
	v14 =	vld.idx.msk [tilespmem:v7+s19+$0x0], $0xffff;
	v4 =	vmul.f32 $2.000000030e-01, v12;
	v35 =	vmul.f32 $2.000000030e-01, v13  }
0x2f8: {  	v7 =	vld.idx.msk [tilespmem:v7+s31+$0x0], $0xffff;
	v36 =	vmul.f32 $2.000000030e-01, v9;
	v2 =	vmax.f32 v2, v16;
	v6 =	vmax.f32 v6, v17  }
0x2f9: {  	v41 =	vld.idx.msk [tilespmem:v11+s31+$0x0], $0xffff;
	v4 =	vmax.f32 v12, v4;
	v50 =	vunpack.i.u.bf16.f32 v8;
	v63 =	vunpack.i.l.bf16.f32 v8  }
0x2fa: {  	v8 =	vld.idx.msk [tilespmem:v11+s19+$0x0], $0xffff;
	v11 =	vadd.f32 v1, v43;
	v1 =	vmax.f32 v9, v36;
	v9 =	vmax.f32 v13, v35  }
0x2fb: {  	v52 =	vld [tilespmem:s12+$0x1E3F0];
	v6 =	vmul.f32 v6, v25;
	v12 =	vmul.f32 v4, v27;
	v4 =	vunpack.i.u.bf16.f32 v5  }
0x2fc: {  	v16 =	vld.idx.msk [tilespmem:v0+s19+$0x0], $0xffff;
	v5 =	vunpack.i.l.bf16.f32 v5;
	v2 =	vmul.f32 v2, v26;
	v17 =	vunpack.i.u.bf16.f32 v14  }
0x2fd: {  	v57 =	vld [tilespmem:s12+$0x1E400];
	v4 =	vadd.f32 v4, v50;
	v59 =	vunpack.i.l.bf16.f32 v7;
	v14 =	vunpack.i.l.bf16.f32 v14  }
0x2fe: {  	[tilespmem:$0x1FAF0] =	vst v27;
	v27 =	vld [tilespmem:s12+$0x1E450];
	v61 =	vunpack.i.u.bf16.f32 v7;
	v5 =	vadd.f32 v5, v63;
	v14 =	vadd.f32 v14, v59  }
0x2ff: {  	v36 =	vld [tilespmem:s12+$0x1E3B0];
	v17 =	vadd.f32 v17, v61;
	v35 =	vadd.f32 $0.0e+00, v2;
	v2 =	vmul.f32 $2.000000030e-01, v11  }
0x300: {  	[tilespmem:$0x1FAE0] =	vst v25;
	v0 =	vld.idx.msk [tilespmem:v0+s31+$0x0], $0xffff;
	v12 =	vadd.f32 $0.0e+00, v12;
	v7 =	vmul.f32 $2.000000030e-01, v4;
	v62 =	vmul.f32 $2.000000030e-01, v5  }
0x301: {  	v33 =	vld [tilespmem:s12+$0x1E3E0];
	[tilespmem:$0x1FB00] =	vst v26;
	v13 =	vmul.f32 $2.000000030e-01, v14;
	v25 =	vunpack.i.u.bf16.f32 v16;
	v58 =	vunpack.i.l.bf16.f32 v8  }
0x302: {  	v26 =	vld.idx.msk [tilespmem:v10+s31+$0x0], $0xffff;
	v11 =	vmax.f32 v11, v2;
	v4 =	vmax.f32 v4, v7;
	v7 =	vmul.f32 v1, v49  }
0x303: {  	v16 =	vunpack.i.l.bf16.f32 v16;
	[tilespmem:$0x1FB20] =	vst v27;
	v9 =	vmul.f32 v9, v27;
	v27 =	vld.idx.msk [tilespmem:v10+s19+$0x0], $0xffff;
	v10 =	vmul.f32 $2.000000030e-01, v17  }
0x304: {  	v11 =	vmul.f32 v11, v36;
	v5 =	vmax.f32 v5, v62;
	v1 =	vmax.f32 v14, v13  }
0x305: {  	v14 =	vmul.f32 v4, v51;
	v4 =	vunpack.i.u.bf16.f32 v0;
	v0 =	vunpack.i.l.bf16.f32 v0  }
0x306: {  	v5 =	vmul.f32 v5, v57;
	v13 =	vmul.f32 v1, v33;
	v1 =	vunpack.i.l.bf16.f32 v41  }
0x307: {  	v56 =	vadd.f32 v25, v4;
	v10 =	vmax.f32 v17, v10;
	v14 =	vadd.f32 v14, v35  }
0x308: {  	[tilespmem:$0x1FB60] =	vst v52;
	v16 =	vadd.f32 v16, v0;
	v17 =	vmul.f32 v10, v52;
	v52 =	vadd.f32 v58, v1;
	v58 =	vld [tilespmem:s12+$0x1E430]  }
0x309: {  	v25 =	vunpack.i.u.bf16.f32 v27;
	v7 =	vadd.f32 v7, v14;
	v14 =	vunpack.i.l.bf16.f32 v27;
	v27 =	vld [tilespmem:s12+$0x1E420]  }
0x30a: {  	v35 =	vadd.f32 $0.0e+00, v11  }
0x30b: {  	v5 =	vadd.f32 v5, v12;
	v62 =	vmul.f32 $2.000000030e-01, v56;
	v12 =	vmul.f32 $2.000000030e-01, v16  }
0x30c: {  	v6 =	vadd.f32 $0.0e+00, v6;
	v10 =	vunpack.i.u.bf16.f32 v26;
	v11 =	vunpack.i.l.bf16.f32 v26  }
0x30d: {  	[tilespmem:$0x1FB40] =	vst v51;
	v13 =	vadd.f32 v13, v35;
	v51 =	vmax.f32 v56, v62;
	v12 =	vmax.f32 v16, v12  }
0x30e: {  	v26 =	vld [tilespmem:s12+$0x1E480];
	v6 =	vadd.f32 v17, v6;
	v51 =	vmul.f32 v51, v58;
	v12 =	vmul.f32 v12, v27;
	_ =	sdelay $0x1  }
0x30f: {  	v54 =	vmul.f32 $2.000000030e-01, v52;
	v6 =	vadd.f32 v12, v6;
	v12 =	vadd.f32 v51, v13;
	v13 =	vld [tilespmem:$0x1FF40]  }
0x310: {  	v14 =	vadd.f32 v14, v11  }
0x311: {  	v52 =	vmax.f32 v52, v54  }
0x312: {  	v5 =	vadd.f32 v9, v5;
	v62 =	vmul.f32 $2.000000030e-01, v14;
	v17 =	vmul.f32 v52, v26;
	_ =	sdelay $0x1  }
0x313: {  	v9 =	vmax.f32 v14, v62;
	v14 =	vor.u32 s10, v13;
	v13 =	vadd.f32 v17, v5;
	v5 =	vld [tilespmem:$0x1FF50];
	_ =	sdelay $0x3  }
0x314: {  	v53 =	vadd.f32 v25, v10;
	v25 =	vld [tilespmem:s12+$0x1E470]  }
0x315: {  	v52 =	vor.u32 s10, v5;
	v5 =	vld [tilespmem:$0x1FF60];
	_ =	sdelay $0x1  }
0x316: {  	v55 =	vmul.f32 $2.000000030e-01, v53;
	_ =	sdelay $0x1  }
0x317: {  	v53 =	vmax.f32 v53, v55  }
0x318: {  	v16 =	vmul.f32 v53, v25;
	v53 =	vor.u32 s10, v5;
	v5 =	vld [tilespmem:$0x1FF70];
	_ =	sdelay $0x2  }
0x319: {  	[tilespmem:$0x1FB10] =	vst v49;
	v2 =	vunpack.i.u.bf16.f32 v41;
	v8 =	vunpack.i.u.bf16.f32 v8;
	v49 =	vld [tilespmem:s12+$0x1E490]  }
0x31a: {  	v8 =	vadd.f32 v8, v2;
	[tilespmem:$0x1FB80] =	vst v58;
	v58 =	vld [tilespmem:s12+$0x1E460]  }
0x31b: {  	v54 =	vor.u32 s10, v5;
	v5 =	vmul.u32 $0x88, v3;
	v3 =	vld [tilespmem:$0x1FF80]  }
0x31c: {  	v56 =	vmul.f32 $2.000000030e-01, v8;
	_ =	sdelay $0x1  }
0x31d: {  	v8 =	vmax.f32 v8, v56  }
0x31e: {  	v8 =	vmul.f32 v8, v49  }
0x31f: {  	v9 =	vmul.f32 v9, v58;
	v55 =	vor.u32 s10, v3;
	v3 =	vld [tilespmem:$0x1FF90]  }
0x320: {  	v7 =	vadd.f32 v8, v7  }
0x321: {  	v6 =	vadd.f32 v16, v6;
	v8 =	vadd.f32 v9, v12  }
0x322: {  	[tilespmem:$0x1FB70] =	vst v57  }
0x323: {  	[tilespmem:$0x1FB30] =	vst v33;
	v6 =	vadd.f32 v7, v6;
	v7 =	vadd.f32 v13, v8  }
0x324: {  	[tilespmem:$0x1FB50] =	vst v36;
	v57 =	vor.u32 s10, v3;
	v3 =	vld [tilespmem:$0x1FFA0]  }
0x325: {  	[tilespmem:$0x1FBC0] =	vst v49;
	v12 =	vadd.f32 v7, v6  }
0x326: {  	[tilespmem:$0x1FBB0] =	vst v26  }
0x327: {  	[tilespmem:$0x1FBA0] =	vst v27;
	v12 =	vmul.f32 $1.442695020e+00, v12  }
0x328: {  	[tilespmem:$0x1FB90] =	vst v25;
	v9 =	vadd.s32 v60, v5;
	v8 =	vadd.s32 v14, v5;
	v7 =	vadd.s32 v53, v5  }
0x329: {  	v49 =	vmovc v60;
	[tilespmem:$0x1FBD0] =	vst v58;
	v6 =	vadd.s32 v54, v5;
	v62 =	vadd.s32 v55, v5;
	v58 =	vor.u32 s10, v3  }
0x32a: {  	v51 =	vmovc v14;
	v56 =	vadd.s32 v57, v5;
	v3 =	vadd.s32 v52, v5;
	s10 =	simm.s32 $0x10;
	v60 =	vadd.s32 v58, v5  }
.LBB2_16:
0x32b: {  	_ = 	snop  }
0x32c: {  	(erf) = vpow2.f32 v12;
	v12 =	vld [tilespmem:$0x1FAD0];
	_ =	sdelay $0x4  }
0x32d: {  	v5 =	vadd.s32 v12, v5;
	_ =	sdelay $0x1  }
0x32e: {  	v14 =	vor.u32 v15, v9  }
0x32f: {  	v9 =	vor.u32 v18, v9  }
0x330: {  	v25 =	vor.u32 v19, v8;
	v27 =	vpop (erf)  }
0x331: {  	v8 =	vor.u32 v20, v8;
	[tilespmem:v5+s24+$0x0] =	vst.idx.msk $0xffff, v27;
	v5 =	vmul.f32 v27, v44  }
0x332: {  	v26 =	vor.u32 v22, v3;
	v3 =	vor.u32 v21, v3;
	v43 =	vmul.f32 v27, v43  }
0x333: {  	v40 =	vmul.f32 v27, v40;
	[tilespmem:v14+s24+$0x0] =	vst.idx.msk $0xffff, v5  }
0x334: {  	v17 =	vor.u32 v23, v7;
	v38 =	vmul.f32 v27, v38;
	[tilespmem:v9+s24+$0x0] =	vst.idx.msk $0xffff, v43  }
0x335: {  	v5 =	vmul.f32 v27, v59;
	[tilespmem:v25+s24+$0x0] =	vst.idx.msk $0xffff, v40  }
0x336: {  	v7 =	vor.u32 v24, v7;
	v14 =	vmul.f32 v27, v61;
	[tilespmem:v8+s24+$0x0] =	vst.idx.msk $0xffff, v38  }
0x337: {  	v16 =	vor.u32 v15, v6;
	v9 =	vmul.f32 v27, v63;
	[tilespmem:v3+s24+$0x0] =	vst.idx.msk $0xffff, v5  }
0x338: {  	v6 =	vor.u32 v18, v6;
	[tilespmem:v26+s24+$0x0] =	vst.idx.msk $0xffff, v14  }
0x339: {  	v12 =	vor.u32 v19, v62;
	v33 =	vmul.f32 v27, v50;
	[tilespmem:v17+s24+$0x0] =	vst.idx.msk $0xffff, v9;
	v17 =	vld [tilespmem:$0x1FAC0]  }
0x33a: {  	v0 =	vmul.f32 v27, v0;
	v4 =	vmul.f32 v27, v4;
	v9 =	vor.u32 v20, v62  }
0x33b: {  	s12 =	smov.u32 s10;
	v25 =	vmul.f32 v27, v37;
	[tilespmem:v7+s24+$0x0] =	vst.idx.msk $0xffff, v33;
	v7 =	vor.u32 v21, v56  }
0x33c: {  	v8 =	vmul.f32 v27, v39;
	v5 =	vor.u32 s12, v28;
	[tilespmem:v16+s24+$0x0] =	vst.idx.msk $0xffff, v0;
	v0 =	vor.u32 v22, v56  }
0x33d: {  	v3 =	vmul.f32 v27, v11;
	v11 =	vor.u32 v23, v60;
	v14 =	vshll.u32 v5, $0x6;
	[tilespmem:v6+s24+$0x0] =	vst.idx.msk $0xffff, v4  }
0x33e: {  	v13 =	vor.u32 v24, v60;
	v6 =	vld [tilespmem:$0x1FFE0];
	[tilespmem:v12+s24+$0x0] =	vst.idx.msk $0xffff, v8;
	v14 =	vadd.s32 v17, v14  }
0x33f: {  	v10 =	vmul.f32 v27, v10;
	[tilespmem:v9+s24+$0x0] =	vst.idx.msk $0xffff, v25;
	v16 =	vor.u32 v29, v14  }
0x340: {  	v1 =	vmul.f32 v27, v1;
	v17 =	vor.u32 v30, v14;
	[tilespmem:v7+s24+$0x0] =	vst.idx.msk $0xffff, v3  }
0x341: {  	v2 =	vmul.f32 v27, v2;
	[tilespmem:v0+s24+$0x0] =	vst.idx.msk $0xffff, v10  }
0x342: {  	[tilespmem:v11+s24+$0x0] =	vst.idx.msk $0xffff, v1  }
0x343: {  	v4 =	vor.u32 v31, v14;
	v26 =	vor.u32 v6, v14;
	v6 =	vld [tilespmem:$0x1FFB0];
	[tilespmem:v13+s24+$0x0] =	vst.idx.msk $0xffff, v2  }
0x344: {  	v0 =	vld.idx.msk [tilespmem:v16+s31+$0x0], $0xffff  }
0x345: {  	v1 =	vld.idx.msk [tilespmem:v17+s19+$0x0], $0xffff  }
0x346: {  	v2 =	vld.idx.msk [tilespmem:v17+s31+$0x0], $0xffff  }
0x347: {  	v10 =	vld.idx.msk [tilespmem:v16+s19+$0x0], $0xffff  }
0x348: {  	v16 =	vld.idx.msk [tilespmem:v4+s31+$0x0], $0xffff  }
0x349: {  	v25 =	vor.u32 v32, v14;
	v4 =	vld.idx.msk [tilespmem:v4+s19+$0x0], $0xffff  }
0x34a: {  	v11 =	vld.idx.msk [tilespmem:v26+s19+$0x0], $0xffff  }
0x34b: {  	v12 =	vor.u32 v6, v14;
	v13 =	vld.idx.msk [tilespmem:v26+s31+$0x0], $0xffff;
	v17 =	vunpack.i.u.bf16.f32 v1  }
0x34c: {  	v6 =	vld [tilespmem:$0x1FFC0];
	v38 =	vunpack.i.u.bf16.f32 v2;
	v40 =	vunpack.i.l.bf16.f32 v2;
	v1 =	vunpack.i.l.bf16.f32 v1  }
0x34d: {  	v43 =	vunpack.i.u.bf16.f32 v0;
	v2 =	vunpack.i.u.bf16.f32 v10;
	v44 =	vunpack.i.l.bf16.f32 v0  }
0x34e: {  	v0 =	vunpack.i.l.bf16.f32 v10;
	v10 =	vld.idx.msk [tilespmem:v25+s19+$0x0], $0xffff;
	v29 =	vunpack.i.u.bf16.f32 v4;
	v59 =	vunpack.i.l.bf16.f32 v16  }
0x34f: {  	v25 =	vld.idx.msk [tilespmem:v25+s31+$0x0], $0xffff;
	v4 =	vunpack.i.l.bf16.f32 v4;
	v1 =	vadd.f32 v1, v40;
	v0 =	vadd.f32 v0, v44  }
0x350: {  	v33 =	vld [tilespmem:$0x1FB00];
	v17 =	vadd.f32 v17, v38;
	v26 =	vunpack.i.u.bf16.f32 v11;
	v37 =	vunpack.i.u.bf16.f32 v13  }
0x351: {  	v27 =	vor.u32 v6, v14;
	v14 =	vor.u32 v34, v14;
	v26 =	vadd.f32 v26, v37  }
0x352: {  	v39 =	vunpack.i.l.bf16.f32 v13;
	v34 =	vmul.f32 $2.000000030e-01, v1;
	v13 =	vmul.f32 $2.000000030e-01, v0  }
0x353: {  	v4 =	vadd.f32 v4, v59;
	v35 =	vmul.f32 $2.000000030e-01, v17;
	v30 =	vmul.f32 $2.000000030e-01, v26  }
0x354: {  	v1 =	vmax.f32 v1, v34;
	v50 =	vunpack.i.u.bf16.f32 v25;
	v63 =	vunpack.i.l.bf16.f32 v25  }
0x355: {  	v1 =	vmul.f32 v1, v33;
	v25 =	vmax.f32 v26, v30;
	v26 =	vmul.f32 $2.000000030e-01, v4  }
0x356: {  	v0 =	vmax.f32 v0, v13;
	v13 =	vmax.f32 v17, v35;
	v17 =	vld [tilespmem:$0x1FAE0]  }
0x357: {  	v32 =	vadd.f32 $0.0e+00, v1;
	v1 =	vmax.f32 v4, v26;
	v4 =	vld [tilespmem:$0x1FB20];
	_ =	sdelay $0x3  }
0x358: {  	v17 =	vmul.f32 v0, v17;
	v0 =	vld [tilespmem:$0x1FAF0]  }
0x359: {  	v25 =	vmul.f32 v25, v4;
	v4 =	vld [tilespmem:$0x1FB30];
	_ =	sdelay $0x1  }
0x35a: {  	v28 =	vld.idx.msk [tilespmem:v14+s19+$0x0], $0xffff  }
0x35b: {  	v14 =	vld.idx.msk [tilespmem:v14+s31+$0x0], $0xffff  }
0x35c: {  	v31 =	vld.idx.msk [tilespmem:v27+s31+$0x0], $0xffff;
	v13 =	vmul.f32 v13, v0;
	v0 =	vunpack.i.u.bf16.f32 v10  }
0x35d: {  	v0 =	vadd.f32 v0, v50;
	v26 =	vmul.f32 v1, v4;
	v1 =	vld [tilespmem:$0x1FB40];
	_ =	sdelay $0x1  }
0x35e: {  	v61 =	vunpack.i.u.bf16.f32 v16;
	v2 =	vadd.f32 v2, v43;
	v16 =	vmul.f32 $2.000000030e-01, v0  }
0x35f: {  	v10 =	vunpack.i.l.bf16.f32 v10  }
0x360: {  	v34 =	vmul.f32 $2.000000030e-01, v2;
	v10 =	vadd.f32 v10, v63;
	v0 =	vmax.f32 v0, v16  }
0x361: {  	v4 =	vunpack.i.u.bf16.f32 v14;
	v33 =	vmul.f32 v0, v1;
	v1 =	vunpack.i.l.bf16.f32 v31  }
0x362: {  	v0 =	vunpack.i.l.bf16.f32 v14;
	v14 =	vmax.f32 v2, v34;
	v2 =	vunpack.i.u.bf16.f32 v31;
	v31 =	vld [tilespmem:$0x1FB50]  }
0x363: {  	v11 =	vunpack.i.l.bf16.f32 v11;
	v30 =	vunpack.i.u.bf16.f32 v28  }
0x364: {  	v11 =	vadd.f32 v11, v39;
	v41 =	vmul.f32 $2.000000030e-01, v10;
	v16 =	vld [tilespmem:$0x1FB10];
	v30 =	vadd.f32 v30, v4  }
0x365: {  	v29 =	vadd.f32 v29, v61;
	v27 =	vld.idx.msk [tilespmem:v27+s19+$0x0], $0xffff  }
0x366: {  	v36 =	vmul.f32 $2.000000030e-01, v11;
	v34 =	vmax.f32 v10, v41;
	v41 =	vmul.f32 $2.000000030e-01, v30  }
0x367: {  	v14 =	vmul.f32 v14, v31;
	v31 =	vld [tilespmem:$0x1FB60]  }
0x368: {  	v11 =	vmax.f32 v11, v36;
	v36 =	vmul.f32 $2.000000030e-01, v29;
	v30 =	vmax.f32 v30, v41;
	v41 =	vld [tilespmem:$0x1FB70]  }
0x369: {  	v11 =	vmul.f32 v11, v16;
	v16 =	vld.idx.msk [tilespmem:v12+s31+$0x0], $0xffff;
	v14 =	vadd.f32 $0.0e+00, v14  }
0x36a: {  	v29 =	vmax.f32 v29, v36;
	v35 =	vunpack.i.l.bf16.f32 v27;
	v28 =	vunpack.i.l.bf16.f32 v28;
	v12 =	vld.idx.msk [tilespmem:v12+s19+$0x0], $0xffff  }
0x36b: {  	v27 =	vunpack.i.u.bf16.f32 v27;
	v17 =	vadd.f32 $0.0e+00, v17;
	v14 =	vadd.f32 v26, v14;
	v26 =	vld [tilespmem:$0x1FB80]  }
0x36c: {  	v13 =	vadd.f32 $0.0e+00, v13;
	v32 =	vadd.f32 v33, v32;
	v29 =	vmul.f32 v29, v31  }
0x36d: {  	v28 =	vadd.f32 v28, v0;
	v27 =	vadd.f32 v27, v2;
	v34 =	vmul.f32 v34, v41  }
0x36e: {  	v32 =	vadd.f32 v11, v32;
	v17 =	vadd.f32 v29, v17;
	v29 =	vld [tilespmem:$0x1FBA0]  }
0x36f: {  	v36 =	vunpack.i.u.bf16.f32 v12;
	v12 =	vunpack.i.l.bf16.f32 v12;
	v13 =	vadd.f32 v34, v13  }
0x370: {  	v11 =	vunpack.i.l.bf16.f32 v16;
	v41 =	vld [tilespmem:$0x1FB90];
	v34 =	vmul.f32 $2.000000030e-01, v28;
	v26 =	vmul.f32 v30, v26  }
0x371: {  	v10 =	vunpack.i.u.bf16.f32 v16;
	v12 =	vadd.f32 v12, v11;
	v13 =	vadd.f32 v25, v13;
	v25 =	vld [tilespmem:$0x1FBC0]  }
0x372: {  	v16 =	vadd.f32 v36, v10;
	v28 =	vmax.f32 v28, v34;
	v14 =	vadd.f32 v26, v14;
	v26 =	vld [tilespmem:$0x1FBD0]  }
0x373: {  	v36 =	vmul.f32 $2.000000030e-01, v12;
	v31 =	vadd.f32 v35, v1;
	v28 =	vmul.f32 v28, v29;
	v29 =	vld [tilespmem:$0x1FBB0]  }
0x374: {  	v35 =	vmul.f32 $2.000000030e-01, v27;
	v30 =	vmul.f32 $2.000000030e-01, v16  }
0x375: {  	v33 =	vmul.f32 $2.000000030e-01, v31  }
0x376: {  	v12 =	vmax.f32 v12, v36;
	v27 =	vmax.f32 v27, v35;
	v16 =	vmax.f32 v16, v30  }
0x377: {  	v30 =	vmax.f32 v31, v33;
	v25 =	vmul.f32 v27, v25;
	v12 =	vmul.f32 v12, v26  }
0x378: {  	v16 =	vmul.f32 v16, v41;
	v17 =	vadd.f32 v28, v17;
	v41 =	vmul.f32 v30, v29  }
0x379: {  	v25 =	vadd.f32 v25, v32;
	v12 =	vadd.f32 v12, v14  }
0x37a: {  	v5 =	vmul.u32 $0x88, v5;
	v14 =	vadd.f32 v16, v17;
	v13 =	vadd.f32 v41, v13  }
0x37b: {  	p1 =	sne.s32 s10, $0x50  }
.Ltmp8:
0x37c: {  	v62 =	vadd.s32 v55, v5;
	v14 =	vadd.f32 v25, v14;
	v12 =	vadd.f32 v13, v12;
	(pc) =	sbr.rel @p1 .LBB2_16-.Ltmp8, $4  }
0x37d: {  	v60 =	vadd.s32 v58, v5;
	v56 =	vadd.s32 v57, v5;
	v8 =	vadd.s32 v51, v5  }
0x37e: {  	v9 =	vadd.s32 v49, v5;
	v3 =	vadd.s32 v52, v5;
	v12 =	vadd.f32 v12, v14  }
0x37f: {  	v7 =	vadd.s32 v53, v5;
	v6 =	vadd.s32 v54, v5;
	v34 =	vmovc v45;
	v31 =	vmov v48  }
0x380: {  	s10 =	sadd.s32 $0x10, s10;
	v32 =	vmovc v47;
	v28 =	vlaneseq.u32;
	v30 =	vmovc v46;
	v29 =	vmov v42;
	v12 =	vmul.f32 $1.442695020e+00, v12  }
0x381: {  	_ = 	snop  }
0x382: {  	(erf) = vpow2.f32 v12  }
0x383: {  	v12 =	vld [tilespmem:$0x1FAD0];
	_ =	sdelay $0x4  }
0x384: {  	v5 =	vadd.s32 v12, v5  }
0x385: {  	v12 =	vor.u32 v15, v9  }
0x386: {  	v9 =	vor.u32 v18, v9  }
0x387: {  	v13 =	vor.u32 v19, v8;
	v14 =	vpop (erf)  }
0x388: {  	v8 =	vor.u32 v20, v8;
	v16 =	vmul.f32 v14, v44  }
0x389: {  	v17 =	vor.u32 v21, v3;
	[tilespmem:v5+s24+$0x0] =	vst.idx.msk $0xffff, v14;
	v49 =	vmul.f32 v14, v43  }
0x38a: {  	v51 =	vor.u32 v22, v3;
	v25 =	vmul.f32 v14, v40;
	[tilespmem:v12+s24+$0x0] =	vst.idx.msk $0xffff, v16  }
0x38b: {  	v12 =	vor.u32 v23, v7;
	v16 =	vmul.f32 v14, v38;
	[tilespmem:v9+s24+$0x0] =	vst.idx.msk $0xffff, v49  }
0x38c: {  	v52 =	vor.u32 v24, v7;
	v53 =	vmul.f32 v14, v59;
	[tilespmem:v13+s24+$0x0] =	vst.idx.msk $0xffff, v25  }
0x38d: {  	v9 =	vor.u32 v15, v6;
	v13 =	vmul.f32 v14, v61;
	[tilespmem:v8+s24+$0x0] =	vst.idx.msk $0xffff, v16  }
0x38e: {  	v54 =	vor.u32 v18, v6;
	v8 =	vmul.f32 v14, v63;
	[tilespmem:v17+s24+$0x0] =	vst.idx.msk $0xffff, v53  }
0x38f: {  	v55 =	vor.u32 v19, v62;
	v16 =	vmul.f32 v14, v50;
	[tilespmem:v51+s24+$0x0] =	vst.idx.msk $0xffff, v13  }
0x390: {  	v57 =	vor.u32 v20, v62;
	v0 =	vmul.f32 v14, v0;
	[tilespmem:v12+s24+$0x0] =	vst.idx.msk $0xffff, v8  }
0x391: {  	v58 =	vor.u32 v21, v56;
	v4 =	vmul.f32 v14, v4;
	[tilespmem:v52+s24+$0x0] =	vst.idx.msk $0xffff, v16  }
0x392: {  	v59 =	vor.u32 v22, v56;
	v8 =	vmul.f32 v14, v39;
	[tilespmem:v9+s24+$0x0] =	vst.idx.msk $0xffff, v0  }
0x393: {  	s22 =	sadd.s32 $0x1, s22;
	v12 =	vor.u32 v23, v60;
	v9 =	vmul.f32 v14, v37;
	[tilespmem:v54+s24+$0x0] =	vst.idx.msk $0xffff, v4  }
0x394: {  	p1 =	sne.s32 s22, $0x8;
	v62 =	vmul.f32 v14, v11;
	v61 =	vor.u32 v24, v60;
	[tilespmem:v55+s24+$0x0] =	vst.idx.msk $0xffff, v8  }
.Ltmp9:
0x395: {  	v63 =	vmul.f32 v14, v10;
	[tilespmem:v57+s24+$0x0] =	vst.idx.msk $0xffff, v9;
	(pc) =	sbr.rel @p1 .LBB2_15-.Ltmp9, $4  }
0x396: {  	v1 =	vmul.f32 v14, v1;
	[tilespmem:v58+s24+$0x0] =	vst.idx.msk $0xffff, v62  }
0x397: {  	v33 =	vld [tilespmem:$0x1FFE0];
	v2 =	vmul.f32 v14, v2;
	[tilespmem:v59+s24+$0x0] =	vst.idx.msk $0xffff, v63  }
0x398: {  	v11 =	vld [tilespmem:$0x1FFC0];
	[tilespmem:v12+s24+$0x0] =	vst.idx.msk $0xffff, v1  }
0x399: {  	v10 =	vld [tilespmem:$0x1FFB0];
	[tilespmem:v61+s24+$0x0] =	vst.idx.msk $0xffff, v2  }
.Ltmp10:
0x39a: {  	(pc) =	sbr.rel @p0 .LBB2_20-.Ltmp10, $3  }
0x39b: {  	_ =	sdelay $0x1  }
0x39c: {  	s10 =	simm.s32 $0x15040  }
0x39d: {  	[spmem:s3] =	stream.indirect.scatter.add.f32 [tilespmem:s24], [sflag:$0xD], $0x88, s10, s17, $0xb8;
	[tilespmem:$0x1EBA0] =	vst v63  }
.Ltmp11:
0x39e: {  	s10 =	rddreg [dreg:$0xb];
	(pc) =	sbr.rel .LBB2_2-.Ltmp11, $4  }
0x39f: {  	s8 =	sadd.s32 s8, s10  }
0x3a0: {  	s8 =	sshrl.u32 s8, $0x3  }
0x3a1: {  	s12 =	simm.s32 $0x14E60;
	s2 =	sadd.s32 $0x1, s2;
	s8 =	sadd.s32 s1, s8  }
0x3a2: {  	[tilespmem:s12], [sflag:$0x2] =	stream.strided.gather [hbm4b:s8+s17], $0xC0, s18, s17, $0x38;
	[tilespmem:$0x1EBA0] =	vst v63  }
.LBB2_21:
0x3a3: {  	_ =	sfence.sel $0x180000  }
0x3a4: {  	[bflag:$0x0] =	sbarrier.arrive $0xFFFF  }
0x3a5: {  	_ =	strace $0x90000047  }
0x3a6: {  	s0 =	stileid.u32;
	[bflag:$0x2] =	sbarrier.arrive $0xFFFF  }
0x3a7: {  	p0 =	sne.s32 s0, $0x0;
	s0 =	rddreg [dreg:$0x3]  }
0x3a8: {  	s0 =	sadd.s32 @!p0 $0x100000, s0  }
0x3a9: {  	[sflag:s0] =	ssyncadd.tile.s32 @!p0 $0x1;
	_ =	shalt  }
.Lfunc_end2:
_tile_overlayer_lowered:
.L_overlay_start_2:
0x3aa: {  	(tag) =	ssettag $0x2  }
0x3ab: {  	s0 =	rddreg [dreg:$0x0];
	s2 =	stileid.u32  }
0x3ac: {  	s1 =	rddreg [dreg:$0x1];
	p0 =	sne.s32 s2, $0x0  }
0x3ad: {  	s3 =	rddreg [dreg:$0x2];
	[bflag:$0x3] =	sbarrier.arrive $0xFFFF;
	s2 =	simm.s32 @!p0 $0x1C0E  }
0x3ae: {  	[timem:s3], [sflag:s2] =	dma.local @!p0 [hbm:s0], s1  }
0x3af: {  	s0 =	simm.s32 @!p0 $0xE  }
0x3b0: {  	_ =	swait.ge @!p0 [sflag:s0], s1  }
0x3b1: {  	s1 =	ssub.s32 @!p0 $0x0, s1;
	[sflag:s0] =	ssyncset.done @!p0 $0x0  }
0x3b2: {  	[sflag:s0] =	ssyncadd.s32 @!p0 s1  }
0x3b3: {  	[bflag:$0x3] =	sbarrier.arrive $0xFFFF  }
0x3b4: {  	_ =	shalt  }

</sc_bundles>
